<compile_context>
chip_gen: v7x
topology: tpu7x:2x2x1
jax: 0.10.2.dev20260603
libtpu: 0.0.44.dev20260713+nightly
codegen_flags: <defaults>
</compile_context>

<pallas_src>
import jax
import jax.numpy as jnp
from jax import lax
from jax.experimental import pallas as pl
from jax.experimental.pallas import tpu as pltpu
from jax.experimental.pallas import tpu_sc as plsc

VOCAB = 1000
B, T = 1024, 200
NW = 32
CH, CL = 125, 8
BH, BL = 8, 128
R = 16
NPIECE = BL // R
NPAIR = (T * BH) // NW
NSTEP = NPAIR * NPIECE
NBUF = 2


def _body(table_hbm, idx_hbm, out_hbm, idx_v, gbuf0, gbuf1,
          stg0, stg1, gsem0, gsem1, osem0, osem1):
    gbufs = (gbuf0, gbuf1)
    stgs = (stg0, stg1)
    gsems = (gsem0, gsem1)
    osems = (osem0, osem1)
    wid = lax.axis_index("s") * 2 + lax.axis_index("c")
    pair0 = wid * NPAIR

    pltpu.sync_copy(idx_hbm.at[pl.ds(pair0, NPAIR)], idx_v)

    lane = lax.iota(jnp.int32, 16)

    def gather_start(s, b):
        p, h = s // NPIECE, s % NPIECE
        pltpu.async_copy(
            table_hbm.at[idx_v.at[p, pl.ds(h * R, R)]], gbufs[b], gsems[b])

    def gather_wait(s, b):
        p, h = s // NPIECE, s % NPIECE
        pltpu.make_async_copy(
            table_hbm.at[idx_v.at[p, pl.ds(h * R, R)]], gbufs[b],
            gsems[b]).wait()

    def out_slice(s):
        p, h = s // NPIECE, s % NPIECE
        gp = pair0 + p
        t, b_hi = gp // BH, gp % BH
        return out_hbm.at[t, :, b_hi, :, pl.ds(h * R, R)]

    def write_start(s, b):
        pltpu.async_copy(stgs[b], out_slice(s), osems[b])

    def write_wait(s, b):
        pltpu.make_async_copy(stgs[b], out_slice(s), osems[b]).wait()

    def transpose(gb, st):
        gbuf, stg = gbufs[gb], stgs[st]

        def step(c_hi, wrap):
            wbase = jnp.full((16,), c_hi * CL, jnp.int32) + lane
            for c_lo in range(CL):
                w = wbase + c_lo
                col = jnp.where(w >= VOCAB, w - VOCAB, w) if wrap else w
                v = plsc.load_gather(gbuf, [lane, col])
                plsc.store_scatter(
                    stg, [col >> 3, col & 7, lane], v)

        @pl.loop(0, CH - 2, unroll=4)
        def _(c_hi):
            step(c_hi, wrap=False)

        for c_hi in (CH - 2, CH - 1):
            step(c_hi, wrap=True)

    for s0 in range(NBUF):
        gather_start(s0, s0)

    @pl.loop(0, NSTEP // NBUF)
    def _(k):
        for b in range(NBUF):
            s = k * NBUF + b
            gather_wait(s, b)

            @pl.when(k >= 1)
            def _():
                write_wait(s - NBUF, b)

            transpose(b, b)

            @pl.when(k < NSTEP // NBUF - 1)
            def _():
                gather_start(s + NBUF, b)

            write_start(s, b)

    for b in range(NBUF):
        write_wait(NSTEP - NBUF + b, b)


def kernel(inps, table):
    idx = inps.T.reshape(T * BH, BL)
    mesh = plsc.VectorSubcoreMesh(core_axis_name="c", subcore_axis_name="s")
    run = pl.kernel(
        _body,
        out_type=jax.ShapeDtypeStruct((T, CH, BH, CL, BL), jnp.float32),
        mesh=mesh,
        scratch_types=[
            pltpu.VMEM((NPAIR, BL), jnp.int32),
            pltpu.VMEM((R, VOCAB), jnp.float32),
            pltpu.VMEM((R, VOCAB), jnp.float32),
            pltpu.VMEM((CH, CL, R), jnp.float32),
            pltpu.VMEM((CH, CL, R), jnp.float32),
            pltpu.SemaphoreType.DMA,
            pltpu.SemaphoreType.DMA,
            pltpu.SemaphoreType.DMA,
            pltpu.SemaphoreType.DMA,
        ],
        compiler_params=pltpu.CompilerParams(use_tc_tiling_on_sc=False,
                                             needs_layout_passes=False),
    )
    out5 = run(table, idx)
    return out5.transpose(2, 4, 0, 1, 3).reshape(B, T, VOCAB)

# --- scband reference (transcript-rebuilt; emitter-appended) ---
"""Pipeline reference for scband-toy-gpt-36653250904149 (READ-ONLY COPY).

The authoritative reference and input builder live on the scoring server;
editing this copy changes nothing except your own understanding.
"""

import jax, jax.numpy as jnp
import numpy as np

VOCAB = 1000
B, T = 1024, 200


def setup_inputs(seed: int = 0) -> dict:
    key = jax.random.key(seed)
    k1, k2 = jax.random.split(key)
    inps = jax.random.randint(k1, (B, T), 0, VOCAB, dtype=jnp.int32)
    table = jax.random.normal(k2, (VOCAB, VOCAB), dtype=jnp.float32)
    return {"inps": inps, "table": table}


def reference(inps, table):
    # ToyGPT.forward with targets=None: logits = Embedding(vocab, vocab)(inps)
    logits = jnp.take(table, inps, axis=0)
    return logits

if __name__ == "__main__":
    import jax
    _d = setup_inputs()
    print(jax.jit(kernel)(*tuple(_d.values())))

</pallas_src>

<mosaic_0001>
#map = affine_map<(d0, d1) -> (0, 0)>
#map1 = affine_map<(d0, d1) -> (0, 0, 0, 0, 0)>
module attributes {stable_mosaic.version = 14 : i64} {
  func.func @_body(%arg0: i32, %arg1: i32, %arg2: memref<1000x1000xf32, #tpu.memory_space<hbm>>, %arg3: memref<1600x128xi32, #tpu.memory_space<hbm>>, %arg4: memref<200x125x8x8x128xf32, #tpu.memory_space<hbm>>, %arg5: memref<50x128xi32, #tpu.memory_space<vmem>>, %arg6: memref<16x1000xf32, #tpu.memory_space<vmem>>, %arg7: memref<16x1000xf32, #tpu.memory_space<vmem>>, %arg8: memref<125x8x16xf32, #tpu.memory_space<vmem>>, %arg9: memref<125x8x16xf32, #tpu.memory_space<vmem>>, %arg10: memref<!tpu.dma_semaphore, #tpu.memory_space<semaphore_mem>>, %arg11: memref<!tpu.dma_semaphore, #tpu.memory_space<semaphore_mem>>, %arg12: memref<!tpu.dma_semaphore, #tpu.memory_space<semaphore_mem>>, %arg13: memref<!tpu.dma_semaphore, #tpu.memory_space<semaphore_mem>>) attributes {dimension_semantics = [#tpu.dimension_semantics<core_parallel>, #tpu.dimension_semantics<subcore_parallel>], iteration_bounds = array<i64: 2, 16>, scalar_prefetch = 0 : i64, scratch_operands = 9 : i64, tpu.core_type = #tpu.core_type<sc_vector_subcore>, window_params = [{transform_indices = #map}, {transform_indices = #map}, {transform_indices = #map1}]} {
    %mul3A = arith.constant 2 : i32
    %mul3A_0 = arith.muli %arg1, %mul3A : i32
    %add3A = arith.addi %mul3A_0, %arg0 : i32
    %mul3A_1 = arith.constant 50 : i32
    %mul3A_2 = arith.muli %add3A, %mul3A_1 : i32
    "tpu.region"() ({
      %run_scoped3A = tpu.sem_alloc : memref<!tpu.dma_semaphore, #tpu.memory_space<semaphore_mem>>
      %dma_start3A_113 = arith.constant 0 : i32
      %dma_start3A_114 = tpu.memref_slice %arg3[%mul3A_2, %dma_start3A_113] : memref<1600x128xi32, #tpu.memory_space<hbm>> -> memref<50x128xi32, #tpu.memory_space<hbm>>
      %dma_start3A_115 = arith.constant 0 : i32
      %dma_start3A_116 = tpu.memref_slice %arg3[%mul3A_2, %dma_start3A_115] : memref<1600x128xi32, #tpu.memory_space<hbm>> -> memref<50x128xi32, #tpu.memory_space<hbm>>
      tpu.enqueue_dma source(%dma_start3A_116 : memref<50x128xi32, #tpu.memory_space<hbm>>) target(%arg5 : memref<50x128xi32, #tpu.memory_space<vmem>>) target_semaphore(%run_scoped3A : memref<!tpu.dma_semaphore, #tpu.memory_space<semaphore_mem>>)
      %dma_wait3A_117 = arith.constant 0 : i32
      %dma_wait3A_118 = tpu.memref_slice %arg3[%mul3A_2, %dma_wait3A_117] : memref<1600x128xi32, #tpu.memory_space<hbm>> -> memref<50x128xi32, #tpu.memory_space<hbm>>
      %dma_wait3A_119 = arith.constant 0 : i32
      %dma_wait3A_120 = tpu.memref_slice %arg3[%mul3A_2, %dma_wait3A_119] : memref<1600x128xi32, #tpu.memory_space<hbm>> -> memref<50x128xi32, #tpu.memory_space<hbm>>
      tpu.wait_dma2 semaphore(%run_scoped3A : memref<!tpu.dma_semaphore, #tpu.memory_space<semaphore_mem>>) src(%dma_wait3A_120 : memref<50x128xi32, #tpu.memory_space<hbm>>) dst(%arg5 : memref<50x128xi32, #tpu.memory_space<vmem>>)
      tpu.yield
    }) : () -> ()
    %iota3A = tpu.iota {dimensions = array<i32: 0>} : vector<16xi32>
    %dma_start3A = arith.constant 0 : i32
    %dma_start3A_3 = arith.constant 0 : i32
    %dma_start3A_4 = tpu.memref_slice %arg5[%dma_start3A, %dma_start3A_3] : memref<50x128xi32, #tpu.memory_space<vmem>> -> memref<1x16xi32, #tpu.memory_space<vmem>>
    %dma_start3A_5 = tpu.memref_squeeze %dma_start3A_4 : memref<1x16xi32, #tpu.memory_space<vmem>> -> memref<16xi32, #tpu.memory_space<vmem>>
    %dma_start3A_6 = arith.constant 0 : i32
    %dma_start3A_7 = arith.constant 0 : i32
    %dma_start3A_8 = tpu.memref_slice %arg2[%dma_start3A_6, %dma_start3A_7] : memref<1000x1000xf32, #tpu.memory_space<hbm>> -> memref<1000x1000xf32, #tpu.memory_space<hbm>>
    tpu.enqueue_indirect_dma source(%dma_start3A_8 : memref<1000x1000xf32, #tpu.memory_space<hbm>>) target(%arg6 : memref<16x1000xf32, #tpu.memory_space<vmem>>) offsets(%dma_start3A_5 : memref<16xi32, #tpu.memory_space<vmem>>) semaphore(%arg10 : memref<!tpu.dma_semaphore, #tpu.memory_space<semaphore_mem>>)
    %dma_start3A_9 = arith.constant 0 : i32
    %dma_start3A_10 = arith.constant 16 : i32
    %dma_start3A_11 = tpu.memref_slice %arg5[%dma_start3A_9, %dma_start3A_10] : memref<50x128xi32, #tpu.memory_space<vmem>> -> memref<1x16xi32, #tpu.memory_space<vmem>>
    %dma_start3A_12 = tpu.memref_squeeze %dma_start3A_11 : memref<1x16xi32, #tpu.memory_space<vmem>> -> memref<16xi32, #tpu.memory_space<vmem>>
    %dma_start3A_13 = arith.constant 0 : i32
    %dma_start3A_14 = arith.constant 0 : i32
    %dma_start3A_15 = tpu.memref_slice %arg2[%dma_start3A_13, %dma_start3A_14] : memref<1000x1000xf32, #tpu.memory_space<hbm>> -> memref<1000x1000xf32, #tpu.memory_space<hbm>>
    tpu.enqueue_indirect_dma source(%dma_start3A_15 : memref<1000x1000xf32, #tpu.memory_space<hbm>>) target(%arg7 : memref<16x1000xf32, #tpu.memory_space<vmem>>) offsets(%dma_start3A_12 : memref<16xi32, #tpu.memory_space<vmem>>) semaphore(%arg11 : memref<!tpu.dma_semaphore, #tpu.memory_space<semaphore_mem>>)
    %scan3A = arith.constant 0 : i32
    %scan3A_16 = arith.constant 200 : i32
    %scan3A_17 = arith.addi %scan3A, %scan3A_16 : i32
    %scan3A_18 = arith.constant 1 : i32
    scf.for %scan3A_113 = %scan3A to %scan3A_17 step %scan3A_18  : i32 {
      %mul3A_114 = arith.constant 1 : i32
      %mul3A_115 = arith.muli %scan3A_113, %mul3A_114 : i32
      %add3A_116 = arith.constant 0 : i32
      %add3A_117 = arith.addi %add3A_116, %mul3A_115 : i32
      %mul3A_118 = arith.constant 2 : i32
      %mul3A_119 = arith.muli %add3A_117, %mul3A_118 : i32
      %add3A_120 = arith.constant 0 : i32
      %add3A_121 = arith.addi %mul3A_119, %add3A_120 : i32
      %jit3A_122 = arith.constant 8 : i32
      %div3A_123 = arith.divsi %add3A_121, %jit3A_122 : i32
      %sign3A_124 = arith.constant 0 : i32
      %sign3A_125 = arith.cmpi sgt, %add3A_121, %sign3A_124 : i32
      %sign3A_126 = arith.extui %sign3A_125 : i1 to i32
      %sign3A_127 = arith.constant 0 : i32
      %sign3A_128 = arith.cmpi slt, %add3A_121, %sign3A_127 : i32
      %sign3A_129 = arith.extui %sign3A_128 : i1 to i32
      %sign3A_130 = arith.subi %sign3A_126, %sign3A_129 : i32
      %sign3A_131 = arith.constant 0 : i32
      %sign3A_132 = arith.cmpi sgt, %jit3A_122, %sign3A_131 : i32
      %sign3A_133 = arith.extui %sign3A_132 : i1 to i32
      %sign3A_134 = arith.constant 0 : i32
      %sign3A_135 = arith.cmpi slt, %jit3A_122, %sign3A_134 : i32
      %sign3A_136 = arith.extui %sign3A_135 : i1 to i32
      %sign3A_137 = arith.subi %sign3A_133, %sign3A_136 : i32
      %ne3A_138 = arith.cmpi ne, %sign3A_130, %sign3A_137 : i32
      %rem3A_139 = arith.remsi %add3A_121, %jit3A_122 : i32
      %ne3A_140 = arith.constant 0 : i32
      %ne3A_141 = arith.cmpi ne, %rem3A_139, %ne3A_140 : i32
      %and3A_142 = arith.andi %ne3A_138, %ne3A_141 : i1
      %sub3A_143 = arith.constant 1 : i32
      %sub3A_144 = arith.subi %div3A_123, %sub3A_143 : i32
      %select_n3A_145 = arith.select %and3A_142, %sub3A_144, %div3A_123 : i32
      %jit3A_146 = arith.constant 8 : i32
      %eq3A_147 = arith.constant 0 : i32
      %eq3A_148 = arith.cmpi eq, %jit3A_146, %eq3A_147 : i32
      %jit3A_149 = arith.constant 1 : i32
      %select_n3A_150 = arith.select %eq3A_148, %jit3A_149, %jit3A_146 : i32
      %rem3A_151 = arith.remsi %add3A_121, %select_n3A_150 : i32
      %ne3A_152 = arith.constant 0 : i32
      %ne3A_153 = arith.cmpi ne, %rem3A_151, %ne3A_152 : i32
      %lt3A_154 = arith.constant 0 : i32
      %lt3A_155 = arith.cmpi slt, %rem3A_151, %lt3A_154 : i32
      %lt3A_156 = arith.constant 0 : i32
      %lt3A_157 = arith.cmpi slt, %select_n3A_150, %lt3A_156 : i32
      %ne3A_158 = arith.xori %lt3A_155, %lt3A_157 : i1
      %and3A_159 = arith.andi %ne3A_158, %ne3A_153 : i1
      %add3A_160 = arith.addi %rem3A_151, %select_n3A_150 : i32
      %select_n3A_161 = arith.select %and3A_159, %add3A_160, %rem3A_151 : i32
      %mul3A_162 = arith.constant 16 : i32
      %mul3A_163 = arith.muli %select_n3A_161, %mul3A_162 : i32
      %dma_wait3A_164 = tpu.memref_slice %arg5[%select_n3A_145, %mul3A_163] : memref<50x128xi32, #tpu.memory_space<vmem>> -> memref<1x16xi32, #tpu.memory_space<vmem>>
      %dma_wait3A_165 = tpu.memref_squeeze %dma_wait3A_164 : memref<1x16xi32, #tpu.memory_space<vmem>> -> memref<16xi32, #tpu.memory_space<vmem>>
      %dma_wait3A_166 = arith.constant 0 : i32
      %dma_wait3A_167 = arith.constant 0 : i32
      %dma_wait3A_168 = tpu.memref_slice %arg2[%dma_wait3A_166, %dma_wait3A_167] : memref<1000x1000xf32, #tpu.memory_space<hbm>> -> memref<1000x1000xf32, #tpu.memory_space<hbm>>
      tpu.wait_indirect_dma semaphore(%arg10 : memref<!tpu.dma_semaphore, #tpu.memory_space<semaphore_mem>>) src(%dma_wait3A_168 : memref<1000x1000xf32, #tpu.memory_space<hbm>>) dst(%arg6 : memref<16x1000xf32, #tpu.memory_space<vmem>>)
      %ge3A = arith.constant 1 : i32
      %ge3A_169 = arith.cmpi sge, %add3A_117, %ge3A : i32
      %convert_element_type3A = arith.extui %ge3A_169 : i1 to i32
      %cond3A = arith.constant 0 : i32
      %cond3A_170 = arith.cmpi ne, %convert_element_type3A, %cond3A : i32
      scf.if %cond3A_170 {
        %sub3A_1522 = arith.constant 2 : i32
        %sub3A_1523 = arith.subi %add3A_121, %sub3A_1522 : i32
        %jit3A_1524 = arith.constant 8 : i32
        %div3A_1525 = arith.divsi %sub3A_1523, %jit3A_1524 : i32
        %sign3A_1526 = arith.constant 0 : i32
        %sign3A_1527 = arith.cmpi sgt, %sub3A_1523, %sign3A_1526 : i32
        %sign3A_1528 = arith.extui %sign3A_1527 : i1 to i32
        %sign3A_1529 = arith.constant 0 : i32
        %sign3A_1530 = arith.cmpi slt, %sub3A_1523, %sign3A_1529 : i32
        %sign3A_1531 = arith.extui %sign3A_1530 : i1 to i32
        %sign3A_1532 = arith.subi %sign3A_1528, %sign3A_1531 : i32
        %sign3A_1533 = arith.constant 0 : i32
        %sign3A_1534 = arith.cmpi sgt, %jit3A_1524, %sign3A_1533 : i32
        %sign3A_1535 = arith.extui %sign3A_1534 : i1 to i32
        %sign3A_1536 = arith.constant 0 : i32
        %sign3A_1537 = arith.cmpi slt, %jit3A_1524, %sign3A_1536 : i32
        %sign3A_1538 = arith.extui %sign3A_1537 : i1 to i32
        %sign3A_1539 = arith.subi %sign3A_1535, %sign3A_1538 : i32
        %ne3A_1540 = arith.cmpi ne, %sign3A_1532, %sign3A_1539 : i32
        %rem3A_1541 = arith.remsi %sub3A_1523, %jit3A_1524 : i32
        %ne3A_1542 = arith.constant 0 : i32
        %ne3A_1543 = arith.cmpi ne, %rem3A_1541, %ne3A_1542 : i32
        %and3A_1544 = arith.andi %ne3A_1540, %ne3A_1543 : i1
        %sub3A_1545 = arith.constant 1 : i32
        %sub3A_1546 = arith.subi %div3A_1525, %sub3A_1545 : i32
        %select_n3A_1547 = arith.select %and3A_1544, %sub3A_1546, %div3A_1525 : i32
        %jit3A_1548 = arith.constant 8 : i32
        %eq3A_1549 = arith.constant 0 : i32
        %eq3A_1550 = arith.cmpi eq, %jit3A_1548, %eq3A_1549 : i32
        %jit3A_1551 = arith.constant 1 : i32
        %select_n3A_1552 = arith.select %eq3A_1550, %jit3A_1551, %jit3A_1548 : i32
        %rem3A_1553 = arith.remsi %sub3A_1523, %select_n3A_1552 : i32
        %ne3A_1554 = arith.constant 0 : i32
        %ne3A_1555 = arith.cmpi ne, %rem3A_1553, %ne3A_1554 : i32
        %lt3A_1556 = arith.constant 0 : i32
        %lt3A_1557 = arith.cmpi slt, %rem3A_1553, %lt3A_1556 : i32
        %lt3A_1558 = arith.constant 0 : i32
        %lt3A_1559 = arith.cmpi slt, %select_n3A_1552, %lt3A_1558 : i32
        %ne3A_1560 = arith.xori %lt3A_1557, %lt3A_1559 : i1
        %and3A_1561 = arith.andi %ne3A_1560, %ne3A_1555 : i1
        %add3A_1562 = arith.addi %rem3A_1553, %select_n3A_1552 : i32
        %select_n3A_1563 = arith.select %and3A_1561, %add3A_1562, %rem3A_1553 : i32
        %add3A_1564 = arith.addi %mul3A_2, %select_n3A_1547 : i32
        %jit3A_1565 = arith.constant 8 : i32
        %div3A_1566 = arith.divsi %add3A_1564, %jit3A_1565 : i32
        %sign3A_1567 = arith.constant 0 : i32
        %sign3A_1568 = arith.cmpi sgt, %add3A_1564, %sign3A_1567 : i32
        %sign3A_1569 = arith.extui %sign3A_1568 : i1 to i32
        %sign3A_1570 = arith.constant 0 : i32
        %sign3A_1571 = arith.cmpi slt, %add3A_1564, %sign3A_1570 : i32
        %sign3A_1572 = arith.extui %sign3A_1571 : i1 to i32
        %sign3A_1573 = arith.subi %sign3A_1569, %sign3A_1572 : i32
        %sign3A_1574 = arith.constant 0 : i32
        %sign3A_1575 = arith.cmpi sgt, %jit3A_1565, %sign3A_1574 : i32
        %sign3A_1576 = arith.extui %sign3A_1575 : i1 to i32
        %sign3A_1577 = arith.constant 0 : i32
        %sign3A_1578 = arith.cmpi slt, %jit3A_1565, %sign3A_1577 : i32
        %sign3A_1579 = arith.extui %sign3A_1578 : i1 to i32
        %sign3A_1580 = arith.subi %sign3A_1576, %sign3A_1579 : i32
        %ne3A_1581 = arith.cmpi ne, %sign3A_1573, %sign3A_1580 : i32
        %rem3A_1582 = arith.remsi %add3A_1564, %jit3A_1565 : i32
        %ne3A_1583 = arith.constant 0 : i32
        %ne3A_1584 = arith.cmpi ne, %rem3A_1582, %ne3A_1583 : i32
        %and3A_1585 = arith.andi %ne3A_1581, %ne3A_1584 : i1
        %sub3A_1586 = arith.constant 1 : i32
        %sub3A_1587 = arith.subi %div3A_1566, %sub3A_1586 : i32
        %select_n3A_1588 = arith.select %and3A_1585, %sub3A_1587, %div3A_1566 : i32
        %jit3A_1589 = arith.constant 8 : i32
        %eq3A_1590 = arith.constant 0 : i32
        %eq3A_1591 = arith.cmpi eq, %jit3A_1589, %eq3A_1590 : i32
        %jit3A_1592 = arith.constant 1 : i32
        %select_n3A_1593 = arith.select %eq3A_1591, %jit3A_1592, %jit3A_1589 : i32
        %rem3A_1594 = arith.remsi %add3A_1564, %select_n3A_1593 : i32
        %ne3A_1595 = arith.constant 0 : i32
        %ne3A_1596 = arith.cmpi ne, %rem3A_1594, %ne3A_1595 : i32
        %lt3A_1597 = arith.constant 0 : i32
        %lt3A_1598 = arith.cmpi slt, %rem3A_1594, %lt3A_1597 : i32
        %lt3A_1599 = arith.constant 0 : i32
        %lt3A_1600 = arith.cmpi slt, %select_n3A_1593, %lt3A_1599 : i32
        %ne3A_1601 = arith.xori %lt3A_1598, %lt3A_1600 : i1
        %and3A_1602 = arith.andi %ne3A_1601, %ne3A_1596 : i1
        %add3A_1603 = arith.addi %rem3A_1594, %select_n3A_1593 : i32
        %select_n3A_1604 = arith.select %and3A_1602, %add3A_1603, %rem3A_1594 : i32
        %mul3A_1605 = arith.constant 16 : i32
        %mul3A_1606 = arith.muli %select_n3A_1563, %mul3A_1605 : i32
        %dma_wait3A_1607 = arith.constant 0 : i32
        %dma_wait3A_1608 = arith.constant 0 : i32
        %dma_wait3A_1609 = tpu.memref_slice %arg4[%select_n3A_1588, %dma_wait3A_1607, %select_n3A_1604, %dma_wait3A_1608, %mul3A_1606] : memref<200x125x8x8x128xf32, #tpu.memory_space<hbm>> -> memref<1x125x1x8x16xf32, #tpu.memory_space<hbm>>
        %dma_wait3A_1610 = tpu.memref_squeeze %dma_wait3A_1609 : memref<1x125x1x8x16xf32, #tpu.memory_space<hbm>> -> memref<125x8x16xf32, #tpu.memory_space<hbm>>
        %dma_wait3A_1611 = arith.constant 0 : i32
        %dma_wait3A_1612 = arith.constant 0 : i32
        %dma_wait3A_1613 = tpu.memref_slice %arg4[%select_n3A_1588, %dma_wait3A_1611, %select_n3A_1604, %dma_wait3A_1612, %mul3A_1606] : memref<200x125x8x8x128xf32, #tpu.memory_space<hbm>> -> memref<1x125x1x8x16xf32, #tpu.memory_space<hbm>>
        %dma_wait3A_1614 = tpu.memref_squeeze %dma_wait3A_1613 : memref<1x125x1x8x16xf32, #tpu.memory_space<hbm>> -> memref<125x8x16xf32, #tpu.memory_space<hbm>>
        tpu.wait_dma2 semaphore(%arg12 : memref<!tpu.dma_semaphore, #tpu.memory_space<semaphore_mem>>) src(%arg8 : memref<125x8x16xf32, #tpu.memory_space<vmem>>) dst(%dma_wait3A_1614 : memref<125x8x16xf32, #tpu.memory_space<hbm>>)
      } else {
      }
      %scan3A_171 = arith.constant 0 : i32
      %scan3A_172 = arith.constant 120 : i32
      %scan3A_173 = arith.addi %scan3A_171, %scan3A_172 : i32
      %scan3A_174 = arith.constant 4 : i32
      scf.for %scan3A_1522 = %scan3A_171 to %scan3A_173 step %scan3A_174  : i32 {
        %mul3A_1523 = arith.constant 1 : i32
        %mul3A_1524 = arith.muli %scan3A_1522, %mul3A_1523 : i32
        %add3A_1525 = arith.constant 0 : i32
        %add3A_1526 = arith.addi %add3A_1525, %mul3A_1524 : i32
        %mul3A_1527 = arith.constant 8 : i32
        %mul3A_1528 = arith.muli %add3A_1526, %mul3A_1527 : i32
        %broadcast_in_dim3A_1529 = vector.broadcast %mul3A_1528 : i32 to vector<16xi32>
        %add3A_1530 = arith.addi %broadcast_in_dim3A_1529, %iota3A : vector<16xi32>
        %add3A_1531 = arith.constant 0 : i32
        %add3A_1532 = vector.broadcast %add3A_1531 : i32 to vector<16xi32>
        %add3A_1533 = arith.addi %add3A_1530, %add3A_1532 : vector<16xi32>
        %gather3A_1534 = tpu.vector_load_idx %arg6[%iota3A, %add3A_1533] : memref<16x1000xf32, #tpu.memory_space<vmem>>[vector<16xi32>, vector<16xi32>], vector<16xf32>,
        %shift_right_arithmetic3A_1535 = arith.constant 3 : i32
        %shift_right_arithmetic3A_1536 = vector.broadcast %shift_right_arithmetic3A_1535 : i32 to vector<16xi32>
        %shift_right_arithmetic3A_1537 = arith.shrsi %add3A_1533, %shift_right_arithmetic3A_1536 : vector<16xi32>
        %and3A_1538 = arith.constant 7 : i32
        %and3A_1539 = vector.broadcast %and3A_1538 : i32 to vector<16xi32>
        %and3A_1540 = arith.andi %add3A_1533, %and3A_1539 : vector<16xi32>
        tpu.vector_store_idx %arg8[%shift_right_arithmetic3A_1537, %and3A_1540, %iota3A], %gather3A_1534 : memref<125x8x16xf32, #tpu.memory_space<vmem>>[vector<16xi32>, vector<16xi32>, vector<16xi32>], vector<16xf32>,
        %add3A_1541 = arith.constant 1 : i32
        %add3A_1542 = vector.broadcast %add3A_1541 : i32 to vector<16xi32>
        %add3A_1543 = arith.addi %add3A_1530, %add3A_1542 : vector<16xi32>
        %gather3A_1544 = tpu.vector_load_idx %arg6[%iota3A, %add3A_1543] : memref<16x1000xf32, #tpu.memory_space<vmem>>[vector<16xi32>, vector<16xi32>], vector<16xf32>,
        %shift_right_arithmetic3A_1545 = arith.constant 3 : i32
        %shift_right_arithmetic3A_1546 = vector.broadcast %shift_right_arithmetic3A_1545 : i32 to vector<16xi32>
        %shift_right_arithmetic3A_1547 = arith.shrsi %add3A_1543, %shift_right_arithmetic3A_1546 : vector<16xi32>
        %and3A_1548 = arith.constant 7 : i32
        %and3A_1549 = vector.broadcast %and3A_1548 : i32 to vector<16xi32>
        %and3A_1550 = arith.andi %add3A_1543, %and3A_1549 : vector<16xi32>
        tpu.vector_store_idx %arg8[%shift_right_arithmetic3A_1547, %and3A_1550, %iota3A], %gather3A_1544 : memref<125x8x16xf32, #tpu.memory_space<vmem>>[vector<16xi32>, vector<16xi32>, vector<16xi32>], vector<16xf32>,
        %add3A_1551 = arith.constant 2 : i32
        %add3A_1552 = vector.broadcast %add3A_1551 : i32 to vector<16xi32>
        %add3A_1553 = arith.addi %add3A_1530, %add3A_1552 : vector<16xi32>
        %gather3A_1554 = tpu.vector_load_idx %arg6[%iota3A, %add3A_1553] : memref<16x1000xf32, #tpu.memory_space<vmem>>[vector<16xi32>, vector<16xi32>], vector<16xf32>,
        %shift_right_arithmetic3A_1555 = arith.constant 3 : i32
        %shift_right_arithmetic3A_1556 = vector.broadcast %shift_right_arithmetic3A_1555 : i32 to vector<16xi32>
        %shift_right_arithmetic3A_1557 = arith.shrsi %add3A_1553, %shift_right_arithmetic3A_1556 : vector<16xi32>
        %and3A_1558 = arith.constant 7 : i32
        %and3A_1559 = vector.broadcast %and3A_1558 : i32 to vector<16xi32>
        %and3A_1560 = arith.andi %add3A_1553, %and3A_1559 : vector<16xi32>
        tpu.vector_store_idx %arg8[%shift_right_arithmetic3A_1557, %and3A_1560, %iota3A], %gather3A_1554 : memref<125x8x16xf32, #tpu.memory_space<vmem>>[vector<16xi32>, vector<16xi32>, vector<16xi32>], vector<16xf32>,
        %add3A_1561 = arith.constant 3 : i32
        %add3A_1562 = vector.broadcast %add3A_1561 : i32 to vector<16xi32>
        %add3A_1563 = arith.addi %add3A_1530, %add3A_1562 : vector<16xi32>
        %gather3A_1564 = tpu.vector_load_idx %arg6[%iota3A, %add3A_1563] : memref<16x1000xf32, #tpu.memory_space<vmem>>[vector<16xi32>, vector<16xi32>], vector<16xf32>,
        %shift_right_arithmetic3A_1565 = arith.constant 3 : i32
        %shift_right_arithmetic3A_1566 = vector.broadcast %shift_right_arithmetic3A_1565 : i32 to vector<16xi32>
        %shift_right_arithmetic3A_1567 = arith.shrsi %add3A_1563, %shift_right_arithmetic3A_1566 : vector<16xi32>
        %and3A_1568 = arith.constant 7 : i32
        %and3A_1569 = vector.broadcast %and3A_1568 : i32 to vector<16xi32>
        %and3A_1570 = arith.andi %add3A_1563, %and3A_1569 : vector<16xi32>
        tpu.vector_store_idx %arg8[%shift_right_arithmetic3A_1567, %and3A_1570, %iota3A], %gather3A_1564 : memref<125x8x16xf32, #tpu.memory_space<vmem>>[vector<16xi32>, vector<16xi32>, vector<16xi32>], vector<16xf32>,
        %add3A_1571 = arith.constant 4 : i32
        %add3A_1572 = vector.broadcast %add3A_1571 : i32 to vector<16xi32>
        %add3A_1573 = arith.addi %add3A_1530, %add3A_1572 : vector<16xi32>
        %gather3A_1574 = tpu.vector_load_idx %arg6[%iota3A, %add3A_1573] : memref<16x1000xf32, #tpu.memory_space<vmem>>[vector<16xi32>, vector<16xi32>], vector<16xf32>,
        %shift_right_arithmetic3A_1575 = arith.constant 3 : i32
        %shift_right_arithmetic3A_1576 = vector.broadcast %shift_right_arithmetic3A_1575 : i32 to vector<16xi32>
        %shift_right_arithmetic3A_1577 = arith.shrsi %add3A_1573, %shift_right_arithmetic3A_1576 : vector<16xi32>
        %and3A_1578 = arith.constant 7 : i32
        %and3A_1579 = vector.broadcast %and3A_1578 : i32 to vector<16xi32>
        %and3A_1580 = arith.andi %add3A_1573, %and3A_1579 : vector<16xi32>
        tpu.vector_store_idx %arg8[%shift_right_arithmetic3A_1577, %and3A_1580, %iota3A], %gather3A_1574 : memref<125x8x16xf32, #tpu.memory_space<vmem>>[vector<16xi32>, vector<16xi32>, vector<16xi32>], vector<16xf32>,
        %add3A_1581 = arith.constant 5 : i32
        %add3A_1582 = vector.broadcast %add3A_1581 : i32 to vector<16xi32>
        %add3A_1583 = arith.addi %add3A_1530, %add3A_1582 : vector<16xi32>
        %gather3A_1584 = tpu.vector_load_idx %arg6[%iota3A, %add3A_1583] : memref<16x1000xf32, #tpu.memory_space<vmem>>[vector<16xi32>, vector<16xi32>], vector<16xf32>,
        %shift_right_arithmetic3A_1585 = arith.constant 3 : i32
        %shift_right_arithmetic3A_1586 = vector.broadcast %shift_right_arithmetic3A_1585 : i32 to vector<16xi32>
        %shift_right_arithmetic3A_1587 = arith.shrsi %add3A_1583, %shift_right_arithmetic3A_1586 : vector<16xi32>
        %and3A_1588 = arith.constant 7 : i32
        %and3A_1589 = vector.broadcast %and3A_1588 : i32 to vector<16xi32>
        %and3A_1590 = arith.andi %add3A_1583, %and3A_1589 : vector<16xi32>
        tpu.vector_store_idx %arg8[%shift_right_arithmetic3A_1587, %and3A_1590, %iota3A], %gather3A_1584 : memref<125x8x16xf32, #tpu.memory_space<vmem>>[vector<16xi32>, vector<16xi32>, vector<16xi32>], vector<16xf32>,
        %add3A_1591 = arith.constant 6 : i32
        %add3A_1592 = vector.broadcast %add3A_1591 : i32 to vector<16xi32>
        %add3A_1593 = arith.addi %add3A_1530, %add3A_1592 : vector<16xi32>
        %gather3A_1594 = tpu.vector_load_idx %arg6[%iota3A, %add3A_1593] : memref<16x1000xf32, #tpu.memory_space<vmem>>[vector<16xi32>, vector<16xi32>], vector<16xf32>,
        %shift_right_arithmetic3A_1595 = arith.constant 3 : i32
        %shift_right_arithmetic3A_1596 = vector.broadcast %shift_right_arithmetic3A_1595 : i32 to vector<16xi32>
        %shift_right_arithmetic3A_1597 = arith.shrsi %add3A_1593, %shift_right_arithmetic3A_1596 : vector<16xi32>
        %and3A_1598 = arith.constant 7 : i32
        %and3A_1599 = vector.broadcast %and3A_1598 : i32 to vector<16xi32>
        %and3A_1600 = arith.andi %add3A_1593, %and3A_1599 : vector<16xi32>
        tpu.vector_store_idx %arg8[%shift_right_arithmetic3A_1597, %and3A_1600, %iota3A], %gather3A_1594 : memref<125x8x16xf32, #tpu.memory_space<vmem>>[vector<16xi32>, vector<16xi32>, vector<16xi32>], vector<16xf32>,
        %add3A_1601 = arith.constant 7 : i32
        %add3A_1602 = vector.broadcast %add3A_1601 : i32 to vector<16xi32>
        %add3A_1603 = arith.addi %add3A_1530, %add3A_1602 : vector<16xi32>
        %gather3A_1604 = tpu.vector_load_idx %arg6[%iota3A, %add3A_1603] : memref<16x1000xf32, #tpu.memory_space<vmem>>[vector<16xi32>, vector<16xi32>], vector<16xf32>,
        %shift_right_arithmetic3A_1605 = arith.constant 3 : i32
        %shift_right_arithmetic3A_1606 = vector.broadcast %shift_right_arithmetic3A_1605 : i32 to vector<16xi32>
        %shift_right_arithmetic3A_1607 = arith.shrsi %add3A_1603, %shift_right_arithmetic3A_1606 : vector<16xi32>
        %and3A_1608 = arith.constant 7 : i32
        %and3A_1609 = vector.broadcast %and3A_1608 : i32 to vector<16xi32>
        %and3A_1610 = arith.andi %add3A_1603, %and3A_1609 : vector<16xi32>
        tpu.vector_store_idx %arg8[%shift_right_arithmetic3A_1607, %and3A_1610, %iota3A], %gather3A_1604 : memref<125x8x16xf32, #tpu.memory_space<vmem>>[vector<16xi32>, vector<16xi32>, vector<16xi32>], vector<16xf32>,
        %scan3A_1611 = arith.constant 1 : i32
        %scan3A_1612 = arith.addi %scan3A_1522, %scan3A_1611 : i32
        %mul3A_1613 = arith.constant 1 : i32
        %mul3A_1614 = arith.muli %scan3A_1612, %mul3A_1613 : i32
        %add3A_1615 = arith.constant 0 : i32
        %add3A_1616 = arith.addi %add3A_1615, %mul3A_1614 : i32
        %mul3A_1617 = arith.constant 8 : i32
        %mul3A_1618 = arith.muli %add3A_1616, %mul3A_1617 : i32
        %broadcast_in_dim3A_1619 = vector.broadcast %mul3A_1618 : i32 to vector<16xi32>
        %add3A_1620 = arith.addi %broadcast_in_dim3A_1619, %iota3A : vector<16xi32>
        %add3A_1621 = arith.constant 0 : i32
        %add3A_1622 = vector.broadcast %add3A_1621 : i32 to vector<16xi32>
        %add3A_1623 = arith.addi %add3A_1620, %add3A_1622 : vector<16xi32>
        %gather3A_1624 = tpu.vector_load_idx %arg6[%iota3A, %add3A_1623] : memref<16x1000xf32, #tpu.memory_space<vmem>>[vector<16xi32>, vector<16xi32>], vector<16xf32>,
        %shift_right_arithmetic3A_1625 = arith.constant 3 : i32
        %shift_right_arithmetic3A_1626 = vector.broadcast %shift_right_arithmetic3A_1625 : i32 to vector<16xi32>
        %shift_right_arithmetic3A_1627 = arith.shrsi %add3A_1623, %shift_right_arithmetic3A_1626 : vector<16xi32>
        %and3A_1628 = arith.constant 7 : i32
        %and3A_1629 = vector.broadcast %and3A_1628 : i32 to vector<16xi32>
        %and3A_1630 = arith.andi %add3A_1623, %and3A_1629 : vector<16xi32>
        tpu.vector_store_idx %arg8[%shift_right_arithmetic3A_1627, %and3A_1630, %iota3A], %gather3A_1624 : memref<125x8x16xf32, #tpu.memory_space<vmem>>[vector<16xi32>, vector<16xi32>, vector<16xi32>], vector<16xf32>,
        %add3A_1631 = arith.constant 1 : i32
        %add3A_1632 = vector.broadcast %add3A_1631 : i32 to vector<16xi32>
        %add3A_1633 = arith.addi %add3A_1620, %add3A_1632 : vector<16xi32>
        %gather3A_1634 = tpu.vector_load_idx %arg6[%iota3A, %add3A_1633] : memref<16x1000xf32, #tpu.memory_space<vmem>>[vector<16xi32>, vector<16xi32>], vector<16xf32>,
        %shift_right_arithmetic3A_1635 = arith.constant 3 : i32
        %shift_right_arithmetic3A_1636 = vector.broadcast %shift_right_arithmetic3A_1635 : i32 to vector<16xi32>
        %shift_right_arithmetic3A_1637 = arith.shrsi %add3A_1633, %shift_right_arithmetic3A_1636 : vector<16xi32>
        %and3A_1638 = arith.constant 7 : i32
        %and3A_1639 = vector.broadcast %and3A_1638 : i32 to vector<16xi32>
        %and3A_1640 = arith.andi %add3A_1633, %and3A_1639 : vector<16xi32>
        tpu.vector_store_idx %arg8[%shift_right_arithmetic3A_1637, %and3A_1640, %iota3A], %gather3A_1634 : memref<125x8x16xf32, #tpu.memory_space<vmem>>[vector<16xi32>, vector<16xi32>, vector<16xi32>], vector<16xf32>,
        %add3A_1641 = arith.constant 2 : i32
        %add3A_1642 = vector.broadcast %add3A_1641 : i32 to vector<16xi32>
        %add3A_1643 = arith.addi %add3A_1620, %add3A_1642 : vector<16xi32>
        %gather3A_1644 = tpu.vector_load_idx %arg6[%iota3A, %add3A_1643] : memref<16x1000xf32, #tpu.memory_space<vmem>>[vector<16xi32>, vector<16xi32>], vector<16xf32>,
        %shift_right_arithmetic3A_1645 = arith.constant 3 : i32
        %shift_right_arithmetic3A_1646 = vector.broadcast %shift_right_arithmetic3A_1645 : i32 to vector<16xi32>
        %shift_right_arithmetic3A_1647 = arith.shrsi %add3A_1643, %shift_right_arithmetic3A_1646 : vector<16xi32>
        %and3A_1648 = arith.constant 7 : i32
        %and3A_1649 = vector.broadcast %and3A_1648 : i32 to vector<16xi32>
        %and3A_1650 = arith.andi %add3A_1643, %and3A_1649 : vector<16xi32>
        tpu.vector_store_idx %arg8[%shift_right_arithmetic3A_1647, %and3A_1650, %iota3A], %gather3A_1644 : memref<125x8x16xf32, #tpu.memory_space<vmem>>[vector<16xi32>, vector<16xi32>, vector<16xi32>], vector<16xf32>,
        %add3A_1651 = arith.constant 3 : i32
        %add3A_1652 = vector.broadcast %add3A_1651 : i32 to vector<16xi32>
        %add3A_1653 = arith.addi %add3A_1620, %add3A_1652 : vector<16xi32>
        %gather3A_1654 = tpu.vector_load_idx %arg6[%iota3A, %add3A_1653] : memref<16x1000xf32, #tpu.memory_space<vmem>>[vector<16xi32>, vector<16xi32>], vector<16xf32>,
        %shift_right_arithmetic3A_1655 = arith.constant 3 : i32
        %shift_right_arithmetic3A_1656 = vector.broadcast %shift_right_arithmetic3A_1655 : i32 to vector<16xi32>
        %shift_right_arithmetic3A_1657 = arith.shrsi %add3A_1653, %shift_right_arithmetic3A_1656 : vector<16xi32>
        %and3A_1658 = arith.constant 7 : i32
        %and3A_1659 = vector.broadcast %and3A_1658 : i32 to vector<16xi32>
        %and3A_1660 = arith.andi %add3A_1653, %and3A_1659 : vector<16xi32>
        tpu.vector_store_idx %arg8[%shift_right_arithmetic3A_1657, %and3A_1660, %iota3A], %gather3A_1654 : memref<125x8x16xf32, #tpu.memory_space<vmem>>[vector<16xi32>, vector<16xi32>, vector<16xi32>], vector<16xf32>,
        %add3A_1661 = arith.constant 4 : i32
        %add3A_1662 = vector.broadcast %add3A_1661 : i32 to vector<16xi32>
        %add3A_1663 = arith.addi %add3A_1620, %add3A_1662 : vector<16xi32>
        %gather3A_1664 = tpu.vector_load_idx %arg6[%iota3A, %add3A_1663] : memref<16x1000xf32, #tpu.memory_space<vmem>>[vector<16xi32>, vector<16xi32>], vector<16xf32>,
        %shift_right_arithmetic3A_1665 = arith.constant 3 : i32
        %shift_right_arithmetic3A_1666 = vector.broadcast %shift_right_arithmetic3A_1665 : i32 to vector<16xi32>
        %shift_right_arithmetic3A_1667 = arith.shrsi %add3A_1663, %shift_right_arithmetic3A_1666 : vector<16xi32>
        %and3A_1668 = arith.constant 7 : i32
        %and3A_1669 = vector.broadcast %and3A_1668 : i32 to vector<16xi32>
        %and3A_1670 = arith.andi %add3A_1663, %and3A_1669 : vector<16xi32>
        tpu.vector_store_idx %arg8[%shift_right_arithmetic3A_1667, %and3A_1670, %iota3A], %gather3A_1664 : memref<125x8x16xf32, #tpu.memory_space<vmem>>[vector<16xi32>, vector<16xi32>, vector<16xi32>], vector<16xf32>,
        %add3A_1671 = arith.constant 5 : i32
        %add3A_1672 = vector.broadcast %add3A_1671 : i32 to vector<16xi32>
        %add3A_1673 = arith.addi %add3A_1620, %add3A_1672 : vector<16xi32>
        %gather3A_1674 = tpu.vector_load_idx %arg6[%iota3A, %add3A_1673] : memref<16x1000xf32, #tpu.memory_space<vmem>>[vector<16xi32>, vector<16xi32>], vector<16xf32>,
        %shift_right_arithmetic3A_1675 = arith.constant 3 : i32
        %shift_right_arithmetic3A_1676 = vector.broadcast %shift_right_arithmetic3A_1675 : i32 to vector<16xi32>
        %shift_right_arithmetic3A_1677 = arith.shrsi %add3A_1673, %shift_right_arithmetic3A_1676 : vector<16xi32>
        %and3A_1678 = arith.constant 7 : i32
        %and3A_1679 = vector.broadcast %and3A_1678 : i32 to vector<16xi32>
        %and3A_1680 = arith.andi %add3A_1673, %and3A_1679 : vector<16xi32>
        tpu.vector_store_idx %arg8[%shift_right_arithmetic3A_1677, %and3A_1680, %iota3A], %gather3A_1674 : memref<125x8x16xf32, #tpu.memory_space<vmem>>[vector<16xi32>, vector<16xi32>, vector<16xi32>], vector<16xf32>,
        %add3A_1681 = arith.constant 6 : i32
        %add3A_1682 = vector.broadcast %add3A_1681 : i32 to vector<16xi32>
        %add3A_1683 = arith.addi %add3A_1620, %add3A_1682 : vector<16xi32>
        %gather3A_1684 = tpu.vector_load_idx %arg6[%iota3A, %add3A_1683] : memref<16x1000xf32, #tpu.memory_space<vmem>>[vector<16xi32>, vector<16xi32>], vector<16xf32>,
        %shift_right_arithmetic3A_1685 = arith.constant 3 : i32
        %shift_right_arithmetic3A_1686 = vector.broadcast %shift_right_arithmetic3A_1685 : i32 to vector<16xi32>
        %shift_right_arithmetic3A_1687 = arith.shrsi %add3A_1683, %shift_right_arithmetic3A_1686 : vector<16xi32>
        %and3A_1688 = arith.constant 7 : i32
        %and3A_1689 = vector.broadcast %and3A_1688 : i32 to vector<16xi32>
        %and3A_1690 = arith.andi %add3A_1683, %and3A_1689 : vector<16xi32>
        tpu.vector_store_idx %arg8[%shift_right_arithmetic3A_1687, %and3A_1690, %iota3A], %gather3A_1684 : memref<125x8x16xf32, #tpu.memory_space<vmem>>[vector<16xi32>, vector<16xi32>, vector<16xi32>], vector<16xf32>,
        %add3A_1691 = arith.constant 7 : i32
        %add3A_1692 = vector.broadcast %add3A_1691 : i32 to vector<16xi32>
        %add3A_1693 = arith.addi %add3A_1620, %add3A_1692 : vector<16xi32>
        %gather3A_1694 = tpu.vector_load_idx %arg6[%iota3A, %add3A_1693] : memref<16x1000xf32, #tpu.memory_space<vmem>>[vector<16xi32>, vector<16xi32>], vector<16xf32>,
        %shift_right_arithmetic3A_1695 = arith.constant 3 : i32
        %shift_right_arithmetic3A_1696 = vector.broadcast %shift_right_arithmetic3A_1695 : i32 to vector<16xi32>
        %shift_right_arithmetic3A_1697 = arith.shrsi %add3A_1693, %shift_right_arithmetic3A_1696 : vector<16xi32>
        %and3A_1698 = arith.constant 7 : i32
        %and3A_1699 = vector.broadcast %and3A_1698 : i32 to vector<16xi32>
        %and3A_1700 = arith.andi %add3A_1693, %and3A_1699 : vector<16xi32>
        tpu.vector_store_idx %arg8[%shift_right_arithmetic3A_1697, %and3A_1700, %iota3A], %gather3A_1694 : memref<125x8x16xf32, #tpu.memory_space<vmem>>[vector<16xi32>, vector<16xi32>, vector<16xi32>], vector<16xf32>,
        %scan3A_1701 = arith.constant 2 : i32
        %scan3A_1702 = arith.addi %scan3A_1522, %scan3A_1701 : i32
        %mul3A_1703 = arith.constant 1 : i32
        %mul3A_1704 = arith.muli %scan3A_1702, %mul3A_1703 : i32
        %add3A_1705 = arith.constant 0 : i32
        %add3A_1706 = arith.addi %add3A_1705, %mul3A_1704 : i32
        %mul3A_1707 = arith.constant 8 : i32
        %mul3A_1708 = arith.muli %add3A_1706, %mul3A_1707 : i32
        %broadcast_in_dim3A_1709 = vector.broadcast %mul3A_1708 : i32 to vector<16xi32>
        %add3A_1710 = arith.addi %broadcast_in_dim3A_1709, %iota3A : vector<16xi32>
        %add3A_1711 = arith.constant 0 : i32
        %add3A_1712 = vector.broadcast %add3A_1711 : i32 to vector<16xi32>
        %add3A_1713 = arith.addi %add3A_1710, %add3A_1712 : vector<16xi32>
        %gather3A_1714 = tpu.vector_load_idx %arg6[%iota3A, %add3A_1713] : memref<16x1000xf32, #tpu.memory_space<vmem>>[vector<16xi32>, vector<16xi32>], vector<16xf32>,
        %shift_right_arithmetic3A_1715 = arith.constant 3 : i32
        %shift_right_arithmetic3A_1716 = vector.broadcast %shift_right_arithmetic3A_1715 : i32 to vector<16xi32>
        %shift_right_arithmetic3A_1717 = arith.shrsi %add3A_1713, %shift_right_arithmetic3A_1716 : vector<16xi32>
        %and3A_1718 = arith.constant 7 : i32
        %and3A_1719 = vector.broadcast %and3A_1718 : i32 to vector<16xi32>
        %and3A_1720 = arith.andi %add3A_1713, %and3A_1719 : vector<16xi32>
        tpu.vector_store_idx %arg8[%shift_right_arithmetic3A_1717, %and3A_1720, %iota3A], %gather3A_1714 : memref<125x8x16xf32, #tpu.memory_space<vmem>>[vector<16xi32>, vector<16xi32>, vector<16xi32>], vector<16xf32>,
        %add3A_1721 = arith.constant 1 : i32
        %add3A_1722 = vector.broadcast %add3A_1721 : i32 to vector<16xi32>
        %add3A_1723 = arith.addi %add3A_1710, %add3A_1722 : vector<16xi32>
        %gather3A_1724 = tpu.vector_load_idx %arg6[%iota3A, %add3A_1723] : memref<16x1000xf32, #tpu.memory_space<vmem>>[vector<16xi32>, vector<16xi32>], vector<16xf32>,
        %shift_right_arithmetic3A_1725 = arith.constant 3 : i32
        %shift_right_arithmetic3A_1726 = vector.broadcast %shift_right_arithmetic3A_1725 : i32 to vector<16xi32>
        %shift_right_arithmetic3A_1727 = arith.shrsi %add3A_1723, %shift_right_arithmetic3A_1726 : vector<16xi32>
        %and3A_1728 = arith.constant 7 : i32
        %and3A_1729 = vector.broadcast %and3A_1728 : i32 to vector<16xi32>
        %and3A_1730 = arith.andi %add3A_1723, %and3A_1729 : vector<16xi32>
        tpu.vector_store_idx %arg8[%shift_right_arithmetic3A_1727, %and3A_1730, %iota3A], %gather3A_1724 : memref<125x8x16xf32, #tpu.memory_space<vmem>>[vector<16xi32>, vector<16xi32>, vector<16xi32>], vector<16xf32>,
        %add3A_1731 = arith.constant 2 : i32
        %add3A_1732 = vector.broadcast %add3A_1731 : i32 to vector<16xi32>
        %add3A_1733 = arith.addi %add3A_1710, %add3A_1732 : vector<16xi32>
        %gather3A_1734 = tpu.vector_load_idx %arg6[%iota3A, %add3A_1733] : memref<16x1000xf32, #tpu.memory_space<vmem>>[vector<16xi32>, vector<16xi32>], vector<16xf32>,
        %shift_right_arithmetic3A_1735 = arith.constant 3 : i32
        %shift_right_arithmetic3A_1736 = vector.broadcast %shift_right_arithmetic3A_1735 : i32 to vector<16xi32>
        %shift_right_arithmetic3A_1737 = arith.shrsi %add3A_1733, %shift_right_arithmetic3A_1736 : vector<16xi32>
        %and3A_1738 = arith.constant 7 : i32
        %and3A_1739 = vector.broadcast %and3A_1738 : i32 to vector<16xi32>
        %and3A_1740 = arith.andi %add3A_1733, %and3A_1739 : vector<16xi32>
        tpu.vector_store_idx %arg8[%shift_right_arithmetic3A_1737, %and3A_1740, %iota3A], %gather3A_1734 : memref<125x8x16xf32, #tpu.memory_space<vmem>>[vector<16xi32>, vector<16xi32>, vector<16xi32>], vector<16xf32>,
        %add3A_1741 = arith.constant 3 : i32
        %add3A_1742 = vector.broadcast %add3A_1741 : i32 to vector<16xi32>
        %add3A_1743 = arith.addi %add3A_1710, %add3A_1742 : vector<16xi32>
        %gather3A_1744 = tpu.vector_load_idx %arg6[%iota3A, %add3A_1743] : memref<16x1000xf32, #tpu.memory_space<vmem>>[vector<16xi32>, vector<16xi32>], vector<16xf32>,
        %shift_right_arithmetic3A_1745 = arith.constant 3 : i32
        %shift_right_arithmetic3A_1746 = vector.broadcast %shift_right_arithmetic3A_1745 : i32 to vector<16xi32>
        %shift_right_arithmetic3A_1747 = arith.shrsi %add3A_1743, %shift_right_arithmetic3A_1746 : vector<16xi32>
        %and3A_1748 = arith.constant 7 : i32
        %and3A_1749 = vector.broadcast %and3A_1748 : i32 to vector<16xi32>
        %and3A_1750 = arith.andi %add3A_1743, %and3A_1749 : vector<16xi32>
        tpu.vector_store_idx %arg8[%shift_right_arithmetic3A_1747, %and3A_1750, %iota3A], %gather3A_1744 : memref<125x8x16xf32, #tpu.memory_space<vmem>>[vector<16xi32>, vector<16xi32>, vector<16xi32>], vector<16xf32>,
        %add3A_1751 = arith.constant 4 : i32
        %add3A_1752 = vector.broadcast %add3A_1751 : i32 to vector<16xi32>
        %add3A_1753 = arith.addi %add3A_1710, %add3A_1752 : vector<16xi32>
        %gather3A_1754 = tpu.vector_load_idx %arg6[%iota3A, %add3A_1753] : memref<16x1000xf32, #tpu.memory_space<vmem>>[vector<16xi32>, vector<16xi32>], vector<16xf32>,
        %shift_right_arithmetic3A_1755 = arith.constant 3 : i32
        %shift_right_arithmetic3A_1756 = vector.broadcast %shift_right_arithmetic3A_1755 : i32 to vector<16xi32>
        %shift_right_arithmetic3A_1757 = arith.shrsi %add3A_1753, %shift_right_arithmetic3A_1756 : vector<16xi32>
        %and3A_1758 = arith.constant 7 : i32
        %and3A_1759 = vector.broadcast %and3A_1758 : i32 to vector<16xi32>
        %and3A_1760 = arith.andi %add3A_1753, %and3A_1759 : vector<16xi32>
        tpu.vector_store_idx %arg8[%shift_right_arithmetic3A_1757, %and3A_1760, %iota3A], %gather3A_1754 : memref<125x8x16xf32, #tpu.memory_space<vmem>>[vector<16xi32>, vector<16xi32>, vector<16xi32>], vector<16xf32>,
        %add3A_1761 = arith.constant 5 : i32
        %add3A_1762 = vector.broadcast %add3A_1761 : i32 to vector<16xi32>
        %add3A_1763 = arith.addi %add3A_1710, %add3A_1762 : vector<16xi32>
        %gather3A_1764 = tpu.vector_load_idx %arg6[%iota3A, %add3A_1763] : memref<16x1000xf32, #tpu.memory_space<vmem>>[vector<16xi32>, vector<16xi32>], vector<16xf32>,
        %shift_right_arithmetic3A_1765 = arith.constant 3 : i32
        %shift_right_arithmetic3A_1766 = vector.broadcast %shift_right_arithmetic3A_1765 : i32 to vector<16xi32>
        %shift_right_arithmetic3A_1767 = arith.shrsi %add3A_1763, %shift_right_arithmetic3A_1766 : vector<16xi32>
        %and3A_1768 = arith.constant 7 : i32
        %and3A_1769 = vector.broadcast %and3A_1768 : i32 to vector<16xi32>
        %and3A_1770 = arith.andi %add3A_1763, %and3A_1769 : vector<16xi32>
        tpu.vector_store_idx %arg8[%shift_right_arithmetic3A_1767, %and3A_1770, %iota3A], %gather3A_1764 : memref<125x8x16xf32, #tpu.memory_space<vmem>>[vector<16xi32>, vector<16xi32>, vector<16xi32>], vector<16xf32>,
        %add3A_1771 = arith.constant 6 : i32
        %add3A_1772 = vector.broadcast %add3A_1771 : i32 to vector<16xi32>
        %add3A_1773 = arith.addi %add3A_1710, %add3A_1772 : vector<16xi32>
        %gather3A_1774 = tpu.vector_load_idx %arg6[%iota3A, %add3A_1773] : memref<16x1000xf32, #tpu.memory_space<vmem>>[vector<16xi32>, vector<16xi32>], vector<16xf32>,
        %shift_right_arithmetic3A_1775 = arith.constant 3 : i32
        %shift_right_arithmetic3A_1776 = vector.broadcast %shift_right_arithmetic3A_1775 : i32 to vector<16xi32>
        %shift_right_arithmetic3A_1777 = arith.shrsi %add3A_1773, %shift_right_arithmetic3A_1776 : vector<16xi32>
        %and3A_1778 = arith.constant 7 : i32
        %and3A_1779 = vector.broadcast %and3A_1778 : i32 to vector<16xi32>
        %and3A_1780 = arith.andi %add3A_1773, %and3A_1779 : vector<16xi32>
        tpu.vector_store_idx %arg8[%shift_right_arithmetic3A_1777, %and3A_1780, %iota3A], %gather3A_1774 : memref<125x8x16xf32, #tpu.memory_space<vmem>>[vector<16xi32>, vector<16xi32>, vector<16xi32>], vector<16xf32>,
        %add3A_1781 = arith.constant 7 : i32
        %add3A_1782 = vector.broadcast %add3A_1781 : i32 to vector<16xi32>
        %add3A_1783 = arith.addi %add3A_1710, %add3A_1782 : vector<16xi32>
        %gather3A_1784 = tpu.vector_load_idx %arg6[%iota3A, %add3A_1783] : memref<16x1000xf32, #tpu.memory_space<vmem>>[vector<16xi32>, vector<16xi32>], vector<16xf32>,
        %shift_right_arithmetic3A_1785 = arith.constant 3 : i32
        %shift_right_arithmetic3A_1786 = vector.broadcast %shift_right_arithmetic3A_1785 : i32 to vector<16xi32>
        %shift_right_arithmetic3A_1787 = arith.shrsi %add3A_1783, %shift_right_arithmetic3A_1786 : vector<16xi32>
        %and3A_1788 = arith.constant 7 : i32
        %and3A_1789 = vector.broadcast %and3A_1788 : i32 to vector<16xi32>
        %and3A_1790 = arith.andi %add3A_1783, %and3A_1789 : vector<16xi32>
        tpu.vector_store_idx %arg8[%shift_right_arithmetic3A_1787, %and3A_1790, %iota3A], %gather3A_1784 : memref<125x8x16xf32, #tpu.memory_space<vmem>>[vector<16xi32>, vector<16xi32>, vector<16xi32>], vector<16xf32>,
        %scan3A_1791 = arith.constant 3 : i32
        %scan3A_1792 = arith.addi %scan3A_1522, %scan3A_1791 : i32
        %mul3A_1793 = arith.constant 1 : i32
        %mul3A_1794 = arith.muli %scan3A_1792, %mul3A_1793 : i32
        %add3A_1795 = arith.constant 0 : i32
        %add3A_1796 = arith.addi %add3A_1795, %mul3A_1794 : i32
        %mul3A_1797 = arith.constant 8 : i32
        %mul3A_1798 = arith.muli %add3A_1796, %mul3A_1797 : i32
        %broadcast_in_dim3A_1799 = vector.broadcast %mul3A_1798 : i32 to vector<16xi32>
        %add3A_1800 = arith.addi %broadcast_in_dim3A_1799, %iota3A : vector<16xi32>
        %add3A_1801 = arith.constant 0 : i32
        %add3A_1802 = vector.broadcast %add3A_1801 : i32 to vector<16xi32>
        %add3A_1803 = arith.addi %add3A_1800, %add3A_1802 : vector<16xi32>
        %gather3A_1804 = tpu.vector_load_idx %arg6[%iota3A, %add3A_1803] : memref<16x1000xf32, #tpu.memory_space<vmem>>[vector<16xi32>, vector<16xi32>], vector<16xf32>,
        %shift_right_arithmetic3A_1805 = arith.constant 3 : i32
        %shift_right_arithmetic3A_1806 = vector.broadcast %shift_right_arithmetic3A_1805 : i32 to vector<16xi32>
        %shift_right_arithmetic3A_1807 = arith.shrsi %add3A_1803, %shift_right_arithmetic3A_1806 : vector<16xi32>
        %and3A_1808 = arith.constant 7 : i32
        %and3A_1809 = vector.broadcast %and3A_1808 : i32 to vector<16xi32>
        %and3A_1810 = arith.andi %add3A_1803, %and3A_1809 : vector<16xi32>
        tpu.vector_store_idx %arg8[%shift_right_arithmetic3A_1807, %and3A_1810, %iota3A], %gather3A_1804 : memref<125x8x16xf32, #tpu.memory_space<vmem>>[vector<16xi32>, vector<16xi32>, vector<16xi32>], vector<16xf32>,
        %add3A_1811 = arith.constant 1 : i32
        %add3A_1812 = vector.broadcast %add3A_1811 : i32 to vector<16xi32>
        %add3A_1813 = arith.addi %add3A_1800, %add3A_1812 : vector<16xi32>
        %gather3A_1814 = tpu.vector_load_idx %arg6[%iota3A, %add3A_1813] : memref<16x1000xf32, #tpu.memory_space<vmem>>[vector<16xi32>, vector<16xi32>], vector<16xf32>,
        %shift_right_arithmetic3A_1815 = arith.constant 3 : i32
        %shift_right_arithmetic3A_1816 = vector.broadcast %shift_right_arithmetic3A_1815 : i32 to vector<16xi32>
        %shift_right_arithmetic3A_1817 = arith.shrsi %add3A_1813, %shift_right_arithmetic3A_1816 : vector<16xi32>
        %and3A_1818 = arith.constant 7 : i32
        %and3A_1819 = vector.broadcast %and3A_1818 : i32 to vector<16xi32>
        %and3A_1820 = arith.andi %add3A_1813, %and3A_1819 : vector<16xi32>
        tpu.vector_store_idx %arg8[%shift_right_arithmetic3A_1817, %and3A_1820, %iota3A], %gather3A_1814 : memref<125x8x16xf32, #tpu.memory_space<vmem>>[vector<16xi32>, vector<16xi32>, vector<16xi32>], vector<16xf32>,
        %add3A_1821 = arith.constant 2 : i32
        %add3A_1822 = vector.broadcast %add3A_1821 : i32 to vector<16xi32>
        %add3A_1823 = arith.addi %add3A_1800, %add3A_1822 : vector<16xi32>
        %gather3A_1824 = tpu.vector_load_idx %arg6[%iota3A, %add3A_1823] : memref<16x1000xf32, #tpu.memory_space<vmem>>[vector<16xi32>, vector<16xi32>], vector<16xf32>,
        %shift_right_arithmetic3A_1825 = arith.constant 3 : i32
        %shift_right_arithmetic3A_1826 = vector.broadcast %shift_right_arithmetic3A_1825 : i32 to vector<16xi32>
        %shift_right_arithmetic3A_1827 = arith.shrsi %add3A_1823, %shift_right_arithmetic3A_1826 : vector<16xi32>
        %and3A_1828 = arith.constant 7 : i32
        %and3A_1829 = vector.broadcast %and3A_1828 : i32 to vector<16xi32>
        %and3A_1830 = arith.andi %add3A_1823, %and3A_1829 : vector<16xi32>
        tpu.vector_store_idx %arg8[%shift_right_arithmetic3A_1827, %and3A_1830, %iota3A], %gather3A_1824 : memref<125x8x16xf32, #tpu.memory_space<vmem>>[vector<16xi32>, vector<16xi32>, vector<16xi32>], vector<16xf32>,
        %add3A_1831 = arith.constant 3 : i32
        %add3A_1832 = vector.broadcast %add3A_1831 : i32 to vector<16xi32>
        %add3A_1833 = arith.addi %add3A_1800, %add3A_1832 : vector<16xi32>
        %gather3A_1834 = tpu.vector_load_idx %arg6[%iota3A, %add3A_1833] : memref<16x1000xf32, #tpu.memory_space<vmem>>[vector<16xi32>, vector<16xi32>], vector<16xf32>,
        %shift_right_arithmetic3A_1835 = arith.constant 3 : i32
        %shift_right_arithmetic3A_1836 = vector.broadcast %shift_right_arithmetic3A_1835 : i32 to vector<16xi32>
        %shift_right_arithmetic3A_1837 = arith.shrsi %add3A_1833, %shift_right_arithmetic3A_1836 : vector<16xi32>
        %and3A_1838 = arith.constant 7 : i32
        %and3A_1839 = vector.broadcast %and3A_1838 : i32 to vector<16xi32>
        %and3A_1840 = arith.andi %add3A_1833, %and3A_1839 : vector<16xi32>
        tpu.vector_store_idx %arg8[%shift_right_arithmetic3A_1837, %and3A_1840, %iota3A], %gather3A_1834 : memref<125x8x16xf32, #tpu.memory_space<vmem>>[vector<16xi32>, vector<16xi32>, vector<16xi32>], vector<16xf32>,
        %add3A_1841 = arith.constant 4 : i32
        %add3A_1842 = vector.broadcast %add3A_1841 : i32 to vector<16xi32>
        %add3A_1843 = arith.addi %add3A_1800, %add3A_1842 : vector<16xi32>
        %gather3A_1844 = tpu.vector_load_idx %arg6[%iota3A, %add3A_1843] : memref<16x1000xf32, #tpu.memory_space<vmem>>[vector<16xi32>, vector<16xi32>], vector<16xf32>,
        %shift_right_arithmetic3A_1845 = arith.constant 3 : i32
        %shift_right_arithmetic3A_1846 = vector.broadcast %shift_right_arithmetic3A_1845 : i32 to vector<16xi32>
        %shift_right_arithmetic3A_1847 = arith.shrsi %add3A_1843, %shift_right_arithmetic3A_1846 : vector<16xi32>
        %and3A_1848 = arith.constant 7 : i32
        %and3A_1849 = vector.broadcast %and3A_1848 : i32 to vector<16xi32>
        %and3A_1850 = arith.andi %add3A_1843, %and3A_1849 : vector<16xi32>
        tpu.vector_store_idx %arg8[%shift_right_arithmetic3A_1847, %and3A_1850, %iota3A], %gather3A_1844 : memref<125x8x16xf32, #tpu.memory_space<vmem>>[vector<16xi32>, vector<16xi32>, vector<16xi32>], vector<16xf32>,
        %add3A_1851 = arith.constant 5 : i32
        %add3A_1852 = vector.broadcast %add3A_1851 : i32 to vector<16xi32>
        %add3A_1853 = arith.addi %add3A_1800, %add3A_1852 : vector<16xi32>
        %gather3A_1854 = tpu.vector_load_idx %arg6[%iota3A, %add3A_1853] : memref<16x1000xf32, #tpu.memory_space<vmem>>[vector<16xi32>, vector<16xi32>], vector<16xf32>,
        %shift_right_arithmetic3A_1855 = arith.constant 3 : i32
        %shift_right_arithmetic3A_1856 = vector.broadcast %shift_right_arithmetic3A_1855 : i32 to vector<16xi32>
        %shift_right_arithmetic3A_1857 = arith.shrsi %add3A_1853, %shift_right_arithmetic3A_1856 : vector<16xi32>
        %and3A_1858 = arith.constant 7 : i32
        %and3A_1859 = vector.broadcast %and3A_1858 : i32 to vector<16xi32>
        %and3A_1860 = arith.andi %add3A_1853, %and3A_1859 : vector<16xi32>
        tpu.vector_store_idx %arg8[%shift_right_arithmetic3A_1857, %and3A_1860, %iota3A], %gather3A_1854 : memref<125x8x16xf32, #tpu.memory_space<vmem>>[vector<16xi32>, vector<16xi32>, vector<16xi32>], vector<16xf32>,
        %add3A_1861 = arith.constant 6 : i32
        %add3A_1862 = vector.broadcast %add3A_1861 : i32 to vector<16xi32>
        %add3A_1863 = arith.addi %add3A_1800, %add3A_1862 : vector<16xi32>
        %gather3A_1864 = tpu.vector_load_idx %arg6[%iota3A, %add3A_1863] : memref<16x1000xf32, #tpu.memory_space<vmem>>[vector<16xi32>, vector<16xi32>], vector<16xf32>,
        %shift_right_arithmetic3A_1865 = arith.constant 3 : i32
        %shift_right_arithmetic3A_1866 = vector.broadcast %shift_right_arithmetic3A_1865 : i32 to vector<16xi32>
        %shift_right_arithmetic3A_1867 = arith.shrsi %add3A_1863, %shift_right_arithmetic3A_1866 : vector<16xi32>
        %and3A_1868 = arith.constant 7 : i32
        %and3A_1869 = vector.broadcast %and3A_1868 : i32 to vector<16xi32>
        %and3A_1870 = arith.andi %add3A_1863, %and3A_1869 : vector<16xi32>
        tpu.vector_store_idx %arg8[%shift_right_arithmetic3A_1867, %and3A_1870, %iota3A], %gather3A_1864 : memref<125x8x16xf32, #tpu.memory_space<vmem>>[vector<16xi32>, vector<16xi32>, vector<16xi32>], vector<16xf32>,
        %add3A_1871 = arith.constant 7 : i32
        %add3A_1872 = vector.broadcast %add3A_1871 : i32 to vector<16xi32>
        %add3A_1873 = arith.addi %add3A_1800, %add3A_1872 : vector<16xi32>
        %gather3A_1874 = tpu.vector_load_idx %arg6[%iota3A, %add3A_1873] : memref<16x1000xf32, #tpu.memory_space<vmem>>[vector<16xi32>, vector<16xi32>], vector<16xf32>,
        %shift_right_arithmetic3A_1875 = arith.constant 3 : i32
        %shift_right_arithmetic3A_1876 = vector.broadcast %shift_right_arithmetic3A_1875 : i32 to vector<16xi32>
        %shift_right_arithmetic3A_1877 = arith.shrsi %add3A_1873, %shift_right_arithmetic3A_1876 : vector<16xi32>
        %and3A_1878 = arith.constant 7 : i32
        %and3A_1879 = vector.broadcast %and3A_1878 : i32 to vector<16xi32>
        %and3A_1880 = arith.andi %add3A_1873, %and3A_1879 : vector<16xi32>
        tpu.vector_store_idx %arg8[%shift_right_arithmetic3A_1877, %and3A_1880, %iota3A], %gather3A_1874 : memref<125x8x16xf32, #tpu.memory_space<vmem>>[vector<16xi32>, vector<16xi32>, vector<16xi32>], vector<16xf32>,
      }
      %scan3A_175 = arith.constant 120 : i32
      %scan3A_176 = arith.addi %scan3A_171, %scan3A_175 : i32
      %mul3A_177 = arith.constant 1 : i32
      %mul3A_178 = arith.muli %scan3A_176, %mul3A_177 : i32
      %add3A_179 = arith.constant 0 : i32
      %add3A_180 = arith.addi %add3A_179, %mul3A_178 : i32
      %mul3A_181 = arith.constant 8 : i32
      %mul3A_182 = arith.muli %add3A_180, %mul3A_181 : i32
      %broadcast_in_dim3A = vector.broadcast %mul3A_182 : i32 to vector<16xi32>
      %add3A_183 = arith.addi %broadcast_in_dim3A, %iota3A : vector<16xi32>
      %add3A_184 = arith.constant 0 : i32
      %add3A_185 = vector.broadcast %add3A_184 : i32 to vector<16xi32>
      %add3A_186 = arith.addi %add3A_183, %add3A_185 : vector<16xi32>
      %gather3A = tpu.vector_load_idx %arg6[%iota3A, %add3A_186] : memref<16x1000xf32, #tpu.memory_space<vmem>>[vector<16xi32>, vector<16xi32>], vector<16xf32>,
      %shift_right_arithmetic3A = arith.constant 3 : i32
      %shift_right_arithmetic3A_187 = vector.broadcast %shift_right_arithmetic3A : i32 to vector<16xi32>
      %shift_right_arithmetic3A_188 = arith.shrsi %add3A_186, %shift_right_arithmetic3A_187 : vector<16xi32>
      %and3A_189 = arith.constant 7 : i32
      %and3A_190 = vector.broadcast %and3A_189 : i32 to vector<16xi32>
      %and3A_191 = arith.andi %add3A_186, %and3A_190 : vector<16xi32>
      tpu.vector_store_idx %arg8[%shift_right_arithmetic3A_188, %and3A_191, %iota3A], %gather3A : memref<125x8x16xf32, #tpu.memory_space<vmem>>[vector<16xi32>, vector<16xi32>, vector<16xi32>], vector<16xf32>,
      %add3A_192 = arith.constant 1 : i32
      %add3A_193 = vector.broadcast %add3A_192 : i32 to vector<16xi32>
      %add3A_194 = arith.addi %add3A_183, %add3A_193 : vector<16xi32>
      %gather3A_195 = tpu.vector_load_idx %arg6[%iota3A, %add3A_194] : memref<16x1000xf32, #tpu.memory_space<vmem>>[vector<16xi32>, vector<16xi32>], vector<16xf32>,
      %shift_right_arithmetic3A_196 = arith.constant 3 : i32
      %shift_right_arithmetic3A_197 = vector.broadcast %shift_right_arithmetic3A_196 : i32 to vector<16xi32>
      %shift_right_arithmetic3A_198 = arith.shrsi %add3A_194, %shift_right_arithmetic3A_197 : vector<16xi32>
      %and3A_199 = arith.constant 7 : i32
      %and3A_200 = vector.broadcast %and3A_199 : i32 to vector<16xi32>
      %and3A_201 = arith.andi %add3A_194, %and3A_200 : vector<16xi32>
      tpu.vector_store_idx %arg8[%shift_right_arithmetic3A_198, %and3A_201, %iota3A], %gather3A_195 : memref<125x8x16xf32, #tpu.memory_space<vmem>>[vector<16xi32>, vector<16xi32>, vector<16xi32>], vector<16xf32>,
      %add3A_202 = arith.constant 2 : i32
      %add3A_203 = vector.broadcast %add3A_202 : i32 to vector<16xi32>
      %add3A_204 = arith.addi %add3A_183, %add3A_203 : vector<16xi32>
      %gather3A_205 = tpu.vector_load_idx %arg6[%iota3A, %add3A_204] : memref<16x1000xf32, #tpu.memory_space<vmem>>[vector<16xi32>, vector<16xi32>], vector<16xf32>,
      %shift_right_arithmetic3A_206 = arith.constant 3 : i32
      %shift_right_arithmetic3A_207 = vector.broadcast %shift_right_arithmetic3A_206 : i32 to vector<16xi32>
      %shift_right_arithmetic3A_208 = arith.shrsi %add3A_204, %shift_right_arithmetic3A_207 : vector<16xi32>
      %and3A_209 = arith.constant 7 : i32
      %and3A_210 = vector.broadcast %and3A_209 : i32 to vector<16xi32>
      %and3A_211 = arith.andi %add3A_204, %and3A_210 : vector<16xi32>
      tpu.vector_store_idx %arg8[%shift_right_arithmetic3A_208, %and3A_211, %iota3A], %gather3A_205 : memref<125x8x16xf32, #tpu.memory_space<vmem>>[vector<16xi32>, vector<16xi32>, vector<16xi32>], vector<16xf32>,
      %add3A_212 = arith.constant 3 : i32
      %add3A_213 = vector.broadcast %add3A_212 : i32 to vector<16xi32>
      %add3A_214 = arith.addi %add3A_183, %add3A_213 : vector<16xi32>
      %gather3A_215 = tpu.vector_load_idx %arg6[%iota3A, %add3A_214] : memref<16x1000xf32, #tpu.memory_space<vmem>>[vector<16xi32>, vector<16xi32>], vector<16xf32>,
      %shift_right_arithmetic3A_216 = arith.constant 3 : i32
      %shift_right_arithmetic3A_217 = vector.broadcast %shift_right_arithmetic3A_216 : i32 to vector<16xi32>
      %shift_right_arithmetic3A_218 = arith.shrsi %add3A_214, %shift_right_arithmetic3A_217 : vector<16xi32>
      %and3A_219 = arith.constant 7 : i32
      %and3A_220 = vector.broadcast %and3A_219 : i32 to vector<16xi32>
      %and3A_221 = arith.andi %add3A_214, %and3A_220 : vector<16xi32>
      tpu.vector_store_idx %arg8[%shift_right_arithmetic3A_218, %and3A_221, %iota3A], %gather3A_215 : memref<125x8x16xf32, #tpu.memory_space<vmem>>[vector<16xi32>, vector<16xi32>, vector<16xi32>], vector<16xf32>,
      %add3A_222 = arith.constant 4 : i32
      %add3A_223 = vector.broadcast %add3A_222 : i32 to vector<16xi32>
      %add3A_224 = arith.addi %add3A_183, %add3A_223 : vector<16xi32>
      %gather3A_225 = tpu.vector_load_idx %arg6[%iota3A, %add3A_224] : memref<16x1000xf32, #tpu.memory_space<vmem>>[vector<16xi32>, vector<16xi32>], vector<16xf32>,
      %shift_right_arithmetic3A_226 = arith.constant 3 : i32
      %shift_right_arithmetic3A_227 = vector.broadcast %shift_right_arithmetic3A_226 : i32 to vector<16xi32>
      %shift_right_arithmetic3A_228 = arith.shrsi %add3A_224, %shift_right_arithmetic3A_227 : vector<16xi32>
      %and3A_229 = arith.constant 7 : i32
      %and3A_230 = vector.broadcast %and3A_229 : i32 to vector<16xi32>
      %and3A_231 = arith.andi %add3A_224, %and3A_230 : vector<16xi32>
      tpu.vector_store_idx %arg8[%shift_right_arithmetic3A_228, %and3A_231, %iota3A], %gather3A_225 : memref<125x8x16xf32, #tpu.memory_space<vmem>>[vector<16xi32>, vector<16xi32>, vector<16xi32>], vector<16xf32>,
      %add3A_232 = arith.constant 5 : i32
      %add3A_233 = vector.broadcast %add3A_232 : i32 to vector<16xi32>
      %add3A_234 = arith.addi %add3A_183, %add3A_233 : vector<16xi32>
      %gather3A_235 = tpu.vector_load_idx %arg6[%iota3A, %add3A_234] : memref<16x1000xf32, #tpu.memory_space<vmem>>[vector<16xi32>, vector<16xi32>], vector<16xf32>,
      %shift_right_arithmetic3A_236 = arith.constant 3 : i32
      %shift_right_arithmetic3A_237 = vector.broadcast %shift_right_arithmetic3A_236 : i32 to vector<16xi32>
      %shift_right_arithmetic3A_238 = arith.shrsi %add3A_234, %shift_right_arithmetic3A_237 : vector<16xi32>
      %and3A_239 = arith.constant 7 : i32
      %and3A_240 = vector.broadcast %and3A_239 : i32 to vector<16xi32>
      %and3A_241 = arith.andi %add3A_234, %and3A_240 : vector<16xi32>
      tpu.vector_store_idx %arg8[%shift_right_arithmetic3A_238, %and3A_241, %iota3A], %gather3A_235 : memref<125x8x16xf32, #tpu.memory_space<vmem>>[vector<16xi32>, vector<16xi32>, vector<16xi32>], vector<16xf32>,
      %add3A_242 = arith.constant 6 : i32
      %add3A_243 = vector.broadcast %add3A_242 : i32 to vector<16xi32>
      %add3A_244 = arith.addi %add3A_183, %add3A_243 : vector<16xi32>
      %gather3A_245 = tpu.vector_load_idx %arg6[%iota3A, %add3A_244] : memref<16x1000xf32, #tpu.memory_space<vmem>>[vector<16xi32>, vector<16xi32>], vector<16xf32>,
      %shift_right_arithmetic3A_246 = arith.constant 3 : i32
      %shift_right_arithmetic3A_247 = vector.broadcast %shift_right_arithmetic3A_246 : i32 to vector<16xi32>
      %shift_right_arithmetic3A_248 = arith.shrsi %add3A_244, %shift_right_arithmetic3A_247 : vector<16xi32>
      %and3A_249 = arith.constant 7 : i32
      %and3A_250 = vector.broadcast %and3A_249 : i32 to vector<16xi32>
      %and3A_251 = arith.andi %add3A_244, %and3A_250 : vector<16xi32>
      tpu.vector_store_idx %arg8[%shift_right_arithmetic3A_248, %and3A_251, %iota3A], %gather3A_245 : memref<125x8x16xf32, #tpu.memory_space<vmem>>[vector<16xi32>, vector<16xi32>, vector<16xi32>], vector<16xf32>,
      %add3A_252 = arith.constant 7 : i32
      %add3A_253 = vector.broadcast %add3A_252 : i32 to vector<16xi32>
      %add3A_254 = arith.addi %add3A_183, %add3A_253 : vector<16xi32>
      %gather3A_255 = tpu.vector_load_idx %arg6[%iota3A, %add3A_254] : memref<16x1000xf32, #tpu.memory_space<vmem>>[vector<16xi32>, vector<16xi32>], vector<16xf32>,
      %shift_right_arithmetic3A_256 = arith.constant 3 : i32
      %shift_right_arithmetic3A_257 = vector.broadcast %shift_right_arithmetic3A_256 : i32 to vector<16xi32>
      %shift_right_arithmetic3A_258 = arith.shrsi %add3A_254, %shift_right_arithmetic3A_257 : vector<16xi32>
      %and3A_259 = arith.constant 7 : i32
      %and3A_260 = vector.broadcast %and3A_259 : i32 to vector<16xi32>
      %and3A_261 = arith.andi %add3A_254, %and3A_260 : vector<16xi32>
      tpu.vector_store_idx %arg8[%shift_right_arithmetic3A_258, %and3A_261, %iota3A], %gather3A_255 : memref<125x8x16xf32, #tpu.memory_space<vmem>>[vector<16xi32>, vector<16xi32>, vector<16xi32>], vector<16xf32>,
      %scan3A_262 = arith.constant 121 : i32
      %scan3A_263 = arith.addi %scan3A_171, %scan3A_262 : i32
      %mul3A_264 = arith.constant 1 : i32
      %mul3A_265 = arith.muli %scan3A_263, %mul3A_264 : i32
      %add3A_266 = arith.constant 0 : i32
      %add3A_267 = arith.addi %add3A_266, %mul3A_265 : i32
      %mul3A_268 = arith.constant 8 : i32
      %mul3A_269 = arith.muli %add3A_267, %mul3A_268 : i32
      %broadcast_in_dim3A_270 = vector.broadcast %mul3A_269 : i32 to vector<16xi32>
      %add3A_271 = arith.addi %broadcast_in_dim3A_270, %iota3A : vector<16xi32>
      %add3A_272 = arith.constant 0 : i32
      %add3A_273 = vector.broadcast %add3A_272 : i32 to vector<16xi32>
      %add3A_274 = arith.addi %add3A_271, %add3A_273 : vector<16xi32>
      %gather3A_275 = tpu.vector_load_idx %arg6[%iota3A, %add3A_274] : memref<16x1000xf32, #tpu.memory_space<vmem>>[vector<16xi32>, vector<16xi32>], vector<16xf32>,
      %shift_right_arithmetic3A_276 = arith.constant 3 : i32
      %shift_right_arithmetic3A_277 = vector.broadcast %shift_right_arithmetic3A_276 : i32 to vector<16xi32>
      %shift_right_arithmetic3A_278 = arith.shrsi %add3A_274, %shift_right_arithmetic3A_277 : vector<16xi32>
      %and3A_279 = arith.constant 7 : i32
      %and3A_280 = vector.broadcast %and3A_279 : i32 to vector<16xi32>
      %and3A_281 = arith.andi %add3A_274, %and3A_280 : vector<16xi32>
      tpu.vector_store_idx %arg8[%shift_right_arithmetic3A_278, %and3A_281, %iota3A], %gather3A_275 : memref<125x8x16xf32, #tpu.memory_space<vmem>>[vector<16xi32>, vector<16xi32>, vector<16xi32>], vector<16xf32>,
      %add3A_282 = arith.constant 1 : i32
      %add3A_283 = vector.broadcast %add3A_282 : i32 to vector<16xi32>
      %add3A_284 = arith.addi %add3A_271, %add3A_283 : vector<16xi32>
      %gather3A_285 = tpu.vector_load_idx %arg6[%iota3A, %add3A_284] : memref<16x1000xf32, #tpu.memory_space<vmem>>[vector<16xi32>, vector<16xi32>], vector<16xf32>,
      %shift_right_arithmetic3A_286 = arith.constant 3 : i32
      %shift_right_arithmetic3A_287 = vector.broadcast %shift_right_arithmetic3A_286 : i32 to vector<16xi32>
      %shift_right_arithmetic3A_288 = arith.shrsi %add3A_284, %shift_right_arithmetic3A_287 : vector<16xi32>
      %and3A_289 = arith.constant 7 : i32
      %and3A_290 = vector.broadcast %and3A_289 : i32 to vector<16xi32>
      %and3A_291 = arith.andi %add3A_284, %and3A_290 : vector<16xi32>
      tpu.vector_store_idx %arg8[%shift_right_arithmetic3A_288, %and3A_291, %iota3A], %gather3A_285 : memref<125x8x16xf32, #tpu.memory_space<vmem>>[vector<16xi32>, vector<16xi32>, vector<16xi32>], vector<16xf32>,
      %add3A_292 = arith.constant 2 : i32
      %add3A_293 = vector.broadcast %add3A_292 : i32 to vector<16xi32>
      %add3A_294 = arith.addi %add3A_271, %add3A_293 : vector<16xi32>
      %gather3A_295 = tpu.vector_load_idx %arg6[%iota3A, %add3A_294] : memref<16x1000xf32, #tpu.memory_space<vmem>>[vector<16xi32>, vector<16xi32>], vector<16xf32>,
      %shift_right_arithmetic3A_296 = arith.constant 3 : i32
      %shift_right_arithmetic3A_297 = vector.broadcast %shift_right_arithmetic3A_296 : i32 to vector<16xi32>
      %shift_right_arithmetic3A_298 = arith.shrsi %add3A_294, %shift_right_arithmetic3A_297 : vector<16xi32>
      %and3A_299 = arith.constant 7 : i32
      %and3A_300 = vector.broadcast %and3A_299 : i32 to vector<16xi32>
      %and3A_301 = arith.andi %add3A_294, %and3A_300 : vector<16xi32>
      tpu.vector_store_idx %arg8[%shift_right_arithmetic3A_298, %and3A_301, %iota3A], %gather3A_295 : memref<125x8x16xf32, #tpu.memory_space<vmem>>[vector<16xi32>, vector<16xi32>, vector<16xi32>], vector<16xf32>,
      %add3A_302 = arith.constant 3 : i32
      %add3A_303 = vector.broadcast %add3A_302 : i32 to vector<16xi32>
      %add3A_304 = arith.addi %add3A_271, %add3A_303 : vector<16xi32>
      %gather3A_305 = tpu.vector_load_idx %arg6[%iota3A, %add3A_304] : memref<16x1000xf32, #tpu.memory_space<vmem>>[vector<16xi32>, vector<16xi32>], vector<16xf32>,
      %shift_right_arithmetic3A_306 = arith.constant 3 : i32
      %shift_right_arithmetic3A_307 = vector.broadcast %shift_right_arithmetic3A_306 : i32 to vector<16xi32>
      %shift_right_arithmetic3A_308 = arith.shrsi %add3A_304, %shift_right_arithmetic3A_307 : vector<16xi32>
      %and3A_309 = arith.constant 7 : i32
      %and3A_310 = vector.broadcast %and3A_309 : i32 to vector<16xi32>
      %and3A_311 = arith.andi %add3A_304, %and3A_310 : vector<16xi32>
      tpu.vector_store_idx %arg8[%shift_right_arithmetic3A_308, %and3A_311, %iota3A], %gather3A_305 : memref<125x8x16xf32, #tpu.memory_space<vmem>>[vector<16xi32>, vector<16xi32>, vector<16xi32>], vector<16xf32>,
      %add3A_312 = arith.constant 4 : i32
      %add3A_313 = vector.broadcast %add3A_312 : i32 to vector<16xi32>
      %add3A_314 = arith.addi %add3A_271, %add3A_313 : vector<16xi32>
      %gather3A_315 = tpu.vector_load_idx %arg6[%iota3A, %add3A_314] : memref<16x1000xf32, #tpu.memory_space<vmem>>[vector<16xi32>, vector<16xi32>], vector<16xf32>,
      %shift_right_arithmetic3A_316 = arith.constant 3 : i32
      %shift_right_arithmetic3A_317 = vector.broadcast %shift_right_arithmetic3A_316 : i32 to vector<16xi32>
      %shift_right_arithmetic3A_318 = arith.shrsi %add3A_314, %shift_right_arithmetic3A_317 : vector<16xi32>
      %and3A_319 = arith.constant 7 : i32
      %and3A_320 = vector.broadcast %and3A_319 : i32 to vector<16xi32>
      %and3A_321 = arith.andi %add3A_314, %and3A_320 : vector<16xi32>
      tpu.vector_store_idx %arg8[%shift_right_arithmetic3A_318, %and3A_321, %iota3A], %gather3A_315 : memref<125x8x16xf32, #tpu.memory_space<vmem>>[vector<16xi32>, vector<16xi32>, vector<16xi32>], vector<16xf32>,
      %add3A_322 = arith.constant 5 : i32
      %add3A_323 = vector.broadcast %add3A_322 : i32 to vector<16xi32>
      %add3A_324 = arith.addi %add3A_271, %add3A_323 : vector<16xi32>
      %gather3A_325 = tpu.vector_load_idx %arg6[%iota3A, %add3A_324] : memref<16x1000xf32, #tpu.memory_space<vmem>>[vector<16xi32>, vector<16xi32>], vector<16xf32>,
      %shift_right_arithmetic3A_326 = arith.constant 3 : i32
      %shift_right_arithmetic3A_327 = vector.broadcast %shift_right_arithmetic3A_326 : i32 to vector<16xi32>
      %shift_right_arithmetic3A_328 = arith.shrsi %add3A_324, %shift_right_arithmetic3A_327 : vector<16xi32>
      %and3A_329 = arith.constant 7 : i32
      %and3A_330 = vector.broadcast %and3A_329 : i32 to vector<16xi32>
      %and3A_331 = arith.andi %add3A_324, %and3A_330 : vector<16xi32>
      tpu.vector_store_idx %arg8[%shift_right_arithmetic3A_328, %and3A_331, %iota3A], %gather3A_325 : memref<125x8x16xf32, #tpu.memory_space<vmem>>[vector<16xi32>, vector<16xi32>, vector<16xi32>], vector<16xf32>,
      %add3A_332 = arith.constant 6 : i32
      %add3A_333 = vector.broadcast %add3A_332 : i32 to vector<16xi32>
      %add3A_334 = arith.addi %add3A_271, %add3A_333 : vector<16xi32>
      %gather3A_335 = tpu.vector_load_idx %arg6[%iota3A, %add3A_334] : memref<16x1000xf32, #tpu.memory_space<vmem>>[vector<16xi32>, vector<16xi32>], vector<16xf32>,
      %shift_right_arithmetic3A_336 = arith.constant 3 : i32
      %shift_right_arithmetic3A_337 = vector.broadcast %shift_right_arithmetic3A_336 : i32 to vector<16xi32>
      %shift_right_arithmetic3A_338 = arith.shrsi %add3A_334, %shift_right_arithmetic3A_337 : vector<16xi32>
      %and3A_339 = arith.constant 7 : i32
      %and3A_340 = vector.broadcast %and3A_339 : i32 to vector<16xi32>
      %and3A_341 = arith.andi %add3A_334, %and3A_340 : vector<16xi32>
      tpu.vector_store_idx %arg8[%shift_right_arithmetic3A_338, %and3A_341, %iota3A], %gather3A_335 : memref<125x8x16xf32, #tpu.memory_space<vmem>>[vector<16xi32>, vector<16xi32>, vector<16xi32>], vector<16xf32>,
      %add3A_342 = arith.constant 7 : i32
      %add3A_343 = vector.broadcast %add3A_342 : i32 to vector<16xi32>
      %add3A_344 = arith.addi %add3A_271, %add3A_343 : vector<16xi32>
      %gather3A_345 = tpu.vector_load_idx %arg6[%iota3A, %add3A_344] : memref<16x1000xf32, #tpu.memory_space<vmem>>[vector<16xi32>, vector<16xi32>], vector<16xf32>,
      %shift_right_arithmetic3A_346 = arith.constant 3 : i32
      %shift_right_arithmetic3A_347 = vector.broadcast %shift_right_arithmetic3A_346 : i32 to vector<16xi32>
      %shift_right_arithmetic3A_348 = arith.shrsi %add3A_344, %shift_right_arithmetic3A_347 : vector<16xi32>
      %and3A_349 = arith.constant 7 : i32
      %and3A_350 = vector.broadcast %and3A_349 : i32 to vector<16xi32>
      %and3A_351 = arith.andi %add3A_344, %and3A_350 : vector<16xi32>
      tpu.vector_store_idx %arg8[%shift_right_arithmetic3A_348, %and3A_351, %iota3A], %gather3A_345 : memref<125x8x16xf32, #tpu.memory_space<vmem>>[vector<16xi32>, vector<16xi32>, vector<16xi32>], vector<16xf32>,
      %scan3A_352 = arith.constant 122 : i32
      %scan3A_353 = arith.addi %scan3A_171, %scan3A_352 : i32
      %mul3A_354 = arith.constant 1 : i32
      %mul3A_355 = arith.muli %scan3A_353, %mul3A_354 : i32
      %add3A_356 = arith.constant 0 : i32
      %add3A_357 = arith.addi %add3A_356, %mul3A_355 : i32
      %mul3A_358 = arith.constant 8 : i32
      %mul3A_359 = arith.muli %add3A_357, %mul3A_358 : i32
      %broadcast_in_dim3A_360 = vector.broadcast %mul3A_359 : i32 to vector<16xi32>
      %add3A_361 = arith.addi %broadcast_in_dim3A_360, %iota3A : vector<16xi32>
      %add3A_362 = arith.constant 0 : i32
      %add3A_363 = vector.broadcast %add3A_362 : i32 to vector<16xi32>
      %add3A_364 = arith.addi %add3A_361, %add3A_363 : vector<16xi32>
      %gather3A_365 = tpu.vector_load_idx %arg6[%iota3A, %add3A_364] : memref<16x1000xf32, #tpu.memory_space<vmem>>[vector<16xi32>, vector<16xi32>], vector<16xf32>,
      %shift_right_arithmetic3A_366 = arith.constant 3 : i32
      %shift_right_arithmetic3A_367 = vector.broadcast %shift_right_arithmetic3A_366 : i32 to vector<16xi32>
      %shift_right_arithmetic3A_368 = arith.shrsi %add3A_364, %shift_right_arithmetic3A_367 : vector<16xi32>
      %and3A_369 = arith.constant 7 : i32
      %and3A_370 = vector.broadcast %and3A_369 : i32 to vector<16xi32>
      %and3A_371 = arith.andi %add3A_364, %and3A_370 : vector<16xi32>
      tpu.vector_store_idx %arg8[%shift_right_arithmetic3A_368, %and3A_371, %iota3A], %gather3A_365 : memref<125x8x16xf32, #tpu.memory_space<vmem>>[vector<16xi32>, vector<16xi32>, vector<16xi32>], vector<16xf32>,
      %add3A_372 = arith.constant 1 : i32
      %add3A_373 = vector.broadcast %add3A_372 : i32 to vector<16xi32>
      %add3A_374 = arith.addi %add3A_361, %add3A_373 : vector<16xi32>
      %gather3A_375 = tpu.vector_load_idx %arg6[%iota3A, %add3A_374] : memref<16x1000xf32, #tpu.memory_space<vmem>>[vector<16xi32>, vector<16xi32>], vector<16xf32>,
      %shift_right_arithmetic3A_376 = arith.constant 3 : i32
      %shift_right_arithmetic3A_377 = vector.broadcast %shift_right_arithmetic3A_376 : i32 to vector<16xi32>
      %shift_right_arithmetic3A_378 = arith.shrsi %add3A_374, %shift_right_arithmetic3A_377 : vector<16xi32>
      %and3A_379 = arith.constant 7 : i32
      %and3A_380 = vector.broadcast %and3A_379 : i32 to vector<16xi32>
      %and3A_381 = arith.andi %add3A_374, %and3A_380 : vector<16xi32>
      tpu.vector_store_idx %arg8[%shift_right_arithmetic3A_378, %and3A_381, %iota3A], %gather3A_375 : memref<125x8x16xf32, #tpu.memory_space<vmem>>[vector<16xi32>, vector<16xi32>, vector<16xi32>], vector<16xf32>,
      %add3A_382 = arith.constant 2 : i32
      %add3A_383 = vector.broadcast %add3A_382 : i32 to vector<16xi32>
      %add3A_384 = arith.addi %add3A_361, %add3A_383 : vector<16xi32>
      %gather3A_385 = tpu.vector_load_idx %arg6[%iota3A, %add3A_384] : memref<16x1000xf32, #tpu.memory_space<vmem>>[vector<16xi32>, vector<16xi32>], vector<16xf32>,
      %shift_right_arithmetic3A_386 = arith.constant 3 : i32
      %shift_right_arithmetic3A_387 = vector.broadcast %shift_right_arithmetic3A_386 : i32 to vector<16xi32>
      %shift_right_arithmetic3A_388 = arith.shrsi %add3A_384, %shift_right_arithmetic3A_387 : vector<16xi32>
      %and3A_389 = arith.constant 7 : i32
      %and3A_390 = vector.broadcast %and3A_389 : i32 to vector<16xi32>
      %and3A_391 = arith.andi %add3A_384, %and3A_390 : vector<16xi32>
      tpu.vector_store_idx %arg8[%shift_right_arithmetic3A_388, %and3A_391, %iota3A], %gather3A_385 : memref<125x8x16xf32, #tpu.memory_space<vmem>>[vector<16xi32>, vector<16xi32>, vector<16xi32>], vector<16xf32>,
      %add3A_392 = arith.constant 3 : i32
      %add3A_393 = vector.broadcast %add3A_392 : i32 to vector<16xi32>
      %add3A_394 = arith.addi %add3A_361, %add3A_393 : vector<16xi32>
      %gather3A_395 = tpu.vector_load_idx %arg6[%iota3A, %add3A_394] : memref<16x1000xf32, #tpu.memory_space<vmem>>[vector<16xi32>, vector<16xi32>], vector<16xf32>,
      %shift_right_arithmetic3A_396 = arith.constant 3 : i32
      %shift_right_arithmetic3A_397 = vector.broadcast %shift_right_arithmetic3A_396 : i32 to vector<16xi32>
      %shift_right_arithmetic3A_398 = arith.shrsi %add3A_394, %shift_right_arithmetic3A_397 : vector<16xi32>
      %and3A_399 = arith.constant 7 : i32
      %and3A_400 = vector.broadcast %and3A_399 : i32 to vector<16xi32>
      %and3A_401 = arith.andi %add3A_394, %and3A_400 : vector<16xi32>
      tpu.vector_store_idx %arg8[%shift_right_arithmetic3A_398, %and3A_401, %iota3A], %gather3A_395 : memref<125x8x16xf32, #tpu.memory_space<vmem>>[vector<16xi32>, vector<16xi32>, vector<16xi32>], vector<16xf32>,
      %add3A_402 = arith.constant 4 : i32
      %add3A_403 = vector.broadcast %add3A_402 : i32 to vector<16xi32>
      %add3A_404 = arith.addi %add3A_361, %add3A_403 : vector<16xi32>
      %gather3A_405 = tpu.vector_load_idx %arg6[%iota3A, %add3A_404] : memref<16x1000xf32, #tpu.memory_space<vmem>>[vector<16xi32>, vector<16xi32>], vector<16xf32>,
      %shift_right_arithmetic3A_406 = arith.constant 3 : i32
      %shift_right_arithmetic3A_407 = vector.broadcast %shift_right_arithmetic3A_406 : i32 to vector<16xi32>
      %shift_right_arithmetic3A_408 = arith.shrsi %add3A_404, %shift_right_arithmetic3A_407 : vector<16xi32>
      %and3A_409 = arith.constant 7 : i32
      %and3A_410 = vector.broadcast %and3A_409 : i32 to vector<16xi32>
      %and3A_411 = arith.andi %add3A_404, %and3A_410 : vector<16xi32>
      tpu.vector_store_idx %arg8[%shift_right_arithmetic3A_408, %and3A_411, %iota3A], %gather3A_405 : memref<125x8x16xf32, #tpu.memory_space<vmem>>[vector<16xi32>, vector<16xi32>, vector<16xi32>], vector<16xf32>,
      %add3A_412 = arith.constant 5 : i32
      %add3A_413 = vector.broadcast %add3A_412 : i32 to vector<16xi32>
      %add3A_414 = arith.addi %add3A_361, %add3A_413 : vector<16xi32>
      %gather3A_415 = tpu.vector_load_idx %arg6[%iota3A, %add3A_414] : memref<16x1000xf32, #tpu.memory_space<vmem>>[vector<16xi32>, vector<16xi32>], vector<16xf32>,
      %shift_right_arithmetic3A_416 = arith.constant 3 : i32
      %shift_right_arithmetic3A_417 = vector.broadcast %shift_right_arithmetic3A_416 : i32 to vector<16xi32>
      %shift_right_arithmetic3A_418 = arith.shrsi %add3A_414, %shift_right_arithmetic3A_417 : vector<16xi32>
      %and3A_419 = arith.constant 7 : i32
      %and3A_420 = vector.broadcast %and3A_419 : i32 to vector<16xi32>
      %and3A_421 = arith.andi %add3A_414, %and3A_420 : vector<16xi32>
      tpu.vector_store_idx %arg8[%shift_right_arithmetic3A_418, %and3A_421, %iota3A], %gather3A_415 : memref<125x8x16xf32, #tpu.memory_space<vmem>>[vector<16xi32>, vector<16xi32>, vector<16xi32>], vector<16xf32>,
      %add3A_422 = arith.constant 6 : i32
      %add3A_423 = vector.broadcast %add3A_422 : i32 to vector<16xi32>
      %add3A_424 = arith.addi %add3A_361, %add3A_423 : vector<16xi32>
      %gather3A_425 = tpu.vector_load_idx %arg6[%iota3A, %add3A_424] : memref<16x1000xf32, #tpu.memory_space<vmem>>[vector<16xi32>, vector<16xi32>], vector<16xf32>,
      %shift_right_arithmetic3A_426 = arith.constant 3 : i32
      %shift_right_arithmetic3A_427 = vector.broadcast %shift_right_arithmetic3A_426 : i32 to vector<16xi32>
      %shift_right_arithmetic3A_428 = arith.shrsi %add3A_424, %shift_right_arithmetic3A_427 : vector<16xi32>
      %and3A_429 = arith.constant 7 : i32
      %and3A_430 = vector.broadcast %and3A_429 : i32 to vector<16xi32>
      %and3A_431 = arith.andi %add3A_424, %and3A_430 : vector<16xi32>
      tpu.vector_store_idx %arg8[%shift_right_arithmetic3A_428, %and3A_431, %iota3A], %gather3A_425 : memref<125x8x16xf32, #tpu.memory_space<vmem>>[vector<16xi32>, vector<16xi32>, vector<16xi32>], vector<16xf32>,
      %add3A_432 = arith.constant 7 : i32
      %add3A_433 = vector.broadcast %add3A_432 : i32 to vector<16xi32>
      %add3A_434 = arith.addi %add3A_361, %add3A_433 : vector<16xi32>
      %gather3A_435 = tpu.vector_load_idx %arg6[%iota3A, %add3A_434] : memref<16x1000xf32, #tpu.memory_space<vmem>>[vector<16xi32>, vector<16xi32>], vector<16xf32>,
      %shift_right_arithmetic3A_436 = arith.constant 3 : i32
      %shift_right_arithmetic3A_437 = vector.broadcast %shift_right_arithmetic3A_436 : i32 to vector<16xi32>
      %shift_right_arithmetic3A_438 = arith.shrsi %add3A_434, %shift_right_arithmetic3A_437 : vector<16xi32>
      %and3A_439 = arith.constant 7 : i32
      %and3A_440 = vector.broadcast %and3A_439 : i32 to vector<16xi32>
      %and3A_441 = arith.andi %add3A_434, %and3A_440 : vector<16xi32>
      tpu.vector_store_idx %arg8[%shift_right_arithmetic3A_438, %and3A_441, %iota3A], %gather3A_435 : memref<125x8x16xf32, #tpu.memory_space<vmem>>[vector<16xi32>, vector<16xi32>, vector<16xi32>], vector<16xf32>,
      %scan3A_442 = arith.constant 123 : i32
      %broadcast_in_dim3A_443 = arith.constant 984 : i32
      %broadcast_in_dim3A_444 = vector.broadcast %broadcast_in_dim3A_443 : i32 to vector<16xi32>
      %add3A_445 = arith.addi %broadcast_in_dim3A_444, %iota3A : vector<16xi32>
      %add3A_446 = arith.constant 0 : i32
      %add3A_447 = vector.broadcast %add3A_446 : i32 to vector<16xi32>
      %add3A_448 = arith.addi %add3A_445, %add3A_447 : vector<16xi32>
      %ge3A_449 = arith.constant 1000 : i32
      %ge3A_450 = vector.broadcast %ge3A_449 : i32 to vector<16xi32>
      %ge3A_451 = arith.cmpi sge, %add3A_448, %ge3A_450 : vector<16xi32>
      %sub3A_452 = arith.constant 1000 : i32
      %sub3A_453 = vector.broadcast %sub3A_452 : i32 to vector<16xi32>
      %sub3A_454 = arith.subi %add3A_448, %sub3A_453 : vector<16xi32>
      %select_n3A_455 = arith.select %ge3A_451, %sub3A_454, %add3A_448 : vector<16xi1>, vector<16xi32>
      %gather3A_456 = tpu.vector_load_idx %arg6[%iota3A, %select_n3A_455] : memref<16x1000xf32, #tpu.memory_space<vmem>>[vector<16xi32>, vector<16xi32>], vector<16xf32>,
      %shift_right_arithmetic3A_457 = arith.constant 3 : i32
      %shift_right_arithmetic3A_458 = vector.broadcast %shift_right_arithmetic3A_457 : i32 to vector<16xi32>
      %shift_right_arithmetic3A_459 = arith.shrsi %select_n3A_455, %shift_right_arithmetic3A_458 : vector<16xi32>
      %and3A_460 = arith.constant 7 : i32
      %and3A_461 = vector.broadcast %and3A_460 : i32 to vector<16xi32>
      %and3A_462 = arith.andi %select_n3A_455, %and3A_461 : vector<16xi32>
      tpu.vector_store_idx %arg8[%shift_right_arithmetic3A_459, %and3A_462, %iota3A], %gather3A_456 : memref<125x8x16xf32, #tpu.memory_space<vmem>>[vector<16xi32>, vector<16xi32>, vector<16xi32>], vector<16xf32>,
      %add3A_463 = arith.constant 1 : i32
      %add3A_464 = vector.broadcast %add3A_463 : i32 to vector<16xi32>
      %add3A_465 = arith.addi %add3A_445, %add3A_464 : vector<16xi32>
      %ge3A_466 = arith.constant 1000 : i32
      %ge3A_467 = vector.broadcast %ge3A_466 : i32 to vector<16xi32>
      %ge3A_468 = arith.cmpi sge, %add3A_465, %ge3A_467 : vector<16xi32>
      %sub3A_469 = arith.constant 1000 : i32
      %sub3A_470 = vector.broadcast %sub3A_469 : i32 to vector<16xi32>
      %sub3A_471 = arith.subi %add3A_465, %sub3A_470 : vector<16xi32>
      %select_n3A_472 = arith.select %ge3A_468, %sub3A_471, %add3A_465 : vector<16xi1>, vector<16xi32>
      %gather3A_473 = tpu.vector_load_idx %arg6[%iota3A, %select_n3A_472] : memref<16x1000xf32, #tpu.memory_space<vmem>>[vector<16xi32>, vector<16xi32>], vector<16xf32>,
      %shift_right_arithmetic3A_474 = arith.constant 3 : i32
      %shift_right_arithmetic3A_475 = vector.broadcast %shift_right_arithmetic3A_474 : i32 to vector<16xi32>
      %shift_right_arithmetic3A_476 = arith.shrsi %select_n3A_472, %shift_right_arithmetic3A_475 : vector<16xi32>
      %and3A_477 = arith.constant 7 : i32
      %and3A_478 = vector.broadcast %and3A_477 : i32 to vector<16xi32>
      %and3A_479 = arith.andi %select_n3A_472, %and3A_478 : vector<16xi32>
      tpu.vector_store_idx %arg8[%shift_right_arithmetic3A_476, %and3A_479, %iota3A], %gather3A_473 : memref<125x8x16xf32, #tpu.memory_space<vmem>>[vector<16xi32>, vector<16xi32>, vector<16xi32>], vector<16xf32>,
      %add3A_480 = arith.constant 2 : i32
      %add3A_481 = vector.broadcast %add3A_480 : i32 to vector<16xi32>
      %add3A_482 = arith.addi %add3A_445, %add3A_481 : vector<16xi32>
      %ge3A_483 = arith.constant 1000 : i32
      %ge3A_484 = vector.broadcast %ge3A_483 : i32 to vector<16xi32>
      %ge3A_485 = arith.cmpi sge, %add3A_482, %ge3A_484 : vector<16xi32>
      %sub3A_486 = arith.constant 1000 : i32
      %sub3A_487 = vector.broadcast %sub3A_486 : i32 to vector<16xi32>
      %sub3A_488 = arith.subi %add3A_482, %sub3A_487 : vector<16xi32>
      %select_n3A_489 = arith.select %ge3A_485, %sub3A_488, %add3A_482 : vector<16xi1>, vector<16xi32>
      %gather3A_490 = tpu.vector_load_idx %arg6[%iota3A, %select_n3A_489] : memref<16x1000xf32, #tpu.memory_space<vmem>>[vector<16xi32>, vector<16xi32>], vector<16xf32>,
      %shift_right_arithmetic3A_491 = arith.constant 3 : i32
      %shift_right_arithmetic3A_492 = vector.broadcast %shift_right_arithmetic3A_491 : i32 to vector<16xi32>
      %shift_right_arithmetic3A_493 = arith.shrsi %select_n3A_489, %shift_right_arithmetic3A_492 : vector<16xi32>
      %and3A_494 = arith.constant 7 : i32
      %and3A_495 = vector.broadcast %and3A_494 : i32 to vector<16xi32>
      %and3A_496 = arith.andi %select_n3A_489, %and3A_495 : vector<16xi32>
      tpu.vector_store_idx %arg8[%shift_right_arithmetic3A_493, %and3A_496, %iota3A], %gather3A_490 : memref<125x8x16xf32, #tpu.memory_space<vmem>>[vector<16xi32>, vector<16xi32>, vector<16xi32>], vector<16xf32>,
      %add3A_497 = arith.constant 3 : i32
      %add3A_498 = vector.broadcast %add3A_497 : i32 to vector<16xi32>
      %add3A_499 = arith.addi %add3A_445, %add3A_498 : vector<16xi32>
      %ge3A_500 = arith.constant 1000 : i32
      %ge3A_501 = vector.broadcast %ge3A_500 : i32 to vector<16xi32>
      %ge3A_502 = arith.cmpi sge, %add3A_499, %ge3A_501 : vector<16xi32>
      %sub3A_503 = arith.constant 1000 : i32
      %sub3A_504 = vector.broadcast %sub3A_503 : i32 to vector<16xi32>
      %sub3A_505 = arith.subi %add3A_499, %sub3A_504 : vector<16xi32>
      %select_n3A_506 = arith.select %ge3A_502, %sub3A_505, %add3A_499 : vector<16xi1>, vector<16xi32>
      %gather3A_507 = tpu.vector_load_idx %arg6[%iota3A, %select_n3A_506] : memref<16x1000xf32, #tpu.memory_space<vmem>>[vector<16xi32>, vector<16xi32>], vector<16xf32>,
      %shift_right_arithmetic3A_508 = arith.constant 3 : i32
      %shift_right_arithmetic3A_509 = vector.broadcast %shift_right_arithmetic3A_508 : i32 to vector<16xi32>
      %shift_right_arithmetic3A_510 = arith.shrsi %select_n3A_506, %shift_right_arithmetic3A_509 : vector<16xi32>
      %and3A_511 = arith.constant 7 : i32
      %and3A_512 = vector.broadcast %and3A_511 : i32 to vector<16xi32>
      %and3A_513 = arith.andi %select_n3A_506, %and3A_512 : vector<16xi32>
      tpu.vector_store_idx %arg8[%shift_right_arithmetic3A_510, %and3A_513, %iota3A], %gather3A_507 : memref<125x8x16xf32, #tpu.memory_space<vmem>>[vector<16xi32>, vector<16xi32>, vector<16xi32>], vector<16xf32>,
      %add3A_514 = arith.constant 4 : i32
      %add3A_515 = vector.broadcast %add3A_514 : i32 to vector<16xi32>
      %add3A_516 = arith.addi %add3A_445, %add3A_515 : vector<16xi32>
      %ge3A_517 = arith.constant 1000 : i32
      %ge3A_518 = vector.broadcast %ge3A_517 : i32 to vector<16xi32>
      %ge3A_519 = arith.cmpi sge, %add3A_516, %ge3A_518 : vector<16xi32>
      %sub3A_520 = arith.constant 1000 : i32
      %sub3A_521 = vector.broadcast %sub3A_520 : i32 to vector<16xi32>
      %sub3A_522 = arith.subi %add3A_516, %sub3A_521 : vector<16xi32>
      %select_n3A_523 = arith.select %ge3A_519, %sub3A_522, %add3A_516 : vector<16xi1>, vector<16xi32>
      %gather3A_524 = tpu.vector_load_idx %arg6[%iota3A, %select_n3A_523] : memref<16x1000xf32, #tpu.memory_space<vmem>>[vector<16xi32>, vector<16xi32>], vector<16xf32>,
      %shift_right_arithmetic3A_525 = arith.constant 3 : i32
      %shift_right_arithmetic3A_526 = vector.broadcast %shift_right_arithmetic3A_525 : i32 to vector<16xi32>
      %shift_right_arithmetic3A_527 = arith.shrsi %select_n3A_523, %shift_right_arithmetic3A_526 : vector<16xi32>
      %and3A_528 = arith.constant 7 : i32
      %and3A_529 = vector.broadcast %and3A_528 : i32 to vector<16xi32>
      %and3A_530 = arith.andi %select_n3A_523, %and3A_529 : vector<16xi32>
      tpu.vector_store_idx %arg8[%shift_right_arithmetic3A_527, %and3A_530, %iota3A], %gather3A_524 : memref<125x8x16xf32, #tpu.memory_space<vmem>>[vector<16xi32>, vector<16xi32>, vector<16xi32>], vector<16xf32>,
      %add3A_531 = arith.constant 5 : i32
      %add3A_532 = vector.broadcast %add3A_531 : i32 to vector<16xi32>
      %add3A_533 = arith.addi %add3A_445, %add3A_532 : vector<16xi32>
      %ge3A_534 = arith.constant 1000 : i32
      %ge3A_535 = vector.broadcast %ge3A_534 : i32 to vector<16xi32>
      %ge3A_536 = arith.cmpi sge, %add3A_533, %ge3A_535 : vector<16xi32>
      %sub3A_537 = arith.constant 1000 : i32
      %sub3A_538 = vector.broadcast %sub3A_537 : i32 to vector<16xi32>
      %sub3A_539 = arith.subi %add3A_533, %sub3A_538 : vector<16xi32>
      %select_n3A_540 = arith.select %ge3A_536, %sub3A_539, %add3A_533 : vector<16xi1>, vector<16xi32>
      %gather3A_541 = tpu.vector_load_idx %arg6[%iota3A, %select_n3A_540] : memref<16x1000xf32, #tpu.memory_space<vmem>>[vector<16xi32>, vector<16xi32>], vector<16xf32>,
      %shift_right_arithmetic3A_542 = arith.constant 3 : i32
      %shift_right_arithmetic3A_543 = vector.broadcast %shift_right_arithmetic3A_542 : i32 to vector<16xi32>
      %shift_right_arithmetic3A_544 = arith.shrsi %select_n3A_540, %shift_right_arithmetic3A_543 : vector<16xi32>
      %and3A_545 = arith.constant 7 : i32
      %and3A_546 = vector.broadcast %and3A_545 : i32 to vector<16xi32>
      %and3A_547 = arith.andi %select_n3A_540, %and3A_546 : vector<16xi32>
      tpu.vector_store_idx %arg8[%shift_right_arithmetic3A_544, %and3A_547, %iota3A], %gather3A_541 : memref<125x8x16xf32, #tpu.memory_space<vmem>>[vector<16xi32>, vector<16xi32>, vector<16xi32>], vector<16xf32>,
      %add3A_548 = arith.constant 6 : i32
      %add3A_549 = vector.broadcast %add3A_548 : i32 to vector<16xi32>
      %add3A_550 = arith.addi %add3A_445, %add3A_549 : vector<16xi32>
      %ge3A_551 = arith.constant 1000 : i32
      %ge3A_552 = vector.broadcast %ge3A_551 : i32 to vector<16xi32>
      %ge3A_553 = arith.cmpi sge, %add3A_550, %ge3A_552 : vector<16xi32>
      %sub3A_554 = arith.constant 1000 : i32
      %sub3A_555 = vector.broadcast %sub3A_554 : i32 to vector<16xi32>
      %sub3A_556 = arith.subi %add3A_550, %sub3A_555 : vector<16xi32>
      %select_n3A_557 = arith.select %ge3A_553, %sub3A_556, %add3A_550 : vector<16xi1>, vector<16xi32>
      %gather3A_558 = tpu.vector_load_idx %arg6[%iota3A, %select_n3A_557] : memref<16x1000xf32, #tpu.memory_space<vmem>>[vector<16xi32>, vector<16xi32>], vector<16xf32>,
      %shift_right_arithmetic3A_559 = arith.constant 3 : i32
      %shift_right_arithmetic3A_560 = vector.broadcast %shift_right_arithmetic3A_559 : i32 to vector<16xi32>
      %shift_right_arithmetic3A_561 = arith.shrsi %select_n3A_557, %shift_right_arithmetic3A_560 : vector<16xi32>
      %and3A_562 = arith.constant 7 : i32
      %and3A_563 = vector.broadcast %and3A_562 : i32 to vector<16xi32>
      %and3A_564 = arith.andi %select_n3A_557, %and3A_563 : vector<16xi32>
      tpu.vector_store_idx %arg8[%shift_right_arithmetic3A_561, %and3A_564, %iota3A], %gather3A_558 : memref<125x8x16xf32, #tpu.memory_space<vmem>>[vector<16xi32>, vector<16xi32>, vector<16xi32>], vector<16xf32>,
      %add3A_565 = arith.constant 7 : i32
      %add3A_566 = vector.broadcast %add3A_565 : i32 to vector<16xi32>
      %add3A_567 = arith.addi %add3A_445, %add3A_566 : vector<16xi32>
      %ge3A_568 = arith.constant 1000 : i32
      %ge3A_569 = vector.broadcast %ge3A_568 : i32 to vector<16xi32>
      %ge3A_570 = arith.cmpi sge, %add3A_567, %ge3A_569 : vector<16xi32>
      %sub3A_571 = arith.constant 1000 : i32
      %sub3A_572 = vector.broadcast %sub3A_571 : i32 to vector<16xi32>
      %sub3A_573 = arith.subi %add3A_567, %sub3A_572 : vector<16xi32>
      %select_n3A_574 = arith.select %ge3A_570, %sub3A_573, %add3A_567 : vector<16xi1>, vector<16xi32>
      %gather3A_575 = tpu.vector_load_idx %arg6[%iota3A, %select_n3A_574] : memref<16x1000xf32, #tpu.memory_space<vmem>>[vector<16xi32>, vector<16xi32>], vector<16xf32>,
      %shift_right_arithmetic3A_576 = arith.constant 3 : i32
      %shift_right_arithmetic3A_577 = vector.broadcast %shift_right_arithmetic3A_576 : i32 to vector<16xi32>
      %shift_right_arithmetic3A_578 = arith.shrsi %select_n3A_574, %shift_right_arithmetic3A_577 : vector<16xi32>
      %and3A_579 = arith.constant 7 : i32
      %and3A_580 = vector.broadcast %and3A_579 : i32 to vector<16xi32>
      %and3A_581 = arith.andi %select_n3A_574, %and3A_580 : vector<16xi32>
      tpu.vector_store_idx %arg8[%shift_right_arithmetic3A_578, %and3A_581, %iota3A], %gather3A_575 : memref<125x8x16xf32, #tpu.memory_space<vmem>>[vector<16xi32>, vector<16xi32>, vector<16xi32>], vector<16xf32>,
      %broadcast_in_dim3A_582 = arith.constant 992 : i32
      %broadcast_in_dim3A_583 = vector.broadcast %broadcast_in_dim3A_582 : i32 to vector<16xi32>
      %add3A_584 = arith.addi %broadcast_in_dim3A_583, %iota3A : vector<16xi32>
      %add3A_585 = arith.constant 0 : i32
      %add3A_586 = vector.broadcast %add3A_585 : i32 to vector<16xi32>
      %add3A_587 = arith.addi %add3A_584, %add3A_586 : vector<16xi32>
      %ge3A_588 = arith.constant 1000 : i32
      %ge3A_589 = vector.broadcast %ge3A_588 : i32 to vector<16xi32>
      %ge3A_590 = arith.cmpi sge, %add3A_587, %ge3A_589 : vector<16xi32>
      %sub3A_591 = arith.constant 1000 : i32
      %sub3A_592 = vector.broadcast %sub3A_591 : i32 to vector<16xi32>
      %sub3A_593 = arith.subi %add3A_587, %sub3A_592 : vector<16xi32>
      %select_n3A_594 = arith.select %ge3A_590, %sub3A_593, %add3A_587 : vector<16xi1>, vector<16xi32>
      %gather3A_595 = tpu.vector_load_idx %arg6[%iota3A, %select_n3A_594] : memref<16x1000xf32, #tpu.memory_space<vmem>>[vector<16xi32>, vector<16xi32>], vector<16xf32>,
      %shift_right_arithmetic3A_596 = arith.constant 3 : i32
      %shift_right_arithmetic3A_597 = vector.broadcast %shift_right_arithmetic3A_596 : i32 to vector<16xi32>
      %shift_right_arithmetic3A_598 = arith.shrsi %select_n3A_594, %shift_right_arithmetic3A_597 : vector<16xi32>
      %and3A_599 = arith.constant 7 : i32
      %and3A_600 = vector.broadcast %and3A_599 : i32 to vector<16xi32>
      %and3A_601 = arith.andi %select_n3A_594, %and3A_600 : vector<16xi32>
      tpu.vector_store_idx %arg8[%shift_right_arithmetic3A_598, %and3A_601, %iota3A], %gather3A_595 : memref<125x8x16xf32, #tpu.memory_space<vmem>>[vector<16xi32>, vector<16xi32>, vector<16xi32>], vector<16xf32>,
      %add3A_602 = arith.constant 1 : i32
      %add3A_603 = vector.broadcast %add3A_602 : i32 to vector<16xi32>
      %add3A_604 = arith.addi %add3A_584, %add3A_603 : vector<16xi32>
      %ge3A_605 = arith.constant 1000 : i32
      %ge3A_606 = vector.broadcast %ge3A_605 : i32 to vector<16xi32>
      %ge3A_607 = arith.cmpi sge, %add3A_604, %ge3A_606 : vector<16xi32>
      %sub3A_608 = arith.constant 1000 : i32
      %sub3A_609 = vector.broadcast %sub3A_608 : i32 to vector<16xi32>
      %sub3A_610 = arith.subi %add3A_604, %sub3A_609 : vector<16xi32>
      %select_n3A_611 = arith.select %ge3A_607, %sub3A_610, %add3A_604 : vector<16xi1>, vector<16xi32>
      %gather3A_612 = tpu.vector_load_idx %arg6[%iota3A, %select_n3A_611] : memref<16x1000xf32, #tpu.memory_space<vmem>>[vector<16xi32>, vector<16xi32>], vector<16xf32>,
      %shift_right_arithmetic3A_613 = arith.constant 3 : i32
      %shift_right_arithmetic3A_614 = vector.broadcast %shift_right_arithmetic3A_613 : i32 to vector<16xi32>
      %shift_right_arithmetic3A_615 = arith.shrsi %select_n3A_611, %shift_right_arithmetic3A_614 : vector<16xi32>
      %and3A_616 = arith.constant 7 : i32
      %and3A_617 = vector.broadcast %and3A_616 : i32 to vector<16xi32>
      %and3A_618 = arith.andi %select_n3A_611, %and3A_617 : vector<16xi32>
      tpu.vector_store_idx %arg8[%shift_right_arithmetic3A_615, %and3A_618, %iota3A], %gather3A_612 : memref<125x8x16xf32, #tpu.memory_space<vmem>>[vector<16xi32>, vector<16xi32>, vector<16xi32>], vector<16xf32>,
      %add3A_619 = arith.constant 2 : i32
      %add3A_620 = vector.broadcast %add3A_619 : i32 to vector<16xi32>
      %add3A_621 = arith.addi %add3A_584, %add3A_620 : vector<16xi32>
      %ge3A_622 = arith.constant 1000 : i32
      %ge3A_623 = vector.broadcast %ge3A_622 : i32 to vector<16xi32>
      %ge3A_624 = arith.cmpi sge, %add3A_621, %ge3A_623 : vector<16xi32>
      %sub3A_625 = arith.constant 1000 : i32
      %sub3A_626 = vector.broadcast %sub3A_625 : i32 to vector<16xi32>
      %sub3A_627 = arith.subi %add3A_621, %sub3A_626 : vector<16xi32>
      %select_n3A_628 = arith.select %ge3A_624, %sub3A_627, %add3A_621 : vector<16xi1>, vector<16xi32>
      %gather3A_629 = tpu.vector_load_idx %arg6[%iota3A, %select_n3A_628] : memref<16x1000xf32, #tpu.memory_space<vmem>>[vector<16xi32>, vector<16xi32>], vector<16xf32>,
      %shift_right_arithmetic3A_630 = arith.constant 3 : i32
      %shift_right_arithmetic3A_631 = vector.broadcast %shift_right_arithmetic3A_630 : i32 to vector<16xi32>
      %shift_right_arithmetic3A_632 = arith.shrsi %select_n3A_628, %shift_right_arithmetic3A_631 : vector<16xi32>
      %and3A_633 = arith.constant 7 : i32
      %and3A_634 = vector.broadcast %and3A_633 : i32 to vector<16xi32>
      %and3A_635 = arith.andi %select_n3A_628, %and3A_634 : vector<16xi32>
      tpu.vector_store_idx %arg8[%shift_right_arithmetic3A_632, %and3A_635, %iota3A], %gather3A_629 : memref<125x8x16xf32, #tpu.memory_space<vmem>>[vector<16xi32>, vector<16xi32>, vector<16xi32>], vector<16xf32>,
      %add3A_636 = arith.constant 3 : i32
      %add3A_637 = vector.broadcast %add3A_636 : i32 to vector<16xi32>
      %add3A_638 = arith.addi %add3A_584, %add3A_637 : vector<16xi32>
      %ge3A_639 = arith.constant 1000 : i32
      %ge3A_640 = vector.broadcast %ge3A_639 : i32 to vector<16xi32>
      %ge3A_641 = arith.cmpi sge, %add3A_638, %ge3A_640 : vector<16xi32>
      %sub3A_642 = arith.constant 1000 : i32
      %sub3A_643 = vector.broadcast %sub3A_642 : i32 to vector<16xi32>
      %sub3A_644 = arith.subi %add3A_638, %sub3A_643 : vector<16xi32>
      %select_n3A_645 = arith.select %ge3A_641, %sub3A_644, %add3A_638 : vector<16xi1>, vector<16xi32>
      %gather3A_646 = tpu.vector_load_idx %arg6[%iota3A, %select_n3A_645] : memref<16x1000xf32, #tpu.memory_space<vmem>>[vector<16xi32>, vector<16xi32>], vector<16xf32>,
      %shift_right_arithmetic3A_647 = arith.constant 3 : i32
      %shift_right_arithmetic3A_648 = vector.broadcast %shift_right_arithmetic3A_647 : i32 to vector<16xi32>
      %shift_right_arithmetic3A_649 = arith.shrsi %select_n3A_645, %shift_right_arithmetic3A_648 : vector<16xi32>
      %and3A_650 = arith.constant 7 : i32
      %and3A_651 = vector.broadcast %and3A_650 : i32 to vector<16xi32>
      %and3A_652 = arith.andi %select_n3A_645, %and3A_651 : vector<16xi32>
      tpu.vector_store_idx %arg8[%shift_right_arithmetic3A_649, %and3A_652, %iota3A], %gather3A_646 : memref<125x8x16xf32, #tpu.memory_space<vmem>>[vector<16xi32>, vector<16xi32>, vector<16xi32>], vector<16xf32>,
      %add3A_653 = arith.constant 4 : i32
      %add3A_654 = vector.broadcast %add3A_653 : i32 to vector<16xi32>
      %add3A_655 = arith.addi %add3A_584, %add3A_654 : vector<16xi32>
      %ge3A_656 = arith.constant 1000 : i32
      %ge3A_657 = vector.broadcast %ge3A_656 : i32 to vector<16xi32>
      %ge3A_658 = arith.cmpi sge, %add3A_655, %ge3A_657 : vector<16xi32>
      %sub3A_659 = arith.constant 1000 : i32
      %sub3A_660 = vector.broadcast %sub3A_659 : i32 to vector<16xi32>
      %sub3A_661 = arith.subi %add3A_655, %sub3A_660 : vector<16xi32>
      %select_n3A_662 = arith.select %ge3A_658, %sub3A_661, %add3A_655 : vector<16xi1>, vector<16xi32>
      %gather3A_663 = tpu.vector_load_idx %arg6[%iota3A, %select_n3A_662] : memref<16x1000xf32, #tpu.memory_space<vmem>>[vector<16xi32>, vector<16xi32>], vector<16xf32>,
      %shift_right_arithmetic3A_664 = arith.constant 3 : i32
      %shift_right_arithmetic3A_665 = vector.broadcast %shift_right_arithmetic3A_664 : i32 to vector<16xi32>
      %shift_right_arithmetic3A_666 = arith.shrsi %select_n3A_662, %shift_right_arithmetic3A_665 : vector<16xi32>
      %and3A_667 = arith.constant 7 : i32
      %and3A_668 = vector.broadcast %and3A_667 : i32 to vector<16xi32>
      %and3A_669 = arith.andi %select_n3A_662, %and3A_668 : vector<16xi32>
      tpu.vector_store_idx %arg8[%shift_right_arithmetic3A_666, %and3A_669, %iota3A], %gather3A_663 : memref<125x8x16xf32, #tpu.memory_space<vmem>>[vector<16xi32>, vector<16xi32>, vector<16xi32>], vector<16xf32>,
      %add3A_670 = arith.constant 5 : i32
      %add3A_671 = vector.broadcast %add3A_670 : i32 to vector<16xi32>
      %add3A_672 = arith.addi %add3A_584, %add3A_671 : vector<16xi32>
      %ge3A_673 = arith.constant 1000 : i32
      %ge3A_674 = vector.broadcast %ge3A_673 : i32 to vector<16xi32>
      %ge3A_675 = arith.cmpi sge, %add3A_672, %ge3A_674 : vector<16xi32>
      %sub3A_676 = arith.constant 1000 : i32
      %sub3A_677 = vector.broadcast %sub3A_676 : i32 to vector<16xi32>
      %sub3A_678 = arith.subi %add3A_672, %sub3A_677 : vector<16xi32>
      %select_n3A_679 = arith.select %ge3A_675, %sub3A_678, %add3A_672 : vector<16xi1>, vector<16xi32>
      %gather3A_680 = tpu.vector_load_idx %arg6[%iota3A, %select_n3A_679] : memref<16x1000xf32, #tpu.memory_space<vmem>>[vector<16xi32>, vector<16xi32>], vector<16xf32>,
      %shift_right_arithmetic3A_681 = arith.constant 3 : i32
      %shift_right_arithmetic3A_682 = vector.broadcast %shift_right_arithmetic3A_681 : i32 to vector<16xi32>
      %shift_right_arithmetic3A_683 = arith.shrsi %select_n3A_679, %shift_right_arithmetic3A_682 : vector<16xi32>
      %and3A_684 = arith.constant 7 : i32
      %and3A_685 = vector.broadcast %and3A_684 : i32 to vector<16xi32>
      %and3A_686 = arith.andi %select_n3A_679, %and3A_685 : vector<16xi32>
      tpu.vector_store_idx %arg8[%shift_right_arithmetic3A_683, %and3A_686, %iota3A], %gather3A_680 : memref<125x8x16xf32, #tpu.memory_space<vmem>>[vector<16xi32>, vector<16xi32>, vector<16xi32>], vector<16xf32>,
      %add3A_687 = arith.constant 6 : i32
      %add3A_688 = vector.broadcast %add3A_687 : i32 to vector<16xi32>
      %add3A_689 = arith.addi %add3A_584, %add3A_688 : vector<16xi32>
      %ge3A_690 = arith.constant 1000 : i32
      %ge3A_691 = vector.broadcast %ge3A_690 : i32 to vector<16xi32>
      %ge3A_692 = arith.cmpi sge, %add3A_689, %ge3A_691 : vector<16xi32>
      %sub3A_693 = arith.constant 1000 : i32
      %sub3A_694 = vector.broadcast %sub3A_693 : i32 to vector<16xi32>
      %sub3A_695 = arith.subi %add3A_689, %sub3A_694 : vector<16xi32>
      %select_n3A_696 = arith.select %ge3A_692, %sub3A_695, %add3A_689 : vector<16xi1>, vector<16xi32>
      %gather3A_697 = tpu.vector_load_idx %arg6[%iota3A, %select_n3A_696] : memref<16x1000xf32, #tpu.memory_space<vmem>>[vector<16xi32>, vector<16xi32>], vector<16xf32>,
      %shift_right_arithmetic3A_698 = arith.constant 3 : i32
      %shift_right_arithmetic3A_699 = vector.broadcast %shift_right_arithmetic3A_698 : i32 to vector<16xi32>
      %shift_right_arithmetic3A_700 = arith.shrsi %select_n3A_696, %shift_right_arithmetic3A_699 : vector<16xi32>
      %and3A_701 = arith.constant 7 : i32
      %and3A_702 = vector.broadcast %and3A_701 : i32 to vector<16xi32>
      %and3A_703 = arith.andi %select_n3A_696, %and3A_702 : vector<16xi32>
      tpu.vector_store_idx %arg8[%shift_right_arithmetic3A_700, %and3A_703, %iota3A], %gather3A_697 : memref<125x8x16xf32, #tpu.memory_space<vmem>>[vector<16xi32>, vector<16xi32>, vector<16xi32>], vector<16xf32>,
      %add3A_704 = arith.constant 7 : i32
      %add3A_705 = vector.broadcast %add3A_704 : i32 to vector<16xi32>
      %add3A_706 = arith.addi %add3A_584, %add3A_705 : vector<16xi32>
      %ge3A_707 = arith.constant 1000 : i32
      %ge3A_708 = vector.broadcast %ge3A_707 : i32 to vector<16xi32>
      %ge3A_709 = arith.cmpi sge, %add3A_706, %ge3A_708 : vector<16xi32>
      %sub3A_710 = arith.constant 1000 : i32
      %sub3A_711 = vector.broadcast %sub3A_710 : i32 to vector<16xi32>
      %sub3A_712 = arith.subi %add3A_706, %sub3A_711 : vector<16xi32>
      %select_n3A_713 = arith.select %ge3A_709, %sub3A_712, %add3A_706 : vector<16xi1>, vector<16xi32>
      %gather3A_714 = tpu.vector_load_idx %arg6[%iota3A, %select_n3A_713] : memref<16x1000xf32, #tpu.memory_space<vmem>>[vector<16xi32>, vector<16xi32>], vector<16xf32>,
      %shift_right_arithmetic3A_715 = arith.constant 3 : i32
      %shift_right_arithmetic3A_716 = vector.broadcast %shift_right_arithmetic3A_715 : i32 to vector<16xi32>
      %shift_right_arithmetic3A_717 = arith.shrsi %select_n3A_713, %shift_right_arithmetic3A_716 : vector<16xi32>
      %and3A_718 = arith.constant 7 : i32
      %and3A_719 = vector.broadcast %and3A_718 : i32 to vector<16xi32>
      %and3A_720 = arith.andi %select_n3A_713, %and3A_719 : vector<16xi32>
      tpu.vector_store_idx %arg8[%shift_right_arithmetic3A_717, %and3A_720, %iota3A], %gather3A_714 : memref<125x8x16xf32, #tpu.memory_space<vmem>>[vector<16xi32>, vector<16xi32>, vector<16xi32>], vector<16xf32>,
      %lt3A_721 = arith.constant 199 : i32
      %lt3A_722 = arith.cmpi slt, %add3A_117, %lt3A_721 : i32
      %convert_element_type3A_723 = arith.extui %lt3A_722 : i1 to i32
      %cond3A_724 = arith.constant 0 : i32
      %cond3A_725 = arith.cmpi ne, %convert_element_type3A_723, %cond3A_724 : i32
      scf.if %cond3A_725 {
        %add3A_1522 = arith.constant 2 : i32
        %add3A_1523 = arith.addi %add3A_121, %add3A_1522 : i32
        %jit3A_1524 = arith.constant 8 : i32
        %div3A_1525 = arith.divsi %add3A_1523, %jit3A_1524 : i32
        %sign3A_1526 = arith.constant 0 : i32
        %sign3A_1527 = arith.cmpi sgt, %add3A_1523, %sign3A_1526 : i32
        %sign3A_1528 = arith.extui %sign3A_1527 : i1 to i32
        %sign3A_1529 = arith.constant 0 : i32
        %sign3A_1530 = arith.cmpi slt, %add3A_1523, %sign3A_1529 : i32
        %sign3A_1531 = arith.extui %sign3A_1530 : i1 to i32
        %sign3A_1532 = arith.subi %sign3A_1528, %sign3A_1531 : i32
        %sign3A_1533 = arith.constant 0 : i32
        %sign3A_1534 = arith.cmpi sgt, %jit3A_1524, %sign3A_1533 : i32
        %sign3A_1535 = arith.extui %sign3A_1534 : i1 to i32
        %sign3A_1536 = arith.constant 0 : i32
        %sign3A_1537 = arith.cmpi slt, %jit3A_1524, %sign3A_1536 : i32
        %sign3A_1538 = arith.extui %sign3A_1537 : i1 to i32
        %sign3A_1539 = arith.subi %sign3A_1535, %sign3A_1538 : i32
        %ne3A_1540 = arith.cmpi ne, %sign3A_1532, %sign3A_1539 : i32
        %rem3A_1541 = arith.remsi %add3A_1523, %jit3A_1524 : i32
        %ne3A_1542 = arith.constant 0 : i32
        %ne3A_1543 = arith.cmpi ne, %rem3A_1541, %ne3A_1542 : i32
        %and3A_1544 = arith.andi %ne3A_1540, %ne3A_1543 : i1
        %sub3A_1545 = arith.constant 1 : i32
        %sub3A_1546 = arith.subi %div3A_1525, %sub3A_1545 : i32
        %select_n3A_1547 = arith.select %and3A_1544, %sub3A_1546, %div3A_1525 : i32
        %jit3A_1548 = arith.constant 8 : i32
        %eq3A_1549 = arith.constant 0 : i32
        %eq3A_1550 = arith.cmpi eq, %jit3A_1548, %eq3A_1549 : i32
        %jit3A_1551 = arith.constant 1 : i32
        %select_n3A_1552 = arith.select %eq3A_1550, %jit3A_1551, %jit3A_1548 : i32
        %rem3A_1553 = arith.remsi %add3A_1523, %select_n3A_1552 : i32
        %ne3A_1554 = arith.constant 0 : i32
        %ne3A_1555 = arith.cmpi ne, %rem3A_1553, %ne3A_1554 : i32
        %lt3A_1556 = arith.constant 0 : i32
        %lt3A_1557 = arith.cmpi slt, %rem3A_1553, %lt3A_1556 : i32
        %lt3A_1558 = arith.constant 0 : i32
        %lt3A_1559 = arith.cmpi slt, %select_n3A_1552, %lt3A_1558 : i32
        %ne3A_1560 = arith.xori %lt3A_1557, %lt3A_1559 : i1
        %and3A_1561 = arith.andi %ne3A_1560, %ne3A_1555 : i1
        %add3A_1562 = arith.addi %rem3A_1553, %select_n3A_1552 : i32
        %select_n3A_1563 = arith.select %and3A_1561, %add3A_1562, %rem3A_1553 : i32
        %mul3A_1564 = arith.constant 16 : i32
        %mul3A_1565 = arith.muli %select_n3A_1563, %mul3A_1564 : i32
        %dma_start3A_1566 = tpu.memref_slice %arg5[%select_n3A_1547, %mul3A_1565] : memref<50x128xi32, #tpu.memory_space<vmem>> -> memref<1x16xi32, #tpu.memory_space<vmem>>
        %dma_start3A_1567 = tpu.memref_squeeze %dma_start3A_1566 : memref<1x16xi32, #tpu.memory_space<vmem>> -> memref<16xi32, #tpu.memory_space<vmem>>
        %dma_start3A_1568 = arith.constant 0 : i32
        %dma_start3A_1569 = arith.constant 0 : i32
        %dma_start3A_1570 = tpu.memref_slice %arg2[%dma_start3A_1568, %dma_start3A_1569] : memref<1000x1000xf32, #tpu.memory_space<hbm>> -> memref<1000x1000xf32, #tpu.memory_space<hbm>>
        tpu.enqueue_indirect_dma source(%dma_start3A_1570 : memref<1000x1000xf32, #tpu.memory_space<hbm>>) target(%arg6 : memref<16x1000xf32, #tpu.memory_space<vmem>>) offsets(%dma_start3A_1567 : memref<16xi32, #tpu.memory_space<vmem>>) semaphore(%arg10 : memref<!tpu.dma_semaphore, #tpu.memory_space<semaphore_mem>>)
      } else {
      }
      %jit3A_726 = arith.constant 8 : i32
      %div3A_727 = arith.divsi %add3A_121, %jit3A_726 : i32
      %sign3A_728 = arith.constant 0 : i32
      %sign3A_729 = arith.cmpi sgt, %add3A_121, %sign3A_728 : i32
      %sign3A_730 = arith.extui %sign3A_729 : i1 to i32
      %sign3A_731 = arith.constant 0 : i32
      %sign3A_732 = arith.cmpi slt, %add3A_121, %sign3A_731 : i32
      %sign3A_733 = arith.extui %sign3A_732 : i1 to i32
      %sign3A_734 = arith.subi %sign3A_730, %sign3A_733 : i32
      %sign3A_735 = arith.constant 0 : i32
      %sign3A_736 = arith.cmpi sgt, %jit3A_726, %sign3A_735 : i32
      %sign3A_737 = arith.extui %sign3A_736 : i1 to i32
      %sign3A_738 = arith.constant 0 : i32
      %sign3A_739 = arith.cmpi slt, %jit3A_726, %sign3A_738 : i32
      %sign3A_740 = arith.extui %sign3A_739 : i1 to i32
      %sign3A_741 = arith.subi %sign3A_737, %sign3A_740 : i32
      %ne3A_742 = arith.cmpi ne, %sign3A_734, %sign3A_741 : i32
      %rem3A_743 = arith.remsi %add3A_121, %jit3A_726 : i32
      %ne3A_744 = arith.constant 0 : i32
      %ne3A_745 = arith.cmpi ne, %rem3A_743, %ne3A_744 : i32
      %and3A_746 = arith.andi %ne3A_742, %ne3A_745 : i1
      %sub3A_747 = arith.constant 1 : i32
      %sub3A_748 = arith.subi %div3A_727, %sub3A_747 : i32
      %select_n3A_749 = arith.select %and3A_746, %sub3A_748, %div3A_727 : i32
      %jit3A_750 = arith.constant 8 : i32
      %eq3A_751 = arith.constant 0 : i32
      %eq3A_752 = arith.cmpi eq, %jit3A_750, %eq3A_751 : i32
      %jit3A_753 = arith.constant 1 : i32
      %select_n3A_754 = arith.select %eq3A_752, %jit3A_753, %jit3A_750 : i32
      %rem3A_755 = arith.remsi %add3A_121, %select_n3A_754 : i32
      %ne3A_756 = arith.constant 0 : i32
      %ne3A_757 = arith.cmpi ne, %rem3A_755, %ne3A_756 : i32
      %lt3A_758 = arith.constant 0 : i32
      %lt3A_759 = arith.cmpi slt, %rem3A_755, %lt3A_758 : i32
      %lt3A_760 = arith.constant 0 : i32
      %lt3A_761 = arith.cmpi slt, %select_n3A_754, %lt3A_760 : i32
      %ne3A_762 = arith.xori %lt3A_759, %lt3A_761 : i1
      %and3A_763 = arith.andi %ne3A_762, %ne3A_757 : i1
      %add3A_764 = arith.addi %rem3A_755, %select_n3A_754 : i32
      %select_n3A_765 = arith.select %and3A_763, %add3A_764, %rem3A_755 : i32
      %add3A_766 = arith.addi %mul3A_2, %select_n3A_749 : i32
      %jit3A_767 = arith.constant 8 : i32
      %div3A_768 = arith.divsi %add3A_766, %jit3A_767 : i32
      %sign3A_769 = arith.constant 0 : i32
      %sign3A_770 = arith.cmpi sgt, %add3A_766, %sign3A_769 : i32
      %sign3A_771 = arith.extui %sign3A_770 : i1 to i32
      %sign3A_772 = arith.constant 0 : i32
      %sign3A_773 = arith.cmpi slt, %add3A_766, %sign3A_772 : i32
      %sign3A_774 = arith.extui %sign3A_773 : i1 to i32
      %sign3A_775 = arith.subi %sign3A_771, %sign3A_774 : i32
      %sign3A_776 = arith.constant 0 : i32
      %sign3A_777 = arith.cmpi sgt, %jit3A_767, %sign3A_776 : i32
      %sign3A_778 = arith.extui %sign3A_777 : i1 to i32
      %sign3A_779 = arith.constant 0 : i32
      %sign3A_780 = arith.cmpi slt, %jit3A_767, %sign3A_779 : i32
      %sign3A_781 = arith.extui %sign3A_780 : i1 to i32
      %sign3A_782 = arith.subi %sign3A_778, %sign3A_781 : i32
      %ne3A_783 = arith.cmpi ne, %sign3A_775, %sign3A_782 : i32
      %rem3A_784 = arith.remsi %add3A_766, %jit3A_767 : i32
      %ne3A_785 = arith.constant 0 : i32
      %ne3A_786 = arith.cmpi ne, %rem3A_784, %ne3A_785 : i32
      %and3A_787 = arith.andi %ne3A_783, %ne3A_786 : i1
      %sub3A_788 = arith.constant 1 : i32
      %sub3A_789 = arith.subi %div3A_768, %sub3A_788 : i32
      %select_n3A_790 = arith.select %and3A_787, %sub3A_789, %div3A_768 : i32
      %jit3A_791 = arith.constant 8 : i32
      %eq3A_792 = arith.constant 0 : i32
      %eq3A_793 = arith.cmpi eq, %jit3A_791, %eq3A_792 : i32
      %jit3A_794 = arith.constant 1 : i32
      %select_n3A_795 = arith.select %eq3A_793, %jit3A_794, %jit3A_791 : i32
      %rem3A_796 = arith.remsi %add3A_766, %select_n3A_795 : i32
      %ne3A_797 = arith.constant 0 : i32
      %ne3A_798 = arith.cmpi ne, %rem3A_796, %ne3A_797 : i32
      %lt3A_799 = arith.constant 0 : i32
      %lt3A_800 = arith.cmpi slt, %rem3A_796, %lt3A_799 : i32
      %lt3A_801 = arith.constant 0 : i32
      %lt3A_802 = arith.cmpi slt, %select_n3A_795, %lt3A_801 : i32
      %ne3A_803 = arith.xori %lt3A_800, %lt3A_802 : i1
      %and3A_804 = arith.andi %ne3A_803, %ne3A_798 : i1
      %add3A_805 = arith.addi %rem3A_796, %select_n3A_795 : i32
      %select_n3A_806 = arith.select %and3A_804, %add3A_805, %rem3A_796 : i32
      %mul3A_807 = arith.constant 16 : i32
      %mul3A_808 = arith.muli %select_n3A_765, %mul3A_807 : i32
      %dma_start3A_809 = arith.constant 0 : i32
      %dma_start3A_810 = arith.constant 0 : i32
      %dma_start3A_811 = tpu.memref_slice %arg4[%select_n3A_790, %dma_start3A_809, %select_n3A_806, %dma_start3A_810, %mul3A_808] : memref<200x125x8x8x128xf32, #tpu.memory_space<hbm>> -> memref<1x125x1x8x16xf32, #tpu.memory_space<hbm>>
      %dma_start3A_812 = tpu.memref_squeeze %dma_start3A_811 : memref<1x125x1x8x16xf32, #tpu.memory_space<hbm>> -> memref<125x8x16xf32, #tpu.memory_space<hbm>>
      %dma_start3A_813 = arith.constant 0 : i32
      %dma_start3A_814 = arith.constant 0 : i32
      %dma_start3A_815 = tpu.memref_slice %arg4[%select_n3A_790, %dma_start3A_813, %select_n3A_806, %dma_start3A_814, %mul3A_808] : memref<200x125x8x8x128xf32, #tpu.memory_space<hbm>> -> memref<1x125x1x8x16xf32, #tpu.memory_space<hbm>>
      %dma_start3A_816 = tpu.memref_squeeze %dma_start3A_815 : memref<1x125x1x8x16xf32, #tpu.memory_space<hbm>> -> memref<125x8x16xf32, #tpu.memory_space<hbm>>
      tpu.enqueue_dma source(%arg8 : memref<125x8x16xf32, #tpu.memory_space<vmem>>) target(%dma_start3A_816 : memref<125x8x16xf32, #tpu.memory_space<hbm>>) target_semaphore(%arg12 : memref<!tpu.dma_semaphore, #tpu.memory_space<semaphore_mem>>)
      %mul3A_817 = arith.constant 2 : i32
      %mul3A_818 = arith.muli %add3A_117, %mul3A_817 : i32
      %add3A_819 = arith.constant 1 : i32
      %add3A_820 = arith.addi %mul3A_818, %add3A_819 : i32
      %jit3A_821 = arith.constant 8 : i32
      %div3A_822 = arith.divsi %add3A_820, %jit3A_821 : i32
      %sign3A_823 = arith.constant 0 : i32
      %sign3A_824 = arith.cmpi sgt, %add3A_820, %sign3A_823 : i32
      %sign3A_825 = arith.extui %sign3A_824 : i1 to i32
      %sign3A_826 = arith.constant 0 : i32
      %sign3A_827 = arith.cmpi slt, %add3A_820, %sign3A_826 : i32
      %sign3A_828 = arith.extui %sign3A_827 : i1 to i32
      %sign3A_829 = arith.subi %sign3A_825, %sign3A_828 : i32
      %sign3A_830 = arith.constant 0 : i32
      %sign3A_831 = arith.cmpi sgt, %jit3A_821, %sign3A_830 : i32
      %sign3A_832 = arith.extui %sign3A_831 : i1 to i32
      %sign3A_833 = arith.constant 0 : i32
      %sign3A_834 = arith.cmpi slt, %jit3A_821, %sign3A_833 : i32
      %sign3A_835 = arith.extui %sign3A_834 : i1 to i32
      %sign3A_836 = arith.subi %sign3A_832, %sign3A_835 : i32
      %ne3A_837 = arith.cmpi ne, %sign3A_829, %sign3A_836 : i32
      %rem3A_838 = arith.remsi %add3A_820, %jit3A_821 : i32
      %ne3A_839 = arith.constant 0 : i32
      %ne3A_840 = arith.cmpi ne, %rem3A_838, %ne3A_839 : i32
      %and3A_841 = arith.andi %ne3A_837, %ne3A_840 : i1
      %sub3A_842 = arith.constant 1 : i32
      %sub3A_843 = arith.subi %div3A_822, %sub3A_842 : i32
      %select_n3A_844 = arith.select %and3A_841, %sub3A_843, %div3A_822 : i32
      %jit3A_845 = arith.constant 8 : i32
      %eq3A_846 = arith.constant 0 : i32
      %eq3A_847 = arith.cmpi eq, %jit3A_845, %eq3A_846 : i32
      %jit3A_848 = arith.constant 1 : i32
      %select_n3A_849 = arith.select %eq3A_847, %jit3A_848, %jit3A_845 : i32
      %rem3A_850 = arith.remsi %add3A_820, %select_n3A_849 : i32
      %ne3A_851 = arith.constant 0 : i32
      %ne3A_852 = arith.cmpi ne, %rem3A_850, %ne3A_851 : i32
      %lt3A_853 = arith.constant 0 : i32
      %lt3A_854 = arith.cmpi slt, %rem3A_850, %lt3A_853 : i32
      %lt3A_855 = arith.constant 0 : i32
      %lt3A_856 = arith.cmpi slt, %select_n3A_849, %lt3A_855 : i32
      %ne3A_857 = arith.xori %lt3A_854, %lt3A_856 : i1
      %and3A_858 = arith.andi %ne3A_857, %ne3A_852 : i1
      %add3A_859 = arith.addi %rem3A_850, %select_n3A_849 : i32
      %select_n3A_860 = arith.select %and3A_858, %add3A_859, %rem3A_850 : i32
      %mul3A_861 = arith.constant 16 : i32
      %mul3A_862 = arith.muli %select_n3A_860, %mul3A_861 : i32
      %dma_wait3A_863 = tpu.memref_slice %arg5[%select_n3A_844, %mul3A_862] : memref<50x128xi32, #tpu.memory_space<vmem>> -> memref<1x16xi32, #tpu.memory_space<vmem>>
      %dma_wait3A_864 = tpu.memref_squeeze %dma_wait3A_863 : memref<1x16xi32, #tpu.memory_space<vmem>> -> memref<16xi32, #tpu.memory_space<vmem>>
      %dma_wait3A_865 = arith.constant 0 : i32
      %dma_wait3A_866 = arith.constant 0 : i32
      %dma_wait3A_867 = tpu.memref_slice %arg2[%dma_wait3A_865, %dma_wait3A_866] : memref<1000x1000xf32, #tpu.memory_space<hbm>> -> memref<1000x1000xf32, #tpu.memory_space<hbm>>
      tpu.wait_indirect_dma semaphore(%arg11 : memref<!tpu.dma_semaphore, #tpu.memory_space<semaphore_mem>>) src(%dma_wait3A_867 : memref<1000x1000xf32, #tpu.memory_space<hbm>>) dst(%arg7 : memref<16x1000xf32, #tpu.memory_space<vmem>>)
      %ge3A_868 = arith.constant 1 : i32
      %ge3A_869 = arith.cmpi sge, %add3A_117, %ge3A_868 : i32
      %convert_element_type3A_870 = arith.extui %ge3A_869 : i1 to i32
      %cond3A_871 = arith.constant 0 : i32
      %cond3A_872 = arith.cmpi ne, %convert_element_type3A_870, %cond3A_871 : i32
      scf.if %cond3A_872 {
        %sub3A_1522 = arith.constant 2 : i32
        %sub3A_1523 = arith.subi %add3A_820, %sub3A_1522 : i32
        %jit3A_1524 = arith.constant 8 : i32
        %div3A_1525 = arith.divsi %sub3A_1523, %jit3A_1524 : i32
        %sign3A_1526 = arith.constant 0 : i32
        %sign3A_1527 = arith.cmpi sgt, %sub3A_1523, %sign3A_1526 : i32
        %sign3A_1528 = arith.extui %sign3A_1527 : i1 to i32
        %sign3A_1529 = arith.constant 0 : i32
        %sign3A_1530 = arith.cmpi slt, %sub3A_1523, %sign3A_1529 : i32
        %sign3A_1531 = arith.extui %sign3A_1530 : i1 to i32
        %sign3A_1532 = arith.subi %sign3A_1528, %sign3A_1531 : i32
        %sign3A_1533 = arith.constant 0 : i32
        %sign3A_1534 = arith.cmpi sgt, %jit3A_1524, %sign3A_1533 : i32
        %sign3A_1535 = arith.extui %sign3A_1534 : i1 to i32
        %sign3A_1536 = arith.constant 0 : i32
        %sign3A_1537 = arith.cmpi slt, %jit3A_1524, %sign3A_1536 : i32
        %sign3A_1538 = arith.extui %sign3A_1537 : i1 to i32
        %sign3A_1539 = arith.subi %sign3A_1535, %sign3A_1538 : i32
        %ne3A_1540 = arith.cmpi ne, %sign3A_1532, %sign3A_1539 : i32
        %rem3A_1541 = arith.remsi %sub3A_1523, %jit3A_1524 : i32
        %ne3A_1542 = arith.constant 0 : i32
        %ne3A_1543 = arith.cmpi ne, %rem3A_1541, %ne3A_1542 : i32
        %and3A_1544 = arith.andi %ne3A_1540, %ne3A_1543 : i1
        %sub3A_1545 = arith.constant 1 : i32
        %sub3A_1546 = arith.subi %div3A_1525, %sub3A_1545 : i32
        %select_n3A_1547 = arith.select %and3A_1544, %sub3A_1546, %div3A_1525 : i32
        %jit3A_1548 = arith.constant 8 : i32
        %eq3A_1549 = arith.constant 0 : i32
        %eq3A_1550 = arith.cmpi eq, %jit3A_1548, %eq3A_1549 : i32
        %jit3A_1551 = arith.constant 1 : i32
        %select_n3A_1552 = arith.select %eq3A_1550, %jit3A_1551, %jit3A_1548 : i32
        %rem3A_1553 = arith.remsi %sub3A_1523, %select_n3A_1552 : i32
        %ne3A_1554 = arith.constant 0 : i32
        %ne3A_1555 = arith.cmpi ne, %rem3A_1553, %ne3A_1554 : i32
        %lt3A_1556 = arith.constant 0 : i32
        %lt3A_1557 = arith.cmpi slt, %rem3A_1553, %lt3A_1556 : i32
        %lt3A_1558 = arith.constant 0 : i32
        %lt3A_1559 = arith.cmpi slt, %select_n3A_1552, %lt3A_1558 : i32
        %ne3A_1560 = arith.xori %lt3A_1557, %lt3A_1559 : i1
        %and3A_1561 = arith.andi %ne3A_1560, %ne3A_1555 : i1
        %add3A_1562 = arith.addi %rem3A_1553, %select_n3A_1552 : i32
        %select_n3A_1563 = arith.select %and3A_1561, %add3A_1562, %rem3A_1553 : i32
        %add3A_1564 = arith.addi %mul3A_2, %select_n3A_1547 : i32
        %jit3A_1565 = arith.constant 8 : i32
        %div3A_1566 = arith.divsi %add3A_1564, %jit3A_1565 : i32
        %sign3A_1567 = arith.constant 0 : i32
        %sign3A_1568 = arith.cmpi sgt, %add3A_1564, %sign3A_1567 : i32
        %sign3A_1569 = arith.extui %sign3A_1568 : i1 to i32
        %sign3A_1570 = arith.constant 0 : i32
        %sign3A_1571 = arith.cmpi slt, %add3A_1564, %sign3A_1570 : i32
        %sign3A_1572 = arith.extui %sign3A_1571 : i1 to i32
        %sign3A_1573 = arith.subi %sign3A_1569, %sign3A_1572 : i32
        %sign3A_1574 = arith.constant 0 : i32
        %sign3A_1575 = arith.cmpi sgt, %jit3A_1565, %sign3A_1574 : i32
        %sign3A_1576 = arith.extui %sign3A_1575 : i1 to i32
        %sign3A_1577 = arith.constant 0 : i32
        %sign3A_1578 = arith.cmpi slt, %jit3A_1565, %sign3A_1577 : i32
        %sign3A_1579 = arith.extui %sign3A_1578 : i1 to i32
        %sign3A_1580 = arith.subi %sign3A_1576, %sign3A_1579 : i32
        %ne3A_1581 = arith.cmpi ne, %sign3A_1573, %sign3A_1580 : i32
        %rem3A_1582 = arith.remsi %add3A_1564, %jit3A_1565 : i32
        %ne3A_1583 = arith.constant 0 : i32
        %ne3A_1584 = arith.cmpi ne, %rem3A_1582, %ne3A_1583 : i32
        %and3A_1585 = arith.andi %ne3A_1581, %ne3A_1584 : i1
        %sub3A_1586 = arith.constant 1 : i32
        %sub3A_1587 = arith.subi %div3A_1566, %sub3A_1586 : i32
        %select_n3A_1588 = arith.select %and3A_1585, %sub3A_1587, %div3A_1566 : i32
        %jit3A_1589 = arith.constant 8 : i32
        %eq3A_1590 = arith.constant 0 : i32
        %eq3A_1591 = arith.cmpi eq, %jit3A_1589, %eq3A_1590 : i32
        %jit3A_1592 = arith.constant 1 : i32
        %select_n3A_1593 = arith.select %eq3A_1591, %jit3A_1592, %jit3A_1589 : i32
        %rem3A_1594 = arith.remsi %add3A_1564, %select_n3A_1593 : i32
        %ne3A_1595 = arith.constant 0 : i32
        %ne3A_1596 = arith.cmpi ne, %rem3A_1594, %ne3A_1595 : i32
        %lt3A_1597 = arith.constant 0 : i32
        %lt3A_1598 = arith.cmpi slt, %rem3A_1594, %lt3A_1597 : i32
        %lt3A_1599 = arith.constant 0 : i32
        %lt3A_1600 = arith.cmpi slt, %select_n3A_1593, %lt3A_1599 : i32
        %ne3A_1601 = arith.xori %lt3A_1598, %lt3A_1600 : i1
        %and3A_1602 = arith.andi %ne3A_1601, %ne3A_1596 : i1
        %add3A_1603 = arith.addi %rem3A_1594, %select_n3A_1593 : i32
        %select_n3A_1604 = arith.select %and3A_1602, %add3A_1603, %rem3A_1594 : i32
        %mul3A_1605 = arith.constant 16 : i32
        %mul3A_1606 = arith.muli %select_n3A_1563, %mul3A_1605 : i32
        %dma_wait3A_1607 = arith.constant 0 : i32
        %dma_wait3A_1608 = arith.constant 0 : i32
        %dma_wait3A_1609 = tpu.memref_slice %arg4[%select_n3A_1588, %dma_wait3A_1607, %select_n3A_1604, %dma_wait3A_1608, %mul3A_1606] : memref<200x125x8x8x128xf32, #tpu.memory_space<hbm>> -> memref<1x125x1x8x16xf32, #tpu.memory_space<hbm>>
        %dma_wait3A_1610 = tpu.memref_squeeze %dma_wait3A_1609 : memref<1x125x1x8x16xf32, #tpu.memory_space<hbm>> -> memref<125x8x16xf32, #tpu.memory_space<hbm>>
        %dma_wait3A_1611 = arith.constant 0 : i32
        %dma_wait3A_1612 = arith.constant 0 : i32
        %dma_wait3A_1613 = tpu.memref_slice %arg4[%select_n3A_1588, %dma_wait3A_1611, %select_n3A_1604, %dma_wait3A_1612, %mul3A_1606] : memref<200x125x8x8x128xf32, #tpu.memory_space<hbm>> -> memref<1x125x1x8x16xf32, #tpu.memory_space<hbm>>
        %dma_wait3A_1614 = tpu.memref_squeeze %dma_wait3A_1613 : memref<1x125x1x8x16xf32, #tpu.memory_space<hbm>> -> memref<125x8x16xf32, #tpu.memory_space<hbm>>
        tpu.wait_dma2 semaphore(%arg13 : memref<!tpu.dma_semaphore, #tpu.memory_space<semaphore_mem>>) src(%arg9 : memref<125x8x16xf32, #tpu.memory_space<vmem>>) dst(%dma_wait3A_1614 : memref<125x8x16xf32, #tpu.memory_space<hbm>>)
      } else {
      }
      %scan3A_873 = arith.constant 0 : i32
      %scan3A_874 = arith.constant 120 : i32
      %scan3A_875 = arith.addi %scan3A_873, %scan3A_874 : i32
      %scan3A_876 = arith.constant 4 : i32
      scf.for %scan3A_1522 = %scan3A_873 to %scan3A_875 step %scan3A_876  : i32 {
        %mul3A_1523 = arith.constant 1 : i32
        %mul3A_1524 = arith.muli %scan3A_1522, %mul3A_1523 : i32
        %add3A_1525 = arith.constant 0 : i32
        %add3A_1526 = arith.addi %add3A_1525, %mul3A_1524 : i32
        %mul3A_1527 = arith.constant 8 : i32
        %mul3A_1528 = arith.muli %add3A_1526, %mul3A_1527 : i32
        %broadcast_in_dim3A_1529 = vector.broadcast %mul3A_1528 : i32 to vector<16xi32>
        %add3A_1530 = arith.addi %broadcast_in_dim3A_1529, %iota3A : vector<16xi32>
        %add3A_1531 = arith.constant 0 : i32
        %add3A_1532 = vector.broadcast %add3A_1531 : i32 to vector<16xi32>
        %add3A_1533 = arith.addi %add3A_1530, %add3A_1532 : vector<16xi32>
        %gather3A_1534 = tpu.vector_load_idx %arg7[%iota3A, %add3A_1533] : memref<16x1000xf32, #tpu.memory_space<vmem>>[vector<16xi32>, vector<16xi32>], vector<16xf32>,
        %shift_right_arithmetic3A_1535 = arith.constant 3 : i32
        %shift_right_arithmetic3A_1536 = vector.broadcast %shift_right_arithmetic3A_1535 : i32 to vector<16xi32>
        %shift_right_arithmetic3A_1537 = arith.shrsi %add3A_1533, %shift_right_arithmetic3A_1536 : vector<16xi32>
        %and3A_1538 = arith.constant 7 : i32
        %and3A_1539 = vector.broadcast %and3A_1538 : i32 to vector<16xi32>
        %and3A_1540 = arith.andi %add3A_1533, %and3A_1539 : vector<16xi32>
        tpu.vector_store_idx %arg9[%shift_right_arithmetic3A_1537, %and3A_1540, %iota3A], %gather3A_1534 : memref<125x8x16xf32, #tpu.memory_space<vmem>>[vector<16xi32>, vector<16xi32>, vector<16xi32>], vector<16xf32>,
        %add3A_1541 = arith.constant 1 : i32
        %add3A_1542 = vector.broadcast %add3A_1541 : i32 to vector<16xi32>
        %add3A_1543 = arith.addi %add3A_1530, %add3A_1542 : vector<16xi32>
        %gather3A_1544 = tpu.vector_load_idx %arg7[%iota3A, %add3A_1543] : memref<16x1000xf32, #tpu.memory_space<vmem>>[vector<16xi32>, vector<16xi32>], vector<16xf32>,
        %shift_right_arithmetic3A_1545 = arith.constant 3 : i32
        %shift_right_arithmetic3A_1546 = vector.broadcast %shift_right_arithmetic3A_1545 : i32 to vector<16xi32>
        %shift_right_arithmetic3A_1547 = arith.shrsi %add3A_1543, %shift_right_arithmetic3A_1546 : vector<16xi32>
        %and3A_1548 = arith.constant 7 : i32
        %and3A_1549 = vector.broadcast %and3A_1548 : i32 to vector<16xi32>
        %and3A_1550 = arith.andi %add3A_1543, %and3A_1549 : vector<16xi32>
        tpu.vector_store_idx %arg9[%shift_right_arithmetic3A_1547, %and3A_1550, %iota3A], %gather3A_1544 : memref<125x8x16xf32, #tpu.memory_space<vmem>>[vector<16xi32>, vector<16xi32>, vector<16xi32>], vector<16xf32>,
        %add3A_1551 = arith.constant 2 : i32
        %add3A_1552 = vector.broadcast %add3A_1551 : i32 to vector<16xi32>
        %add3A_1553 = arith.addi %add3A_1530, %add3A_1552 : vector<16xi32>
        %gather3A_1554 = tpu.vector_load_idx %arg7[%iota3A, %add3A_1553] : memref<16x1000xf32, #tpu.memory_space<vmem>>[vector<16xi32>, vector<16xi32>], vector<16xf32>,
        %shift_right_arithmetic3A_1555 = arith.constant 3 : i32
        %shift_right_arithmetic3A_1556 = vector.broadcast %shift_right_arithmetic3A_1555 : i32 to vector<16xi32>
        %shift_right_arithmetic3A_1557 = arith.shrsi %add3A_1553, %shift_right_arithmetic3A_1556 : vector<16xi32>
        %and3A_1558 = arith.constant 7 : i32
        %and3A_1559 = vector.broadcast %and3A_1558 : i32 to vector<16xi32>
        %and3A_1560 = arith.andi %add3A_1553, %and3A_1559 : vector<16xi32>
        tpu.vector_store_idx %arg9[%shift_right_arithmetic3A_1557, %and3A_1560, %iota3A], %gather3A_1554 : memref<125x8x16xf32, #tpu.memory_space<vmem>>[vector<16xi32>, vector<16xi32>, vector<16xi32>], vector<16xf32>,
        %add3A_1561 = arith.constant 3 : i32
        %add3A_1562 = vector.broadcast %add3A_1561 : i32 to vector<16xi32>
        %add3A_1563 = arith.addi %add3A_1530, %add3A_1562 : vector<16xi32>
        %gather3A_1564 = tpu.vector_load_idx %arg7[%iota3A, %add3A_1563] : memref<16x1000xf32, #tpu.memory_space<vmem>>[vector<16xi32>, vector<16xi32>], vector<16xf32>,
        %shift_right_arithmetic3A_1565 = arith.constant 3 : i32
        %shift_right_arithmetic3A_1566 = vector.broadcast %shift_right_arithmetic3A_1565 : i32 to vector<16xi32>
        %shift_right_arithmetic3A_1567 = arith.shrsi %add3A_1563, %shift_right_arithmetic3A_1566 : vector<16xi32>
        %and3A_1568 = arith.constant 7 : i32
        %and3A_1569 = vector.broadcast %and3A_1568 : i32 to vector<16xi32>
        %and3A_1570 = arith.andi %add3A_1563, %and3A_1569 : vector<16xi32>
        tpu.vector_store_idx %arg9[%shift_right_arithmetic3A_1567, %and3A_1570, %iota3A], %gather3A_1564 : memref<125x8x16xf32, #tpu.memory_space<vmem>>[vector<16xi32>, vector<16xi32>, vector<16xi32>], vector<16xf32>,
        %add3A_1571 = arith.constant 4 : i32
        %add3A_1572 = vector.broadcast %add3A_1571 : i32 to vector<16xi32>
        %add3A_1573 = arith.addi %add3A_1530, %add3A_1572 : vector<16xi32>
        %gather3A_1574 = tpu.vector_load_idx %arg7[%iota3A, %add3A_1573] : memref<16x1000xf32, #tpu.memory_space<vmem>>[vector<16xi32>, vector<16xi32>], vector<16xf32>,
        %shift_right_arithmetic3A_1575 = arith.constant 3 : i32
        %shift_right_arithmetic3A_1576 = vector.broadcast %shift_right_arithmetic3A_1575 : i32 to vector<16xi32>
        %shift_right_arithmetic3A_1577 = arith.shrsi %add3A_1573, %shift_right_arithmetic3A_1576 : vector<16xi32>
        %and3A_1578 = arith.constant 7 : i32
        %and3A_1579 = vector.broadcast %and3A_1578 : i32 to vector<16xi32>
        %and3A_1580 = arith.andi %add3A_1573, %and3A_1579 : vector<16xi32>
        tpu.vector_store_idx %arg9[%shift_right_arithmetic3A_1577, %and3A_1580, %iota3A], %gather3A_1574 : memref<125x8x16xf32, #tpu.memory_space<vmem>>[vector<16xi32>, vector<16xi32>, vector<16xi32>], vector<16xf32>,
        %add3A_1581 = arith.constant 5 : i32
        %add3A_1582 = vector.broadcast %add3A_1581 : i32 to vector<16xi32>
        %add3A_1583 = arith.addi %add3A_1530, %add3A_1582 : vector<16xi32>
        %gather3A_1584 = tpu.vector_load_idx %arg7[%iota3A, %add3A_1583] : memref<16x1000xf32, #tpu.memory_space<vmem>>[vector<16xi32>, vector<16xi32>], vector<16xf32>,
        %shift_right_arithmetic3A_1585 = arith.constant 3 : i32
        %shift_right_arithmetic3A_1586 = vector.broadcast %shift_right_arithmetic3A_1585 : i32 to vector<16xi32>
        %shift_right_arithmetic3A_1587 = arith.shrsi %add3A_1583, %shift_right_arithmetic3A_1586 : vector<16xi32>
        %and3A_1588 = arith.constant 7 : i32
        %and3A_1589 = vector.broadcast %and3A_1588 : i32 to vector<16xi32>
        %and3A_1590 = arith.andi %add3A_1583, %and3A_1589 : vector<16xi32>
        tpu.vector_store_idx %arg9[%shift_right_arithmetic3A_1587, %and3A_1590, %iota3A], %gather3A_1584 : memref<125x8x16xf32, #tpu.memory_space<vmem>>[vector<16xi32>, vector<16xi32>, vector<16xi32>], vector<16xf32>,
        %add3A_1591 = arith.constant 6 : i32
        %add3A_1592 = vector.broadcast %add3A_1591 : i32 to vector<16xi32>
        %add3A_1593 = arith.addi %add3A_1530, %add3A_1592 : vector<16xi32>
        %gather3A_1594 = tpu.vector_load_idx %arg7[%iota3A, %add3A_1593] : memref<16x1000xf32, #tpu.memory_space<vmem>>[vector<16xi32>, vector<16xi32>], vector<16xf32>,
        %shift_right_arithmetic3A_1595 = arith.constant 3 : i32
        %shift_right_arithmetic3A_1596 = vector.broadcast %shift_right_arithmetic3A_1595 : i32 to vector<16xi32>
        %shift_right_arithmetic3A_1597 = arith.shrsi %add3A_1593, %shift_right_arithmetic3A_1596 : vector<16xi32>
        %and3A_1598 = arith.constant 7 : i32
        %and3A_1599 = vector.broadcast %and3A_1598 : i32 to vector<16xi32>
        %and3A_1600 = arith.andi %add3A_1593, %and3A_1599 : vector<16xi32>
        tpu.vector_store_idx %arg9[%shift_right_arithmetic3A_1597, %and3A_1600, %iota3A], %gather3A_1594 : memref<125x8x16xf32, #tpu.memory_space<vmem>>[vector<16xi32>, vector<16xi32>, vector<16xi32>], vector<16xf32>,
        %add3A_1601 = arith.constant 7 : i32
        %add3A_1602 = vector.broadcast %add3A_1601 : i32 to vector<16xi32>
        %add3A_1603 = arith.addi %add3A_1530, %add3A_1602 : vector<16xi32>
        %gather3A_1604 = tpu.vector_load_idx %arg7[%iota3A, %add3A_1603] : memref<16x1000xf32, #tpu.memory_space<vmem>>[vector<16xi32>, vector<16xi32>], vector<16xf32>,
        %shift_right_arithmetic3A_1605 = arith.constant 3 : i32
        %shift_right_arithmetic3A_1606 = vector.broadcast %shift_right_arithmetic3A_1605 : i32 to vector<16xi32>
        %shift_right_arithmetic3A_1607 = arith.shrsi %add3A_1603, %shift_right_arithmetic3A_1606 : vector<16xi32>
        %and3A_1608 = arith.constant 7 : i32
        %and3A_1609 = vector.broadcast %and3A_1608 : i32 to vector<16xi32>
        %and3A_1610 = arith.andi %add3A_1603, %and3A_1609 : vector<16xi32>
        tpu.vector_store_idx %arg9[%shift_right_arithmetic3A_1607, %and3A_1610, %iota3A], %gather3A_1604 : memref<125x8x16xf32, #tpu.memory_space<vmem>>[vector<16xi32>, vector<16xi32>, vector<16xi32>], vector<16xf32>,
        %scan3A_1611 = arith.constant 1 : i32
        %scan3A_1612 = arith.addi %scan3A_1522, %scan3A_1611 : i32
        %mul3A_1613 = arith.constant 1 : i32
        %mul3A_1614 = arith.muli %scan3A_1612, %mul3A_1613 : i32
        %add3A_1615 = arith.constant 0 : i32
        %add3A_1616 = arith.addi %add3A_1615, %mul3A_1614 : i32
        %mul3A_1617 = arith.constant 8 : i32
        %mul3A_1618 = arith.muli %add3A_1616, %mul3A_1617 : i32
        %broadcast_in_dim3A_1619 = vector.broadcast %mul3A_1618 : i32 to vector<16xi32>
        %add3A_1620 = arith.addi %broadcast_in_dim3A_1619, %iota3A : vector<16xi32>
        %add3A_1621 = arith.constant 0 : i32
        %add3A_1622 = vector.broadcast %add3A_1621 : i32 to vector<16xi32>
        %add3A_1623 = arith.addi %add3A_1620, %add3A_1622 : vector<16xi32>
        %gather3A_1624 = tpu.vector_load_idx %arg7[%iota3A, %add3A_1623] : memref<16x1000xf32, #tpu.memory_space<vmem>>[vector<16xi32>, vector<16xi32>], vector<16xf32>,
        %shift_right_arithmetic3A_1625 = arith.constant 3 : i32
        %shift_right_arithmetic3A_1626 = vector.broadcast %shift_right_arithmetic3A_1625 : i32 to vector<16xi32>
        %shift_right_arithmetic3A_1627 = arith.shrsi %add3A_1623, %shift_right_arithmetic3A_1626 : vector<16xi32>
        %and3A_1628 = arith.constant 7 : i32
        %and3A_1629 = vector.broadcast %and3A_1628 : i32 to vector<16xi32>
        %and3A_1630 = arith.andi %add3A_1623, %and3A_1629 : vector<16xi32>
        tpu.vector_store_idx %arg9[%shift_right_arithmetic3A_1627, %and3A_1630, %iota3A], %gather3A_1624 : memref<125x8x16xf32, #tpu.memory_space<vmem>>[vector<16xi32>, vector<16xi32>, vector<16xi32>], vector<16xf32>,
        %add3A_1631 = arith.constant 1 : i32
        %add3A_1632 = vector.broadcast %add3A_1631 : i32 to vector<16xi32>
        %add3A_1633 = arith.addi %add3A_1620, %add3A_1632 : vector<16xi32>
        %gather3A_1634 = tpu.vector_load_idx %arg7[%iota3A, %add3A_1633] : memref<16x1000xf32, #tpu.memory_space<vmem>>[vector<16xi32>, vector<16xi32>], vector<16xf32>,
        %shift_right_arithmetic3A_1635 = arith.constant 3 : i32
        %shift_right_arithmetic3A_1636 = vector.broadcast %shift_right_arithmetic3A_1635 : i32 to vector<16xi32>
        %shift_right_arithmetic3A_1637 = arith.shrsi %add3A_1633, %shift_right_arithmetic3A_1636 : vector<16xi32>
        %and3A_1638 = arith.constant 7 : i32
        %and3A_1639 = vector.broadcast %and3A_1638 : i32 to vector<16xi32>
        %and3A_1640 = arith.andi %add3A_1633, %and3A_1639 : vector<16xi32>
        tpu.vector_store_idx %arg9[%shift_right_arithmetic3A_1637, %and3A_1640, %iota3A], %gather3A_1634 : memref<125x8x16xf32, #tpu.memory_space<vmem>>[vector<16xi32>, vector<16xi32>, vector<16xi32>], vector<16xf32>,
        %add3A_1641 = arith.constant 2 : i32
        %add3A_1642 = vector.broadcast %add3A_1641 : i32 to vector<16xi32>
        %add3A_1643 = arith.addi %add3A_1620, %add3A_1642 : vector<16xi32>
        %gather3A_1644 = tpu.vector_load_idx %arg7[%iota3A, %add3A_1643] : memref<16x1000xf32, #tpu.memory_space<vmem>>[vector<16xi32>, vector<16xi32>], vector<16xf32>,
        %shift_right_arithmetic3A_1645 = arith.constant 3 : i32
        %shift_right_arithmetic3A_1646 = vector.broadcast %shift_right_arithmetic3A_1645 : i32 to vector<16xi32>
        %shift_right_arithmetic3A_1647 = arith.shrsi %add3A_1643, %shift_right_arithmetic3A_1646 : vector<16xi32>
        %and3A_1648 = arith.constant 7 : i32
        %and3A_1649 = vector.broadcast %and3A_1648 : i32 to vector<16xi32>
        %and3A_1650 = arith.andi %add3A_1643, %and3A_1649 : vector<16xi32>
        tpu.vector_store_idx %arg9[%shift_right_arithmetic3A_1647, %and3A_1650, %iota3A], %gather3A_1644 : memref<125x8x16xf32, #tpu.memory_space<vmem>>[vector<16xi32>, vector<16xi32>, vector<16xi32>], vector<16xf32>,
        %add3A_1651 = arith.constant 3 : i32
        %add3A_1652 = vector.broadcast %add3A_1651 : i32 to vector<16xi32>
        %add3A_1653 = arith.addi %add3A_1620, %add3A_1652 : vector<16xi32>
        %gather3A_1654 = tpu.vector_load_idx %arg7[%iota3A, %add3A_1653] : memref<16x1000xf32, #tpu.memory_space<vmem>>[vector<16xi32>, vector<16xi32>], vector<16xf32>,
        %shift_right_arithmetic3A_1655 = arith.constant 3 : i32
        %shift_right_arithmetic3A_1656 = vector.broadcast %shift_right_arithmetic3A_1655 : i32 to vector<16xi32>
        %shift_right_arithmetic3A_1657 = arith.shrsi %add3A_1653, %shift_right_arithmetic3A_1656 : vector<16xi32>
        %and3A_1658 = arith.constant 7 : i32
        %and3A_1659 = vector.broadcast %and3A_1658 : i32 to vector<16xi32>
        %and3A_1660 = arith.andi %add3A_1653, %and3A_1659 : vector<16xi32>
        tpu.vector_store_idx %arg9[%shift_right_arithmetic3A_1657, %and3A_1660, %iota3A], %gather3A_1654 : memref<125x8x16xf32, #tpu.memory_space<vmem>>[vector<16xi32>, vector<16xi32>, vector<16xi32>], vector<16xf32>,
        %add3A_1661 = arith.constant 4 : i32
        %add3A_1662 = vector.broadcast %add3A_1661 : i32 to vector<16xi32>
        %add3A_1663 = arith.addi %add3A_1620, %add3A_1662 : vector<16xi32>
        %gather3A_1664 = tpu.vector_load_idx %arg7[%iota3A, %add3A_1663] : memref<16x1000xf32, #tpu.memory_space<vmem>>[vector<16xi32>, vector<16xi32>], vector<16xf32>,
        %shift_right_arithmetic3A_1665 = arith.constant 3 : i32
        %shift_right_arithmetic3A_1666 = vector.broadcast %shift_right_arithmetic3A_1665 : i32 to vector<16xi32>
        %shift_right_arithmetic3A_1667 = arith.shrsi %add3A_1663, %shift_right_arithmetic3A_1666 : vector<16xi32>
        %and3A_1668 = arith.constant 7 : i32
        %and3A_1669 = vector.broadcast %and3A_1668 : i32 to vector<16xi32>
        %and3A_1670 = arith.andi %add3A_1663, %and3A_1669 : vector<16xi32>
        tpu.vector_store_idx %arg9[%shift_right_arithmetic3A_1667, %and3A_1670, %iota3A], %gather3A_1664 : memref<125x8x16xf32, #tpu.memory_space<vmem>>[vector<16xi32>, vector<16xi32>, vector<16xi32>], vector<16xf32>,
        %add3A_1671 = arith.constant 5 : i32
        %add3A_1672 = vector.broadcast %add3A_1671 : i32 to vector<16xi32>
        %add3A_1673 = arith.addi %add3A_1620, %add3A_1672 : vector<16xi32>
        %gather3A_1674 = tpu.vector_load_idx %arg7[%iota3A, %add3A_1673] : memref<16x1000xf32, #tpu.memory_space<vmem>>[vector<16xi32>, vector<16xi32>], vector<16xf32>,
        %shift_right_arithmetic3A_1675 = arith.constant 3 : i32
        %shift_right_arithmetic3A_1676 = vector.broadcast %shift_right_arithmetic3A_1675 : i32 to vector<16xi32>
        %shift_right_arithmetic3A_1677 = arith.shrsi %add3A_1673, %shift_right_arithmetic3A_1676 : vector<16xi32>
        %and3A_1678 = arith.constant 7 : i32
        %and3A_1679 = vector.broadcast %and3A_1678 : i32 to vector<16xi32>
        %and3A_1680 = arith.andi %add3A_1673, %and3A_1679 : vector<16xi32>
        tpu.vector_store_idx %arg9[%shift_right_arithmetic3A_1677, %and3A_1680, %iota3A], %gather3A_1674 : memref<125x8x16xf32, #tpu.memory_space<vmem>>[vector<16xi32>, vector<16xi32>, vector<16xi32>], vector<16xf32>,
        %add3A_1681 = arith.constant 6 : i32
        %add3A_1682 = vector.broadcast %add3A_1681 : i32 to vector<16xi32>
        %add3A_1683 = arith.addi %add3A_1620, %add3A_1682 : vector<16xi32>
        %gather3A_1684 = tpu.vector_load_idx %arg7[%iota3A, %add3A_1683] : memref<16x1000xf32, #tpu.memory_space<vmem>>[vector<16xi32>, vector<16xi32>], vector<16xf32>,
        %shift_right_arithmetic3A_1685 = arith.constant 3 : i32
        %shift_right_arithmetic3A_1686 = vector.broadcast %shift_right_arithmetic3A_1685 : i32 to vector<16xi32>
        %shift_right_arithmetic3A_1687 = arith.shrsi %add3A_1683, %shift_right_arithmetic3A_1686 : vector<16xi32>
        %and3A_1688 = arith.constant 7 : i32
        %and3A_1689 = vector.broadcast %and3A_1688 : i32 to vector<16xi32>
        %and3A_1690 = arith.andi %add3A_1683, %and3A_1689 : vector<16xi32>
        tpu.vector_store_idx %arg9[%shift_right_arithmetic3A_1687, %and3A_1690, %iota3A], %gather3A_1684 : memref<125x8x16xf32, #tpu.memory_space<vmem>>[vector<16xi32>, vector<16xi32>, vector<16xi32>], vector<16xf32>,
        %add3A_1691 = arith.constant 7 : i32
        %add3A_1692 = vector.broadcast %add3A_1691 : i32 to vector<16xi32>
        %add3A_1693 = arith.addi %add3A_1620, %add3A_1692 : vector<16xi32>
        %gather3A_1694 = tpu.vector_load_idx %arg7[%iota3A, %add3A_1693] : memref<16x1000xf32, #tpu.memory_space<vmem>>[vector<16xi32>, vector<16xi32>], vector<16xf32>,
        %shift_right_arithmetic3A_1695 = arith.constant 3 : i32
        %shift_right_arithmetic3A_1696 = vector.broadcast %shift_right_arithmetic3A_1695 : i32 to vector<16xi32>
        %shift_right_arithmetic3A_1697 = arith.shrsi %add3A_1693, %shift_right_arithmetic3A_1696 : vector<16xi32>
        %and3A_1698 = arith.constant 7 : i32
        %and3A_1699 = vector.broadcast %and3A_1698 : i32 to vector<16xi32>
        %and3A_1700 = arith.andi %add3A_1693, %and3A_1699 : vector<16xi32>
        tpu.vector_store_idx %arg9[%shift_right_arithmetic3A_1697, %and3A_1700, %iota3A], %gather3A_1694 : memref<125x8x16xf32, #tpu.memory_space<vmem>>[vector<16xi32>, vector<16xi32>, vector<16xi32>], vector<16xf32>,
        %scan3A_1701 = arith.constant 2 : i32
        %scan3A_1702 = arith.addi %scan3A_1522, %scan3A_1701 : i32
        %mul3A_1703 = arith.constant 1 : i32
        %mul3A_1704 = arith.muli %scan3A_1702, %mul3A_1703 : i32
        %add3A_1705 = arith.constant 0 : i32
        %add3A_1706 = arith.addi %add3A_1705, %mul3A_1704 : i32
        %mul3A_1707 = arith.constant 8 : i32
        %mul3A_1708 = arith.muli %add3A_1706, %mul3A_1707 : i32
        %broadcast_in_dim3A_1709 = vector.broadcast %mul3A_1708 : i32 to vector<16xi32>
        %add3A_1710 = arith.addi %broadcast_in_dim3A_1709, %iota3A : vector<16xi32>
        %add3A_1711 = arith.constant 0 : i32
        %add3A_1712 = vector.broadcast %add3A_1711 : i32 to vector<16xi32>
        %add3A_1713 = arith.addi %add3A_1710, %add3A_1712 : vector<16xi32>
        %gather3A_1714 = tpu.vector_load_idx %arg7[%iota3A, %add3A_1713] : memref<16x1000xf32, #tpu.memory_space<vmem>>[vector<16xi32>, vector<16xi32>], vector<16xf32>,
        %shift_right_arithmetic3A_1715 = arith.constant 3 : i32
        %shift_right_arithmetic3A_1716 = vector.broadcast %shift_right_arithmetic3A_1715 : i32 to vector<16xi32>
        %shift_right_arithmetic3A_1717 = arith.shrsi %add3A_1713, %shift_right_arithmetic3A_1716 : vector<16xi32>
        %and3A_1718 = arith.constant 7 : i32
        %and3A_1719 = vector.broadcast %and3A_1718 : i32 to vector<16xi32>
        %and3A_1720 = arith.andi %add3A_1713, %and3A_1719 : vector<16xi32>
        tpu.vector_store_idx %arg9[%shift_right_arithmetic3A_1717, %and3A_1720, %iota3A], %gather3A_1714 : memref<125x8x16xf32, #tpu.memory_space<vmem>>[vector<16xi32>, vector<16xi32>, vector<16xi32>], vector<16xf32>,
        %add3A_1721 = arith.constant 1 : i32
        %add3A_1722 = vector.broadcast %add3A_1721 : i32 to vector<16xi32>
        %add3A_1723 = arith.addi %add3A_1710, %add3A_1722 : vector<16xi32>
        %gather3A_1724 = tpu.vector_load_idx %arg7[%iota3A, %add3A_1723] : memref<16x1000xf32, #tpu.memory_space<vmem>>[vector<16xi32>, vector<16xi32>], vector<16xf32>,
        %shift_right_arithmetic3A_1725 = arith.constant 3 : i32
        %shift_right_arithmetic3A_1726 = vector.broadcast %shift_right_arithmetic3A_1725 : i32 to vector<16xi32>
        %shift_right_arithmetic3A_1727 = arith.shrsi %add3A_1723, %shift_right_arithmetic3A_1726 : vector<16xi32>
        %and3A_1728 = arith.constant 7 : i32
        %and3A_1729 = vector.broadcast %and3A_1728 : i32 to vector<16xi32>
        %and3A_1730 = arith.andi %add3A_1723, %and3A_1729 : vector<16xi32>
        tpu.vector_store_idx %arg9[%shift_right_arithmetic3A_1727, %and3A_1730, %iota3A], %gather3A_1724 : memref<125x8x16xf32, #tpu.memory_space<vmem>>[vector<16xi32>, vector<16xi32>, vector<16xi32>], vector<16xf32>,
        %add3A_1731 = arith.constant 2 : i32
        %add3A_1732 = vector.broadcast %add3A_1731 : i32 to vector<16xi32>
        %add3A_1733 = arith.addi %add3A_1710, %add3A_1732 : vector<16xi32>
        %gather3A_1734 = tpu.vector_load_idx %arg7[%iota3A, %add3A_1733] : memref<16x1000xf32, #tpu.memory_space<vmem>>[vector<16xi32>, vector<16xi32>], vector<16xf32>,
        %shift_right_arithmetic3A_1735 = arith.constant 3 : i32
        %shift_right_arithmetic3A_1736 = vector.broadcast %shift_right_arithmetic3A_1735 : i32 to vector<16xi32>
        %shift_right_arithmetic3A_1737 = arith.shrsi %add3A_1733, %shift_right_arithmetic3A_1736 : vector<16xi32>
        %and3A_1738 = arith.constant 7 : i32
        %and3A_1739 = vector.broadcast %and3A_1738 : i32 to vector<16xi32>
        %and3A_1740 = arith.andi %add3A_1733, %and3A_1739 : vector<16xi32>
        tpu.vector_store_idx %arg9[%shift_right_arithmetic3A_1737, %and3A_1740, %iota3A], %gather3A_1734 : memref<125x8x16xf32, #tpu.memory_space<vmem>>[vector<16xi32>, vector<16xi32>, vector<16xi32>], vector<16xf32>,
        %add3A_1741 = arith.constant 3 : i32
        %add3A_1742 = vector.broadcast %add3A_1741 : i32 to vector<16xi32>
        %add3A_1743 = arith.addi %add3A_1710, %add3A_1742 : vector<16xi32>
        %gather3A_1744 = tpu.vector_load_idx %arg7[%iota3A, %add3A_1743] : memref<16x1000xf32, #tpu.memory_space<vmem>>[vector<16xi32>, vector<16xi32>], vector<16xf32>,
        %shift_right_arithmetic3A_1745 = arith.constant 3 : i32
        %shift_right_arithmetic3A_1746 = vector.broadcast %shift_right_arithmetic3A_1745 : i32 to vector<16xi32>
        %shift_right_arithmetic3A_1747 = arith.shrsi %add3A_1743, %shift_right_arithmetic3A_1746 : vector<16xi32>
        %and3A_1748 = arith.constant 7 : i32
        %and3A_1749 = vector.broadcast %and3A_1748 : i32 to vector<16xi32>
        %and3A_1750 = arith.andi %add3A_1743, %and3A_1749 : vector<16xi32>
        tpu.vector_store_idx %arg9[%shift_right_arithmetic3A_1747, %and3A_1750, %iota3A], %gather3A_1744 : memref<125x8x16xf32, #tpu.memory_space<vmem>>[vector<16xi32>, vector<16xi32>, vector<16xi32>], vector<16xf32>,
        %add3A_1751 = arith.constant 4 : i32
        %add3A_1752 = vector.broadcast %add3A_1751 : i32 to vector<16xi32>
        %add3A_1753 = arith.addi %add3A_1710, %add3A_1752 : vector<16xi32>
        %gather3A_1754 = tpu.vector_load_idx %arg7[%iota3A, %add3A_1753] : memref<16x1000xf32, #tpu.memory_space<vmem>>[vector<16xi32>, vector<16xi32>], vector<16xf32>,
        %shift_right_arithmetic3A_1755 = arith.constant 3 : i32
        %shift_right_arithmetic3A_1756 = vector.broadcast %shift_right_arithmetic3A_1755 : i32 to vector<16xi32>
        %shift_right_arithmetic3A_1757 = arith.shrsi %add3A_1753, %shift_right_arithmetic3A_1756 : vector<16xi32>
        %and3A_1758 = arith.constant 7 : i32
        %and3A_1759 = vector.broadcast %and3A_1758 : i32 to vector<16xi32>
        %and3A_1760 = arith.andi %add3A_1753, %and3A_1759 : vector<16xi32>
        tpu.vector_store_idx %arg9[%shift_right_arithmetic3A_1757, %and3A_1760, %iota3A], %gather3A_1754 : memref<125x8x16xf32, #tpu.memory_space<vmem>>[vector<16xi32>, vector<16xi32>, vector<16xi32>], vector<16xf32>,
        %add3A_1761 = arith.constant 5 : i32
        %add3A_1762 = vector.broadcast %add3A_1761 : i32 to vector<16xi32>
        %add3A_1763 = arith.addi %add3A_1710, %add3A_1762 : vector<16xi32>
        %gather3A_1764 = tpu.vector_load_idx %arg7[%iota3A, %add3A_1763] : memref<16x1000xf32, #tpu.memory_space<vmem>>[vector<16xi32>, vector<16xi32>], vector<16xf32>,
        %shift_right_arithmetic3A_1765 = arith.constant 3 : i32
        %shift_right_arithmetic3A_1766 = vector.broadcast %shift_right_arithmetic3A_1765 : i32 to vector<16xi32>
        %shift_right_arithmetic3A_1767 = arith.shrsi %add3A_1763, %shift_right_arithmetic3A_1766 : vector<16xi32>
        %and3A_1768 = arith.constant 7 : i32
        %and3A_1769 = vector.broadcast %and3A_1768 : i32 to vector<16xi32>
        %and3A_1770 = arith.andi %add3A_1763, %and3A_1769 : vector<16xi32>
        tpu.vector_store_idx %arg9[%shift_right_arithmetic3A_1767, %and3A_1770, %iota3A], %gather3A_1764 : memref<125x8x16xf32, #tpu.memory_space<vmem>>[vector<16xi32>, vector<16xi32>, vector<16xi32>], vector<16xf32>,
        %add3A_1771 = arith.constant 6 : i32
        %add3A_1772 = vector.broadcast %add3A_1771 : i32 to vector<16xi32>
        %add3A_1773 = arith.addi %add3A_1710, %add3A_1772 : vector<16xi32>
        %gather3A_1774 = tpu.vector_load_idx %arg7[%iota3A, %add3A_1773] : memref<16x1000xf32, #tpu.memory_space<vmem>>[vector<16xi32>, vector<16xi32>], vector<16xf32>,
        %shift_right_arithmetic3A_1775 = arith.constant 3 : i32
        %shift_right_arithmetic3A_1776 = vector.broadcast %shift_right_arithmetic3A_1775 : i32 to vector<16xi32>
        %shift_right_arithmetic3A_1777 = arith.shrsi %add3A_1773, %shift_right_arithmetic3A_1776 : vector<16xi32>
        %and3A_1778 = arith.constant 7 : i32
        %and3A_1779 = vector.broadcast %and3A_1778 : i32 to vector<16xi32>
        %and3A_1780 = arith.andi %add3A_1773, %and3A_1779 : vector<16xi32>
        tpu.vector_store_idx %arg9[%shift_right_arithmetic3A_1777, %and3A_1780, %iota3A], %gather3A_1774 : memref<125x8x16xf32, #tpu.memory_space<vmem>>[vector<16xi32>, vector<16xi32>, vector<16xi32>], vector<16xf32>,
        %add3A_1781 = arith.constant 7 : i32
        %add3A_1782 = vector.broadcast %add3A_1781 : i32 to vector<16xi32>
        %add3A_1783 = arith.addi %add3A_1710, %add3A_1782 : vector<16xi32>
        %gather3A_1784 = tpu.vector_load_idx %arg7[%iota3A, %add3A_1783] : memref<16x1000xf32, #tpu.memory_space<vmem>>[vector<16xi32>, vector<16xi32>], vector<16xf32>,
        %shift_right_arithmetic3A_1785 = arith.constant 3 : i32
        %shift_right_arithmetic3A_1786 = vector.broadcast %shift_right_arithmetic3A_1785 : i32 to vector<16xi32>
        %shift_right_arithmetic3A_1787 = arith.shrsi %add3A_1783, %shift_right_arithmetic3A_1786 : vector<16xi32>
        %and3A_1788 = arith.constant 7 : i32
        %and3A_1789 = vector.broadcast %and3A_1788 : i32 to vector<16xi32>
        %and3A_1790 = arith.andi %add3A_1783, %and3A_1789 : vector<16xi32>
        tpu.vector_store_idx %arg9[%shift_right_arithmetic3A_1787, %and3A_1790, %iota3A], %gather3A_1784 : memref<125x8x16xf32, #tpu.memory_space<vmem>>[vector<16xi32>, vector<16xi32>, vector<16xi32>], vector<16xf32>,
        %scan3A_1791 = arith.constant 3 : i32
        %scan3A_1792 = arith.addi %scan3A_1522, %scan3A_1791 : i32
        %mul3A_1793 = arith.constant 1 : i32
        %mul3A_1794 = arith.muli %scan3A_1792, %mul3A_1793 : i32
        %add3A_1795 = arith.constant 0 : i32
        %add3A_1796 = arith.addi %add3A_1795, %mul3A_1794 : i32
        %mul3A_1797 = arith.constant 8 : i32
        %mul3A_1798 = arith.muli %add3A_1796, %mul3A_1797 : i32
        %broadcast_in_dim3A_1799 = vector.broadcast %mul3A_1798 : i32 to vector<16xi32>
        %add3A_1800 = arith.addi %broadcast_in_dim3A_1799, %iota3A : vector<16xi32>
        %add3A_1801 = arith.constant 0 : i32
        %add3A_1802 = vector.broadcast %add3A_1801 : i32 to vector<16xi32>
        %add3A_1803 = arith.addi %add3A_1800, %add3A_1802 : vector<16xi32>
        %gather3A_1804 = tpu.vector_load_idx %arg7[%iota3A, %add3A_1803] : memref<16x1000xf32, #tpu.memory_space<vmem>>[vector<16xi32>, vector<16xi32>], vector<16xf32>,
        %shift_right_arithmetic3A_1805 = arith.constant 3 : i32
        %shift_right_arithmetic3A_1806 = vector.broadcast %shift_right_arithmetic3A_1805 : i32 to vector<16xi32>
        %shift_right_arithmetic3A_1807 = arith.shrsi %add3A_1803, %shift_right_arithmetic3A_1806 : vector<16xi32>
        %and3A_1808 = arith.constant 7 : i32
        %and3A_1809 = vector.broadcast %and3A_1808 : i32 to vector<16xi32>
        %and3A_1810 = arith.andi %add3A_1803, %and3A_1809 : vector<16xi32>
        tpu.vector_store_idx %arg9[%shift_right_arithmetic3A_1807, %and3A_1810, %iota3A], %gather3A_1804 : memref<125x8x16xf32, #tpu.memory_space<vmem>>[vector<16xi32>, vector<16xi32>, vector<16xi32>], vector<16xf32>,
        %add3A_1811 = arith.constant 1 : i32
        %add3A_1812 = vector.broadcast %add3A_1811 : i32 to vector<16xi32>
        %add3A_1813 = arith.addi %add3A_1800, %add3A_1812 : vector<16xi32>
        %gather3A_1814 = tpu.vector_load_idx %arg7[%iota3A, %add3A_1813] : memref<16x1000xf32, #tpu.memory_space<vmem>>[vector<16xi32>, vector<16xi32>], vector<16xf32>,
        %shift_right_arithmetic3A_1815 = arith.constant 3 : i32
        %shift_right_arithmetic3A_1816 = vector.broadcast %shift_right_arithmetic3A_1815 : i32 to vector<16xi32>
        %shift_right_arithmetic3A_1817 = arith.shrsi %add3A_1813, %shift_right_arithmetic3A_1816 : vector<16xi32>
        %and3A_1818 = arith.constant 7 : i32
        %and3A_1819 = vector.broadcast %and3A_1818 : i32 to vector<16xi32>
        %and3A_1820 = arith.andi %add3A_1813, %and3A_1819 : vector<16xi32>
        tpu.vector_store_idx %arg9[%shift_right_arithmetic3A_1817, %and3A_1820, %iota3A], %gather3A_1814 : memref<125x8x16xf32, #tpu.memory_space<vmem>>[vector<16xi32>, vector<16xi32>, vector<16xi32>], vector<16xf32>,
        %add3A_1821 = arith.constant 2 : i32
        %add3A_1822 = vector.broadcast %add3A_1821 : i32 to vector<16xi32>
        %add3A_1823 = arith.addi %add3A_1800, %add3A_1822 : vector<16xi32>
        %gather3A_1824 = tpu.vector_load_idx %arg7[%iota3A, %add3A_1823] : memref<16x1000xf32, #tpu.memory_space<vmem>>[vector<16xi32>, vector<16xi32>], vector<16xf32>,
        %shift_right_arithmetic3A_1825 = arith.constant 3 : i32
        %shift_right_arithmetic3A_1826 = vector.broadcast %shift_right_arithmetic3A_1825 : i32 to vector<16xi32>
        %shift_right_arithmetic3A_1827 = arith.shrsi %add3A_1823, %shift_right_arithmetic3A_1826 : vector<16xi32>
        %and3A_1828 = arith.constant 7 : i32
        %and3A_1829 = vector.broadcast %and3A_1828 : i32 to vector<16xi32>
        %and3A_1830 = arith.andi %add3A_1823, %and3A_1829 : vector<16xi32>
        tpu.vector_store_idx %arg9[%shift_right_arithmetic3A_1827, %and3A_1830, %iota3A], %gather3A_1824 : memref<125x8x16xf32, #tpu.memory_space<vmem>>[vector<16xi32>, vector<16xi32>, vector<16xi32>], vector<16xf32>,
        %add3A_1831 = arith.constant 3 : i32
        %add3A_1832 = vector.broadcast %add3A_1831 : i32 to vector<16xi32>
        %add3A_1833 = arith.addi %add3A_1800, %add3A_1832 : vector<16xi32>
        %gather3A_1834 = tpu.vector_load_idx %arg7[%iota3A, %add3A_1833] : memref<16x1000xf32, #tpu.memory_space<vmem>>[vector<16xi32>, vector<16xi32>], vector<16xf32>,
        %shift_right_arithmetic3A_1835 = arith.constant 3 : i32
        %shift_right_arithmetic3A_1836 = vector.broadcast %shift_right_arithmetic3A_1835 : i32 to vector<16xi32>
        %shift_right_arithmetic3A_1837 = arith.shrsi %add3A_1833, %shift_right_arithmetic3A_1836 : vector<16xi32>
        %and3A_1838 = arith.constant 7 : i32
        %and3A_1839 = vector.broadcast %and3A_1838 : i32 to vector<16xi32>
        %and3A_1840 = arith.andi %add3A_1833, %and3A_1839 : vector<16xi32>
        tpu.vector_store_idx %arg9[%shift_right_arithmetic3A_1837, %and3A_1840, %iota3A], %gather3A_1834 : memref<125x8x16xf32, #tpu.memory_space<vmem>>[vector<16xi32>, vector<16xi32>, vector<16xi32>], vector<16xf32>,
        %add3A_1841 = arith.constant 4 : i32
        %add3A_1842 = vector.broadcast %add3A_1841 : i32 to vector<16xi32>
        %add3A_1843 = arith.addi %add3A_1800, %add3A_1842 : vector<16xi32>
        %gather3A_1844 = tpu.vector_load_idx %arg7[%iota3A, %add3A_1843] : memref<16x1000xf32, #tpu.memory_space<vmem>>[vector<16xi32>, vector<16xi32>], vector<16xf32>,
        %shift_right_arithmetic3A_1845 = arith.constant 3 : i32
        %shift_right_arithmetic3A_1846 = vector.broadcast %shift_right_arithmetic3A_1845 : i32 to vector<16xi32>
        %shift_right_arithmetic3A_1847 = arith.shrsi %add3A_1843, %shift_right_arithmetic3A_1846 : vector<16xi32>
        %and3A_1848 = arith.constant 7 : i32
        %and3A_1849 = vector.broadcast %and3A_1848 : i32 to vector<16xi32>
        %and3A_1850 = arith.andi %add3A_1843, %and3A_1849 : vector<16xi32>
        tpu.vector_store_idx %arg9[%shift_right_arithmetic3A_1847, %and3A_1850, %iota3A], %gather3A_1844 : memref<125x8x16xf32, #tpu.memory_space<vmem>>[vector<16xi32>, vector<16xi32>, vector<16xi32>], vector<16xf32>,
        %add3A_1851 = arith.constant 5 : i32
        %add3A_1852 = vector.broadcast %add3A_1851 : i32 to vector<16xi32>
        %add3A_1853 = arith.addi %add3A_1800, %add3A_1852 : vector<16xi32>
        %gather3A_1854 = tpu.vector_load_idx %arg7[%iota3A, %add3A_1853] : memref<16x1000xf32, #tpu.memory_space<vmem>>[vector<16xi32>, vector<16xi32>], vector<16xf32>,
        %shift_right_arithmetic3A_1855 = arith.constant 3 : i32
        %shift_right_arithmetic3A_1856 = vector.broadcast %shift_right_arithmetic3A_1855 : i32 to vector<16xi32>
        %shift_right_arithmetic3A_1857 = arith.shrsi %add3A_1853, %shift_right_arithmetic3A_1856 : vector<16xi32>
        %and3A_1858 = arith.constant 7 : i32
        %and3A_1859 = vector.broadcast %and3A_1858 : i32 to vector<16xi32>
        %and3A_1860 = arith.andi %add3A_1853, %and3A_1859 : vector<16xi32>
        tpu.vector_store_idx %arg9[%shift_right_arithmetic3A_1857, %and3A_1860, %iota3A], %gather3A_1854 : memref<125x8x16xf32, #tpu.memory_space<vmem>>[vector<16xi32>, vector<16xi32>, vector<16xi32>], vector<16xf32>,
        %add3A_1861 = arith.constant 6 : i32
        %add3A_1862 = vector.broadcast %add3A_1861 : i32 to vector<16xi32>
        %add3A_1863 = arith.addi %add3A_1800, %add3A_1862 : vector<16xi32>
        %gather3A_1864 = tpu.vector_load_idx %arg7[%iota3A, %add3A_1863] : memref<16x1000xf32, #tpu.memory_space<vmem>>[vector<16xi32>, vector<16xi32>], vector<16xf32>,
        %shift_right_arithmetic3A_1865 = arith.constant 3 : i32
        %shift_right_arithmetic3A_1866 = vector.broadcast %shift_right_arithmetic3A_1865 : i32 to vector<16xi32>
        %shift_right_arithmetic3A_1867 = arith.shrsi %add3A_1863, %shift_right_arithmetic3A_1866 : vector<16xi32>
        %and3A_1868 = arith.constant 7 : i32
        %and3A_1869 = vector.broadcast %and3A_1868 : i32 to vector<16xi32>
        %and3A_1870 = arith.andi %add3A_1863, %and3A_1869 : vector<16xi32>
        tpu.vector_store_idx %arg9[%shift_right_arithmetic3A_1867, %and3A_1870, %iota3A], %gather3A_1864 : memref<125x8x16xf32, #tpu.memory_space<vmem>>[vector<16xi32>, vector<16xi32>, vector<16xi32>], vector<16xf32>,
        %add3A_1871 = arith.constant 7 : i32
        %add3A_1872 = vector.broadcast %add3A_1871 : i32 to vector<16xi32>
        %add3A_1873 = arith.addi %add3A_1800, %add3A_1872 : vector<16xi32>
        %gather3A_1874 = tpu.vector_load_idx %arg7[%iota3A, %add3A_1873] : memref<16x1000xf32, #tpu.memory_space<vmem>>[vector<16xi32>, vector<16xi32>], vector<16xf32>,
        %shift_right_arithmetic3A_1875 = arith.constant 3 : i32
        %shift_right_arithmetic3A_1876 = vector.broadcast %shift_right_arithmetic3A_1875 : i32 to vector<16xi32>
        %shift_right_arithmetic3A_1877 = arith.shrsi %add3A_1873, %shift_right_arithmetic3A_1876 : vector<16xi32>
        %and3A_1878 = arith.constant 7 : i32
        %and3A_1879 = vector.broadcast %and3A_1878 : i32 to vector<16xi32>
        %and3A_1880 = arith.andi %add3A_1873, %and3A_1879 : vector<16xi32>
        tpu.vector_store_idx %arg9[%shift_right_arithmetic3A_1877, %and3A_1880, %iota3A], %gather3A_1874 : memref<125x8x16xf32, #tpu.memory_space<vmem>>[vector<16xi32>, vector<16xi32>, vector<16xi32>], vector<16xf32>,
      }
      %scan3A_877 = arith.constant 120 : i32
      %scan3A_878 = arith.addi %scan3A_873, %scan3A_877 : i32
      %mul3A_879 = arith.constant 1 : i32
      %mul3A_880 = arith.muli %scan3A_878, %mul3A_879 : i32
      %add3A_881 = arith.constant 0 : i32
      %add3A_882 = arith.addi %add3A_881, %mul3A_880 : i32
      %mul3A_883 = arith.constant 8 : i32
      %mul3A_884 = arith.muli %add3A_882, %mul3A_883 : i32
      %broadcast_in_dim3A_885 = vector.broadcast %mul3A_884 : i32 to vector<16xi32>
      %add3A_886 = arith.addi %broadcast_in_dim3A_885, %iota3A : vector<16xi32>
      %add3A_887 = arith.constant 0 : i32
      %add3A_888 = vector.broadcast %add3A_887 : i32 to vector<16xi32>
      %add3A_889 = arith.addi %add3A_886, %add3A_888 : vector<16xi32>
      %gather3A_890 = tpu.vector_load_idx %arg7[%iota3A, %add3A_889] : memref<16x1000xf32, #tpu.memory_space<vmem>>[vector<16xi32>, vector<16xi32>], vector<16xf32>,
      %shift_right_arithmetic3A_891 = arith.constant 3 : i32
      %shift_right_arithmetic3A_892 = vector.broadcast %shift_right_arithmetic3A_891 : i32 to vector<16xi32>
      %shift_right_arithmetic3A_893 = arith.shrsi %add3A_889, %shift_right_arithmetic3A_892 : vector<16xi32>
      %and3A_894 = arith.constant 7 : i32
      %and3A_895 = vector.broadcast %and3A_894 : i32 to vector<16xi32>
      %and3A_896 = arith.andi %add3A_889, %and3A_895 : vector<16xi32>
      tpu.vector_store_idx %arg9[%shift_right_arithmetic3A_893, %and3A_896, %iota3A], %gather3A_890 : memref<125x8x16xf32, #tpu.memory_space<vmem>>[vector<16xi32>, vector<16xi32>, vector<16xi32>], vector<16xf32>,
      %add3A_897 = arith.constant 1 : i32
      %add3A_898 = vector.broadcast %add3A_897 : i32 to vector<16xi32>
      %add3A_899 = arith.addi %add3A_886, %add3A_898 : vector<16xi32>
      %gather3A_900 = tpu.vector_load_idx %arg7[%iota3A, %add3A_899] : memref<16x1000xf32, #tpu.memory_space<vmem>>[vector<16xi32>, vector<16xi32>], vector<16xf32>,
      %shift_right_arithmetic3A_901 = arith.constant 3 : i32
      %shift_right_arithmetic3A_902 = vector.broadcast %shift_right_arithmetic3A_901 : i32 to vector<16xi32>
      %shift_right_arithmetic3A_903 = arith.shrsi %add3A_899, %shift_right_arithmetic3A_902 : vector<16xi32>
      %and3A_904 = arith.constant 7 : i32
      %and3A_905 = vector.broadcast %and3A_904 : i32 to vector<16xi32>
      %and3A_906 = arith.andi %add3A_899, %and3A_905 : vector<16xi32>
      tpu.vector_store_idx %arg9[%shift_right_arithmetic3A_903, %and3A_906, %iota3A], %gather3A_900 : memref<125x8x16xf32, #tpu.memory_space<vmem>>[vector<16xi32>, vector<16xi32>, vector<16xi32>], vector<16xf32>,
      %add3A_907 = arith.constant 2 : i32
      %add3A_908 = vector.broadcast %add3A_907 : i32 to vector<16xi32>
      %add3A_909 = arith.addi %add3A_886, %add3A_908 : vector<16xi32>
      %gather3A_910 = tpu.vector_load_idx %arg7[%iota3A, %add3A_909] : memref<16x1000xf32, #tpu.memory_space<vmem>>[vector<16xi32>, vector<16xi32>], vector<16xf32>,
      %shift_right_arithmetic3A_911 = arith.constant 3 : i32
      %shift_right_arithmetic3A_912 = vector.broadcast %shift_right_arithmetic3A_911 : i32 to vector<16xi32>
      %shift_right_arithmetic3A_913 = arith.shrsi %add3A_909, %shift_right_arithmetic3A_912 : vector<16xi32>
      %and3A_914 = arith.constant 7 : i32
      %and3A_915 = vector.broadcast %and3A_914 : i32 to vector<16xi32>
      %and3A_916 = arith.andi %add3A_909, %and3A_915 : vector<16xi32>
      tpu.vector_store_idx %arg9[%shift_right_arithmetic3A_913, %and3A_916, %iota3A], %gather3A_910 : memref<125x8x16xf32, #tpu.memory_space<vmem>>[vector<16xi32>, vector<16xi32>, vector<16xi32>], vector<16xf32>,
      %add3A_917 = arith.constant 3 : i32
      %add3A_918 = vector.broadcast %add3A_917 : i32 to vector<16xi32>
      %add3A_919 = arith.addi %add3A_886, %add3A_918 : vector<16xi32>
      %gather3A_920 = tpu.vector_load_idx %arg7[%iota3A, %add3A_919] : memref<16x1000xf32, #tpu.memory_space<vmem>>[vector<16xi32>, vector<16xi32>], vector<16xf32>,
      %shift_right_arithmetic3A_921 = arith.constant 3 : i32
      %shift_right_arithmetic3A_922 = vector.broadcast %shift_right_arithmetic3A_921 : i32 to vector<16xi32>
      %shift_right_arithmetic3A_923 = arith.shrsi %add3A_919, %shift_right_arithmetic3A_922 : vector<16xi32>
      %and3A_924 = arith.constant 7 : i32
      %and3A_925 = vector.broadcast %and3A_924 : i32 to vector<16xi32>
      %and3A_926 = arith.andi %add3A_919, %and3A_925 : vector<16xi32>
      tpu.vector_store_idx %arg9[%shift_right_arithmetic3A_923, %and3A_926, %iota3A], %gather3A_920 : memref<125x8x16xf32, #tpu.memory_space<vmem>>[vector<16xi32>, vector<16xi32>, vector<16xi32>], vector<16xf32>,
      %add3A_927 = arith.constant 4 : i32
      %add3A_928 = vector.broadcast %add3A_927 : i32 to vector<16xi32>
      %add3A_929 = arith.addi %add3A_886, %add3A_928 : vector<16xi32>
      %gather3A_930 = tpu.vector_load_idx %arg7[%iota3A, %add3A_929] : memref<16x1000xf32, #tpu.memory_space<vmem>>[vector<16xi32>, vector<16xi32>], vector<16xf32>,
      %shift_right_arithmetic3A_931 = arith.constant 3 : i32
      %shift_right_arithmetic3A_932 = vector.broadcast %shift_right_arithmetic3A_931 : i32 to vector<16xi32>
      %shift_right_arithmetic3A_933 = arith.shrsi %add3A_929, %shift_right_arithmetic3A_932 : vector<16xi32>
      %and3A_934 = arith.constant 7 : i32
      %and3A_935 = vector.broadcast %and3A_934 : i32 to vector<16xi32>
      %and3A_936 = arith.andi %add3A_929, %and3A_935 : vector<16xi32>
      tpu.vector_store_idx %arg9[%shift_right_arithmetic3A_933, %and3A_936, %iota3A], %gather3A_930 : memref<125x8x16xf32, #tpu.memory_space<vmem>>[vector<16xi32>, vector<16xi32>, vector<16xi32>], vector<16xf32>,
      %add3A_937 = arith.constant 5 : i32
      %add3A_938 = vector.broadcast %add3A_937 : i32 to vector<16xi32>
      %add3A_939 = arith.addi %add3A_886, %add3A_938 : vector<16xi32>
      %gather3A_940 = tpu.vector_load_idx %arg7[%iota3A, %add3A_939] : memref<16x1000xf32, #tpu.memory_space<vmem>>[vector<16xi32>, vector<16xi32>], vector<16xf32>,
      %shift_right_arithmetic3A_941 = arith.constant 3 : i32
      %shift_right_arithmetic3A_942 = vector.broadcast %shift_right_arithmetic3A_941 : i32 to vector<16xi32>
      %shift_right_arithmetic3A_943 = arith.shrsi %add3A_939, %shift_right_arithmetic3A_942 : vector<16xi32>
      %and3A_944 = arith.constant 7 : i32
      %and3A_945 = vector.broadcast %and3A_944 : i32 to vector<16xi32>
      %and3A_946 = arith.andi %add3A_939, %and3A_945 : vector<16xi32>
      tpu.vector_store_idx %arg9[%shift_right_arithmetic3A_943, %and3A_946, %iota3A], %gather3A_940 : memref<125x8x16xf32, #tpu.memory_space<vmem>>[vector<16xi32>, vector<16xi32>, vector<16xi32>], vector<16xf32>,
      %add3A_947 = arith.constant 6 : i32
      %add3A_948 = vector.broadcast %add3A_947 : i32 to vector<16xi32>
      %add3A_949 = arith.addi %add3A_886, %add3A_948 : vector<16xi32>
      %gather3A_950 = tpu.vector_load_idx %arg7[%iota3A, %add3A_949] : memref<16x1000xf32, #tpu.memory_space<vmem>>[vector<16xi32>, vector<16xi32>], vector<16xf32>,
      %shift_right_arithmetic3A_951 = arith.constant 3 : i32
      %shift_right_arithmetic3A_952 = vector.broadcast %shift_right_arithmetic3A_951 : i32 to vector<16xi32>
      %shift_right_arithmetic3A_953 = arith.shrsi %add3A_949, %shift_right_arithmetic3A_952 : vector<16xi32>
      %and3A_954 = arith.constant 7 : i32
      %and3A_955 = vector.broadcast %and3A_954 : i32 to vector<16xi32>
      %and3A_956 = arith.andi %add3A_949, %and3A_955 : vector<16xi32>
      tpu.vector_store_idx %arg9[%shift_right_arithmetic3A_953, %and3A_956, %iota3A], %gather3A_950 : memref<125x8x16xf32, #tpu.memory_space<vmem>>[vector<16xi32>, vector<16xi32>, vector<16xi32>], vector<16xf32>,
      %add3A_957 = arith.constant 7 : i32
      %add3A_958 = vector.broadcast %add3A_957 : i32 to vector<16xi32>
      %add3A_959 = arith.addi %add3A_886, %add3A_958 : vector<16xi32>
      %gather3A_960 = tpu.vector_load_idx %arg7[%iota3A, %add3A_959] : memref<16x1000xf32, #tpu.memory_space<vmem>>[vector<16xi32>, vector<16xi32>], vector<16xf32>,
      %shift_right_arithmetic3A_961 = arith.constant 3 : i32
      %shift_right_arithmetic3A_962 = vector.broadcast %shift_right_arithmetic3A_961 : i32 to vector<16xi32>
      %shift_right_arithmetic3A_963 = arith.shrsi %add3A_959, %shift_right_arithmetic3A_962 : vector<16xi32>
      %and3A_964 = arith.constant 7 : i32
      %and3A_965 = vector.broadcast %and3A_964 : i32 to vector<16xi32>
      %and3A_966 = arith.andi %add3A_959, %and3A_965 : vector<16xi32>
      tpu.vector_store_idx %arg9[%shift_right_arithmetic3A_963, %and3A_966, %iota3A], %gather3A_960 : memref<125x8x16xf32, #tpu.memory_space<vmem>>[vector<16xi32>, vector<16xi32>, vector<16xi32>], vector<16xf32>,
      %scan3A_967 = arith.constant 121 : i32
      %scan3A_968 = arith.addi %scan3A_873, %scan3A_967 : i32
      %mul3A_969 = arith.constant 1 : i32
      %mul3A_970 = arith.muli %scan3A_968, %mul3A_969 : i32
      %add3A_971 = arith.constant 0 : i32
      %add3A_972 = arith.addi %add3A_971, %mul3A_970 : i32
      %mul3A_973 = arith.constant 8 : i32
      %mul3A_974 = arith.muli %add3A_972, %mul3A_973 : i32
      %broadcast_in_dim3A_975 = vector.broadcast %mul3A_974 : i32 to vector<16xi32>
      %add3A_976 = arith.addi %broadcast_in_dim3A_975, %iota3A : vector<16xi32>
      %add3A_977 = arith.constant 0 : i32
      %add3A_978 = vector.broadcast %add3A_977 : i32 to vector<16xi32>
      %add3A_979 = arith.addi %add3A_976, %add3A_978 : vector<16xi32>
      %gather3A_980 = tpu.vector_load_idx %arg7[%iota3A, %add3A_979] : memref<16x1000xf32, #tpu.memory_space<vmem>>[vector<16xi32>, vector<16xi32>], vector<16xf32>,
      %shift_right_arithmetic3A_981 = arith.constant 3 : i32
      %shift_right_arithmetic3A_982 = vector.broadcast %shift_right_arithmetic3A_981 : i32 to vector<16xi32>
      %shift_right_arithmetic3A_983 = arith.shrsi %add3A_979, %shift_right_arithmetic3A_982 : vector<16xi32>
      %and3A_984 = arith.constant 7 : i32
      %and3A_985 = vector.broadcast %and3A_984 : i32 to vector<16xi32>
      %and3A_986 = arith.andi %add3A_979, %and3A_985 : vector<16xi32>
      tpu.vector_store_idx %arg9[%shift_right_arithmetic3A_983, %and3A_986, %iota3A], %gather3A_980 : memref<125x8x16xf32, #tpu.memory_space<vmem>>[vector<16xi32>, vector<16xi32>, vector<16xi32>], vector<16xf32>,
      %add3A_987 = arith.constant 1 : i32
      %add3A_988 = vector.broadcast %add3A_987 : i32 to vector<16xi32>
      %add3A_989 = arith.addi %add3A_976, %add3A_988 : vector<16xi32>
      %gather3A_990 = tpu.vector_load_idx %arg7[%iota3A, %add3A_989] : memref<16x1000xf32, #tpu.memory_space<vmem>>[vector<16xi32>, vector<16xi32>], vector<16xf32>,
      %shift_right_arithmetic3A_991 = arith.constant 3 : i32
      %shift_right_arithmetic3A_992 = vector.broadcast %shift_right_arithmetic3A_991 : i32 to vector<16xi32>
      %shift_right_arithmetic3A_993 = arith.shrsi %add3A_989, %shift_right_arithmetic3A_992 : vector<16xi32>
      %and3A_994 = arith.constant 7 : i32
      %and3A_995 = vector.broadcast %and3A_994 : i32 to vector<16xi32>
      %and3A_996 = arith.andi %add3A_989, %and3A_995 : vector<16xi32>
      tpu.vector_store_idx %arg9[%shift_right_arithmetic3A_993, %and3A_996, %iota3A], %gather3A_990 : memref<125x8x16xf32, #tpu.memory_space<vmem>>[vector<16xi32>, vector<16xi32>, vector<16xi32>], vector<16xf32>,
      %add3A_997 = arith.constant 2 : i32
      %add3A_998 = vector.broadcast %add3A_997 : i32 to vector<16xi32>
      %add3A_999 = arith.addi %add3A_976, %add3A_998 : vector<16xi32>
      %gather3A_1000 = tpu.vector_load_idx %arg7[%iota3A, %add3A_999] : memref<16x1000xf32, #tpu.memory_space<vmem>>[vector<16xi32>, vector<16xi32>], vector<16xf32>,
      %shift_right_arithmetic3A_1001 = arith.constant 3 : i32
      %shift_right_arithmetic3A_1002 = vector.broadcast %shift_right_arithmetic3A_1001 : i32 to vector<16xi32>
      %shift_right_arithmetic3A_1003 = arith.shrsi %add3A_999, %shift_right_arithmetic3A_1002 : vector<16xi32>
      %and3A_1004 = arith.constant 7 : i32
      %and3A_1005 = vector.broadcast %and3A_1004 : i32 to vector<16xi32>
      %and3A_1006 = arith.andi %add3A_999, %and3A_1005 : vector<16xi32>
      tpu.vector_store_idx %arg9[%shift_right_arithmetic3A_1003, %and3A_1006, %iota3A], %gather3A_1000 : memref<125x8x16xf32, #tpu.memory_space<vmem>>[vector<16xi32>, vector<16xi32>, vector<16xi32>], vector<16xf32>,
      %add3A_1007 = arith.constant 3 : i32
      %add3A_1008 = vector.broadcast %add3A_1007 : i32 to vector<16xi32>
      %add3A_1009 = arith.addi %add3A_976, %add3A_1008 : vector<16xi32>
      %gather3A_1010 = tpu.vector_load_idx %arg7[%iota3A, %add3A_1009] : memref<16x1000xf32, #tpu.memory_space<vmem>>[vector<16xi32>, vector<16xi32>], vector<16xf32>,
      %shift_right_arithmetic3A_1011 = arith.constant 3 : i32
      %shift_right_arithmetic3A_1012 = vector.broadcast %shift_right_arithmetic3A_1011 : i32 to vector<16xi32>
      %shift_right_arithmetic3A_1013 = arith.shrsi %add3A_1009, %shift_right_arithmetic3A_1012 : vector<16xi32>
      %and3A_1014 = arith.constant 7 : i32
      %and3A_1015 = vector.broadcast %and3A_1014 : i32 to vector<16xi32>
      %and3A_1016 = arith.andi %add3A_1009, %and3A_1015 : vector<16xi32>
      tpu.vector_store_idx %arg9[%shift_right_arithmetic3A_1013, %and3A_1016, %iota3A], %gather3A_1010 : memref<125x8x16xf32, #tpu.memory_space<vmem>>[vector<16xi32>, vector<16xi32>, vector<16xi32>], vector<16xf32>,
      %add3A_1017 = arith.constant 4 : i32
      %add3A_1018 = vector.broadcast %add3A_1017 : i32 to vector<16xi32>
      %add3A_1019 = arith.addi %add3A_976, %add3A_1018 : vector<16xi32>
      %gather3A_1020 = tpu.vector_load_idx %arg7[%iota3A, %add3A_1019] : memref<16x1000xf32, #tpu.memory_space<vmem>>[vector<16xi32>, vector<16xi32>], vector<16xf32>,
      %shift_right_arithmetic3A_1021 = arith.constant 3 : i32
      %shift_right_arithmetic3A_1022 = vector.broadcast %shift_right_arithmetic3A_1021 : i32 to vector<16xi32>
      %shift_right_arithmetic3A_1023 = arith.shrsi %add3A_1019, %shift_right_arithmetic3A_1022 : vector<16xi32>
      %and3A_1024 = arith.constant 7 : i32
      %and3A_1025 = vector.broadcast %and3A_1024 : i32 to vector<16xi32>
      %and3A_1026 = arith.andi %add3A_1019, %and3A_1025 : vector<16xi32>
      tpu.vector_store_idx %arg9[%shift_right_arithmetic3A_1023, %and3A_1026, %iota3A], %gather3A_1020 : memref<125x8x16xf32, #tpu.memory_space<vmem>>[vector<16xi32>, vector<16xi32>, vector<16xi32>], vector<16xf32>,
      %add3A_1027 = arith.constant 5 : i32
      %add3A_1028 = vector.broadcast %add3A_1027 : i32 to vector<16xi32>
      %add3A_1029 = arith.addi %add3A_976, %add3A_1028 : vector<16xi32>
      %gather3A_1030 = tpu.vector_load_idx %arg7[%iota3A, %add3A_1029] : memref<16x1000xf32, #tpu.memory_space<vmem>>[vector<16xi32>, vector<16xi32>], vector<16xf32>,
      %shift_right_arithmetic3A_1031 = arith.constant 3 : i32
      %shift_right_arithmetic3A_1032 = vector.broadcast %shift_right_arithmetic3A_1031 : i32 to vector<16xi32>
      %shift_right_arithmetic3A_1033 = arith.shrsi %add3A_1029, %shift_right_arithmetic3A_1032 : vector<16xi32>
      %and3A_1034 = arith.constant 7 : i32
      %and3A_1035 = vector.broadcast %and3A_1034 : i32 to vector<16xi32>
      %and3A_1036 = arith.andi %add3A_1029, %and3A_1035 : vector<16xi32>
      tpu.vector_store_idx %arg9[%shift_right_arithmetic3A_1033, %and3A_1036, %iota3A], %gather3A_1030 : memref<125x8x16xf32, #tpu.memory_space<vmem>>[vector<16xi32>, vector<16xi32>, vector<16xi32>], vector<16xf32>,
      %add3A_1037 = arith.constant 6 : i32
      %add3A_1038 = vector.broadcast %add3A_1037 : i32 to vector<16xi32>
      %add3A_1039 = arith.addi %add3A_976, %add3A_1038 : vector<16xi32>
      %gather3A_1040 = tpu.vector_load_idx %arg7[%iota3A, %add3A_1039] : memref<16x1000xf32, #tpu.memory_space<vmem>>[vector<16xi32>, vector<16xi32>], vector<16xf32>,
      %shift_right_arithmetic3A_1041 = arith.constant 3 : i32
      %shift_right_arithmetic3A_1042 = vector.broadcast %shift_right_arithmetic3A_1041 : i32 to vector<16xi32>
      %shift_right_arithmetic3A_1043 = arith.shrsi %add3A_1039, %shift_right_arithmetic3A_1042 : vector<16xi32>
      %and3A_1044 = arith.constant 7 : i32
      %and3A_1045 = vector.broadcast %and3A_1044 : i32 to vector<16xi32>
      %and3A_1046 = arith.andi %add3A_1039, %and3A_1045 : vector<16xi32>
      tpu.vector_store_idx %arg9[%shift_right_arithmetic3A_1043, %and3A_1046, %iota3A], %gather3A_1040 : memref<125x8x16xf32, #tpu.memory_space<vmem>>[vector<16xi32>, vector<16xi32>, vector<16xi32>], vector<16xf32>,
      %add3A_1047 = arith.constant 7 : i32
      %add3A_1048 = vector.broadcast %add3A_1047 : i32 to vector<16xi32>
      %add3A_1049 = arith.addi %add3A_976, %add3A_1048 : vector<16xi32>
      %gather3A_1050 = tpu.vector_load_idx %arg7[%iota3A, %add3A_1049] : memref<16x1000xf32, #tpu.memory_space<vmem>>[vector<16xi32>, vector<16xi32>], vector<16xf32>,
      %shift_right_arithmetic3A_1051 = arith.constant 3 : i32
      %shift_right_arithmetic3A_1052 = vector.broadcast %shift_right_arithmetic3A_1051 : i32 to vector<16xi32>
      %shift_right_arithmetic3A_1053 = arith.shrsi %add3A_1049, %shift_right_arithmetic3A_1052 : vector<16xi32>
      %and3A_1054 = arith.constant 7 : i32
      %and3A_1055 = vector.broadcast %and3A_1054 : i32 to vector<16xi32>
      %and3A_1056 = arith.andi %add3A_1049, %and3A_1055 : vector<16xi32>
      tpu.vector_store_idx %arg9[%shift_right_arithmetic3A_1053, %and3A_1056, %iota3A], %gather3A_1050 : memref<125x8x16xf32, #tpu.memory_space<vmem>>[vector<16xi32>, vector<16xi32>, vector<16xi32>], vector<16xf32>,
      %scan3A_1057 = arith.constant 122 : i32
      %scan3A_1058 = arith.addi %scan3A_873, %scan3A_1057 : i32
      %mul3A_1059 = arith.constant 1 : i32
      %mul3A_1060 = arith.muli %scan3A_1058, %mul3A_1059 : i32
      %add3A_1061 = arith.constant 0 : i32
      %add3A_1062 = arith.addi %add3A_1061, %mul3A_1060 : i32
      %mul3A_1063 = arith.constant 8 : i32
      %mul3A_1064 = arith.muli %add3A_1062, %mul3A_1063 : i32
      %broadcast_in_dim3A_1065 = vector.broadcast %mul3A_1064 : i32 to vector<16xi32>
      %add3A_1066 = arith.addi %broadcast_in_dim3A_1065, %iota3A : vector<16xi32>
      %add3A_1067 = arith.constant 0 : i32
      %add3A_1068 = vector.broadcast %add3A_1067 : i32 to vector<16xi32>
      %add3A_1069 = arith.addi %add3A_1066, %add3A_1068 : vector<16xi32>
      %gather3A_1070 = tpu.vector_load_idx %arg7[%iota3A, %add3A_1069] : memref<16x1000xf32, #tpu.memory_space<vmem>>[vector<16xi32>, vector<16xi32>], vector<16xf32>,
      %shift_right_arithmetic3A_1071 = arith.constant 3 : i32
      %shift_right_arithmetic3A_1072 = vector.broadcast %shift_right_arithmetic3A_1071 : i32 to vector<16xi32>
      %shift_right_arithmetic3A_1073 = arith.shrsi %add3A_1069, %shift_right_arithmetic3A_1072 : vector<16xi32>
      %and3A_1074 = arith.constant 7 : i32
      %and3A_1075 = vector.broadcast %and3A_1074 : i32 to vector<16xi32>
      %and3A_1076 = arith.andi %add3A_1069, %and3A_1075 : vector<16xi32>
      tpu.vector_store_idx %arg9[%shift_right_arithmetic3A_1073, %and3A_1076, %iota3A], %gather3A_1070 : memref<125x8x16xf32, #tpu.memory_space<vmem>>[vector<16xi32>, vector<16xi32>, vector<16xi32>], vector<16xf32>,
      %add3A_1077 = arith.constant 1 : i32
      %add3A_1078 = vector.broadcast %add3A_1077 : i32 to vector<16xi32>
      %add3A_1079 = arith.addi %add3A_1066, %add3A_1078 : vector<16xi32>
      %gather3A_1080 = tpu.vector_load_idx %arg7[%iota3A, %add3A_1079] : memref<16x1000xf32, #tpu.memory_space<vmem>>[vector<16xi32>, vector<16xi32>], vector<16xf32>,
      %shift_right_arithmetic3A_1081 = arith.constant 3 : i32
      %shift_right_arithmetic3A_1082 = vector.broadcast %shift_right_arithmetic3A_1081 : i32 to vector<16xi32>
      %shift_right_arithmetic3A_1083 = arith.shrsi %add3A_1079, %shift_right_arithmetic3A_1082 : vector<16xi32>
      %and3A_1084 = arith.constant 7 : i32
      %and3A_1085 = vector.broadcast %and3A_1084 : i32 to vector<16xi32>
      %and3A_1086 = arith.andi %add3A_1079, %and3A_1085 : vector<16xi32>
      tpu.vector_store_idx %arg9[%shift_right_arithmetic3A_1083, %and3A_1086, %iota3A], %gather3A_1080 : memref<125x8x16xf32, #tpu.memory_space<vmem>>[vector<16xi32>, vector<16xi32>, vector<16xi32>], vector<16xf32>,
      %add3A_1087 = arith.constant 2 : i32
      %add3A_1088 = vector.broadcast %add3A_1087 : i32 to vector<16xi32>
      %add3A_1089 = arith.addi %add3A_1066, %add3A_1088 : vector<16xi32>
      %gather3A_1090 = tpu.vector_load_idx %arg7[%iota3A, %add3A_1089] : memref<16x1000xf32, #tpu.memory_space<vmem>>[vector<16xi32>, vector<16xi32>], vector<16xf32>,
      %shift_right_arithmetic3A_1091 = arith.constant 3 : i32
      %shift_right_arithmetic3A_1092 = vector.broadcast %shift_right_arithmetic3A_1091 : i32 to vector<16xi32>
      %shift_right_arithmetic3A_1093 = arith.shrsi %add3A_1089, %shift_right_arithmetic3A_1092 : vector<16xi32>
      %and3A_1094 = arith.constant 7 : i32
      %and3A_1095 = vector.broadcast %and3A_1094 : i32 to vector<16xi32>
      %and3A_1096 = arith.andi %add3A_1089, %and3A_1095 : vector<16xi32>
      tpu.vector_store_idx %arg9[%shift_right_arithmetic3A_1093, %and3A_1096, %iota3A], %gather3A_1090 : memref<125x8x16xf32, #tpu.memory_space<vmem>>[vector<16xi32>, vector<16xi32>, vector<16xi32>], vector<16xf32>,
      %add3A_1097 = arith.constant 3 : i32
      %add3A_1098 = vector.broadcast %add3A_1097 : i32 to vector<16xi32>
      %add3A_1099 = arith.addi %add3A_1066, %add3A_1098 : vector<16xi32>
      %gather3A_1100 = tpu.vector_load_idx %arg7[%iota3A, %add3A_1099] : memref<16x1000xf32, #tpu.memory_space<vmem>>[vector<16xi32>, vector<16xi32>], vector<16xf32>,
      %shift_right_arithmetic3A_1101 = arith.constant 3 : i32
      %shift_right_arithmetic3A_1102 = vector.broadcast %shift_right_arithmetic3A_1101 : i32 to vector<16xi32>
      %shift_right_arithmetic3A_1103 = arith.shrsi %add3A_1099, %shift_right_arithmetic3A_1102 : vector<16xi32>
      %and3A_1104 = arith.constant 7 : i32
      %and3A_1105 = vector.broadcast %and3A_1104 : i32 to vector<16xi32>
      %and3A_1106 = arith.andi %add3A_1099, %and3A_1105 : vector<16xi32>
      tpu.vector_store_idx %arg9[%shift_right_arithmetic3A_1103, %and3A_1106, %iota3A], %gather3A_1100 : memref<125x8x16xf32, #tpu.memory_space<vmem>>[vector<16xi32>, vector<16xi32>, vector<16xi32>], vector<16xf32>,
      %add3A_1107 = arith.constant 4 : i32
      %add3A_1108 = vector.broadcast %add3A_1107 : i32 to vector<16xi32>
      %add3A_1109 = arith.addi %add3A_1066, %add3A_1108 : vector<16xi32>
      %gather3A_1110 = tpu.vector_load_idx %arg7[%iota3A, %add3A_1109] : memref<16x1000xf32, #tpu.memory_space<vmem>>[vector<16xi32>, vector<16xi32>], vector<16xf32>,
      %shift_right_arithmetic3A_1111 = arith.constant 3 : i32
      %shift_right_arithmetic3A_1112 = vector.broadcast %shift_right_arithmetic3A_1111 : i32 to vector<16xi32>
      %shift_right_arithmetic3A_1113 = arith.shrsi %add3A_1109, %shift_right_arithmetic3A_1112 : vector<16xi32>
      %and3A_1114 = arith.constant 7 : i32
      %and3A_1115 = vector.broadcast %and3A_1114 : i32 to vector<16xi32>
      %and3A_1116 = arith.andi %add3A_1109, %and3A_1115 : vector<16xi32>
      tpu.vector_store_idx %arg9[%shift_right_arithmetic3A_1113, %and3A_1116, %iota3A], %gather3A_1110 : memref<125x8x16xf32, #tpu.memory_space<vmem>>[vector<16xi32>, vector<16xi32>, vector<16xi32>], vector<16xf32>,
      %add3A_1117 = arith.constant 5 : i32
      %add3A_1118 = vector.broadcast %add3A_1117 : i32 to vector<16xi32>
      %add3A_1119 = arith.addi %add3A_1066, %add3A_1118 : vector<16xi32>
      %gather3A_1120 = tpu.vector_load_idx %arg7[%iota3A, %add3A_1119] : memref<16x1000xf32, #tpu.memory_space<vmem>>[vector<16xi32>, vector<16xi32>], vector<16xf32>,
      %shift_right_arithmetic3A_1121 = arith.constant 3 : i32
      %shift_right_arithmetic3A_1122 = vector.broadcast %shift_right_arithmetic3A_1121 : i32 to vector<16xi32>
      %shift_right_arithmetic3A_1123 = arith.shrsi %add3A_1119, %shift_right_arithmetic3A_1122 : vector<16xi32>
      %and3A_1124 = arith.constant 7 : i32
      %and3A_1125 = vector.broadcast %and3A_1124 : i32 to vector<16xi32>
      %and3A_1126 = arith.andi %add3A_1119, %and3A_1125 : vector<16xi32>
      tpu.vector_store_idx %arg9[%shift_right_arithmetic3A_1123, %and3A_1126, %iota3A], %gather3A_1120 : memref<125x8x16xf32, #tpu.memory_space<vmem>>[vector<16xi32>, vector<16xi32>, vector<16xi32>], vector<16xf32>,
      %add3A_1127 = arith.constant 6 : i32
      %add3A_1128 = vector.broadcast %add3A_1127 : i32 to vector<16xi32>
      %add3A_1129 = arith.addi %add3A_1066, %add3A_1128 : vector<16xi32>
      %gather3A_1130 = tpu.vector_load_idx %arg7[%iota3A, %add3A_1129] : memref<16x1000xf32, #tpu.memory_space<vmem>>[vector<16xi32>, vector<16xi32>], vector<16xf32>,
      %shift_right_arithmetic3A_1131 = arith.constant 3 : i32
      %shift_right_arithmetic3A_1132 = vector.broadcast %shift_right_arithmetic3A_1131 : i32 to vector<16xi32>
      %shift_right_arithmetic3A_1133 = arith.shrsi %add3A_1129, %shift_right_arithmetic3A_1132 : vector<16xi32>
      %and3A_1134 = arith.constant 7 : i32
      %and3A_1135 = vector.broadcast %and3A_1134 : i32 to vector<16xi32>
      %and3A_1136 = arith.andi %add3A_1129, %and3A_1135 : vector<16xi32>
      tpu.vector_store_idx %arg9[%shift_right_arithmetic3A_1133, %and3A_1136, %iota3A], %gather3A_1130 : memref<125x8x16xf32, #tpu.memory_space<vmem>>[vector<16xi32>, vector<16xi32>, vector<16xi32>], vector<16xf32>,
      %add3A_1137 = arith.constant 7 : i32
      %add3A_1138 = vector.broadcast %add3A_1137 : i32 to vector<16xi32>
      %add3A_1139 = arith.addi %add3A_1066, %add3A_1138 : vector<16xi32>
      %gather3A_1140 = tpu.vector_load_idx %arg7[%iota3A, %add3A_1139] : memref<16x1000xf32, #tpu.memory_space<vmem>>[vector<16xi32>, vector<16xi32>], vector<16xf32>,
      %shift_right_arithmetic3A_1141 = arith.constant 3 : i32
      %shift_right_arithmetic3A_1142 = vector.broadcast %shift_right_arithmetic3A_1141 : i32 to vector<16xi32>
      %shift_right_arithmetic3A_1143 = arith.shrsi %add3A_1139, %shift_right_arithmetic3A_1142 : vector<16xi32>
      %and3A_1144 = arith.constant 7 : i32
      %and3A_1145 = vector.broadcast %and3A_1144 : i32 to vector<16xi32>
      %and3A_1146 = arith.andi %add3A_1139, %and3A_1145 : vector<16xi32>
      tpu.vector_store_idx %arg9[%shift_right_arithmetic3A_1143, %and3A_1146, %iota3A], %gather3A_1140 : memref<125x8x16xf32, #tpu.memory_space<vmem>>[vector<16xi32>, vector<16xi32>, vector<16xi32>], vector<16xf32>,
      %scan3A_1147 = arith.constant 123 : i32
      %broadcast_in_dim3A_1148 = arith.constant 984 : i32
      %broadcast_in_dim3A_1149 = vector.broadcast %broadcast_in_dim3A_1148 : i32 to vector<16xi32>
      %add3A_1150 = arith.addi %broadcast_in_dim3A_1149, %iota3A : vector<16xi32>
      %add3A_1151 = arith.constant 0 : i32
      %add3A_1152 = vector.broadcast %add3A_1151 : i32 to vector<16xi32>
      %add3A_1153 = arith.addi %add3A_1150, %add3A_1152 : vector<16xi32>
      %ge3A_1154 = arith.constant 1000 : i32
      %ge3A_1155 = vector.broadcast %ge3A_1154 : i32 to vector<16xi32>
      %ge3A_1156 = arith.cmpi sge, %add3A_1153, %ge3A_1155 : vector<16xi32>
      %sub3A_1157 = arith.constant 1000 : i32
      %sub3A_1158 = vector.broadcast %sub3A_1157 : i32 to vector<16xi32>
      %sub3A_1159 = arith.subi %add3A_1153, %sub3A_1158 : vector<16xi32>
      %select_n3A_1160 = arith.select %ge3A_1156, %sub3A_1159, %add3A_1153 : vector<16xi1>, vector<16xi32>
      %gather3A_1161 = tpu.vector_load_idx %arg7[%iota3A, %select_n3A_1160] : memref<16x1000xf32, #tpu.memory_space<vmem>>[vector<16xi32>, vector<16xi32>], vector<16xf32>,
      %shift_right_arithmetic3A_1162 = arith.constant 3 : i32
      %shift_right_arithmetic3A_1163 = vector.broadcast %shift_right_arithmetic3A_1162 : i32 to vector<16xi32>
      %shift_right_arithmetic3A_1164 = arith.shrsi %select_n3A_1160, %shift_right_arithmetic3A_1163 : vector<16xi32>
      %and3A_1165 = arith.constant 7 : i32
      %and3A_1166 = vector.broadcast %and3A_1165 : i32 to vector<16xi32>
      %and3A_1167 = arith.andi %select_n3A_1160, %and3A_1166 : vector<16xi32>
      tpu.vector_store_idx %arg9[%shift_right_arithmetic3A_1164, %and3A_1167, %iota3A], %gather3A_1161 : memref<125x8x16xf32, #tpu.memory_space<vmem>>[vector<16xi32>, vector<16xi32>, vector<16xi32>], vector<16xf32>,
      %add3A_1168 = arith.constant 1 : i32
      %add3A_1169 = vector.broadcast %add3A_1168 : i32 to vector<16xi32>
      %add3A_1170 = arith.addi %add3A_1150, %add3A_1169 : vector<16xi32>
      %ge3A_1171 = arith.constant 1000 : i32
      %ge3A_1172 = vector.broadcast %ge3A_1171 : i32 to vector<16xi32>
      %ge3A_1173 = arith.cmpi sge, %add3A_1170, %ge3A_1172 : vector<16xi32>
      %sub3A_1174 = arith.constant 1000 : i32
      %sub3A_1175 = vector.broadcast %sub3A_1174 : i32 to vector<16xi32>
      %sub3A_1176 = arith.subi %add3A_1170, %sub3A_1175 : vector<16xi32>
      %select_n3A_1177 = arith.select %ge3A_1173, %sub3A_1176, %add3A_1170 : vector<16xi1>, vector<16xi32>
      %gather3A_1178 = tpu.vector_load_idx %arg7[%iota3A, %select_n3A_1177] : memref<16x1000xf32, #tpu.memory_space<vmem>>[vector<16xi32>, vector<16xi32>], vector<16xf32>,
      %shift_right_arithmetic3A_1179 = arith.constant 3 : i32
      %shift_right_arithmetic3A_1180 = vector.broadcast %shift_right_arithmetic3A_1179 : i32 to vector<16xi32>
      %shift_right_arithmetic3A_1181 = arith.shrsi %select_n3A_1177, %shift_right_arithmetic3A_1180 : vector<16xi32>
      %and3A_1182 = arith.constant 7 : i32
      %and3A_1183 = vector.broadcast %and3A_1182 : i32 to vector<16xi32>
      %and3A_1184 = arith.andi %select_n3A_1177, %and3A_1183 : vector<16xi32>
      tpu.vector_store_idx %arg9[%shift_right_arithmetic3A_1181, %and3A_1184, %iota3A], %gather3A_1178 : memref<125x8x16xf32, #tpu.memory_space<vmem>>[vector<16xi32>, vector<16xi32>, vector<16xi32>], vector<16xf32>,
      %add3A_1185 = arith.constant 2 : i32
      %add3A_1186 = vector.broadcast %add3A_1185 : i32 to vector<16xi32>
      %add3A_1187 = arith.addi %add3A_1150, %add3A_1186 : vector<16xi32>
      %ge3A_1188 = arith.constant 1000 : i32
      %ge3A_1189 = vector.broadcast %ge3A_1188 : i32 to vector<16xi32>
      %ge3A_1190 = arith.cmpi sge, %add3A_1187, %ge3A_1189 : vector<16xi32>
      %sub3A_1191 = arith.constant 1000 : i32
      %sub3A_1192 = vector.broadcast %sub3A_1191 : i32 to vector<16xi32>
      %sub3A_1193 = arith.subi %add3A_1187, %sub3A_1192 : vector<16xi32>
      %select_n3A_1194 = arith.select %ge3A_1190, %sub3A_1193, %add3A_1187 : vector<16xi1>, vector<16xi32>
      %gather3A_1195 = tpu.vector_load_idx %arg7[%iota3A, %select_n3A_1194] : memref<16x1000xf32, #tpu.memory_space<vmem>>[vector<16xi32>, vector<16xi32>], vector<16xf32>,
      %shift_right_arithmetic3A_1196 = arith.constant 3 : i32
      %shift_right_arithmetic3A_1197 = vector.broadcast %shift_right_arithmetic3A_1196 : i32 to vector<16xi32>
      %shift_right_arithmetic3A_1198 = arith.shrsi %select_n3A_1194, %shift_right_arithmetic3A_1197 : vector<16xi32>
      %and3A_1199 = arith.constant 7 : i32
      %and3A_1200 = vector.broadcast %and3A_1199 : i32 to vector<16xi32>
      %and3A_1201 = arith.andi %select_n3A_1194, %and3A_1200 : vector<16xi32>
      tpu.vector_store_idx %arg9[%shift_right_arithmetic3A_1198, %and3A_1201, %iota3A], %gather3A_1195 : memref<125x8x16xf32, #tpu.memory_space<vmem>>[vector<16xi32>, vector<16xi32>, vector<16xi32>], vector<16xf32>,
      %add3A_1202 = arith.constant 3 : i32
      %add3A_1203 = vector.broadcast %add3A_1202 : i32 to vector<16xi32>
      %add3A_1204 = arith.addi %add3A_1150, %add3A_1203 : vector<16xi32>
      %ge3A_1205 = arith.constant 1000 : i32
      %ge3A_1206 = vector.broadcast %ge3A_1205 : i32 to vector<16xi32>
      %ge3A_1207 = arith.cmpi sge, %add3A_1204, %ge3A_1206 : vector<16xi32>
      %sub3A_1208 = arith.constant 1000 : i32
      %sub3A_1209 = vector.broadcast %sub3A_1208 : i32 to vector<16xi32>
      %sub3A_1210 = arith.subi %add3A_1204, %sub3A_1209 : vector<16xi32>
      %select_n3A_1211 = arith.select %ge3A_1207, %sub3A_1210, %add3A_1204 : vector<16xi1>, vector<16xi32>
      %gather3A_1212 = tpu.vector_load_idx %arg7[%iota3A, %select_n3A_1211] : memref<16x1000xf32, #tpu.memory_space<vmem>>[vector<16xi32>, vector<16xi32>], vector<16xf32>,
      %shift_right_arithmetic3A_1213 = arith.constant 3 : i32
      %shift_right_arithmetic3A_1214 = vector.broadcast %shift_right_arithmetic3A_1213 : i32 to vector<16xi32>
      %shift_right_arithmetic3A_1215 = arith.shrsi %select_n3A_1211, %shift_right_arithmetic3A_1214 : vector<16xi32>
      %and3A_1216 = arith.constant 7 : i32
      %and3A_1217 = vector.broadcast %and3A_1216 : i32 to vector<16xi32>
      %and3A_1218 = arith.andi %select_n3A_1211, %and3A_1217 : vector<16xi32>
      tpu.vector_store_idx %arg9[%shift_right_arithmetic3A_1215, %and3A_1218, %iota3A], %gather3A_1212 : memref<125x8x16xf32, #tpu.memory_space<vmem>>[vector<16xi32>, vector<16xi32>, vector<16xi32>], vector<16xf32>,
      %add3A_1219 = arith.constant 4 : i32
      %add3A_1220 = vector.broadcast %add3A_1219 : i32 to vector<16xi32>
      %add3A_1221 = arith.addi %add3A_1150, %add3A_1220 : vector<16xi32>
      %ge3A_1222 = arith.constant 1000 : i32
      %ge3A_1223 = vector.broadcast %ge3A_1222 : i32 to vector<16xi32>
      %ge3A_1224 = arith.cmpi sge, %add3A_1221, %ge3A_1223 : vector<16xi32>
      %sub3A_1225 = arith.constant 1000 : i32
      %sub3A_1226 = vector.broadcast %sub3A_1225 : i32 to vector<16xi32>
      %sub3A_1227 = arith.subi %add3A_1221, %sub3A_1226 : vector<16xi32>
      %select_n3A_1228 = arith.select %ge3A_1224, %sub3A_1227, %add3A_1221 : vector<16xi1>, vector<16xi32>
      %gather3A_1229 = tpu.vector_load_idx %arg7[%iota3A, %select_n3A_1228] : memref<16x1000xf32, #tpu.memory_space<vmem>>[vector<16xi32>, vector<16xi32>], vector<16xf32>,
      %shift_right_arithmetic3A_1230 = arith.constant 3 : i32
      %shift_right_arithmetic3A_1231 = vector.broadcast %shift_right_arithmetic3A_1230 : i32 to vector<16xi32>
      %shift_right_arithmetic3A_1232 = arith.shrsi %select_n3A_1228, %shift_right_arithmetic3A_1231 : vector<16xi32>
      %and3A_1233 = arith.constant 7 : i32
      %and3A_1234 = vector.broadcast %and3A_1233 : i32 to vector<16xi32>
      %and3A_1235 = arith.andi %select_n3A_1228, %and3A_1234 : vector<16xi32>
      tpu.vector_store_idx %arg9[%shift_right_arithmetic3A_1232, %and3A_1235, %iota3A], %gather3A_1229 : memref<125x8x16xf32, #tpu.memory_space<vmem>>[vector<16xi32>, vector<16xi32>, vector<16xi32>], vector<16xf32>,
      %add3A_1236 = arith.constant 5 : i32
      %add3A_1237 = vector.broadcast %add3A_1236 : i32 to vector<16xi32>
      %add3A_1238 = arith.addi %add3A_1150, %add3A_1237 : vector<16xi32>
      %ge3A_1239 = arith.constant 1000 : i32
      %ge3A_1240 = vector.broadcast %ge3A_1239 : i32 to vector<16xi32>
      %ge3A_1241 = arith.cmpi sge, %add3A_1238, %ge3A_1240 : vector<16xi32>
      %sub3A_1242 = arith.constant 1000 : i32
      %sub3A_1243 = vector.broadcast %sub3A_1242 : i32 to vector<16xi32>
      %sub3A_1244 = arith.subi %add3A_1238, %sub3A_1243 : vector<16xi32>
      %select_n3A_1245 = arith.select %ge3A_1241, %sub3A_1244, %add3A_1238 : vector<16xi1>, vector<16xi32>
      %gather3A_1246 = tpu.vector_load_idx %arg7[%iota3A, %select_n3A_1245] : memref<16x1000xf32, #tpu.memory_space<vmem>>[vector<16xi32>, vector<16xi32>], vector<16xf32>,
      %shift_right_arithmetic3A_1247 = arith.constant 3 : i32
      %shift_right_arithmetic3A_1248 = vector.broadcast %shift_right_arithmetic3A_1247 : i32 to vector<16xi32>
      %shift_right_arithmetic3A_1249 = arith.shrsi %select_n3A_1245, %shift_right_arithmetic3A_1248 : vector<16xi32>
      %and3A_1250 = arith.constant 7 : i32
      %and3A_1251 = vector.broadcast %and3A_1250 : i32 to vector<16xi32>
      %and3A_1252 = arith.andi %select_n3A_1245, %and3A_1251 : vector<16xi32>
      tpu.vector_store_idx %arg9[%shift_right_arithmetic3A_1249, %and3A_1252, %iota3A], %gather3A_1246 : memref<125x8x16xf32, #tpu.memory_space<vmem>>[vector<16xi32>, vector<16xi32>, vector<16xi32>], vector<16xf32>,
      %add3A_1253 = arith.constant 6 : i32
      %add3A_1254 = vector.broadcast %add3A_1253 : i32 to vector<16xi32>
      %add3A_1255 = arith.addi %add3A_1150, %add3A_1254 : vector<16xi32>
      %ge3A_1256 = arith.constant 1000 : i32
      %ge3A_1257 = vector.broadcast %ge3A_1256 : i32 to vector<16xi32>
      %ge3A_1258 = arith.cmpi sge, %add3A_1255, %ge3A_1257 : vector<16xi32>
      %sub3A_1259 = arith.constant 1000 : i32
      %sub3A_1260 = vector.broadcast %sub3A_1259 : i32 to vector<16xi32>
      %sub3A_1261 = arith.subi %add3A_1255, %sub3A_1260 : vector<16xi32>
      %select_n3A_1262 = arith.select %ge3A_1258, %sub3A_1261, %add3A_1255 : vector<16xi1>, vector<16xi32>
      %gather3A_1263 = tpu.vector_load_idx %arg7[%iota3A, %select_n3A_1262] : memref<16x1000xf32, #tpu.memory_space<vmem>>[vector<16xi32>, vector<16xi32>], vector<16xf32>,
      %shift_right_arithmetic3A_1264 = arith.constant 3 : i32
      %shift_right_arithmetic3A_1265 = vector.broadcast %shift_right_arithmetic3A_1264 : i32 to vector<16xi32>
      %shift_right_arithmetic3A_1266 = arith.shrsi %select_n3A_1262, %shift_right_arithmetic3A_1265 : vector<16xi32>
      %and3A_1267 = arith.constant 7 : i32
      %and3A_1268 = vector.broadcast %and3A_1267 : i32 to vector<16xi32>
      %and3A_1269 = arith.andi %select_n3A_1262, %and3A_1268 : vector<16xi32>
      tpu.vector_store_idx %arg9[%shift_right_arithmetic3A_1266, %and3A_1269, %iota3A], %gather3A_1263 : memref<125x8x16xf32, #tpu.memory_space<vmem>>[vector<16xi32>, vector<16xi32>, vector<16xi32>], vector<16xf32>,
      %add3A_1270 = arith.constant 7 : i32
      %add3A_1271 = vector.broadcast %add3A_1270 : i32 to vector<16xi32>
      %add3A_1272 = arith.addi %add3A_1150, %add3A_1271 : vector<16xi32>
      %ge3A_1273 = arith.constant 1000 : i32
      %ge3A_1274 = vector.broadcast %ge3A_1273 : i32 to vector<16xi32>
      %ge3A_1275 = arith.cmpi sge, %add3A_1272, %ge3A_1274 : vector<16xi32>
      %sub3A_1276 = arith.constant 1000 : i32
      %sub3A_1277 = vector.broadcast %sub3A_1276 : i32 to vector<16xi32>
      %sub3A_1278 = arith.subi %add3A_1272, %sub3A_1277 : vector<16xi32>
      %select_n3A_1279 = arith.select %ge3A_1275, %sub3A_1278, %add3A_1272 : vector<16xi1>, vector<16xi32>
      %gather3A_1280 = tpu.vector_load_idx %arg7[%iota3A, %select_n3A_1279] : memref<16x1000xf32, #tpu.memory_space<vmem>>[vector<16xi32>, vector<16xi32>], vector<16xf32>,
      %shift_right_arithmetic3A_1281 = arith.constant 3 : i32
      %shift_right_arithmetic3A_1282 = vector.broadcast %shift_right_arithmetic3A_1281 : i32 to vector<16xi32>
      %shift_right_arithmetic3A_1283 = arith.shrsi %select_n3A_1279, %shift_right_arithmetic3A_1282 : vector<16xi32>
      %and3A_1284 = arith.constant 7 : i32
      %and3A_1285 = vector.broadcast %and3A_1284 : i32 to vector<16xi32>
      %and3A_1286 = arith.andi %select_n3A_1279, %and3A_1285 : vector<16xi32>
      tpu.vector_store_idx %arg9[%shift_right_arithmetic3A_1283, %and3A_1286, %iota3A], %gather3A_1280 : memref<125x8x16xf32, #tpu.memory_space<vmem>>[vector<16xi32>, vector<16xi32>, vector<16xi32>], vector<16xf32>,
      %broadcast_in_dim3A_1287 = arith.constant 992 : i32
      %broadcast_in_dim3A_1288 = vector.broadcast %broadcast_in_dim3A_1287 : i32 to vector<16xi32>
      %add3A_1289 = arith.addi %broadcast_in_dim3A_1288, %iota3A : vector<16xi32>
      %add3A_1290 = arith.constant 0 : i32
      %add3A_1291 = vector.broadcast %add3A_1290 : i32 to vector<16xi32>
      %add3A_1292 = arith.addi %add3A_1289, %add3A_1291 : vector<16xi32>
      %ge3A_1293 = arith.constant 1000 : i32
      %ge3A_1294 = vector.broadcast %ge3A_1293 : i32 to vector<16xi32>
      %ge3A_1295 = arith.cmpi sge, %add3A_1292, %ge3A_1294 : vector<16xi32>
      %sub3A_1296 = arith.constant 1000 : i32
      %sub3A_1297 = vector.broadcast %sub3A_1296 : i32 to vector<16xi32>
      %sub3A_1298 = arith.subi %add3A_1292, %sub3A_1297 : vector<16xi32>
      %select_n3A_1299 = arith.select %ge3A_1295, %sub3A_1298, %add3A_1292 : vector<16xi1>, vector<16xi32>
      %gather3A_1300 = tpu.vector_load_idx %arg7[%iota3A, %select_n3A_1299] : memref<16x1000xf32, #tpu.memory_space<vmem>>[vector<16xi32>, vector<16xi32>], vector<16xf32>,
      %shift_right_arithmetic3A_1301 = arith.constant 3 : i32
      %shift_right_arithmetic3A_1302 = vector.broadcast %shift_right_arithmetic3A_1301 : i32 to vector<16xi32>
      %shift_right_arithmetic3A_1303 = arith.shrsi %select_n3A_1299, %shift_right_arithmetic3A_1302 : vector<16xi32>
      %and3A_1304 = arith.constant 7 : i32
      %and3A_1305 = vector.broadcast %and3A_1304 : i32 to vector<16xi32>
      %and3A_1306 = arith.andi %select_n3A_1299, %and3A_1305 : vector<16xi32>
      tpu.vector_store_idx %arg9[%shift_right_arithmetic3A_1303, %and3A_1306, %iota3A], %gather3A_1300 : memref<125x8x16xf32, #tpu.memory_space<vmem>>[vector<16xi32>, vector<16xi32>, vector<16xi32>], vector<16xf32>,
      %add3A_1307 = arith.constant 1 : i32
      %add3A_1308 = vector.broadcast %add3A_1307 : i32 to vector<16xi32>
      %add3A_1309 = arith.addi %add3A_1289, %add3A_1308 : vector<16xi32>
      %ge3A_1310 = arith.constant 1000 : i32
      %ge3A_1311 = vector.broadcast %ge3A_1310 : i32 to vector<16xi32>
      %ge3A_1312 = arith.cmpi sge, %add3A_1309, %ge3A_1311 : vector<16xi32>
      %sub3A_1313 = arith.constant 1000 : i32
      %sub3A_1314 = vector.broadcast %sub3A_1313 : i32 to vector<16xi32>
      %sub3A_1315 = arith.subi %add3A_1309, %sub3A_1314 : vector<16xi32>
      %select_n3A_1316 = arith.select %ge3A_1312, %sub3A_1315, %add3A_1309 : vector<16xi1>, vector<16xi32>
      %gather3A_1317 = tpu.vector_load_idx %arg7[%iota3A, %select_n3A_1316] : memref<16x1000xf32, #tpu.memory_space<vmem>>[vector<16xi32>, vector<16xi32>], vector<16xf32>,
      %shift_right_arithmetic3A_1318 = arith.constant 3 : i32
      %shift_right_arithmetic3A_1319 = vector.broadcast %shift_right_arithmetic3A_1318 : i32 to vector<16xi32>
      %shift_right_arithmetic3A_1320 = arith.shrsi %select_n3A_1316, %shift_right_arithmetic3A_1319 : vector<16xi32>
      %and3A_1321 = arith.constant 7 : i32
      %and3A_1322 = vector.broadcast %and3A_1321 : i32 to vector<16xi32>
      %and3A_1323 = arith.andi %select_n3A_1316, %and3A_1322 : vector<16xi32>
      tpu.vector_store_idx %arg9[%shift_right_arithmetic3A_1320, %and3A_1323, %iota3A], %gather3A_1317 : memref<125x8x16xf32, #tpu.memory_space<vmem>>[vector<16xi32>, vector<16xi32>, vector<16xi32>], vector<16xf32>,
      %add3A_1324 = arith.constant 2 : i32
      %add3A_1325 = vector.broadcast %add3A_1324 : i32 to vector<16xi32>
      %add3A_1326 = arith.addi %add3A_1289, %add3A_1325 : vector<16xi32>
      %ge3A_1327 = arith.constant 1000 : i32
      %ge3A_1328 = vector.broadcast %ge3A_1327 : i32 to vector<16xi32>
      %ge3A_1329 = arith.cmpi sge, %add3A_1326, %ge3A_1328 : vector<16xi32>
      %sub3A_1330 = arith.constant 1000 : i32
      %sub3A_1331 = vector.broadcast %sub3A_1330 : i32 to vector<16xi32>
      %sub3A_1332 = arith.subi %add3A_1326, %sub3A_1331 : vector<16xi32>
      %select_n3A_1333 = arith.select %ge3A_1329, %sub3A_1332, %add3A_1326 : vector<16xi1>, vector<16xi32>
      %gather3A_1334 = tpu.vector_load_idx %arg7[%iota3A, %select_n3A_1333] : memref<16x1000xf32, #tpu.memory_space<vmem>>[vector<16xi32>, vector<16xi32>], vector<16xf32>,
      %shift_right_arithmetic3A_1335 = arith.constant 3 : i32
      %shift_right_arithmetic3A_1336 = vector.broadcast %shift_right_arithmetic3A_1335 : i32 to vector<16xi32>
      %shift_right_arithmetic3A_1337 = arith.shrsi %select_n3A_1333, %shift_right_arithmetic3A_1336 : vector<16xi32>
      %and3A_1338 = arith.constant 7 : i32
      %and3A_1339 = vector.broadcast %and3A_1338 : i32 to vector<16xi32>
      %and3A_1340 = arith.andi %select_n3A_1333, %and3A_1339 : vector<16xi32>
      tpu.vector_store_idx %arg9[%shift_right_arithmetic3A_1337, %and3A_1340, %iota3A], %gather3A_1334 : memref<125x8x16xf32, #tpu.memory_space<vmem>>[vector<16xi32>, vector<16xi32>, vector<16xi32>], vector<16xf32>,
      %add3A_1341 = arith.constant 3 : i32
      %add3A_1342 = vector.broadcast %add3A_1341 : i32 to vector<16xi32>
      %add3A_1343 = arith.addi %add3A_1289, %add3A_1342 : vector<16xi32>
      %ge3A_1344 = arith.constant 1000 : i32
      %ge3A_1345 = vector.broadcast %ge3A_1344 : i32 to vector<16xi32>
      %ge3A_1346 = arith.cmpi sge, %add3A_1343, %ge3A_1345 : vector<16xi32>
      %sub3A_1347 = arith.constant 1000 : i32
      %sub3A_1348 = vector.broadcast %sub3A_1347 : i32 to vector<16xi32>
      %sub3A_1349 = arith.subi %add3A_1343, %sub3A_1348 : vector<16xi32>
      %select_n3A_1350 = arith.select %ge3A_1346, %sub3A_1349, %add3A_1343 : vector<16xi1>, vector<16xi32>
      %gather3A_1351 = tpu.vector_load_idx %arg7[%iota3A, %select_n3A_1350] : memref<16x1000xf32, #tpu.memory_space<vmem>>[vector<16xi32>, vector<16xi32>], vector<16xf32>,
      %shift_right_arithmetic3A_1352 = arith.constant 3 : i32
      %shift_right_arithmetic3A_1353 = vector.broadcast %shift_right_arithmetic3A_1352 : i32 to vector<16xi32>
      %shift_right_arithmetic3A_1354 = arith.shrsi %select_n3A_1350, %shift_right_arithmetic3A_1353 : vector<16xi32>
      %and3A_1355 = arith.constant 7 : i32
      %and3A_1356 = vector.broadcast %and3A_1355 : i32 to vector<16xi32>
      %and3A_1357 = arith.andi %select_n3A_1350, %and3A_1356 : vector<16xi32>
      tpu.vector_store_idx %arg9[%shift_right_arithmetic3A_1354, %and3A_1357, %iota3A], %gather3A_1351 : memref<125x8x16xf32, #tpu.memory_space<vmem>>[vector<16xi32>, vector<16xi32>, vector<16xi32>], vector<16xf32>,
      %add3A_1358 = arith.constant 4 : i32
      %add3A_1359 = vector.broadcast %add3A_1358 : i32 to vector<16xi32>
      %add3A_1360 = arith.addi %add3A_1289, %add3A_1359 : vector<16xi32>
      %ge3A_1361 = arith.constant 1000 : i32
      %ge3A_1362 = vector.broadcast %ge3A_1361 : i32 to vector<16xi32>
      %ge3A_1363 = arith.cmpi sge, %add3A_1360, %ge3A_1362 : vector<16xi32>
      %sub3A_1364 = arith.constant 1000 : i32
      %sub3A_1365 = vector.broadcast %sub3A_1364 : i32 to vector<16xi32>
      %sub3A_1366 = arith.subi %add3A_1360, %sub3A_1365 : vector<16xi32>
      %select_n3A_1367 = arith.select %ge3A_1363, %sub3A_1366, %add3A_1360 : vector<16xi1>, vector<16xi32>
      %gather3A_1368 = tpu.vector_load_idx %arg7[%iota3A, %select_n3A_1367] : memref<16x1000xf32, #tpu.memory_space<vmem>>[vector<16xi32>, vector<16xi32>], vector<16xf32>,
      %shift_right_arithmetic3A_1369 = arith.constant 3 : i32
      %shift_right_arithmetic3A_1370 = vector.broadcast %shift_right_arithmetic3A_1369 : i32 to vector<16xi32>
      %shift_right_arithmetic3A_1371 = arith.shrsi %select_n3A_1367, %shift_right_arithmetic3A_1370 : vector<16xi32>
      %and3A_1372 = arith.constant 7 : i32
      %and3A_1373 = vector.broadcast %and3A_1372 : i32 to vector<16xi32>
      %and3A_1374 = arith.andi %select_n3A_1367, %and3A_1373 : vector<16xi32>
      tpu.vector_store_idx %arg9[%shift_right_arithmetic3A_1371, %and3A_1374, %iota3A], %gather3A_1368 : memref<125x8x16xf32, #tpu.memory_space<vmem>>[vector<16xi32>, vector<16xi32>, vector<16xi32>], vector<16xf32>,
      %add3A_1375 = arith.constant 5 : i32
      %add3A_1376 = vector.broadcast %add3A_1375 : i32 to vector<16xi32>
      %add3A_1377 = arith.addi %add3A_1289, %add3A_1376 : vector<16xi32>
      %ge3A_1378 = arith.constant 1000 : i32
      %ge3A_1379 = vector.broadcast %ge3A_1378 : i32 to vector<16xi32>
      %ge3A_1380 = arith.cmpi sge, %add3A_1377, %ge3A_1379 : vector<16xi32>
      %sub3A_1381 = arith.constant 1000 : i32
      %sub3A_1382 = vector.broadcast %sub3A_1381 : i32 to vector<16xi32>
      %sub3A_1383 = arith.subi %add3A_1377, %sub3A_1382 : vector<16xi32>
      %select_n3A_1384 = arith.select %ge3A_1380, %sub3A_1383, %add3A_1377 : vector<16xi1>, vector<16xi32>
      %gather3A_1385 = tpu.vector_load_idx %arg7[%iota3A, %select_n3A_1384] : memref<16x1000xf32, #tpu.memory_space<vmem>>[vector<16xi32>, vector<16xi32>], vector<16xf32>,
      %shift_right_arithmetic3A_1386 = arith.constant 3 : i32
      %shift_right_arithmetic3A_1387 = vector.broadcast %shift_right_arithmetic3A_1386 : i32 to vector<16xi32>
      %shift_right_arithmetic3A_1388 = arith.shrsi %select_n3A_1384, %shift_right_arithmetic3A_1387 : vector<16xi32>
      %and3A_1389 = arith.constant 7 : i32
      %and3A_1390 = vector.broadcast %and3A_1389 : i32 to vector<16xi32>
      %and3A_1391 = arith.andi %select_n3A_1384, %and3A_1390 : vector<16xi32>
      tpu.vector_store_idx %arg9[%shift_right_arithmetic3A_1388, %and3A_1391, %iota3A], %gather3A_1385 : memref<125x8x16xf32, #tpu.memory_space<vmem>>[vector<16xi32>, vector<16xi32>, vector<16xi32>], vector<16xf32>,
      %add3A_1392 = arith.constant 6 : i32
      %add3A_1393 = vector.broadcast %add3A_1392 : i32 to vector<16xi32>
      %add3A_1394 = arith.addi %add3A_1289, %add3A_1393 : vector<16xi32>
      %ge3A_1395 = arith.constant 1000 : i32
      %ge3A_1396 = vector.broadcast %ge3A_1395 : i32 to vector<16xi32>
      %ge3A_1397 = arith.cmpi sge, %add3A_1394, %ge3A_1396 : vector<16xi32>
      %sub3A_1398 = arith.constant 1000 : i32
      %sub3A_1399 = vector.broadcast %sub3A_1398 : i32 to vector<16xi32>
      %sub3A_1400 = arith.subi %add3A_1394, %sub3A_1399 : vector<16xi32>
      %select_n3A_1401 = arith.select %ge3A_1397, %sub3A_1400, %add3A_1394 : vector<16xi1>, vector<16xi32>
      %gather3A_1402 = tpu.vector_load_idx %arg7[%iota3A, %select_n3A_1401] : memref<16x1000xf32, #tpu.memory_space<vmem>>[vector<16xi32>, vector<16xi32>], vector<16xf32>,
      %shift_right_arithmetic3A_1403 = arith.constant 3 : i32
      %shift_right_arithmetic3A_1404 = vector.broadcast %shift_right_arithmetic3A_1403 : i32 to vector<16xi32>
      %shift_right_arithmetic3A_1405 = arith.shrsi %select_n3A_1401, %shift_right_arithmetic3A_1404 : vector<16xi32>
      %and3A_1406 = arith.constant 7 : i32
      %and3A_1407 = vector.broadcast %and3A_1406 : i32 to vector<16xi32>
      %and3A_1408 = arith.andi %select_n3A_1401, %and3A_1407 : vector<16xi32>
      tpu.vector_store_idx %arg9[%shift_right_arithmetic3A_1405, %and3A_1408, %iota3A], %gather3A_1402 : memref<125x8x16xf32, #tpu.memory_space<vmem>>[vector<16xi32>, vector<16xi32>, vector<16xi32>], vector<16xf32>,
      %add3A_1409 = arith.constant 7 : i32
      %add3A_1410 = vector.broadcast %add3A_1409 : i32 to vector<16xi32>
      %add3A_1411 = arith.addi %add3A_1289, %add3A_1410 : vector<16xi32>
      %ge3A_1412 = arith.constant 1000 : i32
      %ge3A_1413 = vector.broadcast %ge3A_1412 : i32 to vector<16xi32>
      %ge3A_1414 = arith.cmpi sge, %add3A_1411, %ge3A_1413 : vector<16xi32>
      %sub3A_1415 = arith.constant 1000 : i32
      %sub3A_1416 = vector.broadcast %sub3A_1415 : i32 to vector<16xi32>
      %sub3A_1417 = arith.subi %add3A_1411, %sub3A_1416 : vector<16xi32>
      %select_n3A_1418 = arith.select %ge3A_1414, %sub3A_1417, %add3A_1411 : vector<16xi1>, vector<16xi32>
      %gather3A_1419 = tpu.vector_load_idx %arg7[%iota3A, %select_n3A_1418] : memref<16x1000xf32, #tpu.memory_space<vmem>>[vector<16xi32>, vector<16xi32>], vector<16xf32>,
      %shift_right_arithmetic3A_1420 = arith.constant 3 : i32
      %shift_right_arithmetic3A_1421 = vector.broadcast %shift_right_arithmetic3A_1420 : i32 to vector<16xi32>
      %shift_right_arithmetic3A_1422 = arith.shrsi %select_n3A_1418, %shift_right_arithmetic3A_1421 : vector<16xi32>
      %and3A_1423 = arith.constant 7 : i32
      %and3A_1424 = vector.broadcast %and3A_1423 : i32 to vector<16xi32>
      %and3A_1425 = arith.andi %select_n3A_1418, %and3A_1424 : vector<16xi32>
      tpu.vector_store_idx %arg9[%shift_right_arithmetic3A_1422, %and3A_1425, %iota3A], %gather3A_1419 : memref<125x8x16xf32, #tpu.memory_space<vmem>>[vector<16xi32>, vector<16xi32>, vector<16xi32>], vector<16xf32>,
      %lt3A_1426 = arith.constant 199 : i32
      %lt3A_1427 = arith.cmpi slt, %add3A_117, %lt3A_1426 : i32
      %convert_element_type3A_1428 = arith.extui %lt3A_1427 : i1 to i32
      %cond3A_1429 = arith.constant 0 : i32
      %cond3A_1430 = arith.cmpi ne, %convert_element_type3A_1428, %cond3A_1429 : i32
      scf.if %cond3A_1430 {
        %add3A_1522 = arith.constant 2 : i32
        %add3A_1523 = arith.addi %add3A_820, %add3A_1522 : i32
        %jit3A_1524 = arith.constant 8 : i32
        %div3A_1525 = arith.divsi %add3A_1523, %jit3A_1524 : i32
        %sign3A_1526 = arith.constant 0 : i32
        %sign3A_1527 = arith.cmpi sgt, %add3A_1523, %sign3A_1526 : i32
        %sign3A_1528 = arith.extui %sign3A_1527 : i1 to i32
        %sign3A_1529 = arith.constant 0 : i32
        %sign3A_1530 = arith.cmpi slt, %add3A_1523, %sign3A_1529 : i32
        %sign3A_1531 = arith.extui %sign3A_1530 : i1 to i32
        %sign3A_1532 = arith.subi %sign3A_1528, %sign3A_1531 : i32
        %sign3A_1533 = arith.constant 0 : i32
        %sign3A_1534 = arith.cmpi sgt, %jit3A_1524, %sign3A_1533 : i32
        %sign3A_1535 = arith.extui %sign3A_1534 : i1 to i32
        %sign3A_1536 = arith.constant 0 : i32
        %sign3A_1537 = arith.cmpi slt, %jit3A_1524, %sign3A_1536 : i32
        %sign3A_1538 = arith.extui %sign3A_1537 : i1 to i32
        %sign3A_1539 = arith.subi %sign3A_1535, %sign3A_1538 : i32
        %ne3A_1540 = arith.cmpi ne, %sign3A_1532, %sign3A_1539 : i32
        %rem3A_1541 = arith.remsi %add3A_1523, %jit3A_1524 : i32
        %ne3A_1542 = arith.constant 0 : i32
        %ne3A_1543 = arith.cmpi ne, %rem3A_1541, %ne3A_1542 : i32
        %and3A_1544 = arith.andi %ne3A_1540, %ne3A_1543 : i1
        %sub3A_1545 = arith.constant 1 : i32
        %sub3A_1546 = arith.subi %div3A_1525, %sub3A_1545 : i32
        %select_n3A_1547 = arith.select %and3A_1544, %sub3A_1546, %div3A_1525 : i32
        %jit3A_1548 = arith.constant 8 : i32
        %eq3A_1549 = arith.constant 0 : i32
        %eq3A_1550 = arith.cmpi eq, %jit3A_1548, %eq3A_1549 : i32
        %jit3A_1551 = arith.constant 1 : i32
        %select_n3A_1552 = arith.select %eq3A_1550, %jit3A_1551, %jit3A_1548 : i32
        %rem3A_1553 = arith.remsi %add3A_1523, %select_n3A_1552 : i32
        %ne3A_1554 = arith.constant 0 : i32
        %ne3A_1555 = arith.cmpi ne, %rem3A_1553, %ne3A_1554 : i32
        %lt3A_1556 = arith.constant 0 : i32
        %lt3A_1557 = arith.cmpi slt, %rem3A_1553, %lt3A_1556 : i32
        %lt3A_1558 = arith.constant 0 : i32
        %lt3A_1559 = arith.cmpi slt, %select_n3A_1552, %lt3A_1558 : i32
        %ne3A_1560 = arith.xori %lt3A_1557, %lt3A_1559 : i1
        %and3A_1561 = arith.andi %ne3A_1560, %ne3A_1555 : i1
        %add3A_1562 = arith.addi %rem3A_1553, %select_n3A_1552 : i32
        %select_n3A_1563 = arith.select %and3A_1561, %add3A_1562, %rem3A_1553 : i32
        %mul3A_1564 = arith.constant 16 : i32
        %mul3A_1565 = arith.muli %select_n3A_1563, %mul3A_1564 : i32
        %dma_start3A_1566 = tpu.memref_slice %arg5[%select_n3A_1547, %mul3A_1565] : memref<50x128xi32, #tpu.memory_space<vmem>> -> memref<1x16xi32, #tpu.memory_space<vmem>>
        %dma_start3A_1567 = tpu.memref_squeeze %dma_start3A_1566 : memref<1x16xi32, #tpu.memory_space<vmem>> -> memref<16xi32, #tpu.memory_space<vmem>>
        %dma_start3A_1568 = arith.constant 0 : i32
        %dma_start3A_1569 = arith.constant 0 : i32
        %dma_start3A_1570 = tpu.memref_slice %arg2[%dma_start3A_1568, %dma_start3A_1569] : memref<1000x1000xf32, #tpu.memory_space<hbm>> -> memref<1000x1000xf32, #tpu.memory_space<hbm>>
        tpu.enqueue_indirect_dma source(%dma_start3A_1570 : memref<1000x1000xf32, #tpu.memory_space<hbm>>) target(%arg7 : memref<16x1000xf32, #tpu.memory_space<vmem>>) offsets(%dma_start3A_1567 : memref<16xi32, #tpu.memory_space<vmem>>) semaphore(%arg11 : memref<!tpu.dma_semaphore, #tpu.memory_space<semaphore_mem>>)
      } else {
      }
      %jit3A_1431 = arith.constant 8 : i32
      %div3A_1432 = arith.divsi %add3A_820, %jit3A_1431 : i32
      %sign3A_1433 = arith.constant 0 : i32
      %sign3A_1434 = arith.cmpi sgt, %add3A_820, %sign3A_1433 : i32
      %sign3A_1435 = arith.extui %sign3A_1434 : i1 to i32
      %sign3A_1436 = arith.constant 0 : i32
      %sign3A_1437 = arith.cmpi slt, %add3A_820, %sign3A_1436 : i32
      %sign3A_1438 = arith.extui %sign3A_1437 : i1 to i32
      %sign3A_1439 = arith.subi %sign3A_1435, %sign3A_1438 : i32
      %sign3A_1440 = arith.constant 0 : i32
      %sign3A_1441 = arith.cmpi sgt, %jit3A_1431, %sign3A_1440 : i32
      %sign3A_1442 = arith.extui %sign3A_1441 : i1 to i32
      %sign3A_1443 = arith.constant 0 : i32
      %sign3A_1444 = arith.cmpi slt, %jit3A_1431, %sign3A_1443 : i32
      %sign3A_1445 = arith.extui %sign3A_1444 : i1 to i32
      %sign3A_1446 = arith.subi %sign3A_1442, %sign3A_1445 : i32
      %ne3A_1447 = arith.cmpi ne, %sign3A_1439, %sign3A_1446 : i32
      %rem3A_1448 = arith.remsi %add3A_820, %jit3A_1431 : i32
      %ne3A_1449 = arith.constant 0 : i32
      %ne3A_1450 = arith.cmpi ne, %rem3A_1448, %ne3A_1449 : i32
      %and3A_1451 = arith.andi %ne3A_1447, %ne3A_1450 : i1
      %sub3A_1452 = arith.constant 1 : i32
      %sub3A_1453 = arith.subi %div3A_1432, %sub3A_1452 : i32
      %select_n3A_1454 = arith.select %and3A_1451, %sub3A_1453, %div3A_1432 : i32
      %jit3A_1455 = arith.constant 8 : i32
      %eq3A_1456 = arith.constant 0 : i32
      %eq3A_1457 = arith.cmpi eq, %jit3A_1455, %eq3A_1456 : i32
      %jit3A_1458 = arith.constant 1 : i32
      %select_n3A_1459 = arith.select %eq3A_1457, %jit3A_1458, %jit3A_1455 : i32
      %rem3A_1460 = arith.remsi %add3A_820, %select_n3A_1459 : i32
      %ne3A_1461 = arith.constant 0 : i32
      %ne3A_1462 = arith.cmpi ne, %rem3A_1460, %ne3A_1461 : i32
      %lt3A_1463 = arith.constant 0 : i32
      %lt3A_1464 = arith.cmpi slt, %rem3A_1460, %lt3A_1463 : i32
      %lt3A_1465 = arith.constant 0 : i32
      %lt3A_1466 = arith.cmpi slt, %select_n3A_1459, %lt3A_1465 : i32
      %ne3A_1467 = arith.xori %lt3A_1464, %lt3A_1466 : i1
      %and3A_1468 = arith.andi %ne3A_1467, %ne3A_1462 : i1
      %add3A_1469 = arith.addi %rem3A_1460, %select_n3A_1459 : i32
      %select_n3A_1470 = arith.select %and3A_1468, %add3A_1469, %rem3A_1460 : i32
      %add3A_1471 = arith.addi %mul3A_2, %select_n3A_1454 : i32
      %jit3A_1472 = arith.constant 8 : i32
      %div3A_1473 = arith.divsi %add3A_1471, %jit3A_1472 : i32
      %sign3A_1474 = arith.constant 0 : i32
      %sign3A_1475 = arith.cmpi sgt, %add3A_1471, %sign3A_1474 : i32
      %sign3A_1476 = arith.extui %sign3A_1475 : i1 to i32
      %sign3A_1477 = arith.constant 0 : i32
      %sign3A_1478 = arith.cmpi slt, %add3A_1471, %sign3A_1477 : i32
      %sign3A_1479 = arith.extui %sign3A_1478 : i1 to i32
      %sign3A_1480 = arith.subi %sign3A_1476, %sign3A_1479 : i32
      %sign3A_1481 = arith.constant 0 : i32
      %sign3A_1482 = arith.cmpi sgt, %jit3A_1472, %sign3A_1481 : i32
      %sign3A_1483 = arith.extui %sign3A_1482 : i1 to i32
      %sign3A_1484 = arith.constant 0 : i32
      %sign3A_1485 = arith.cmpi slt, %jit3A_1472, %sign3A_1484 : i32
      %sign3A_1486 = arith.extui %sign3A_1485 : i1 to i32
      %sign3A_1487 = arith.subi %sign3A_1483, %sign3A_1486 : i32
      %ne3A_1488 = arith.cmpi ne, %sign3A_1480, %sign3A_1487 : i32
      %rem3A_1489 = arith.remsi %add3A_1471, %jit3A_1472 : i32
      %ne3A_1490 = arith.constant 0 : i32
      %ne3A_1491 = arith.cmpi ne, %rem3A_1489, %ne3A_1490 : i32
      %and3A_1492 = arith.andi %ne3A_1488, %ne3A_1491 : i1
      %sub3A_1493 = arith.constant 1 : i32
      %sub3A_1494 = arith.subi %div3A_1473, %sub3A_1493 : i32
      %select_n3A_1495 = arith.select %and3A_1492, %sub3A_1494, %div3A_1473 : i32
      %jit3A_1496 = arith.constant 8 : i32
      %eq3A_1497 = arith.constant 0 : i32
      %eq3A_1498 = arith.cmpi eq, %jit3A_1496, %eq3A_1497 : i32
      %jit3A_1499 = arith.constant 1 : i32
      %select_n3A_1500 = arith.select %eq3A_1498, %jit3A_1499, %jit3A_1496 : i32
      %rem3A_1501 = arith.remsi %add3A_1471, %select_n3A_1500 : i32
      %ne3A_1502 = arith.constant 0 : i32
      %ne3A_1503 = arith.cmpi ne, %rem3A_1501, %ne3A_1502 : i32
      %lt3A_1504 = arith.constant 0 : i32
      %lt3A_1505 = arith.cmpi slt, %rem3A_1501, %lt3A_1504 : i32
      %lt3A_1506 = arith.constant 0 : i32
      %lt3A_1507 = arith.cmpi slt, %select_n3A_1500, %lt3A_1506 : i32
      %ne3A_1508 = arith.xori %lt3A_1505, %lt3A_1507 : i1
      %and3A_1509 = arith.andi %ne3A_1508, %ne3A_1503 : i1
      %add3A_1510 = arith.addi %rem3A_1501, %select_n3A_1500 : i32
      %select_n3A_1511 = arith.select %and3A_1509, %add3A_1510, %rem3A_1501 : i32
      %mul3A_1512 = arith.constant 16 : i32
      %mul3A_1513 = arith.muli %select_n3A_1470, %mul3A_1512 : i32
      %dma_start3A_1514 = arith.constant 0 : i32
      %dma_start3A_1515 = arith.constant 0 : i32
      %dma_start3A_1516 = tpu.memref_slice %arg4[%select_n3A_1495, %dma_start3A_1514, %select_n3A_1511, %dma_start3A_1515, %mul3A_1513] : memref<200x125x8x8x128xf32, #tpu.memory_space<hbm>> -> memref<1x125x1x8x16xf32, #tpu.memory_space<hbm>>
      %dma_start3A_1517 = tpu.memref_squeeze %dma_start3A_1516 : memref<1x125x1x8x16xf32, #tpu.memory_space<hbm>> -> memref<125x8x16xf32, #tpu.memory_space<hbm>>
      %dma_start3A_1518 = arith.constant 0 : i32
      %dma_start3A_1519 = arith.constant 0 : i32
      %dma_start3A_1520 = tpu.memref_slice %arg4[%select_n3A_1495, %dma_start3A_1518, %select_n3A_1511, %dma_start3A_1519, %mul3A_1513] : memref<200x125x8x8x128xf32, #tpu.memory_space<hbm>> -> memref<1x125x1x8x16xf32, #tpu.memory_space<hbm>>
      %dma_start3A_1521 = tpu.memref_squeeze %dma_start3A_1520 : memref<1x125x1x8x16xf32, #tpu.memory_space<hbm>> -> memref<125x8x16xf32, #tpu.memory_space<hbm>>
      tpu.enqueue_dma source(%arg9 : memref<125x8x16xf32, #tpu.memory_space<vmem>>) target(%dma_start3A_1521 : memref<125x8x16xf32, #tpu.memory_space<hbm>>) target_semaphore(%arg13 : memref<!tpu.dma_semaphore, #tpu.memory_space<semaphore_mem>>)
    }
    %scan3A_19 = arith.constant 200 : i32
    %add3A_20 = arith.constant 49 : i32
    %add3A_21 = arith.addi %mul3A_2, %add3A_20 : i32
    %jit3A = arith.constant 8 : i32
    %div3A = arith.divsi %add3A_21, %jit3A : i32
    %sign3A = arith.constant 0 : i32
    %sign3A_22 = arith.cmpi sgt, %add3A_21, %sign3A : i32
    %sign3A_23 = arith.extui %sign3A_22 : i1 to i32
    %sign3A_24 = arith.constant 0 : i32
    %sign3A_25 = arith.cmpi slt, %add3A_21, %sign3A_24 : i32
    %sign3A_26 = arith.extui %sign3A_25 : i1 to i32
    %sign3A_27 = arith.subi %sign3A_23, %sign3A_26 : i32
    %sign3A_28 = arith.constant 0 : i32
    %sign3A_29 = arith.cmpi sgt, %jit3A, %sign3A_28 : i32
    %sign3A_30 = arith.extui %sign3A_29 : i1 to i32
    %sign3A_31 = arith.constant 0 : i32
    %sign3A_32 = arith.cmpi slt, %jit3A, %sign3A_31 : i32
    %sign3A_33 = arith.extui %sign3A_32 : i1 to i32
    %sign3A_34 = arith.subi %sign3A_30, %sign3A_33 : i32
    %ne3A = arith.cmpi ne, %sign3A_27, %sign3A_34 : i32
    %rem3A = arith.remsi %add3A_21, %jit3A : i32
    %ne3A_35 = arith.constant 0 : i32
    %ne3A_36 = arith.cmpi ne, %rem3A, %ne3A_35 : i32
    %and3A = arith.andi %ne3A, %ne3A_36 : i1
    %sub3A = arith.constant 1 : i32
    %sub3A_37 = arith.subi %div3A, %sub3A : i32
    %select_n3A = arith.select %and3A, %sub3A_37, %div3A : i32
    %jit3A_38 = arith.constant 8 : i32
    %eq3A = arith.constant 0 : i32
    %eq3A_39 = arith.cmpi eq, %jit3A_38, %eq3A : i32
    %jit3A_40 = arith.constant 1 : i32
    %select_n3A_41 = arith.select %eq3A_39, %jit3A_40, %jit3A_38 : i32
    %rem3A_42 = arith.remsi %add3A_21, %select_n3A_41 : i32
    %ne3A_43 = arith.constant 0 : i32
    %ne3A_44 = arith.cmpi ne, %rem3A_42, %ne3A_43 : i32
    %lt3A = arith.constant 0 : i32
    %lt3A_45 = arith.cmpi slt, %rem3A_42, %lt3A : i32
    %lt3A_46 = arith.constant 0 : i32
    %lt3A_47 = arith.cmpi slt, %select_n3A_41, %lt3A_46 : i32
    %ne3A_48 = arith.xori %lt3A_45, %lt3A_47 : i1
    %and3A_49 = arith.andi %ne3A_48, %ne3A_44 : i1
    %add3A_50 = arith.addi %rem3A_42, %select_n3A_41 : i32
    %select_n3A_51 = arith.select %and3A_49, %add3A_50, %rem3A_42 : i32
    %dma_wait3A = arith.constant 0 : i32
    %dma_wait3A_52 = arith.constant 0 : i32
    %dma_wait3A_53 = arith.constant 96 : i32
    %dma_wait3A_54 = tpu.memref_slice %arg4[%select_n3A, %dma_wait3A, %select_n3A_51, %dma_wait3A_52, %dma_wait3A_53] : memref<200x125x8x8x128xf32, #tpu.memory_space<hbm>> -> memref<1x125x1x8x16xf32, #tpu.memory_space<hbm>>
    %dma_wait3A_55 = tpu.memref_squeeze %dma_wait3A_54 : memref<1x125x1x8x16xf32, #tpu.memory_space<hbm>> -> memref<125x8x16xf32, #tpu.memory_space<hbm>>
    %dma_wait3A_56 = arith.constant 0 : i32
    %dma_wait3A_57 = arith.constant 0 : i32
    %dma_wait3A_58 = arith.constant 96 : i32
    %dma_wait3A_59 = tpu.memref_slice %arg4[%select_n3A, %dma_wait3A_56, %select_n3A_51, %dma_wait3A_57, %dma_wait3A_58] : memref<200x125x8x8x128xf32, #tpu.memory_space<hbm>> -> memref<1x125x1x8x16xf32, #tpu.memory_space<hbm>>
    %dma_wait3A_60 = tpu.memref_squeeze %dma_wait3A_59 : memref<1x125x1x8x16xf32, #tpu.memory_space<hbm>> -> memref<125x8x16xf32, #tpu.memory_space<hbm>>
    tpu.wait_dma2 semaphore(%arg12 : memref<!tpu.dma_semaphore, #tpu.memory_space<semaphore_mem>>) src(%arg8 : memref<125x8x16xf32, #tpu.memory_space<vmem>>) dst(%dma_wait3A_60 : memref<125x8x16xf32, #tpu.memory_space<hbm>>)
    %add3A_61 = arith.constant 49 : i32
    %add3A_62 = arith.addi %mul3A_2, %add3A_61 : i32
    %jit3A_63 = arith.constant 8 : i32
    %div3A_64 = arith.divsi %add3A_62, %jit3A_63 : i32
    %sign3A_65 = arith.constant 0 : i32
    %sign3A_66 = arith.cmpi sgt, %add3A_62, %sign3A_65 : i32
    %sign3A_67 = arith.extui %sign3A_66 : i1 to i32
    %sign3A_68 = arith.constant 0 : i32
    %sign3A_69 = arith.cmpi slt, %add3A_62, %sign3A_68 : i32
    %sign3A_70 = arith.extui %sign3A_69 : i1 to i32
    %sign3A_71 = arith.subi %sign3A_67, %sign3A_70 : i32
    %sign3A_72 = arith.constant 0 : i32
    %sign3A_73 = arith.cmpi sgt, %jit3A_63, %sign3A_72 : i32
    %sign3A_74 = arith.extui %sign3A_73 : i1 to i32
    %sign3A_75 = arith.constant 0 : i32
    %sign3A_76 = arith.cmpi slt, %jit3A_63, %sign3A_75 : i32
    %sign3A_77 = arith.extui %sign3A_76 : i1 to i32
    %sign3A_78 = arith.subi %sign3A_74, %sign3A_77 : i32
    %ne3A_79 = arith.cmpi ne, %sign3A_71, %sign3A_78 : i32
    %rem3A_80 = arith.remsi %add3A_62, %jit3A_63 : i32
    %ne3A_81 = arith.constant 0 : i32
    %ne3A_82 = arith.cmpi ne, %rem3A_80, %ne3A_81 : i32
    %and3A_83 = arith.andi %ne3A_79, %ne3A_82 : i1
    %sub3A_84 = arith.constant 1 : i32
    %sub3A_85 = arith.subi %div3A_64, %sub3A_84 : i32
    %select_n3A_86 = arith.select %and3A_83, %sub3A_85, %div3A_64 : i32
    %jit3A_87 = arith.constant 8 : i32
    %eq3A_88 = arith.constant 0 : i32
    %eq3A_89 = arith.cmpi eq, %jit3A_87, %eq3A_88 : i32
    %jit3A_90 = arith.constant 1 : i32
    %select_n3A_91 = arith.select %eq3A_89, %jit3A_90, %jit3A_87 : i32
    %rem3A_92 = arith.remsi %add3A_62, %select_n3A_91 : i32
    %ne3A_93 = arith.constant 0 : i32
    %ne3A_94 = arith.cmpi ne, %rem3A_92, %ne3A_93 : i32
    %lt3A_95 = arith.constant 0 : i32
    %lt3A_96 = arith.cmpi slt, %rem3A_92, %lt3A_95 : i32
    %lt3A_97 = arith.constant 0 : i32
    %lt3A_98 = arith.cmpi slt, %select_n3A_91, %lt3A_97 : i32
    %ne3A_99 = arith.xori %lt3A_96, %lt3A_98 : i1
    %and3A_100 = arith.andi %ne3A_99, %ne3A_94 : i1
    %add3A_101 = arith.addi %rem3A_92, %select_n3A_91 : i32
    %select_n3A_102 = arith.select %and3A_100, %add3A_101, %rem3A_92 : i32
    %dma_wait3A_103 = arith.constant 0 : i32
    %dma_wait3A_104 = arith.constant 0 : i32
    %dma_wait3A_105 = arith.constant 112 : i32
    %dma_wait3A_106 = tpu.memref_slice %arg4[%select_n3A_86, %dma_wait3A_103, %select_n3A_102, %dma_wait3A_104, %dma_wait3A_105] : memref<200x125x8x8x128xf32, #tpu.memory_space<hbm>> -> memref<1x125x1x8x16xf32, #tpu.memory_space<hbm>>
    %dma_wait3A_107 = tpu.memref_squeeze %dma_wait3A_106 : memref<1x125x1x8x16xf32, #tpu.memory_space<hbm>> -> memref<125x8x16xf32, #tpu.memory_space<hbm>>
    %dma_wait3A_108 = arith.constant 0 : i32
    %dma_wait3A_109 = arith.constant 0 : i32
    %dma_wait3A_110 = arith.constant 112 : i32
    %dma_wait3A_111 = tpu.memref_slice %arg4[%select_n3A_86, %dma_wait3A_108, %select_n3A_102, %dma_wait3A_109, %dma_wait3A_110] : memref<200x125x8x8x128xf32, #tpu.memory_space<hbm>> -> memref<1x125x1x8x16xf32, #tpu.memory_space<hbm>>
    %dma_wait3A_112 = tpu.memref_squeeze %dma_wait3A_111 : memref<1x125x1x8x16xf32, #tpu.memory_space<hbm>> -> memref<125x8x16xf32, #tpu.memory_space<hbm>>
    tpu.wait_dma2 semaphore(%arg13 : memref<!tpu.dma_semaphore, #tpu.memory_space<semaphore_mem>>) src(%arg9 : memref<125x8x16xf32, #tpu.memory_space<vmem>>) dst(%dma_wait3A_112 : memref<125x8x16xf32, #tpu.memory_space<hbm>>)
    return
  }
}

</mosaic_0001>

<sc_bundles>
// kernel: kernel.3.cloned.1.call-start
scs
__scs_entry_jumppad:
0x0: {  	(pc) =	sbr.rel $0x88, $3  }
0x1: {  	(tag) =	ssettag $0x0;
	lr =	simm.s32 $0x1  }
0x2: {  	[smem:$0x3F9F] =	sst lr;
	_ =	strace $0xD0000000  }
0x3: {  	_ = 	snop  }
0x4: {  	_ = 	snop  }
0x5: {  	_ = 	snop  }
0x6: {  	_ = 	snop  }
0x7: {  	_ = 	snop  }
__scs_overlays_trampoline_lowered:
0x8: {  	[smem:$0x3FAE] =	sst s0  }
0x9: {  	[smem:$0x3FAF] =	sst s1  }
0xa: {  	[smem:$0x3FB0] =	sst s2  }
0xb: {  	[smem:$0x3FB1] =	sst s3  }
0xc: {  	[smem:$0x3FB2] =	sst s4  }
0xd: {  	[smem:$0x3FB3] =	sst s5  }
0xe: {  	[smem:$0x3FB4] =	sst s6  }
0xf: {  	[smem:$0x3FB5] =	sst s7  }
0x10: {  	[smem:$0x3FB6] =	sst s8  }
0x11: {  	[smem:$0x3FB7] =	sst s9;
	s0 =	simm.s32 @!p0 $0x0  }
0x12: {  	s1 =	sld [smem:$0x3F9D];
	s0 =	simm.s32 @p0 $0x1  }
0x13: {  	[smem:$0x3FB8] =	sst s0;
	s0 =	simm.s32 @!p1 $0x0  }
0x14: {  	s2 =	sld [smem:$0x3F9C];
	s0 =	simm.s32 @p1 $0x1  }
0x15: {  	[smem:$0x3FB9] =	sst s0;
	s0 =	simm.s32 @!p2 $0x0  }
0x16: {  	s3 =	sld [smem:$0x3FDB];
	s0 =	simm.s32 @p2 $0x1  }
0x17: {  	s4 =	simm.s32 $0x1BF5;
	[smem:$0x3FBB] =	sst s0  }
0x18: {  	s0 =	sld [smem:$0x3F9E];
	_ =	swait.ge [sflag:s4], $0x0  }
0x19: {  	s7 =	sld [smem:$0x3F9F]  }
0x1a: {  	s8 =	sadd.s32 $0xFFFFE003, lr  }
0x1b: {  	s9 =	sadd.s32 $0xFFFFFEF7, lr;
	s5 =	simm.s32 $0xFFFFFFFF;
	p2 =	slt.u32 s8, $0xFFFFF086  }
0x1c: {  	p1 =	slt.u32 s9, $0xF7A;
	s5 =	simm.s32 @!p2 $0x0  }
0x1d: {  	s5 =	simm.s32 @p1 $0x1;
	p0 =	seq.s32 s7, s2  }
0x1e: {  	s7 =	smul.u32 @!p0 $0xF7A, s2;
	p2 =	seq.s32 @!p0 s5, $0x0  }
0x1f: {  	s9 =	smul.u32 $0xF7A, s1;
	s8 =	simm.s32 @!p0 $0x1BF5;
	p2 =	por !p2, p0  }
0x20: {  	[sflag:s8] =	ssyncset.s32 @!p0 $0xFFFFF086;
	s6 =	sadd.s32 @!p0 s3, s7;
	s7 =	simm.s32 @!p0 $0x108  }
0x21: {  	s3 =	sadd.s32 s3, s9;
	s6 =	sadd.s32 @!p0 $0x88, s6;
	s7 =	simm.s32 @p2 $0x1082  }
0x22: {  	[simem:s7], [sflag:s8] =	dma.local @!p0 [hbm:s6], $0xF7A  }
0x23: {  	s9 =	sor.u32 $0xD0000000, s2;
	s6 =	simm.s32 $0x108;
	_ =	swait.ge @!p0 [sflag:s8], $0x0  }
0x24: {  	s3 =	sadd.s32 $0x88, s3;
	s6 =	simm.s32 @!p1 $0x1082;
	[sflag:s4] =	ssyncset.s32 $0xFFFFF086  }
0x25: {  	[simem:s6], [sflag:s4] =	dma.local [hbm:s3], $0xF7A  }
0x26: {  	[smem:$0x3F9F] =	sst s1;
	(tag) =	ssettag s2;
	_ =	strace s9  }
0x27: {  	s1 =	sld [smem:$0x3FAF]  }
0x28: {  	s2 =	sld [smem:$0x3FB0]  }
0x29: {  	s4 =	sld [smem:$0x3FB2]  }
0x2a: {  	p0 =	seq.s32 s5, $0x0;
	s5 =	sld [smem:$0x3FB3]  }
0x2b: {  	s6 =	sld [smem:$0x3FB4]  }
0x2c: {  	s7 =	sld [smem:$0x3FB5]  }
0x2d: {  	s3 =	simm.s32 $0x108;
	s8 =	sld [smem:$0x3FB6]  }
0x2e: {  	s3 =	simm.s32 @!p0 $0x1082;
	s9 =	sld [smem:$0x3FB7]  }
0x2f: {  	lr =	sadd.s32 s0, s3;
	s0 =	sld [smem:$0x3FAE]  }
0x30: {  	s3 =	sld [smem:$0x3FB1]  }
0x31: {  	[smem:$0x3FBA] =	sst s10  }
0x32: {  	s10 =	sld [smem:$0x3FB8];
	_ =	sdelay $0x3  }
0x33: {  	p0 =	seq.s32 s10, $0x1;
	s10 =	sld [smem:$0x3FBA];
	_ =	sdelay $0x3  }
0x34: {  	[smem:$0x3FBA] =	sst s10  }
0x35: {  	s10 =	sld [smem:$0x3FB9];
	_ =	sdelay $0x3  }
0x36: {  	p1 =	seq.s32 s10, $0x1;
	s10 =	sld [smem:$0x3FBA];
	_ =	sdelay $0x3  }
0x37: {  	[smem:$0x3FBA] =	sst s10  }
0x38: {  	s10 =	sld [smem:$0x3FBB]  }
0x39: {  	_ = 	snop;
	(pc) =	sbr.ind lr, $3  }
0x3a: {  	_ = 	snop  }
0x3b: {  	_ = 	snop  }
0x3c: {  	p2 =	seq.s32 s10, $0x1;
	s10 =	sld [smem:$0x3FBA]  }
0x3d: {  	_ =	shalt  }
0x3e: {  	_ =	shalt  }
0x3f: {  	_ =	shalt  }
0x40: {  	_ =	shalt  }
0x41: {  	_ =	shalt  }
0x42: {  	_ =	shalt  }
0x43: {  	_ =	shalt  }
0x44: {  	_ =	shalt  }
0x45: {  	_ =	shalt  }
0x46: {  	_ =	shalt  }
0x47: {  	_ =	shalt  }
0x48: {  	_ =	shalt  }
0x49: {  	_ =	shalt  }
0x4a: {  	_ =	shalt  }
0x4b: {  	_ =	shalt  }
0x4c: {  	_ =	shalt  }
0x4d: {  	_ =	shalt  }
0x4e: {  	_ =	shalt  }
0x4f: {  	_ =	shalt  }
0x50: {  	_ =	shalt  }
0x51: {  	_ =	shalt  }
0x52: {  	_ =	shalt  }
0x53: {  	_ =	shalt  }
0x54: {  	_ =	shalt  }
0x55: {  	_ =	shalt  }
0x56: {  	_ =	shalt  }
0x57: {  	_ =	shalt  }
0x58: {  	_ =	shalt  }
0x59: {  	_ =	shalt  }
0x5a: {  	_ =	shalt  }
0x5b: {  	_ =	shalt  }
0x5c: {  	_ =	shalt  }
0x5d: {  	_ =	shalt  }
0x5e: {  	_ =	shalt  }
0x5f: {  	_ =	shalt  }
0x60: {  	_ =	shalt  }
0x61: {  	_ =	shalt  }
0x62: {  	_ =	shalt  }
0x63: {  	_ =	shalt  }
0x64: {  	_ =	shalt  }
0x65: {  	_ =	shalt  }
0x66: {  	_ =	shalt  }
0x67: {  	_ =	shalt  }
0x68: {  	_ =	shalt  }
0x69: {  	_ =	shalt  }
0x6a: {  	_ =	shalt  }
0x6b: {  	_ =	shalt  }
0x6c: {  	_ =	shalt  }
0x6d: {  	_ =	shalt  }
0x6e: {  	_ =	shalt  }
0x6f: {  	_ =	shalt  }
0x70: {  	_ =	shalt  }
0x71: {  	_ =	shalt  }
0x72: {  	_ =	shalt  }
0x73: {  	_ =	shalt  }
0x74: {  	_ =	shalt  }
0x75: {  	_ =	shalt  }
0x76: {  	_ =	shalt  }
0x77: {  	_ =	shalt  }
0x78: {  	_ =	shalt  }
0x79: {  	_ =	shalt  }
0x7a: {  	_ =	shalt  }
0x7b: {  	_ =	shalt  }
0x7c: {  	_ =	shalt  }
0x7d: {  	_ =	shalt  }
0x7e: {  	_ =	shalt  }
0x7f: {  	_ =	shalt  }
0x80: {  	_ =	shalt  }
0x81: {  	_ =	shalt  }
0x82: {  	_ =	shalt  }
0x83: {  	_ =	shalt  }
0x84: {  	_ =	shalt  }
0x85: {  	_ =	shalt  }
0x86: {  	_ =	shalt  }
0x87: {  	_ =	shalt  }
.Lfunc_end0:
.L_simem_size_0:
called_computation_lowered:
.L_overlay_start_0:
0x88: {  	s2 =	sld [smem:$0x3FD9]  }
0x89: {  	s3 =	sld [smem:$0x3FFE];
	_ =	sdelay $0x1  }
0x8a: {  	s1 =	srdreg.scid  }
0x8b: {  	s0 =	sand.u32 $0x1, s1  }
0x8c: {  	s17 =	sshll.u32 s0, $0xA;
	s2 =	sadd.s32 s3, s2  }
0x8d: {  	s2 =	sadd.s32 s2, s17  }
0x8e: {  	[smem:$0x3FC6] =	sst s2  }
0x8f: {  	_ = 	snop  }
0x90: {  	s2 =	sld [smem:$0x3FD0];
	(tm) =	ssettm $0x1  }
0x91: {  	s18 =	sld [smem:$0x3FFB];
	_ =	sdelay $0x3  }
0x92: {  	_ =	strace s18  }
0x93: {  	s3 =	sld [smem:$0x3FFC];
	_ =	sdelay $0x3  }
0x94: {  	_ =	strace s3  }
0x95: {  	s3 =	sld [smem:$0x3FFD];
	_ =	sdelay $0x3  }
0x96: {  	_ =	strace s3  }
0x97: {  	_ =	strace $0x8FFFFFFF  }
0x98: {  	s19 =	sld [smem:$0x3FDB];
	_ =	sdelay $0x1  }
0x99: {  	s4 =	simm.s32 $_scs_section_size  }
0x9a: {  	s5 =	simm.s32 $_size__tile_overlayer_lowered;
	s6 =	simm.s32 $_tile_overlayer_lowered  }
0x9b: {  	s22 =	simm.s32 $0x1BFF;
	s21 =	sshll.u32 s6, $0x1;
	s3 =	sadd.s32 s4, s19  }
0x9c: {  	s7 =	simm.s32 $0x0;
	s20 =	sshll.u32 s5, $0x1;
	s5 =	sadd.s32 s21, s3  }
0x9d: {  	[timem:s7], [sflag:s22] =	dma.local [hbm:s5], s20  }
0x9e: {  	_ =	swait.ge [sflag:s22], s20  }
0x9f: {  	s4 =	ssub.s32 $0x0, s20;
	[sflag:s22] =	ssyncset.done $0x0  }
0xa0: {  	[sflag:s22] =	ssyncadd.s32 s4;
	_ =	sdelay $0x1  }
0xa1: {  	s23 =	simm.s32 $0x1B8B  }
0xa2: {  	_ =	swait.ge [sflag:s23], $0x1  }
0xa3: {  	[sflag:s23] =	ssyncset.done $0x0  }
0xa4: {  	s25 =	simm.s32 $0x1B8E;
	s24 =	sld [smem:$0x3FFE];
	[sflag:s23] =	ssyncadd.s32 $0xFFFFFFFF  }
0xa5: {  	s26 =	simm.s32 $execute0_lowered;
	[smem:$0x3FD2] =	sst s25  }
0xa6: {  	s5 =	sshll.u32 s26, $0x1;
	_ =	strace $0x80000046;
	[dreg:$0x1] =	wrdreg $0xFFFFFFFF  }
0xa7: {  	s28 =	simm.s32 $_size_execute0_lowered;
	s3 =	sadd.s32 s3, s5;
	[dreg:$0x0] =	wrdreg $0x0  }
0xa8: {  	s5 =	sshll.u32 s28, $0x1;
	[dreg:$0x2] =	wrdreg s3  }
0xa9: {  	[dreg:$0x3] =	wrdreg s5  }
0xaa: {  	[dreg:$0x4] =	wrdreg $0xC0  }
0xab: {  	_ =	task [dreg:s7], $0x5FFFF  }
0xac: {  	[dreg:$0x1] =	wrdreg $0xFFFFFFFF  }
0xad: {  	[dreg:$0x0] =	wrdreg $0x60  }
0xae: {  	[dreg:$0x2] =	wrdreg s24  }
0xaf: {  	[dreg:$0x3] =	wrdreg s2  }
0xb0: {  	[dreg:$0x4] =	wrdreg $0x9  }
0xb1: {  	_ =	task.clear_ibuf [dreg:s7], $0x5FFFF;
	_ =	strace $0x90000046  }
0xb2: {  	s29 =	simm.s32 $0x9;
	_ =	strace $0x80000048  }
0xb3: {  	_ =	swait.ge [sflag:s29], $0x1  }
0xb4: {  	[sflag:s29] =	ssyncadd.s32 $0xFFFFFFFF  }
0xb5: {  	_ =	strace $0x90000048  }
0xb6: {  	_ =	sfence  }
0xb7: {  	s30 =	sld [smem:$0x0];
	_ =	sdelay $0x2  }
0xb8: {  	s31 =	sshll.u32 s1, $0xD;
	s1 =	sshrl.u32 s1, $0x2  }
0xb9: {  	s3 =	sand.u32 $0x4000, s31;
	s1 =	sadd.s32 s1, s30  }
0xba: {  	s0 =	sor.u32 s3, s0;
	s1 =	sshll.u32 s1, $0x11  }
0xbb: {  	s0 =	sor.u32 s1, s0  }
0xbc: {  	s0 =	sadd.s32 $0x8F2B, s0  }
0xbd: {  	[sflag:s0] =	ssyncadd.remote.s32 $0x1  }
0xbe: {  	_ =	sfence.sel $0xFFFF  }
0xbf: {  	[dreg:$0x0] =	wrdreg $0xFFFFFFFF;
	(pc) =	sbr.abs _section_cstart, $3  }
0xc0: {  	[dreg:$0x1] =	wrdreg $0xFFFFFFFF  }
0xc1: {  	_ =	task.clear_ibuf [dreg:s7], $0x2FFFF;
	_ =	strace $0x9FFFFFFF  }
0xc2: {  	(tm) =	ssettm $0x7FFFFFFF  }
0xc3: {  	_ =	shalt  }
tec
execute0_lowered:
.L_overlay_start_1:
0x0: {  	(tag) =	ssettag $0x1  }
0x1: {  	v0 =	vimm.s32 $0x3A9F;
	vm0 =	vcmask $0x300;
	vm1 =	vcmask $0x704  }
0x2: {  	vm2 =	vcmask $0xB08;
	vm3 =	vcmask $0xF0C;
	vm4 =	vcmask $0x1310  }
0x3: {  	vm5 =	vcmask $0x1714;
	vm6 =	vcmask $0x1B18;
	vm7 =	vcmask $0x1F1C  }
0x4: {  	vm8 =	vcmask $0x2320;
	vm9 =	vcmask $0x2724;
	v1 =	vimm.s32 $0x4F  }
0x5: {  	vm10 =	vcmask $0x2B28;
	vm11 =	vcmask $0x2F2C;
	vm12 =	vcmask $0x3330  }
0x6: {  	vm13 =	vcmask $0x3734;
	v2 =	vimm.s32 $0x3E38;
	v53 =	vimm.s32 $0x2F1E0D00  }
0x7: {  	vm14 =	vcmask $0x1F14;
	v55 =	vimm.s32 $0x5F;
	v56 =	vimm.s32 $0xB3E2D1C  }
0x8: {  	v57 =	vimm.s32 $0x8F;
	v5 =	vimm.s32 $0x2B1A093C;
	v7 =	vimm.s32 $0x6F5E4D00  }
0x9: {  	vm15 =	vcmask $0x1304;
	v9 =	vimm.s32 $0x3362514;
	v10 =	vimm.s32 $0x477A6958  }
0xa: {  	v60 =	vimm.s32 $0x9F;
	v62 =	vimm.s32 $0x3A98;
	v11 =	vimm.s32 $0x33221100  }
0xb: {  	v12 =	vimm.s32 $0x27160538;
	v13 =	vimm.s32 $0x6B5A497C;
	v14 =	vimm.s32 $0x23120134  }
0xc: {  	v15 =	vimm.s32 $0xEF;
	v16 =	vimm.s32 $0x67564578;
	v17 =	vimm.s32 $0xAB9A89BC  }
0xd: {  	v18 =	vimm.s32 $0x53423120;
	v19 =	vimm.s32 $0x17067564;
	v0 =	vsel vm0, $0x0, v0  }
0xe: {  	v20 =	vimm.s32 $0x3A9B;
	v21 =	vimm.s32 $0x63524130;
	v0 =	vsel vm1, $0x3E9, v0  }
0xf: {  	v1 =	vsel vm0, $0x3DD0, v1;
	v52 =	vsel vm1, $0x3E49, v2;
	v0 =	vsel vm2, $0x7D2, v0  }
0x10: {  	v2 =	vunpack.c.0.s8.s32 v53;
	v4 =	vunpack.c.0.s8.s32 v56;
	v0 =	vsel vm3, $0xBBB, v0  }
0x11: {  	v5 =	vunpack.c.0.s8.s32 v5;
	v7 =	vunpack.c.0.s8.s32 v7;
	v0 =	vsel vm4, $0xFA4, v0  }
0x12: {  	v9 =	vunpack.c.0.s8.s32 v9;
	v10 =	vunpack.c.0.s8.s32 v10;
	v0 =	vsel vm5, $0x138D, v0  }
0x13: {  	v12 =	vunpack.c.0.s8.s32 v12;
	v13 =	vunpack.c.0.s8.s32 v13;
	v0 =	vsel vm6, $0x1776, v0  }
0x14: {  	v14 =	vunpack.c.0.s8.s32 v14;
	v1 =	vsel vm1, $0x3DE1, v1;
	v0 =	vsel vm7, $0x1B5F, v0  }
0x15: {  	v15 =	vsel vm0, $0x3E70, v15;
	v1 =	vsel vm2, $0x3DF2, v1;
	v0 =	vsel vm8, $0x1F40, v0  }
0x16: {  	v16 =	vunpack.c.0.s8.s32 v16;
	v1 =	vsel vm3, $0x3E03, v1;
	v0 =	vsel vm9, $0x2329, v0  }
0x17: {  	v11 =	vunpack.c.0.s8.s32 v11;
	v1 =	vsel vm4, $0x3E14, v1;
	v0 =	vsel vm10, $0x2712, v0  }
0x18: {  	v5 =	vnsel vm15, $0x3E78, v5;
	v1 =	vsel vm5, $0x3E25, v1;
	v0 =	vsel vm11, $0x2AFB, v0  }
0x19: {  	v14 =	vsel vm15, v14, v15;
	v1 =	vsel vm6, $0x3E36, v1;
	v0 =	vsel vm12, $0x2EE4, v0  }
0x1a: {  	v1 =	vsel vm7, $0x3E47, v1;
	v6 =	vsel vm13, $0x32CD, v0;
	v0 =	vsel vm2, $0x3E5A, v52  }
0x1b: {  	vm15 =	vcmask $0x2314;
	v1 =	vsel vm8, $0x3E58, v1;
	v0 =	vsel vm3, $0x3E6B, v0  }
0x1c: {  	v54 =	vsel vm9, $0x3E69, v1;
	v1 =	vsel vm0, $0x3DE0, v55;
	v0 =	vsel vm4, $0x3E7C, v0  }
0x1d: {  	v1 =	vsel vm1, $0x3DF1, v1;
	v3 =	vsel vm14, v2, v0;
	v2 =	vsel vm0, $0x3E10, v57  }
0x1e: {  	v58 =	vsel vm14, v7, v5;
	v1 =	vsel vm2, $0x3E02, v1;
	v2 =	vsel vm1, $0x3E21, v2  }
0x1f: {  	v7 =	vimm.s32 $0x73A2918;
	v1 =	vsel vm3, $0x3E13, v1;
	v2 =	vsel vm2, $0x3E32, v2  }
0x20: {  	v7 =	vunpack.c.0.s8.s32 v7;
	v1 =	vsel vm4, $0x3E24, v1;
	v8 =	vsel vm3, $0x3E43, v2  }
0x21: {  	v1 =	vsel vm5, $0x3E35, v1;
	v5 =	vsel vm4, $0x3E54, v8;
	v8 =	vimm.s32 $0xCF  }
0x22: {  	v1 =	vsel vm6, $0x3E46, v1;
	v0 =	vsel vm10, $0x3E7A, v54;
	v8 =	vsel vm0, $0x3E50, v8  }
0x23: {  	vm14 =	vcmask $0x1B0C;
	v59 =	vsel vm7, $0x3E57, v1;
	v8 =	vsel vm1, $0x3E61, v8  }
0x24: {  	v1 =	vsel vm0, $0x3E20, v60;
	v5 =	vsel vm5, $0x3E65, v5;
	v8 =	vsel vm2, $0x3E72, v8  }
0x25: {  	v5 =	vsel vm6, $0x3E76, v5;
	v8 =	vsel vm14, v9, v8;
	vm14 =	vcmask $0x2B1C  }
0x26: {  	v1 =	vsel vm1, $0x3E31, v1;
	v5 =	vsel vm14, v7, v5;
	v7 =	vand.u32 $0xFF, v10  }
0x27: {  	v1 =	vsel vm2, $0x3E42, v1;
	v7 =	vsel vm14, v7, v8;
	vm14 =	vcmask $0x3B2C  }
0x28: {  	v1 =	vsel vm3, $0x3E53, v1;
	v42 =	vsel vm14, v4, v0;
	v4 =	vimm.s32 $0x4B7E6D5C  }
0x29: {  	v15 =	vunpack.c.0.s8.s32 v17;
	v1 =	vsel vm4, $0x3E64, v1;
	v4 =	vunpack.c.0.s8.s32 v4  }
0x2a: {  	v17 =	vimm.s32 $0x3A9A;
	v1 =	vsel vm5, $0x3E75, v1;
	v9 =	vimm.s32 $0x8BBEAD9C  }
0x2b: {  	v10 =	vimm.s32 $0x17063928;
	v9 =	vunpack.c.0.s8.s32 v9;
	v4 =	vand.u32 $0xFF, v4  }
0x2c: {  	v8 =	vimm.s32 $0x1B0A3D2C;
	v43 =	vsel vm14, v4, v5;
	v4 =	vunpack.c.0.s8.s32 v10  }
0x2d: {  	v5 =	vand.u32 $0xFF, v9;
	v9 =	vimm.s32 $0xDF;
	v10 =	vimm.s32 $0x13023524  }
0x2e: {  	v44 =	vsel vm14, v5, v7;
	v5 =	vsel vm0, $0x3E60, v9;
	v7 =	vunpack.c.0.s8.s32 v10  }
0x2f: {  	vm14 =	vcmask $0x1708;
	v9 =	vimm.s32 $0x57467968;
	v5 =	vsel vm1, $0x3E71, v5  }
0x30: {  	v10 =	vimm.s32 $0x5B4A7D6C;
	v5 =	vsel vm14, v7, v5;
	v7 =	vunpack.c.0.s8.s32 v9  }
0x31: {  	v0 =	vsel vm8, $0x3E68, v59;
	vm14 =	vcmask $0x2718;
	v9 =	vunpack.c.0.s8.s32 v10  }
0x32: {  	v10 =	vimm.s32 $0x9B8ABDAC;
	v1 =	vsel vm14, v4, v1;
	v4 =	vand.u32 $0xFF, v7  }
0x33: {  	v8 =	vunpack.c.0.s8.s32 v8;
	v7 =	vunpack.c.0.s8.s32 v10;
	v5 =	vsel vm14, v4, v5  }
0x34: {  	vm14 =	vcmask $0x3728;
	v4 =	vand.u32 $0xFF, v9;
	v9 =	vimm.s32 $0xAF  }
0x35: {  	v4 =	vsel vm14, v4, v1;
	v61 =	vand.u32 $0xFF, v7;
	v7 =	vimm.s32 $0x3B2A1908  }
0x36: {  	v1 =	vsel vm0, $0x1, v62;
	v10 =	vunpack.c.0.s8.s32 v7;
	v7 =	vsel vm0, $0x3E30, v9  }
0x37: {  	v0 =	vsel vm9, $0x3E79, v0;
	v1 =	vsel vm1, $0x3EA, v1;
	v7 =	vsel vm1, $0x3E41, v7  }
0x38: {  	v8 =	vsel vm14, v8, v0;
	v1 =	vsel vm2, $0x7D3, v1;
	v7 =	vsel vm2, $0x3E52, v7  }
0x39: {  	v9 =	vimm.s32 $0x7F6E5D4C;
	v1 =	vsel vm3, $0xBBC, v1;
	v7 =	vsel vm3, $0x3E63, v7  }
0x3a: {  	v9 =	vunpack.c.0.s8.s32 v9;
	v1 =	vsel vm4, $0xFA5, v1;
	v7 =	vsel vm4, $0x3E74, v7  }
0x3b: {  	v7 =	vsel vm15, v12, v7;
	v12 =	vand.u32 $0xFF, v13;
	v13 =	vand.u32 $0xFF, v16  }
0x3c: {  	v1 =	vsel vm5, $0x138E, v1;
	v13 =	vsel vm15, v13, v14;
	vm15 =	vcmask $0x3324  }
0x3d: {  	v14 =	vand.u32 $0xFF, v15;
	v15 =	vsel vm6, $0x1777, v1;
	v7 =	vsel vm15, v12, v7  }
0x3e: {  	v63 =	vsel vm15, v14, v13;
	vm15 =	vcmask $0x1F10;
	v12 =	vsel vm7, $0x1B58, v15  }
0x3f: {  	v13 =	vimm.s32 $0x77665544;
	v14 =	vimm.s32 $0x3A99;
	v12 =	vsel vm8, $0x1F41, v12  }
0x40: {  	v13 =	vunpack.c.0.s8.s32 v13;
	v14 =	vsel vm0, $0x2, v14;
	v12 =	vsel vm9, $0x232A, v12  }
0x41: {  	v15 =	vsel vm15, v9, v10;
	v10 =	vsel vm1, $0x3EB, v14;
	v9 =	vsel vm10, $0x2713, v12  }
0x42: {  	v11 =	vsel vm15, v13, v11;
	v10 =	vsel vm2, $0x7D4, v10;
	v12 =	vsel vm11, $0x2AFC, v9  }
0x43: {  	v9 =	vcombine.low v11, v15;
	v11 =	vsel vm12, $0x2EE5, v12;
	v12 =	vsel vm3, $0xBBD, v10  }
0x44: {  	v16 =	vimm.s32 $0x7766554;
	v14 =	vimm.s32 $0xF7E6D5C;
	v12 =	vsel vm4, $0xFA6, v12  }
0x45: {  	v13 =	vimm.s32 $0x4B3A2918;
	v14 =	vunpack.c.0.s8.s32 v14;
	v12 =	vsel vm5, $0x138F, v12  }
0x46: {  	[tilespmem:$0x1FDE0] =	vst v15;
	v13 =	vunpack.c.0.s8.s32 v13;
	v15 =	vimm.s32 $0x43322110;
	v12 =	vsel vm6, $0x1770, v12  }
0x47: {  	v16 =	vunpack.c.0.s8.s32 v16;
	v15 =	vunpack.c.0.s8.s32 v15;
	v12 =	vsel vm7, $0x1B59, v12  }
0x48: {  	v13 =	vsel vm15, v14, v13;
	v14 =	vsel vm0, $0x3, v17;
	v12 =	vsel vm8, $0x1F42, v12  }
0x49: {  	v15 =	vsel vm15, v16, v15;
	v14 =	vsel vm1, $0x3EC, v14;
	v12 =	vsel vm9, $0x232B, v12  }
0x4a: {  	v13 =	vcombine.low v15, v13;
	v15 =	vsel vm2, $0x7D5, v14;
	v12 =	vsel vm10, $0x2714, v12  }
0x4b: {  	v0 =	vsel vm14, v61, v5;
	v16 =	vsel vm3, $0xBBE, v15;
	v12 =	vsel vm11, $0x2AFD, v12  }
0x4c: {  	vm14 =	vcmask $0x3B38;
	v16 =	vsel vm4, $0xFA7, v16;
	v12 =	vsel vm12, $0x2EE6, v12  }
0x4d: {  	v17 =	vimm.s32 $0x1F0E7D6C;
	v16 =	vsel vm5, $0x1388, v16;
	v12 =	vsel vm13, $0x32CF, v12  }
0x4e: {  	v16 =	vsel vm6, $0x1771, v16;
	v15 =	vsel vm14, $0x36B0, v12;
	v12 =	vimm.s32 $0x5B4A3928  }
0x4f: {  	v17 =	vunpack.c.0.s8.s32 v17;
	v16 =	vsel vm7, $0x1B5A, v16;
	v12 =	vunpack.c.0.s8.s32 v12  }
0x50: {  	v18 =	vunpack.c.0.s8.s32 v18;
	v19 =	vunpack.c.0.s8.s32 v19;
	v16 =	vsel vm8, $0x1F43, v16  }
0x51: {  	v16 =	vsel vm9, $0x232C, v16;
	v12 =	vsel vm15, v17, v12;
	v17 =	vsel vm0, $0x4, v20  }
0x52: {  	v18 =	vsel vm15, v19, v18;
	v16 =	vsel vm10, $0x2715, v16;
	v19 =	vsel vm1, $0x3ED, v17  }
0x53: {  	v17 =	vcombine.low v18, v12;
	v12 =	vsel vm11, $0x2AFE, v16;
	v16 =	vsel vm2, $0x7D6, v19  }
0x54: {  	v22 =	vimm.s32 $0x27160574;
	v23 =	vimm.s32 $0x3A9C;
	v16 =	vsel vm3, $0xBBF, v16  }
0x55: {  	v27 =	vimm.s32 $0x3A9D;
	v12 =	vsel vm12, $0x2EE7, v12;
	v16 =	vsel vm4, $0xFA0, v16  }
0x56: {  	v33 =	vimm.s32 $0x3A9E;
	v12 =	vsel vm13, $0x32C8, v12;
	v16 =	vsel vm5, $0x1389, v16  }
0x57: {  	v20 =	vimm.s32 $0x6B5A4938;
	v19 =	vsel vm14, $0x36B1, v12;
	v16 =	vsel vm6, $0x1772, v16  }
0x58: {  	v12 =	vunpack.c.0.s8.s32 v20;
	v20 =	vimm.s32 $0x2F1E0D7C;
	v16 =	vsel vm7, $0x1B5B, v16  }
0x59: {  	v21 =	vunpack.c.0.s8.s32 v21;
	v20 =	vunpack.c.0.s8.s32 v20;
	v16 =	vsel vm8, $0x1F44, v16  }
0x5a: {  	v22 =	vunpack.c.0.s8.s32 v22;
	v23 =	vsel vm0, $0x5, v23;
	v16 =	vsel vm9, $0x232D, v16  }
0x5b: {  	v12 =	vsel vm15, v20, v12;
	v20 =	vsel vm1, $0x3EE, v23;
	v16 =	vsel vm10, $0x2716, v16  }
0x5c: {  	v21 =	vsel vm15, v22, v21;
	v20 =	vsel vm2, $0x7D7, v20;
	v16 =	vsel vm11, $0x2AFF, v16  }
0x5d: {  	v21 =	vcombine.low v21, v12;
	v12 =	vsel vm12, $0x2EE0, v16;
	v16 =	vsel vm3, $0xBB8, v20  }
0x5e: {  	v34 =	vimm.s32 $0x3726150;
	v35 =	vimm.s32 $0x47362514;
	v16 =	vsel vm4, $0xFA1, v16  }
0x5f: {  	v20 =	vimm.s32 $0x37261504;
	v12 =	vsel vm13, $0x32C9, v12;
	v16 =	vsel vm5, $0x138A, v16  }
0x60: {  	v23 =	vsel vm14, $0x36B2, v12;
	v12 =	vimm.s32 $0x7B6A5948;
	v16 =	vsel vm6, $0x1773, v16  }
0x61: {  	v24 =	vunpack.c.0.s8.s32 v12;
	v12 =	vimm.s32 $0x3F2E1D0C;
	v16 =	vsel vm7, $0x1B5C, v16  }
0x62: {  	v25 =	vunpack.c.0.s8.s32 v12;
	v12 =	vimm.s32 $0x73625140;
	v16 =	vsel vm8, $0x1F45, v16  }
0x63: {  	v26 =	vunpack.c.0.s8.s32 v20;
	v12 =	vunpack.c.0.s8.s32 v12;
	v16 =	vsel vm9, $0x232E, v16  }
0x64: {  	v32 =	vsel vm0, $0x6, v27;
	v20 =	vsel vm15, v25, v24;
	v16 =	vsel vm10, $0x2717, v16  }
0x65: {  	[tilespmem:$0x1FDF0] =	vst v24;
	v24 =	vsel vm1, $0x3EF, v32;
	v12 =	vsel vm15, v26, v12;
	v16 =	vsel vm11, $0x2AF8, v16  }
0x66: {  	v28 =	vcombine.low v12, v20;
	v12 =	vsel vm12, $0x2EE1, v16;
	v16 =	vsel vm2, $0x7D0, v24  }
0x67: {  	v36 =	vimm.s32 $0x5F4E3D2C;
	v37 =	vimm.s32 $0x13027160;
	v16 =	vsel vm3, $0xBB9, v16  }
0x68: {  	v38 =	vimm.s32 $0x57463524;
	[tilespmem:$0x1FE00] =	vst v25;
	v25 =	vsel vm0, $0x7, v33;
	v16 =	vsel vm4, $0xFA2, v16  }
0x69: {  	v39 =	vimm.s32 $0xF;
	v25 =	vsel vm1, $0x3E8, v25;
	v16 =	vsel vm5, $0x138B, v16  }
0x6a: {  	[tilespmem:$0x1FE10] =	vst v26;
	v26 =	vunpack.c.0.s8.s32 v35;
	v20 =	vimm.s32 $0x4F3E2D1C;
	v16 =	vsel vm6, $0x1774, v16  }
0x6b: {  	v25 =	vsel vm2, $0x7D1, v25;
	v12 =	vsel vm13, $0x32CA, v12;
	v16 =	vsel vm7, $0x1B5D, v16  }
0x6c: {  	v30 =	vsel vm14, $0x36B3, v12;
	v12 =	vimm.s32 $0xB7A6958;
	v16 =	vsel vm8, $0x1F46, v16  }
0x6d: {  	v20 =	vunpack.c.0.s8.s32 v20;
	v12 =	vunpack.c.0.s8.s32 v12;
	v16 =	vsel vm9, $0x232F, v16  }
0x6e: {  	v24 =	vunpack.c.0.s8.s32 v34;
	v25 =	vsel vm3, $0xBBA, v25;
	v16 =	vsel vm10, $0x2710, v16  }
0x6f: {  	v12 =	vsel vm15, v20, v12;
	v20 =	vsel vm4, $0xFA3, v25;
	v16 =	vsel vm11, $0x2AF9, v16  }
0x70: {  	v24 =	vsel vm15, v26, v24;
	v20 =	vsel vm5, $0x138C, v20;
	v16 =	vsel vm12, $0x2EE2, v16  }
0x71: {  	v32 =	vcombine.low v24, v12;
	v12 =	vsel vm13, $0x32CB, v16;
	v16 =	vsel vm6, $0x1775, v20  }
0x72: {  	v40 =	vimm.s32 $0x67564534;
	v26 =	vunpack.c.0.s8.s32 v38;
	v16 =	vsel vm7, $0x1B5E, v16  }
0x73: {  	v25 =	vunpack.c.0.s8.s32 v37;
	v20 =	vimm.s32 $0x1B0A7968;
	v16 =	vsel vm8, $0x1F47, v16  }
0x74: {  	v24 =	vunpack.c.0.s8.s32 v36;
	v20 =	vunpack.c.0.s8.s32 v20;
	v16 =	vsel vm9, $0x2328, v16  }
0x75: {  	v41 =	vimm.s32 $0x1F;
	v34 =	vsel vm14, $0x36B4, v12;
	v16 =	vsel vm10, $0x2711, v16  }
0x76: {  	v12 =	vsel vm11, $0x2AFA, v16;
	v16 =	vsel vm15, v24, v20;
	v20 =	vsel vm15, v26, v25  }
0x77: {  	v24 =	vsel vm0, $0x3D90, v39;
	v25 =	vunpack.c.0.s8.s32 v40;
	v12 =	vsel vm12, $0x2EE3, v12  }
0x78: {  	v35 =	vcombine.low v20, v16;
	v16 =	vimm.s32 $0x2B1A0978;
	v12 =	vsel vm13, $0x32CC, v12  }
0x79: {  	v37 =	vsel vm14, $0x36B5, v12;
	v12 =	vunpack.c.0.s8.s32 v16;
	v16 =	vimm.s32 $0x6F5E4D3C  }
0x7a: {  	v20 =	vimm.s32 $0x23120170;
	v24 =	vsel vm1, $0x3DA1, v24;
	v16 =	vunpack.c.0.s8.s32 v16  }
0x7b: {  	v26 =	vsel vm0, $0x3DA0, v41;
	v20 =	vunpack.c.0.s8.s32 v20;
	v24 =	vsel vm2, $0x3DB2, v24  }
0x7c: {  	v45 =	vsel vm1, $0x3DB1, v26;
	v12 =	vsel vm15, v16, v12;
	v16 =	vsel vm3, $0x3DC3, v24  }
0x7d: {  	v20 =	vsel vm15, v25, v20;
	v24 =	vsel vm2, $0x3DC2, v45;
	v16 =	vsel vm4, $0x3DD4, v16  }
0x7e: {  	v38 =	vcombine.low v20, v12;
	v12 =	vsel vm5, $0x3DE5, v16;
	v16 =	vsel vm3, $0x3DD3, v24  }
0x7f: {  	v12 =	vsel vm6, $0x3DF6, v12;
	v16 =	vsel vm4, $0x3DE4, v16  }
0x80: {  	v12 =	vsel vm7, $0x3E07, v12;
	v16 =	vsel vm5, $0x3DF5, v16  }
0x81: {  	v12 =	vsel vm8, $0x3E18, v12;
	v16 =	vsel vm6, $0x3E06, v16  }
0x82: {  	v12 =	vsel vm9, $0x3E29, v12;
	v16 =	vsel vm7, $0x3E17, v16  }
0x83: {  	v5 =	vlaneseq.u32;
	v12 =	vsel vm10, $0x3E3A, v12;
	v16 =	vsel vm8, $0x3E28, v16  }
0x84: {  	v20 =	vimm.s32 $0x3DB0;
	v12 =	vsel vm11, $0x3E4B, v12;
	v16 =	vsel vm9, $0x3E39, v16  }
0x85: {  	v20 =	vsel vm1, $0x3DC1, v20;
	v12 =	vsel vm12, $0x3E5C, v12;
	v16 =	vsel vm10, $0x3E4A, v16  }
0x86: {  	v20 =	vsel vm2, $0x3DD2, v20;
	v12 =	vsel vm13, $0x3E6D, v12;
	v16 =	vsel vm11, $0x3E5B, v16  }
0x87: {  	v20 =	vsel vm3, $0x3DE3, v20;
	v49 =	vsel vm14, $0x3E7E, v12;
	v12 =	vsel vm12, $0x3E6C, v16  }
0x88: {  	v6 =	vsel vm14, $0x36B6, v6;
	v16 =	vsel vm4, $0x3DF4, v20;
	v12 =	vsel vm13, $0x3E7D, v12  }
0x89: {  	v29 =	vadd.s32 $0x5, v5;
	v16 =	vsel vm5, $0x3E05, v16;
	v12 =	vsel vm14, $0xE, v12  }
0x8a: {  	v8 =	vsel vm14, $0x4E, v8;
	v4 =	vsel vm14, $0x8E, v4;
	[tilespmem:$0x1FE20] =	vst v12;
	v12 =	vsel vm6, $0x3E16, v16  }
0x8b: {  	v0 =	vsel vm14, $0xCE, v0;
	v22 =	vadd.s32 $0x4, v5;
	v12 =	vsel vm7, $0x3E27, v12  }
0x8c: {  	[tilespmem:$0x1FEB0] =	vst v4;
	v4 =	vsel vm13, $0x8D, v7;
	v20 =	vimm.s32 $0x3DC0;
	v3 =	vcombine.low v12, v3  }
0x8d: {  	v1 =	vsel vm13, $0xCD, v63;
	v16 =	vsel vm1, $0x3DD1, v20;
	v20 =	vimm.s32 $0x3E48  }
0x8e: {  	v4 =	vsel vm14, $0x9E, v4;
	v16 =	vsel vm2, $0x3DE2, v16;
	[tilespmem:$0x1FE30] =	vst v3;
	v3 =	vsel vm1, $0x3E59, v20  }
0x8f: {  	v59 =	vsel vm14, $0xDE, v1;
	v12 =	vsel vm3, $0x3DF3, v16;
	v3 =	vsel vm2, $0x3E6A, v3  }
0x90: {  	[tilespmem:$0x1FED0] =	vst v4;
	v4 =	vimm.s32 $0x3E40;
	v12 =	vsel vm4, $0x3E04, v12;
	v3 =	vsel vm3, $0x3E7B, v3  }
0x91: {  	v54 =	vsel vm1, $0x3E51, v4;
	v16 =	vimm.s32 $0x3AA0;
	[tilespmem:$0x1FE40] =	vst v3;
	v3 =	vsel vm5, $0x3E15, v12  }
0x92: {  	v4 =	vimm.s32 $0x3AA5;
	v12 =	vsel vm0, $0x3E1, v16;
	v3 =	vsel vm6, $0x3E26, v3  }
0x93: {  	v16 =	vimm.s32 $0x3DF0;
	v12 =	vsel vm1, $0x7CA, v12;
	v3 =	vsel vm7, $0x3E37, v3  }
0x94: {  	v10 =	vadd.s32 $0x1, v5;
	v12 =	vsel vm2, $0xBB3, v12;
	[tilespmem:$0x1FE50] =	vst v3;
	v3 =	vsel vm1, $0x3E01, v16  }
0x95: {  	[tilespmem:$0x1FE60] =	vst v8;
	v39 =	vmul.u32 $0x3E9, v5;
	v8 =	vsel vm3, $0xF9C, v12;
	v3 =	vsel vm2, $0x3E12, v3  }
0x96: {  	v40 =	vmul.u32 $0x11, v5;
	v8 =	vsel vm4, $0x1385, v8;
	v3 =	vsel vm3, $0x3E23, v3  }
0x97: {  	v12 =	vimm.s32 $0x3E00;
	v8 =	vsel vm5, $0x176E, v8;
	v3 =	vsel vm4, $0x3E34, v3  }
0x98: {  	v12 =	vsel vm1, $0x3E11, v12;
	v8 =	vsel vm6, $0x1B57, v8;
	v3 =	vsel vm5, $0x3E45, v3  }
0x99: {  	v12 =	vsel vm2, $0x3E22, v12;
	v8 =	vsel vm7, $0x1B58, v8;
	v3 =	vsel vm6, $0x3E56, v3  }
0x9a: {  	v12 =	vsel vm3, $0x3E33, v12;
	v8 =	vsel vm8, $0x1F41, v8;
	v3 =	vsel vm7, $0x3E67, v3  }
0x9b: {  	v12 =	vsel vm4, $0x3E44, v12;
	v2 =	vcombine.low v3, v58;
	v3 =	vsel vm9, $0x232A, v8  }
0x9c: {  	v46 =	vsel vm5, $0x3E55, v12;
	v8 =	vimm.s32 $0x3AA1;
	v3 =	vsel vm10, $0x2713, v3  }
0x9d: {  	[tilespmem:$0x1FE70] =	vst v2;
	v2 =	vsel vm6, $0x3E66, v46;
	v47 =	vsel vm11, $0x2AFC, v3;
	v3 =	vsel vm0, $0x3E2, v8  }
0x9e: {  	v8 =	vimm.s32 $0x3AA2;
	v2 =	vsel vm7, $0x3E77, v2;
	v3 =	vsel vm1, $0x7CB, v3  }
0x9f: {  	v8 =	vsel vm0, $0x3E3, v8;
	[tilespmem:$0x1FE80] =	vst v2;
	v2 =	vsel vm12, $0x2EE5, v47;
	v3 =	vsel vm2, $0xBB4, v3  }
0xa0: {  	v2 =	vsel vm13, $0x32CE, v2;
	v50 =	vsel vm3, $0xF9D, v3;
	v3 =	vsel vm1, $0x7CC, v8  }
0xa1: {  	v8 =	vimm.s32 $0x3AA3;
	v2 =	vsel vm14, $0x36B7, v2;
	v3 =	vsel vm2, $0xBB5, v3  }
0xa2: {  	v8 =	vsel vm0, $0x3E4, v8;
	[tilespmem:$0x1FE90] =	vst v2;
	v2 =	vsel vm4, $0x1386, v50;
	v3 =	vsel vm3, $0xF9E, v3  }
0xa3: {  	v8 =	vsel vm1, $0x7CD, v8;
	v2 =	vsel vm5, $0x176F, v2;
	v3 =	vsel vm4, $0x1387, v3  }
0xa4: {  	v8 =	vsel vm2, $0xBB6, v8;
	v2 =	vsel vm6, $0x1770, v2;
	v3 =	vsel vm5, $0x1388, v3  }
0xa5: {  	v8 =	vsel vm3, $0xF9F, v8;
	v2 =	vsel vm7, $0x1B59, v2;
	v3 =	vsel vm6, $0x1771, v3  }
0xa6: {  	v8 =	vsel vm4, $0xFA0, v8;
	v2 =	vsel vm8, $0x1F42, v2;
	v3 =	vsel vm7, $0x1B5A, v3  }
0xa7: {  	v8 =	vsel vm5, $0x1389, v8;
	v2 =	vsel vm9, $0x232B, v2;
	v3 =	vsel vm8, $0x1F43, v3  }
0xa8: {  	v8 =	vsel vm6, $0x1772, v8;
	v2 =	vsel vm10, $0x2714, v2;
	v3 =	vsel vm9, $0x232C, v3  }
0xa9: {  	v8 =	vsel vm7, $0x1B5B, v8;
	v2 =	vsel vm11, $0x2AFD, v2;
	v3 =	vsel vm10, $0x2715, v3  }
0xaa: {  	v8 =	vsel vm8, $0x1F44, v8;
	v2 =	vsel vm12, $0x2EE6, v2;
	v3 =	vsel vm11, $0x2AFE, v3  }
0xab: {  	v2 =	vsel vm13, $0x32CF, v2;
	v51 =	vsel vm12, $0x2EE7, v3;
	v3 =	vsel vm9, $0x232D, v8  }
0xac: {  	v48 =	vor.u32 $0x3C00, v40;
	v2 =	vsel vm14, $0x36B8, v2;
	v3 =	vsel vm10, $0x2716, v3  }
0xad: {  	[tilespmem:$0x1FEA0] =	vst v2;
	v2 =	vsel vm13, $0x32D0, v51;
	v52 =	vsel vm11, $0x2AFF, v3;
	v3 =	vimm.s32 $0xBFAE9D8C  }
0xae: {  	v60 =	vadd.s32 $0x3C1, v39;
	v2 =	vsel vm14, $0x36B9, v2;
	v3 =	vunpack.c.0.s8.s32 v3  }
0xaf: {  	v61 =	vadd.s32 $0x3C10, v40;
	v62 =	vadd.s32 $0x3C2, v39;
	[tilespmem:$0x1FEC0] =	vst v2;
	v2 =	vsel vm12, $0x2EE8, v52  }
0xb0: {  	v2 =	vsel vm13, $0x32D1, v2;
	v53 =	vand.u32 $0xFF, v3;
	v3 =	vimm.s32 $0x3AA4  }
0xb1: {  	v63 =	vadd.s32 $0x3C20, v40;
	v2 =	vsel vm14, $0x36BA, v2;
	v55 =	vsel vm0, $0x3E5, v3  }
0xb2: {  	s5 =	rddreg [dreg:$0x0];
	v3 =	vsel vm0, $0x3E6, v4;
	v4 =	vimm.s32 $0x3AA6;
	[tilespmem:$0x1FEE0] =	vst v2;
	v2 =	vsel vm2, $0x3E62, v54  }
0xb3: {  	s2 =	rddreg [dreg:$0x1];
	s3 =	simm.s32 $0x0;
	[tilespmem:$0x1FEF0] =	vst v53;
	v3 =	vsel vm1, $0x7CF, v3;
	v4 =	vsel vm0, $0x3E7, v4;
	v2 =	vsel vm3, $0x3E73, v2  }
0xb4: {  	s1 =	srdreg.scid;
	[smem:$0x7FF] =	sst s3;
	v45 =	vadd.s32 $0x3C0, v39;
	v3 =	vsel vm2, $0x7D0, v3;
	v4 =	vsel vm1, $0x3E8, v4;
	[tilespmem:$0x1FF00] =	vst v2  }
0xb5: {  	s4 =	sand.u32 $0x1, s1;
	s1 =	rddreg [dreg:$0x2];
	v2 =	vsel vm1, $0x7CE, v55;
	v3 =	vsel vm3, $0xBB9, v3;
	v4 =	vsel vm2, $0x7D1, v4;
	_ =	strace $0x80000047;
	[tilespmem:$0x1FF30] =	vst v0  }
0xb6: {  	v2 =	vsel vm2, $0xBB7, v2;
	v3 =	vsel vm4, $0xFA2, v3;
	v4 =	vsel vm3, $0xBBA, v4;
	[tilespmem:$0x1FF50] =	vst v59  }
0xb7: {  	[tilespmem:$0x1FF60] =	vst v60;
	v2 =	vsel vm3, $0xBB8, v2;
	v3 =	vsel vm5, $0x138B, v3;
	v4 =	vsel vm4, $0xFA3, v4  }
0xb8: {  	[tilespmem:$0x1FF70] =	vst v61;
	v2 =	vsel vm4, $0xFA1, v2;
	v3 =	vsel vm6, $0x1774, v3;
	v4 =	vsel vm5, $0x138C, v4  }
0xb9: {  	[tilespmem:$0x1FF80] =	vst v62;
	v2 =	vsel vm5, $0x138A, v2;
	v3 =	vsel vm7, $0x1B5D, v3;
	v4 =	vsel vm6, $0x1775, v4  }
0xba: {  	[tilespmem:$0x1FF90] =	vst v63;
	v2 =	vsel vm6, $0x1773, v2;
	v3 =	vsel vm8, $0x1F46, v3;
	v4 =	vsel vm7, $0x1B5E, v4  }
0xbb: {  	[tilespmem:$0x1FFA0] =	vst v42;
	v2 =	vsel vm7, $0x1B5C, v2;
	v3 =	vsel vm9, $0x232F, v3;
	v4 =	vsel vm8, $0x1F47, v4  }
0xbc: {  	s0 =	stileid.u32;
	s10 =	simm.s32 $0x1900;
	s11 =	simm.s32 $0x5780;
	[tilespmem:$0x1FFB0] =	vst v43;
	v2 =	vsel vm8, $0x1F45, v2;
	v3 =	vsel vm10, $0x2718, v3;
	v4 =	vsel vm9, $0x2330, v4  }
0xbd: {  	s12 =	simm.s32 $0x1;
	s13 =	simm.s32 $0x9600;
	s14 =	simm.s32 $0x80;
	[tilespmem:$0x1FFC0] =	vst v44;
	v2 =	vsel vm9, $0x232E, v2;
	v3 =	vsel vm11, $0x2B01, v3;
	v4 =	vsel vm10, $0x2719, v4  }
0xbe: {  	s15 =	simm.s32 $0x2;
	s16 =	simm.s32 $0xD480;
	s6 =	sshll.u32 s0, $0x1;
	[tilespmem:$0x1FFD0] =	vst v45;
	v2 =	vsel vm10, $0x2717, v2;
	v3 =	vsel vm12, $0x2EEA, v3;
	v4 =	vsel vm11, $0x2B02, v4  }
0xbf: {  	s17 =	simm.s32 $0x3;
	s6 =	sor.u32 s4, s6;
	s8 =	ssub.s32 $0x2, s4;
	[tilespmem:$0x1FFE0] =	vst v48;
	v2 =	vsel vm11, $0x2B00, v2;
	v3 =	vsel vm13, $0x32D3, v3;
	v57 =	vsel vm12, $0x2EEB, v4  }
0xc0: {  	s18 =	simm.s32 $0x4;
	s7 =	smul.u32 $0x320, s6;
	s9 =	sshrl.u32 s8, $0x1;
	[tilespmem:$0x1FFF0] =	vst v49;
	v2 =	vsel vm12, $0x2EE9, v2;
	v56 =	vsel vm14, $0x36BC, v3;
	v58 =	vsel vm13, $0x32D4, v57  }
0xc1: {  	s19 =	simm.s32 $0x0;
	s4 =	sadd.s32 $0x6800, s5;
	s8 =	ssub.s32 s8, s9;
	v11 =	vsel vm13, $0x32CE, v11;
	v2 =	vsel vm13, $0x32D2, v2;
	[tilespmem:$0x1FF20] =	vst v56;
	v0 =	vsel vm14, $0x36BD, v58  }
0xc2: {  	s9 =	simm.s32 $0x10;
	s7 =	sadd.s32 s7, s5;
	s5 =	smul.u32 $0x32, s6;
	v11 =	vsel vm14, $0x36B7, v11;
	v14 =	vadd.s32 $0x2, v5;
	v2 =	vsel vm14, $0x36BB, v2;
	[tilespmem:$0x1FF40] =	vst v0  }
0xc3: {  	s6 =	sadd.s32 $0x400, s7;
	s7 =	smax.u32 s8, $0x1;
	s8 =	simm.s32 $0x5;
	v18 =	vadd.s32 $0x3, v5;
	v33 =	vadd.s32 $0x6, v5;
	v36 =	vadd.s32 $0x7, v5;
	[tilespmem:$0x1FF10] =	vst v2  }
.LBB2_1:
0xc4: {  	[tilespmem:s3], [sflag:$0x5] =	stream.linear.gather [hbm4b:s6+s3], $0x1900, $0x38;
	[tilespmem:$0x11300] =	vst v63  }
0xc5: {  	_ =	swait.ge [sflag:s8], $0x1900  }
0xc6: {  	[sflag:s8] =	ssyncset.done $0x0  }
0xc7: {  	[sflag:s8] =	ssyncadd.s32 $0xFFFFE700  }
0xc8: {  	[tilespmem:s10], [sflag:$0x1] =	stream.indirect.gather [hbm4b:s4+s9], $0x3E8, s3, s9, $0xb8;
	[tilespmem:$0x11300] =	vst v63  }
0xc9: {  	s20 =	simm.s32 $0x0  }
0xca: {  	[tilespmem:s11], [sflag:$0x2] =	stream.indirect.gather [hbm4b:s4+s9], $0x3E8, s9, s9, $0xb8;
	[tilespmem:$0x11300] =	vst v63  }
.LBB2_2:
0xcb: {  	s21 =	simm.s32 $0x0  }
0xcc: {  	v0 =	vor.u32 s21, v5  }
0xcd: {  	_ =	swait.ge [sflag:s12], $0x3E80;
	v1 =	vand.u32 $0x3E8, v0  }
0xce: {  	p0 =	seq.s32 s20, $0x0;
	[sflag:s12] =	ssyncset.done $0x0;
	v1 =	vadd.s32 v6, v1  }
0xcf: {  	s22 =	simm.s32 @!p0 $0x3;
	[sflag:s12] =	ssyncadd.s32 $0xFFFFC180  }
0xd0: {  	_ =	swait.ge @!p0 [sflag:s22], $0x3E80  }
0xd1: {  	v0 =	vshll.u32 v0, $0x4;
	[sflag:s22] =	ssyncset.done @!p0 $0x0  }
0xd2: {  	v2 =	vor.u32 s21, v10;
	v0 =	vand.u32 $0x3E80, v0;
	[sflag:s22] =	ssyncadd.s32 @!p0 $0xFFFFC180  }
0xd3: {  	v3 =	vand.u32 $0x3F8, v2;
	v0 =	vor.u32 v9, v0;
	v1 =	vld.idx.msk [tilespmem:v1+s10+$0x0], $0xffff  }
0xd4: {  	v3 =	vadd.s32 v11, v3;
	_ =	sdelay $0x2  }
0xd5: {  	v2 =	vshll.u32 v2, $0x4  }
0xd6: {  	[tilespmem:v0+s13+$0x0] =	vst.idx.msk $0xffff, v1;
	v0 =	vand.u32 $0x3F80, v2;
	v1 =	vor.u32 s21, v14  }
0xd7: {  	v2 =	vld.idx.msk [tilespmem:v3+s10+$0x0], $0xffff;
	v0 =	vor.u32 v13, v0;
	v3 =	vand.u32 $0x3F8, v1  }
0xd8: {  	v3 =	vadd.s32 v15, v3;
	_ =	sdelay $0x2  }
0xd9: {  	v1 =	vshll.u32 v1, $0x4  }
0xda: {  	[tilespmem:v0+s13+$0x0] =	vst.idx.msk $0xffff, v2;
	v0 =	vand.u32 $0x3F80, v1;
	v1 =	vor.u32 s21, v18  }
0xdb: {  	v2 =	vld.idx.msk [tilespmem:v3+s10+$0x0], $0xffff;
	v0 =	vor.u32 v17, v0;
	v3 =	vand.u32 $0x3F8, v1  }
0xdc: {  	v3 =	vadd.s32 v19, v3;
	_ =	sdelay $0x2  }
0xdd: {  	v1 =	vshll.u32 v1, $0x4  }
0xde: {  	[tilespmem:v0+s13+$0x0] =	vst.idx.msk $0xffff, v2;
	v0 =	vand.u32 $0x3F80, v1;
	v1 =	vor.u32 s21, v22  }
0xdf: {  	v2 =	vld.idx.msk [tilespmem:v3+s10+$0x0], $0xffff;
	v0 =	vor.u32 v21, v0;
	v3 =	vand.u32 $0x3F8, v1  }
0xe0: {  	v3 =	vadd.s32 v23, v3;
	_ =	sdelay $0x2  }
0xe1: {  	v1 =	vshll.u32 v1, $0x4  }
0xe2: {  	[tilespmem:v0+s13+$0x0] =	vst.idx.msk $0xffff, v2;
	v0 =	vand.u32 $0x3F80, v1;
	v1 =	vor.u32 s21, v29  }
0xe3: {  	v2 =	vld.idx.msk [tilespmem:v3+s10+$0x0], $0xffff;
	v0 =	vor.u32 v28, v0;
	v3 =	vand.u32 $0x3F8, v1  }
0xe4: {  	v3 =	vadd.s32 v30, v3;
	_ =	sdelay $0x2  }
0xe5: {  	v1 =	vshll.u32 v1, $0x4  }
0xe6: {  	[tilespmem:v0+s13+$0x0] =	vst.idx.msk $0xffff, v2;
	v0 =	vand.u32 $0x3F80, v1;
	v1 =	vor.u32 s21, v33  }
0xe7: {  	v2 =	vld.idx.msk [tilespmem:v3+s10+$0x0], $0xffff;
	v0 =	vor.u32 v32, v0;
	v3 =	vand.u32 $0x3F8, v1  }
0xe8: {  	v3 =	vadd.s32 v34, v3;
	_ =	sdelay $0x2  }
0xe9: {  	v1 =	vshll.u32 v1, $0x4  }
0xea: {  	[tilespmem:v0+s13+$0x0] =	vst.idx.msk $0xffff, v2;
	v0 =	vand.u32 $0x3F80, v1;
	v1 =	vor.u32 s21, v36  }
0xeb: {  	v2 =	vld.idx.msk [tilespmem:v3+s10+$0x0], $0xffff;
	v0 =	vor.u32 v35, v0;
	v3 =	vand.u32 $0x3F8, v1  }
0xec: {  	v3 =	vadd.s32 v37, v3;
	_ =	sdelay $0x2  }
0xed: {  	s29 =	simm.s32 $0x8;
	v1 =	vshll.u32 v1, $0x4  }
0xee: {  	[tilespmem:v0+s13+$0x0] =	vst.idx.msk $0xffff, v2;
	v0 =	vand.u32 $0x3F80, v1;
	v1 =	vadd.s32 s29, v5  }
0xef: {  	v2 =	vld.idx.msk [tilespmem:v3+s10+$0x0], $0xffff;
	v0 =	vor.u32 v38, v0;
	v3 =	vand.u32 $0x3F8, v1  }
0xf0: {  	v3 =	vadd.s32 v6, v3;
	_ =	sdelay $0x2  }
0xf1: {  	v1 =	vshll.u32 v1, $0x4  }
0xf2: {  	[tilespmem:v0+s13+$0x0] =	vst.idx.msk $0xffff, v2;
	v0 =	vand.u32 $0x7FFFFF80, v1;
	v1 =	vadd.s32 s29, v10  }
0xf3: {  	v2 =	vld.idx.msk [tilespmem:v3+s10+$0x0], $0xffff;
	v0 =	vor.u32 v9, v0;
	v3 =	vand.u32 $0x7F8, v1  }
0xf4: {  	v3 =	vadd.s32 v11, v3;
	_ =	sdelay $0x2  }
0xf5: {  	v1 =	vshll.u32 v1, $0x4  }
0xf6: {  	[tilespmem:v0+s13+$0x0] =	vst.idx.msk $0xffff, v2;
	v0 =	vand.u32 $0x7FFFFF80, v1;
	v1 =	vadd.s32 s29, v14  }
0xf7: {  	v2 =	vld.idx.msk [tilespmem:v3+s10+$0x0], $0xffff;
	v0 =	vor.u32 v13, v0;
	v3 =	vand.u32 $0x7F8, v1  }
0xf8: {  	v3 =	vadd.s32 v15, v3;
	_ =	sdelay $0x2  }
0xf9: {  	v1 =	vshll.u32 v1, $0x4  }
0xfa: {  	[tilespmem:v0+s13+$0x0] =	vst.idx.msk $0xffff, v2;
	v0 =	vand.u32 $0x7FFFFF80, v1;
	v1 =	vadd.s32 s29, v18  }
0xfb: {  	v2 =	vld.idx.msk [tilespmem:v3+s10+$0x0], $0xffff;
	v0 =	vor.u32 v17, v0;
	v3 =	vand.u32 $0x7F8, v1  }
0xfc: {  	v3 =	vadd.s32 v19, v3;
	_ =	sdelay $0x2  }
0xfd: {  	v1 =	vshll.u32 v1, $0x4  }
0xfe: {  	[tilespmem:v0+s13+$0x0] =	vst.idx.msk $0xffff, v2;
	v0 =	vand.u32 $0x7FFFFF80, v1;
	v1 =	vadd.s32 s29, v22  }
0xff: {  	v2 =	vld.idx.msk [tilespmem:v3+s10+$0x0], $0xffff;
	v0 =	vor.u32 v21, v0;
	v3 =	vand.u32 $0x7F8, v1  }
0x100: {  	v3 =	vadd.s32 v23, v3;
	_ =	sdelay $0x2  }
0x101: {  	v1 =	vshll.u32 v1, $0x4  }
0x102: {  	[tilespmem:v0+s13+$0x0] =	vst.idx.msk $0xffff, v2;
	v0 =	vand.u32 $0x7FFFFF80, v1;
	v1 =	vadd.s32 s29, v29  }
0x103: {  	v2 =	vld.idx.msk [tilespmem:v3+s10+$0x0], $0xffff;
	v0 =	vor.u32 v28, v0;
	v3 =	vand.u32 $0x7F8, v1  }
0x104: {  	v3 =	vadd.s32 v30, v3;
	_ =	sdelay $0x2  }
0x105: {  	v1 =	vshll.u32 v1, $0x4  }
0x106: {  	[tilespmem:v0+s13+$0x0] =	vst.idx.msk $0xffff, v2;
	v0 =	vand.u32 $0x7FFFFF80, v1;
	v1 =	vadd.s32 s29, v33  }
0x107: {  	v2 =	vld.idx.msk [tilespmem:v3+s10+$0x0], $0xffff;
	v0 =	vor.u32 v32, v0;
	v3 =	vand.u32 $0x7F8, v1  }
0x108: {  	v3 =	vadd.s32 v34, v3;
	_ =	sdelay $0x2  }
0x109: {  	v1 =	vshll.u32 v1, $0x4  }
0x10a: {  	[tilespmem:v0+s13+$0x0] =	vst.idx.msk $0xffff, v2;
	v0 =	vand.u32 $0x7FFFFF80, v1;
	v1 =	vadd.s32 s29, v36  }
0x10b: {  	v2 =	vld.idx.msk [tilespmem:v3+s10+$0x0], $0xffff;
	v0 =	vor.u32 v35, v0;
	v3 =	vand.u32 $0x7F8, v1  }
0x10c: {  	v3 =	vadd.s32 v37, v3;
	_ =	sdelay $0x2  }
0x10d: {  	s30 =	simm.s32 $0x10;
	v1 =	vshll.u32 v1, $0x4  }
0x10e: {  	[tilespmem:v0+s13+$0x0] =	vst.idx.msk $0xffff, v2;
	v0 =	vand.u32 $0x7FFFFF80, v1;
	v1 =	vor.u32 s30, v5  }
0x10f: {  	v2 =	vld.idx.msk [tilespmem:v3+s10+$0x0], $0xffff;
	v0 =	vor.u32 v38, v0;
	v3 =	vand.u32 $0x3F8, v1  }
0x110: {  	v3 =	vadd.s32 v6, v3;
	_ =	sdelay $0x2  }
0x111: {  	v1 =	vshll.u32 v1, $0x4  }
0x112: {  	[tilespmem:v0+s13+$0x0] =	vst.idx.msk $0xffff, v2;
	v0 =	vand.u32 $0x7FFFFF80, v1;
	v1 =	vadd.s32 s30, v10  }
0x113: {  	v2 =	vld.idx.msk [tilespmem:v3+s10+$0x0], $0xffff;
	v0 =	vor.u32 v9, v0;
	v3 =	vand.u32 $0x7F8, v1  }
0x114: {  	v3 =	vadd.s32 v11, v3;
	_ =	sdelay $0x2  }
0x115: {  	v1 =	vshll.u32 v1, $0x4  }
0x116: {  	[tilespmem:v0+s13+$0x0] =	vst.idx.msk $0xffff, v2;
	v0 =	vand.u32 $0x7FFFFF80, v1;
	v1 =	vadd.s32 s30, v14  }
0x117: {  	v2 =	vld.idx.msk [tilespmem:v3+s10+$0x0], $0xffff;
	v0 =	vor.u32 v13, v0;
	v3 =	vand.u32 $0x7F8, v1  }
0x118: {  	v3 =	vadd.s32 v15, v3;
	_ =	sdelay $0x2  }
0x119: {  	v1 =	vshll.u32 v1, $0x4  }
0x11a: {  	[tilespmem:v0+s13+$0x0] =	vst.idx.msk $0xffff, v2;
	v0 =	vand.u32 $0x7FFFFF80, v1;
	v1 =	vadd.s32 s30, v18  }
0x11b: {  	v2 =	vld.idx.msk [tilespmem:v3+s10+$0x0], $0xffff;
	v0 =	vor.u32 v17, v0;
	v3 =	vand.u32 $0x7F8, v1  }
0x11c: {  	v3 =	vadd.s32 v19, v3;
	_ =	sdelay $0x2  }
0x11d: {  	v1 =	vshll.u32 v1, $0x4  }
0x11e: {  	[tilespmem:v0+s13+$0x0] =	vst.idx.msk $0xffff, v2;
	v0 =	vand.u32 $0x7FFFFF80, v1;
	v1 =	vadd.s32 s30, v22  }
0x11f: {  	v2 =	vld.idx.msk [tilespmem:v3+s10+$0x0], $0xffff;
	v0 =	vor.u32 v21, v0;
	v3 =	vand.u32 $0x7F8, v1  }
0x120: {  	v3 =	vadd.s32 v23, v3;
	_ =	sdelay $0x2  }
0x121: {  	v1 =	vshll.u32 v1, $0x4  }
0x122: {  	[tilespmem:v0+s13+$0x0] =	vst.idx.msk $0xffff, v2;
	v0 =	vand.u32 $0x7FFFFF80, v1;
	v1 =	vadd.s32 s30, v29  }
0x123: {  	v2 =	vld.idx.msk [tilespmem:v3+s10+$0x0], $0xffff;
	v0 =	vor.u32 v28, v0;
	v3 =	vand.u32 $0x7F8, v1  }
0x124: {  	v3 =	vadd.s32 v30, v3;
	_ =	sdelay $0x2  }
0x125: {  	v1 =	vshll.u32 v1, $0x4  }
0x126: {  	[tilespmem:v0+s13+$0x0] =	vst.idx.msk $0xffff, v2;
	v0 =	vand.u32 $0x7FFFFF80, v1;
	v1 =	vadd.s32 s30, v33  }
0x127: {  	v2 =	vld.idx.msk [tilespmem:v3+s10+$0x0], $0xffff;
	v0 =	vor.u32 v32, v0;
	v3 =	vand.u32 $0x7F8, v1  }
0x128: {  	v3 =	vadd.s32 v34, v3;
	_ =	sdelay $0x2  }
0x129: {  	v1 =	vshll.u32 v1, $0x4  }
0x12a: {  	[tilespmem:v0+s13+$0x0] =	vst.idx.msk $0xffff, v2;
	v0 =	vand.u32 $0x7FFFFF80, v1;
	v1 =	vadd.s32 s30, v36  }
0x12b: {  	v2 =	vld.idx.msk [tilespmem:v3+s10+$0x0], $0xffff;
	v0 =	vor.u32 v35, v0;
	v3 =	vand.u32 $0x7F8, v1  }
0x12c: {  	v3 =	vadd.s32 v37, v3;
	_ =	sdelay $0x2  }
0x12d: {  	s31 =	simm.s32 $0x18;
	v1 =	vshll.u32 v1, $0x4  }
0x12e: {  	[tilespmem:v0+s13+$0x0] =	vst.idx.msk $0xffff, v2;
	v0 =	vand.u32 $0x7FFFFF80, v1;
	v1 =	vadd.s32 s31, v5  }
0x12f: {  	v2 =	vld.idx.msk [tilespmem:v3+s10+$0x0], $0xffff;
	v0 =	vor.u32 v38, v0;
	v3 =	vand.u32 $0x7F8, v1  }
0x130: {  	v3 =	vadd.s32 v6, v3;
	_ =	sdelay $0x2  }
0x131: {  	v1 =	vshll.u32 v1, $0x4  }
0x132: {  	[tilespmem:v0+s13+$0x0] =	vst.idx.msk $0xffff, v2;
	v0 =	vand.u32 $0x7FFFFF80, v1;
	v1 =	vadd.s32 s31, v10  }
0x133: {  	v2 =	vld.idx.msk [tilespmem:v3+s10+$0x0], $0xffff;
	v0 =	vor.u32 v9, v0;
	v3 =	vand.u32 $0x7F8, v1  }
0x134: {  	v3 =	vadd.s32 v11, v3;
	_ =	sdelay $0x2  }
0x135: {  	v1 =	vshll.u32 v1, $0x4  }
0x136: {  	[tilespmem:v0+s13+$0x0] =	vst.idx.msk $0xffff, v2;
	v0 =	vand.u32 $0x7FFFFF80, v1;
	v1 =	vadd.s32 s31, v14  }
0x137: {  	v2 =	vld.idx.msk [tilespmem:v3+s10+$0x0], $0xffff;
	v0 =	vor.u32 v13, v0;
	v3 =	vand.u32 $0x7F8, v1  }
0x138: {  	v3 =	vadd.s32 v15, v3;
	_ =	sdelay $0x2  }
0x139: {  	v1 =	vshll.u32 v1, $0x4  }
0x13a: {  	[tilespmem:v0+s13+$0x0] =	vst.idx.msk $0xffff, v2;
	v0 =	vand.u32 $0x7FFFFF80, v1;
	v1 =	vadd.s32 s31, v18  }
0x13b: {  	v2 =	vld.idx.msk [tilespmem:v3+s10+$0x0], $0xffff;
	v0 =	vor.u32 v17, v0;
	v3 =	vand.u32 $0x7F8, v1  }
0x13c: {  	v3 =	vadd.s32 v19, v3;
	_ =	sdelay $0x2  }
0x13d: {  	v1 =	vshll.u32 v1, $0x4  }
0x13e: {  	[tilespmem:v0+s13+$0x0] =	vst.idx.msk $0xffff, v2;
	v0 =	vand.u32 $0x7FFFFF80, v1;
	v1 =	vadd.s32 s31, v22  }
0x13f: {  	v2 =	vld.idx.msk [tilespmem:v3+s10+$0x0], $0xffff;
	v0 =	vor.u32 v21, v0;
	v3 =	vand.u32 $0x7F8, v1  }
0x140: {  	v3 =	vadd.s32 v23, v3;
	_ =	sdelay $0x2  }
0x141: {  	v1 =	vshll.u32 v1, $0x4  }
0x142: {  	[tilespmem:v0+s13+$0x0] =	vst.idx.msk $0xffff, v2;
	v0 =	vand.u32 $0x7FFFFF80, v1;
	v1 =	vadd.s32 s31, v29  }
0x143: {  	v2 =	vld.idx.msk [tilespmem:v3+s10+$0x0], $0xffff;
	v0 =	vor.u32 v28, v0;
	v3 =	vand.u32 $0x7F8, v1  }
0x144: {  	v3 =	vadd.s32 v30, v3;
	_ =	sdelay $0x2  }
0x145: {  	v1 =	vshll.u32 v1, $0x4  }
0x146: {  	[tilespmem:v0+s13+$0x0] =	vst.idx.msk $0xffff, v2;
	v0 =	vand.u32 $0x7FFFFF80, v1;
	v1 =	vadd.s32 s31, v33  }
0x147: {  	v2 =	vld.idx.msk [tilespmem:v3+s10+$0x0], $0xffff;
	v3 =	vor.u32 v32, v0;
	v0 =	vand.u32 $0x7F8, v1  }
0x148: {  	v4 =	vadd.s32 v34, v0;
	_ =	sdelay $0x2  }
0x149: {  	v1 =	vshll.u32 v1, $0x4  }
0x14a: {  	v0 =	vadd.s32 s31, v36;
	[tilespmem:v3+s13+$0x0] =	vst.idx.msk $0xffff, v2;
	v2 =	vand.u32 $0x7FFFFF80, v1  }
0x14b: {  	v7 =	vand.u32 $0x7F8, v0;
	v1 =	vld.idx.msk [tilespmem:v4+s10+$0x0], $0xffff;
	v3 =	vor.u32 v35, v2  }
0x14c: {  	v2 =	vadd.s32 v37, v7;
	_ =	sdelay $0x2  }
0x14d: {  	s23 =	simm.s32 $0x38;
	s22 =	simm.s32 $0x0;
	s21 =	sshll.u32 s20, $0x1  }
.LBB2_3:
0x14e: {  	s24 =	sadd.s32 $0xFFFFFFE8, s23;
	s22 =	sadd.s32 $0x4, s22;
	[tilespmem:v3+s13+$0x0] =	vst.idx.msk $0xffff, v1;
	v0 =	vshll.u32 v0, $0x4  }
0x14f: {  	v1 =	vor.u32 s24, v5;
	p1 =	slt.u32 s22, $0x74;
	v2 =	vld.idx.msk [tilespmem:v2+s10+$0x0], $0xffff;
	v0 =	vand.u32 $0x7FFFFF80, v0  }
0x150: {  	v3 =	vand.u32 $0x3E8, v1;
	v0 =	vor.u32 v38, v0  }
0x151: {  	v3 =	vadd.s32 v6, v3;
	_ =	sdelay $0x3  }
0x152: {  	v1 =	vshll.u32 v1, $0x4;
	[tilespmem:v0+s13+$0x0] =	vst.idx.msk $0xffff, v2  }
0x153: {  	v1 =	vand.u32 $0x3E80, v1;
	v2 =	vor.u32 s24, v10;
	v0 =	vld.idx.msk [tilespmem:v3+s10+$0x0], $0xffff  }
0x154: {  	v1 =	vor.u32 v9, v1;
	v3 =	vand.u32 $0x3F8, v2  }
0x155: {  	v3 =	vadd.s32 v11, v3;
	_ =	sdelay $0x3  }
0x156: {  	[tilespmem:v1+s13+$0x0] =	vst.idx.msk $0xffff, v0;
	v0 =	vshll.u32 v2, $0x4  }
0x157: {  	v2 =	vor.u32 s24, v14;
	v1 =	vld.idx.msk [tilespmem:v3+s10+$0x0], $0xffff;
	v0 =	vand.u32 $0x3F80, v0  }
0x158: {  	v3 =	vand.u32 $0x3F8, v2;
	v0 =	vor.u32 v13, v0  }
0x159: {  	v3 =	vadd.s32 v15, v3;
	_ =	sdelay $0x3  }
0x15a: {  	[tilespmem:v0+s13+$0x0] =	vst.idx.msk $0xffff, v1;
	v0 =	vshll.u32 v2, $0x4  }
0x15b: {  	v2 =	vor.u32 s24, v18;
	v1 =	vld.idx.msk [tilespmem:v3+s10+$0x0], $0xffff;
	v0 =	vand.u32 $0x3F80, v0  }
0x15c: {  	v3 =	vand.u32 $0x3F8, v2;
	v0 =	vor.u32 v17, v0  }
0x15d: {  	v3 =	vadd.s32 v19, v3;
	_ =	sdelay $0x3  }
0x15e: {  	[tilespmem:v0+s13+$0x0] =	vst.idx.msk $0xffff, v1;
	v0 =	vshll.u32 v2, $0x4  }
0x15f: {  	v2 =	vor.u32 s24, v22;
	v1 =	vld.idx.msk [tilespmem:v3+s10+$0x0], $0xffff;
	v0 =	vand.u32 $0x3F80, v0  }
0x160: {  	v3 =	vand.u32 $0x3F8, v2;
	v0 =	vor.u32 v21, v0  }
0x161: {  	v3 =	vadd.s32 v23, v3;
	_ =	sdelay $0x3  }
0x162: {  	[tilespmem:v0+s13+$0x0] =	vst.idx.msk $0xffff, v1;
	v0 =	vshll.u32 v2, $0x4  }
0x163: {  	v2 =	vor.u32 s24, v29;
	v1 =	vld.idx.msk [tilespmem:v3+s10+$0x0], $0xffff;
	v0 =	vand.u32 $0x3F80, v0  }
0x164: {  	v3 =	vand.u32 $0x3F8, v2;
	v0 =	vor.u32 v28, v0  }
0x165: {  	v3 =	vadd.s32 v30, v3;
	_ =	sdelay $0x3  }
0x166: {  	[tilespmem:v0+s13+$0x0] =	vst.idx.msk $0xffff, v1;
	v0 =	vshll.u32 v2, $0x4  }
0x167: {  	v2 =	vor.u32 s24, v33;
	v1 =	vld.idx.msk [tilespmem:v3+s10+$0x0], $0xffff;
	v0 =	vand.u32 $0x3F80, v0  }
0x168: {  	v3 =	vand.u32 $0x3F8, v2;
	v0 =	vor.u32 v32, v0  }
0x169: {  	v3 =	vadd.s32 v34, v3;
	_ =	sdelay $0x3  }
0x16a: {  	[tilespmem:v0+s13+$0x0] =	vst.idx.msk $0xffff, v1;
	v0 =	vshll.u32 v2, $0x4  }
0x16b: {  	v2 =	vor.u32 s24, v36;
	v1 =	vld.idx.msk [tilespmem:v3+s10+$0x0], $0xffff;
	v0 =	vand.u32 $0x3F80, v0  }
0x16c: {  	v3 =	vand.u32 $0x3F8, v2;
	v0 =	vor.u32 v35, v0  }
0x16d: {  	v3 =	vadd.s32 v37, v3;
	_ =	sdelay $0x3  }
0x16e: {  	s24 =	sadd.s32 $0xFFFFFFF0, s23;
	[tilespmem:v0+s13+$0x0] =	vst.idx.msk $0xffff, v1;
	v0 =	vshll.u32 v2, $0x4  }
0x16f: {  	v2 =	vadd.s32 s24, v5;
	v1 =	vld.idx.msk [tilespmem:v3+s10+$0x0], $0xffff;
	v0 =	vand.u32 $0x3F80, v0  }
0x170: {  	v3 =	vand.u32 $0x3F8, v2;
	v0 =	vor.u32 v38, v0  }
0x171: {  	v3 =	vadd.s32 v6, v3;
	_ =	sdelay $0x3  }
0x172: {  	[tilespmem:v0+s13+$0x0] =	vst.idx.msk $0xffff, v1;
	v0 =	vshll.u32 v2, $0x4  }
0x173: {  	v2 =	vadd.s32 s24, v10;
	v1 =	vld.idx.msk [tilespmem:v3+s10+$0x0], $0xffff;
	v0 =	vand.u32 $0x7FFFFF80, v0  }
0x174: {  	v3 =	vand.u32 $0x7F8, v2;
	v0 =	vor.u32 v9, v0  }
0x175: {  	v3 =	vadd.s32 v11, v3;
	_ =	sdelay $0x3  }
0x176: {  	[tilespmem:v0+s13+$0x0] =	vst.idx.msk $0xffff, v1;
	v0 =	vshll.u32 v2, $0x4  }
0x177: {  	v2 =	vadd.s32 s24, v14;
	v1 =	vld.idx.msk [tilespmem:v3+s10+$0x0], $0xffff;
	v0 =	vand.u32 $0x7FFFFF80, v0  }
0x178: {  	v3 =	vand.u32 $0x7F8, v2;
	v0 =	vor.u32 v13, v0  }
0x179: {  	v3 =	vadd.s32 v15, v3;
	_ =	sdelay $0x3  }
0x17a: {  	[tilespmem:v0+s13+$0x0] =	vst.idx.msk $0xffff, v1;
	v0 =	vshll.u32 v2, $0x4  }
0x17b: {  	v2 =	vadd.s32 s24, v18;
	v1 =	vld.idx.msk [tilespmem:v3+s10+$0x0], $0xffff;
	v0 =	vand.u32 $0x7FFFFF80, v0  }
0x17c: {  	v3 =	vand.u32 $0x7F8, v2;
	v0 =	vor.u32 v17, v0  }
0x17d: {  	v3 =	vadd.s32 v19, v3;
	_ =	sdelay $0x3  }
0x17e: {  	[tilespmem:v0+s13+$0x0] =	vst.idx.msk $0xffff, v1;
	v0 =	vshll.u32 v2, $0x4  }
0x17f: {  	v2 =	vadd.s32 s24, v22;
	v1 =	vld.idx.msk [tilespmem:v3+s10+$0x0], $0xffff;
	v0 =	vand.u32 $0x7FFFFF80, v0  }
0x180: {  	v3 =	vand.u32 $0x7F8, v2;
	v0 =	vor.u32 v21, v0  }
0x181: {  	v3 =	vadd.s32 v23, v3;
	_ =	sdelay $0x3  }
0x182: {  	[tilespmem:v0+s13+$0x0] =	vst.idx.msk $0xffff, v1;
	v0 =	vshll.u32 v2, $0x4  }
0x183: {  	v2 =	vadd.s32 s24, v29;
	v1 =	vld.idx.msk [tilespmem:v3+s10+$0x0], $0xffff;
	v0 =	vand.u32 $0x7FFFFF80, v0  }
0x184: {  	v3 =	vand.u32 $0x7F8, v2;
	v0 =	vor.u32 v28, v0  }
0x185: {  	v3 =	vadd.s32 v30, v3;
	_ =	sdelay $0x3  }
0x186: {  	[tilespmem:v0+s13+$0x0] =	vst.idx.msk $0xffff, v1;
	v0 =	vshll.u32 v2, $0x4  }
0x187: {  	v2 =	vadd.s32 s24, v33;
	v1 =	vld.idx.msk [tilespmem:v3+s10+$0x0], $0xffff;
	v0 =	vand.u32 $0x7FFFFF80, v0  }
0x188: {  	v3 =	vand.u32 $0x7F8, v2;
	v0 =	vor.u32 v32, v0  }
0x189: {  	v3 =	vadd.s32 v34, v3;
	_ =	sdelay $0x3  }
0x18a: {  	[tilespmem:v0+s13+$0x0] =	vst.idx.msk $0xffff, v1;
	v0 =	vshll.u32 v2, $0x4  }
0x18b: {  	v2 =	vadd.s32 s24, v36;
	v1 =	vld.idx.msk [tilespmem:v3+s10+$0x0], $0xffff;
	v0 =	vand.u32 $0x7FFFFF80, v0  }
0x18c: {  	v3 =	vand.u32 $0x7F8, v2;
	v0 =	vor.u32 v35, v0  }
0x18d: {  	v3 =	vadd.s32 v37, v3;
	_ =	sdelay $0x3  }
0x18e: {  	s24 =	sadd.s32 $0xFFFFFFF8, s23;
	[tilespmem:v0+s13+$0x0] =	vst.idx.msk $0xffff, v1;
	v0 =	vshll.u32 v2, $0x4  }
0x18f: {  	v2 =	vor.u32 s24, v5;
	v1 =	vld.idx.msk [tilespmem:v3+s10+$0x0], $0xffff;
	v0 =	vand.u32 $0x7FFFFF80, v0  }
0x190: {  	v3 =	vand.u32 $0x3F8, v2;
	v0 =	vor.u32 v38, v0  }
0x191: {  	v3 =	vadd.s32 v6, v3;
	_ =	sdelay $0x3  }
0x192: {  	[tilespmem:v0+s13+$0x0] =	vst.idx.msk $0xffff, v1;
	v0 =	vshll.u32 v2, $0x4  }
0x193: {  	v2 =	vadd.s32 s24, v10;
	v1 =	vld.idx.msk [tilespmem:v3+s10+$0x0], $0xffff;
	v0 =	vand.u32 $0x7FFFFF80, v0  }
0x194: {  	v3 =	vand.u32 $0x7F8, v2;
	v0 =	vor.u32 v9, v0  }
0x195: {  	v3 =	vadd.s32 v11, v3;
	_ =	sdelay $0x3  }
0x196: {  	[tilespmem:v0+s13+$0x0] =	vst.idx.msk $0xffff, v1;
	v0 =	vshll.u32 v2, $0x4  }
0x197: {  	v2 =	vadd.s32 s24, v14;
	v1 =	vld.idx.msk [tilespmem:v3+s10+$0x0], $0xffff;
	v0 =	vand.u32 $0x7FFFFF80, v0  }
0x198: {  	v3 =	vand.u32 $0x7F8, v2;
	v0 =	vor.u32 v13, v0  }
0x199: {  	v3 =	vadd.s32 v15, v3;
	_ =	sdelay $0x3  }
0x19a: {  	[tilespmem:v0+s13+$0x0] =	vst.idx.msk $0xffff, v1;
	v0 =	vshll.u32 v2, $0x4  }
0x19b: {  	v2 =	vadd.s32 s24, v18;
	v1 =	vld.idx.msk [tilespmem:v3+s10+$0x0], $0xffff;
	v0 =	vand.u32 $0x7FFFFF80, v0  }
0x19c: {  	v3 =	vand.u32 $0x7F8, v2;
	v0 =	vor.u32 v17, v0  }
0x19d: {  	v3 =	vadd.s32 v19, v3;
	_ =	sdelay $0x3  }
0x19e: {  	[tilespmem:v0+s13+$0x0] =	vst.idx.msk $0xffff, v1;
	v0 =	vshll.u32 v2, $0x4  }
0x19f: {  	v2 =	vadd.s32 s24, v22;
	v1 =	vld.idx.msk [tilespmem:v3+s10+$0x0], $0xffff;
	v0 =	vand.u32 $0x7FFFFF80, v0  }
0x1a0: {  	v3 =	vand.u32 $0x7F8, v2;
	v0 =	vor.u32 v21, v0  }
0x1a1: {  	v3 =	vadd.s32 v23, v3;
	_ =	sdelay $0x3  }
0x1a2: {  	[tilespmem:v0+s13+$0x0] =	vst.idx.msk $0xffff, v1;
	v0 =	vshll.u32 v2, $0x4  }
0x1a3: {  	v2 =	vadd.s32 s24, v29;
	v1 =	vld.idx.msk [tilespmem:v3+s10+$0x0], $0xffff;
	v0 =	vand.u32 $0x7FFFFF80, v0  }
0x1a4: {  	v3 =	vand.u32 $0x7F8, v2;
	v0 =	vor.u32 v28, v0  }
0x1a5: {  	v3 =	vadd.s32 v30, v3;
	_ =	sdelay $0x3  }
0x1a6: {  	[tilespmem:v0+s13+$0x0] =	vst.idx.msk $0xffff, v1;
	v0 =	vshll.u32 v2, $0x4  }
0x1a7: {  	v2 =	vadd.s32 s24, v33;
	v1 =	vld.idx.msk [tilespmem:v3+s10+$0x0], $0xffff;
	v0 =	vand.u32 $0x7FFFFF80, v0  }
0x1a8: {  	v3 =	vand.u32 $0x7F8, v2;
	v0 =	vor.u32 v32, v0  }
0x1a9: {  	v3 =	vadd.s32 v34, v3;
	_ =	sdelay $0x3  }
0x1aa: {  	[tilespmem:v0+s13+$0x0] =	vst.idx.msk $0xffff, v1;
	v0 =	vshll.u32 v2, $0x4  }
0x1ab: {  	v2 =	vadd.s32 s24, v36;
	v1 =	vld.idx.msk [tilespmem:v3+s10+$0x0], $0xffff;
	v0 =	vand.u32 $0x7FFFFF80, v0  }
0x1ac: {  	v3 =	vand.u32 $0x7F8, v2;
	v0 =	vor.u32 v35, v0  }
0x1ad: {  	v3 =	vadd.s32 v37, v3;
	_ =	sdelay $0x3  }
0x1ae: {  	[tilespmem:v0+s13+$0x0] =	vst.idx.msk $0xffff, v1;
	v0 =	vshll.u32 v2, $0x4  }
0x1af: {  	v2 =	vadd.s32 s23, v5;
	v1 =	vld.idx.msk [tilespmem:v3+s10+$0x0], $0xffff;
	v0 =	vand.u32 $0x7FFFFF80, v0  }
0x1b0: {  	v3 =	vand.u32 $0x7F8, v2;
	v0 =	vor.u32 v38, v0  }
0x1b1: {  	v3 =	vadd.s32 v6, v3;
	_ =	sdelay $0x3  }
0x1b2: {  	[tilespmem:v0+s13+$0x0] =	vst.idx.msk $0xffff, v1;
	v0 =	vshll.u32 v2, $0x4  }
0x1b3: {  	v2 =	vadd.s32 s23, v10;
	v1 =	vld.idx.msk [tilespmem:v3+s10+$0x0], $0xffff;
	v0 =	vand.u32 $0x7FFFFF80, v0  }
0x1b4: {  	v3 =	vand.u32 $0x7F8, v2;
	v0 =	vor.u32 v9, v0  }
0x1b5: {  	v3 =	vadd.s32 v11, v3;
	_ =	sdelay $0x3  }
0x1b6: {  	[tilespmem:v0+s13+$0x0] =	vst.idx.msk $0xffff, v1;
	v0 =	vshll.u32 v2, $0x4  }
0x1b7: {  	v2 =	vadd.s32 s23, v14;
	v1 =	vld.idx.msk [tilespmem:v3+s10+$0x0], $0xffff;
	v0 =	vand.u32 $0x7FFFFF80, v0  }
0x1b8: {  	v3 =	vand.u32 $0x7F8, v2;
	v0 =	vor.u32 v13, v0  }
0x1b9: {  	v3 =	vadd.s32 v15, v3;
	_ =	sdelay $0x3  }
0x1ba: {  	[tilespmem:v0+s13+$0x0] =	vst.idx.msk $0xffff, v1;
	v0 =	vshll.u32 v2, $0x4  }
0x1bb: {  	v2 =	vadd.s32 s23, v18;
	v1 =	vld.idx.msk [tilespmem:v3+s10+$0x0], $0xffff;
	v0 =	vand.u32 $0x7FFFFF80, v0  }
0x1bc: {  	v3 =	vand.u32 $0x7F8, v2;
	v0 =	vor.u32 v17, v0  }
0x1bd: {  	v3 =	vadd.s32 v19, v3;
	_ =	sdelay $0x3  }
0x1be: {  	[tilespmem:v0+s13+$0x0] =	vst.idx.msk $0xffff, v1;
	v0 =	vshll.u32 v2, $0x4  }
0x1bf: {  	v2 =	vadd.s32 s23, v22;
	v1 =	vld.idx.msk [tilespmem:v3+s10+$0x0], $0xffff;
	v0 =	vand.u32 $0x7FFFFF80, v0  }
0x1c0: {  	v3 =	vand.u32 $0x7F8, v2;
	v0 =	vor.u32 v21, v0  }
0x1c1: {  	v3 =	vadd.s32 v23, v3;
	_ =	sdelay $0x3  }
0x1c2: {  	[tilespmem:v0+s13+$0x0] =	vst.idx.msk $0xffff, v1;
	v0 =	vshll.u32 v2, $0x4  }
0x1c3: {  	v2 =	vadd.s32 s23, v29;
	v1 =	vld.idx.msk [tilespmem:v3+s10+$0x0], $0xffff;
	v0 =	vand.u32 $0x7FFFFF80, v0  }
0x1c4: {  	v3 =	vand.u32 $0x7F8, v2;
	v0 =	vor.u32 v28, v0  }
0x1c5: {  	v3 =	vadd.s32 v30, v3;
	_ =	sdelay $0x3  }
0x1c6: {  	[tilespmem:v0+s13+$0x0] =	vst.idx.msk $0xffff, v1;
	v0 =	vshll.u32 v2, $0x4  }
0x1c7: {  	v2 =	vadd.s32 s23, v33;
	v1 =	vld.idx.msk [tilespmem:v3+s10+$0x0], $0xffff;
	v0 =	vand.u32 $0x7FFFFF80, v0  }
0x1c8: {  	v3 =	vand.u32 $0x7F8, v2;
	v0 =	vor.u32 v32, v0  }
0x1c9: {  	v3 =	vadd.s32 v34, v3;
	_ =	sdelay $0x3  }
0x1ca: {  	[tilespmem:v0+s13+$0x0] =	vst.idx.msk $0xffff, v1;
	v0 =	vshll.u32 v2, $0x4  }
0x1cb: {  	v1 =	vld.idx.msk [tilespmem:v3+s10+$0x0], $0xffff;
	v2 =	vand.u32 $0x7FFFFF80, v0;
	v0 =	vadd.s32 s23, v36  }
.Ltmp0:
0x1cc: {  	v3 =	vor.u32 v35, v2;
	v2 =	vand.u32 $0x7F8, v0;
	(pc) =	sbr.rel @p1 .LBB2_3-.Ltmp0, $2  }
0x1cd: {  	v2 =	vadd.s32 v37, v2;
	_ =	sdelay $0x2  }
0x1ce: {  	s23 =	sadd.s32 $0x20, s23  }
0x1cf: {  	_ =	sdelay $0x2  }
0x1d0: {  	v0 =	vshll.u32 v0, $0x4  }
0x1d1: {  	[tilespmem:v3+s13+$0x0] =	vst.idx.msk $0xffff, v1;
	v0 =	vand.u32 $0x7FFFFF80, v0  }
0x1d2: {  	v1 =	vld.idx.msk [tilespmem:v2+s10+$0x0], $0xffff;
	v0 =	vor.u32 v38, v0;
	_ =	sdelay $0x4  }
0x1d3: {  	[tilespmem:v0+s13+$0x0] =	vst.idx.msk $0xffff, v1  }
0x1d4: {  	v0 =	vld.idx.msk [tilespmem:v45+s10+$0x0], $0xffff;
	_ =	sdelay $0x4  }
0x1d5: {  	[tilespmem:v48+s13+$0x0] =	vst.idx.msk $0xffff, v0;
	v0 =	vld [tilespmem:$0x1FF60];
	_ =	sdelay $0x4  }
0x1d6: {  	v1 =	vld [tilespmem:$0x1FF70];
	_ =	sdelay $0x2  }
0x1d7: {  	v0 =	vld.idx.msk [tilespmem:v0+s10+$0x0], $0xffff;
	_ =	sdelay $0x4  }
0x1d8: {  	[tilespmem:v1+s13+$0x0] =	vst.idx.msk $0xffff, v0;
	v0 =	vld [tilespmem:$0x1FF80];
	_ =	sdelay $0x4  }
0x1d9: {  	v1 =	vld [tilespmem:$0x1FF90];
	_ =	sdelay $0x2  }
0x1da: {  	v0 =	vld.idx.msk [tilespmem:v0+s10+$0x0], $0xffff  }
0x1db: {  	v2 =	vadd.s32 $0x3C3, v39;
	_ =	sdelay $0x3  }
0x1dc: {  	[tilespmem:v1+s13+$0x0] =	vst.idx.msk $0xffff, v0  }
0x1dd: {  	v1 =	vadd.s32 $0x3C30, v40;
	v0 =	vld.idx.msk [tilespmem:v2+s10+$0x0], $0xffff  }
0x1de: {  	[tilespmem:$0x1FC70] =	vst v2;
	v2 =	vadd.s32 $0x3C4, v39;
	_ =	sdelay $0x3  }
0x1df: {  	[tilespmem:v1+s13+$0x0] =	vst.idx.msk $0xffff, v0  }
0x1e0: {  	[tilespmem:$0x1FC80] =	vst v1;
	v1 =	vadd.s32 $0x3C40, v40;
	v0 =	vld.idx.msk [tilespmem:v2+s10+$0x0], $0xffff  }
0x1e1: {  	[tilespmem:$0x1FC90] =	vst v2;
	v2 =	vadd.s32 $0x3C5, v39;
	_ =	sdelay $0x3  }
0x1e2: {  	[tilespmem:v1+s13+$0x0] =	vst.idx.msk $0xffff, v0  }
0x1e3: {  	[tilespmem:$0x1FCA0] =	vst v1;
	v1 =	vadd.s32 $0x3C50, v40;
	v0 =	vld.idx.msk [tilespmem:v2+s10+$0x0], $0xffff  }
0x1e4: {  	[tilespmem:$0x1FCB0] =	vst v2;
	v2 =	vadd.s32 $0x3C6, v39;
	_ =	sdelay $0x3  }
0x1e5: {  	[tilespmem:v1+s13+$0x0] =	vst.idx.msk $0xffff, v0  }
0x1e6: {  	[tilespmem:$0x1FCC0] =	vst v1;
	v1 =	vadd.s32 $0x3C60, v40;
	v0 =	vld.idx.msk [tilespmem:v2+s10+$0x0], $0xffff  }
0x1e7: {  	[tilespmem:$0x1FCD0] =	vst v2;
	v2 =	vadd.s32 $0x3C7, v39;
	_ =	sdelay $0x3  }
0x1e8: {  	[tilespmem:v1+s13+$0x0] =	vst.idx.msk $0xffff, v0  }
0x1e9: {  	[tilespmem:$0x1FCE0] =	vst v1;
	v1 =	vadd.s32 $0x3C70, v40;
	v0 =	vld.idx.msk [tilespmem:v2+s10+$0x0], $0xffff  }
0x1ea: {  	[tilespmem:$0x1FCF0] =	vst v2;
	v2 =	vadd.s32 $0x3C8, v39;
	_ =	sdelay $0x3  }
0x1eb: {  	[tilespmem:v1+s13+$0x0] =	vst.idx.msk $0xffff, v0  }
0x1ec: {  	[tilespmem:$0x1FD00] =	vst v1;
	v1 =	vadd.s32 $0x3C80, v40;
	v0 =	vld.idx.msk [tilespmem:v2+s10+$0x0], $0xffff  }
0x1ed: {  	[tilespmem:$0x1FD10] =	vst v2;
	v2 =	vadd.s32 $0x3C9, v39;
	_ =	sdelay $0x3  }
0x1ee: {  	[tilespmem:v1+s13+$0x0] =	vst.idx.msk $0xffff, v0  }
0x1ef: {  	[tilespmem:$0x1FD20] =	vst v1;
	v1 =	vadd.s32 $0x3C90, v40;
	v0 =	vld.idx.msk [tilespmem:v2+s10+$0x0], $0xffff  }
0x1f0: {  	[tilespmem:$0x1FD30] =	vst v2;
	v2 =	vadd.s32 $0x3CA, v39;
	_ =	sdelay $0x3  }
0x1f1: {  	[tilespmem:v1+s13+$0x0] =	vst.idx.msk $0xffff, v0  }
0x1f2: {  	[tilespmem:$0x1FD40] =	vst v1;
	v1 =	vadd.s32 $0x3CA0, v40;
	v0 =	vld.idx.msk [tilespmem:v2+s10+$0x0], $0xffff  }
0x1f3: {  	[tilespmem:$0x1FD50] =	vst v2;
	v2 =	vadd.s32 $0x3CB, v39;
	_ =	sdelay $0x3  }
0x1f4: {  	[tilespmem:v1+s13+$0x0] =	vst.idx.msk $0xffff, v0  }
0x1f5: {  	[tilespmem:$0x1FD60] =	vst v1;
	v1 =	vadd.s32 $0x3CB0, v40;
	v0 =	vld.idx.msk [tilespmem:v2+s10+$0x0], $0xffff  }
0x1f6: {  	[tilespmem:$0x1FD70] =	vst v2;
	v2 =	vadd.s32 $0x3CC, v39;
	_ =	sdelay $0x3  }
0x1f7: {  	[tilespmem:v1+s13+$0x0] =	vst.idx.msk $0xffff, v0  }
0x1f8: {  	[tilespmem:$0x1FD80] =	vst v1;
	v1 =	vadd.s32 $0x3CC0, v40;
	v0 =	vld.idx.msk [tilespmem:v2+s10+$0x0], $0xffff  }
0x1f9: {  	[tilespmem:$0x1FD90] =	vst v2;
	v2 =	vadd.s32 $0x3CD, v39;
	_ =	sdelay $0x3  }
0x1fa: {  	[tilespmem:v1+s13+$0x0] =	vst.idx.msk $0xffff, v0  }
0x1fb: {  	[tilespmem:$0x1FDA0] =	vst v1;
	v1 =	vadd.s32 $0x3CD0, v40;
	v0 =	vld.idx.msk [tilespmem:v2+s10+$0x0], $0xffff  }
0x1fc: {  	[tilespmem:$0x1FDB0] =	vst v2;
	v2 =	vadd.s32 $0x3CE, v39;
	_ =	sdelay $0x3  }
0x1fd: {  	[tilespmem:v1+s13+$0x0] =	vst.idx.msk $0xffff, v0  }
0x1fe: {  	v51 =	vadd.s32 $0x3CE0, v40;
	v0 =	vld.idx.msk [tilespmem:v2+s10+$0x0], $0xffff  }
0x1ff: {  	v52 =	vadd.s32 $0x3CF, v39;
	_ =	sdelay $0x3  }
0x200: {  	[tilespmem:v51+s13+$0x0] =	vst.idx.msk $0xffff, v0  }
0x201: {  	v53 =	vadd.s32 $0x3CF0, v40;
	v0 =	vld.idx.msk [tilespmem:v52+s10+$0x0], $0xffff  }
0x202: {  	v54 =	vadd.s32 $0x3D0, v39;
	_ =	sdelay $0x3  }
0x203: {  	[tilespmem:v53+s13+$0x0] =	vst.idx.msk $0xffff, v0  }
0x204: {  	v55 =	vor.u32 $0x3D00, v40;
	v0 =	vld.idx.msk [tilespmem:v54+s10+$0x0], $0xffff  }
0x205: {  	v56 =	vadd.s32 $0x3D1, v39;
	_ =	sdelay $0x3  }
0x206: {  	[tilespmem:v55+s13+$0x0] =	vst.idx.msk $0xffff, v0  }
0x207: {  	v59 =	vadd.s32 $0x3D10, v40;
	v0 =	vld.idx.msk [tilespmem:v56+s10+$0x0], $0xffff  }
0x208: {  	v60 =	vadd.s32 $0x3D2, v39;
	_ =	sdelay $0x3  }
0x209: {  	[tilespmem:v59+s13+$0x0] =	vst.idx.msk $0xffff, v0  }
0x20a: {  	v61 =	vadd.s32 $0x3D20, v40;
	v0 =	vld.idx.msk [tilespmem:v60+s10+$0x0], $0xffff  }
0x20b: {  	v62 =	vadd.s32 $0x3D3, v39;
	_ =	sdelay $0x3  }
0x20c: {  	[tilespmem:v61+s13+$0x0] =	vst.idx.msk $0xffff, v0  }
0x20d: {  	v63 =	vadd.s32 $0x3D30, v40;
	[tilespmem:$0x1FDC0] =	vst v1;
	v1 =	vld.idx.msk [tilespmem:v62+s10+$0x0], $0xffff  }
0x20e: {  	v0 =	vadd.s32 $0x3D4, v39;
	_ =	sdelay $0x3  }
0x20f: {  	[tilespmem:v63+s13+$0x0] =	vst.idx.msk $0xffff, v1  }
0x210: {  	v4 =	vadd.s32 $0x3D40, v40;
	v1 =	vld.idx.msk [tilespmem:v0+s10+$0x0], $0xffff  }
0x211: {  	v7 =	vadd.s32 $0x3D5, v39;
	_ =	sdelay $0x3  }
0x212: {  	[tilespmem:v4+s13+$0x0] =	vst.idx.msk $0xffff, v1  }
0x213: {  	v12 =	vadd.s32 $0x3D50, v40;
	v1 =	vld.idx.msk [tilespmem:v7+s10+$0x0], $0xffff  }
0x214: {  	v16 =	vadd.s32 $0x3D6, v39;
	_ =	sdelay $0x3  }
0x215: {  	[tilespmem:v12+s13+$0x0] =	vst.idx.msk $0xffff, v1;
	v1 =	vimm.s32 $0x3A98  }
0x216: {  	v20 =	vadd.s32 $0x3D60, v40;
	[tilespmem:$0x1FDD0] =	vst v2;
	v1 =	vsel vm0, $0x3D9, v1;
	v2 =	vld.idx.msk [tilespmem:v16+s10+$0x0], $0xffff  }
0x217: {  	v27 =	vadd.s32 $0x3D7, v39;
	v1 =	vsel vm1, $0x7C2, v1  }
0x218: {  	v1 =	vsel vm2, $0xBAB, v1  }
0x219: {  	v1 =	vsel vm3, $0xF94, v1  }
0x21a: {  	v1 =	vsel vm4, $0x137D, v1  }
0x21b: {  	v1 =	vsel vm5, $0x1766, v1;
	[tilespmem:v20+s13+$0x0] =	vst.idx.msk $0xffff, v2;
	v2 =	vimm.s32 $0x3A99  }
0x21c: {  	v8 =	vadd.s32 $0x3D70, v40;
	v1 =	vsel vm6, $0x1B4F, v1;
	v2 =	vsel vm0, $0x3DA, v2;
	v3 =	vld.idx.msk [tilespmem:v27+s10+$0x0], $0xffff  }
0x21d: {  	v1 =	vsel vm7, $0x1F38, v1;
	v2 =	vsel vm1, $0x7C3, v2  }
0x21e: {  	v1 =	vsel vm8, $0x2321, v1;
	v2 =	vsel vm2, $0xBAC, v2  }
0x21f: {  	v1 =	vsel vm9, $0x270A, v1;
	v2 =	vsel vm3, $0xF95, v2  }
0x220: {  	v31 =	vadd.s32 $0x3D8, v39;
	v1 =	vsel vm10, $0x2AF3, v1;
	v2 =	vsel vm4, $0x137E, v2  }
0x221: {  	v1 =	vsel vm11, $0x2EDC, v1;
	v2 =	vsel vm5, $0x1767, v2;
	[tilespmem:v8+s13+$0x0] =	vst.idx.msk $0xffff, v3;
	v3 =	vimm.s32 $0x3A9A  }
0x222: {  	v1 =	vsel vm12, $0x32C5, v1;
	v2 =	vsel vm6, $0x1B50, v2;
	v3 =	vsel vm0, $0x3DB, v3  }
0x223: {  	v1 =	vsel vm13, $0x36AE, v1;
	v2 =	vsel vm7, $0x1F39, v2;
	v3 =	vsel vm1, $0x7C4, v3  }
0x224: {  	v25 =	vsel vm14, $0x3A97, v1;
	v1 =	vsel vm8, $0x2322, v2;
	v2 =	vsel vm2, $0xBAD, v3  }
0x225: {  	v24 =	vadd.s32 $0x3D80, v40;
	v26 =	vld.idx.msk [tilespmem:v31+s10+$0x0], $0xffff;
	v1 =	vsel vm9, $0x270B, v1;
	v2 =	vsel vm3, $0xF96, v2  }
0x226: {  	v1 =	vsel vm10, $0x2AF4, v1;
	v2 =	vsel vm4, $0x137F, v2  }
0x227: {  	v3 =	vimm.s32 $0x3A9B;
	v1 =	vsel vm11, $0x2EDD, v1;
	v2 =	vsel vm5, $0x1768, v2  }
0x228: {  	v3 =	vsel vm0, $0x3DC, v3;
	v1 =	vsel vm12, $0x32C6, v1;
	v2 =	vsel vm6, $0x1B51, v2  }
0x229: {  	v3 =	vsel vm1, $0x7C5, v3;
	v1 =	vsel vm13, $0x36AF, v1;
	v2 =	vsel vm7, $0x1F3A, v2  }
0x22a: {  	[tilespmem:v24+s13+$0x0] =	vst.idx.msk $0xffff, v26;
	v26 =	vsel vm14, $0x36B0, v1;
	v1 =	vsel vm8, $0x2323, v2;
	v2 =	vsel vm2, $0xBAE, v3  }
0x22b: {  	v1 =	vsel vm9, $0x270C, v1;
	v2 =	vsel vm3, $0xF97, v2  }
0x22c: {  	v1 =	vsel vm10, $0x2AF5, v1;
	v2 =	vsel vm4, $0x1380, v2  }
0x22d: {  	v41 =	vld.idx.msk [tilespmem:v25+s10+$0x0], $0xffff;
	v3 =	vimm.s32 $0x3A9C;
	v1 =	vsel vm11, $0x2EDE, v1;
	v2 =	vsel vm5, $0x1769, v2  }
0x22e: {  	v3 =	vsel vm0, $0x3DD, v3;
	v1 =	vsel vm12, $0x32C7, v1;
	v2 =	vsel vm6, $0x1B52, v2  }
0x22f: {  	v3 =	vsel vm1, $0x7C6, v3;
	v1 =	vsel vm13, $0x32C8, v1;
	v2 =	vsel vm7, $0x1F3B, v2  }
0x230: {  	v46 =	vsel vm14, $0x36B1, v1;
	v1 =	vsel vm8, $0x2324, v2;
	v2 =	vsel vm2, $0xBAF, v3;
	v3 =	vld [tilespmem:$0x1FE20];
	_ =	sdelay $0x1  }
0x231: {  	[tilespmem:v49+s13+$0x0] =	vst.idx.msk $0xffff, v41  }
0x232: {  	v41 =	vld.idx.msk [tilespmem:v26+s10+$0x0], $0xffff;
	_ =	sdelay $0x2  }
0x233: {  	v1 =	vsel vm9, $0x270D, v1;
	v2 =	vsel vm3, $0xF98, v2  }
0x234: {  	v1 =	vsel vm10, $0x2AF6, v1;
	v2 =	vsel vm4, $0x1381, v2  }
0x235: {  	v1 =	vsel vm11, $0x2EDF, v1;
	v2 =	vsel vm5, $0x176A, v2;
	[tilespmem:v3+s13+$0x0] =	vst.idx.msk $0xffff, v41;
	v3 =	vimm.s32 $0x3A9D  }
0x236: {  	v1 =	vsel vm12, $0x2EE0, v1;
	v2 =	vsel vm6, $0x1B53, v2;
	v3 =	vsel vm0, $0x3DE, v3  }
0x237: {  	v57 =	vld [tilespmem:$0x1FE40];
	v1 =	vsel vm13, $0x32C9, v1;
	v2 =	vsel vm7, $0x1F3C, v2;
	v3 =	vsel vm1, $0x7C7, v3  }
0x238: {  	v47 =	vsel vm14, $0x36B2, v1;
	v1 =	vsel vm8, $0x2325, v2;
	v2 =	vsel vm2, $0xBB0, v3;
	v3 =	vld [tilespmem:$0x1FE00]  }
0x239: {  	v58 =	vld [tilespmem:$0x1FE50];
	_ =	sdelay $0x3  }
0x23a: {  	v3 =	vsel vm15, v3, v57  }
0x23b: {  	v50 =	vcombine.low v58, v3;
	v3 =	vld [tilespmem:$0x1FE30];
	_ =	sdelay $0x2  }
0x23c: {  	v41 =	vld.idx.msk [tilespmem:v46+s10+$0x0], $0xffff;
	_ =	sdelay $0x2  }
0x23d: {  	v1 =	vsel vm9, $0x270E, v1;
	v2 =	vsel vm3, $0xF99, v2  }
0x23e: {  	v1 =	vsel vm10, $0x2AF7, v1;
	v2 =	vsel vm4, $0x1382, v2  }
0x23f: {  	v1 =	vsel vm11, $0x2AF8, v1;
	v2 =	vsel vm5, $0x176B, v2;
	[tilespmem:v3+s13+$0x0] =	vst.idx.msk $0xffff, v41;
	v3 =	vimm.s32 $0x3A9E  }
0x240: {  	v1 =	vsel vm12, $0x2EE1, v1;
	v2 =	vsel vm6, $0x1B54, v2;
	v3 =	vsel vm0, $0x3DF, v3  }
0x241: {  	v1 =	vsel vm13, $0x32CA, v1;
	v2 =	vsel vm7, $0x1F3D, v2;
	v41 =	vld.idx.msk [tilespmem:v47+s10+$0x0], $0xffff;
	v3 =	vsel vm1, $0x7C8, v3  }
0x242: {  	v57 =	vsel vm14, $0x36B3, v1;
	v1 =	vsel vm8, $0x2326, v2;
	v2 =	vsel vm2, $0xBB1, v3  }
0x243: {  	v1 =	vsel vm9, $0x270F, v1;
	v2 =	vsel vm3, $0xF9A, v2  }
0x244: {  	v1 =	vsel vm10, $0x2710, v1;
	v2 =	vsel vm4, $0x1383, v2  }
0x245: {  	v1 =	vsel vm11, $0x2AF9, v1;
	v2 =	vsel vm5, $0x176C, v2  }
0x246: {  	v1 =	vsel vm12, $0x2EE2, v1;
	[tilespmem:v50+s13+$0x0] =	vst.idx.msk $0xffff, v41;
	v2 =	vsel vm6, $0x1B55, v2  }
0x247: {  	v1 =	vsel vm13, $0x32CB, v1;
	v41 =	vld.idx.msk [tilespmem:v57+s10+$0x0], $0xffff;
	v2 =	vsel vm7, $0x1F3E, v2  }
0x248: {  	v58 =	vsel vm14, $0x36B4, v1;
	v1 =	vsel vm8, $0x2327, v2  }
0x249: {  	v1 =	vsel vm9, $0x2328, v1  }
0x24a: {  	v48 =	vld [tilespmem:$0x1FE60];
	v3 =	vimm.s32 $0x3A9F;
	v1 =	vsel vm10, $0x2711, v1  }
0x24b: {  	v3 =	vsel vm0, $0x3E0, v3;
	v1 =	vsel vm11, $0x2AFA, v1  }
0x24c: {  	v3 =	vsel vm1, $0x7C9, v3;
	[tilespmem:v42+s13+$0x0] =	vst.idx.msk $0xffff, v41;
	v1 =	vsel vm12, $0x2EE3, v1  }
0x24d: {  	v2 =	vsel vm2, $0xBB2, v3;
	v3 =	vld.idx.msk [tilespmem:v58+s10+$0x0], $0xffff;
	v1 =	vsel vm13, $0x32CC, v1  }
0x24e: {  	v2 =	vsel vm3, $0xF9B, v2;
	v1 =	vsel vm14, $0x36B5, v1  }
0x24f: {  	v2 =	vsel vm4, $0x1384, v2  }
0x250: {  	v49 =	vld [tilespmem:$0x1FE70];
	v2 =	vsel vm5, $0x176D, v2  }
0x251: {  	v2 =	vsel vm6, $0x1B56, v2  }
0x252: {  	v2 =	vsel vm7, $0x1F3F, v2;
	[tilespmem:v48+s13+$0x0] =	vst.idx.msk $0xffff, v3  }
0x253: {  	v2 =	vsel vm8, $0x1F40, v2;
	v3 =	vld.idx.msk [tilespmem:v1+s10+$0x0], $0xffff  }
0x254: {  	v2 =	vsel vm9, $0x2329, v2  }
0x255: {  	v2 =	vsel vm10, $0x2712, v2  }
0x256: {  	v2 =	vsel vm11, $0x2AFB, v2  }
0x257: {  	v45 =	vld [tilespmem:$0x1FE80];
	v2 =	vsel vm12, $0x2EE4, v2  }
0x258: {  	v2 =	vsel vm13, $0x32CD, v2;
	[tilespmem:v49+s13+$0x0] =	vst.idx.msk $0xffff, v3;
	v3 =	vld [tilespmem:$0x1FDE0]  }
0x259: {  	v2 =	vsel vm14, $0x36B6, v2;
	_ =	sdelay $0x2  }
0x25a: {  	v49 =	vld [tilespmem:$0x1FE90]  }
0x25b: {  	v3 =	vcombine.low v45, v3  }
0x25c: {  	v48 =	vld.idx.msk [tilespmem:v2+s10+$0x0], $0xffff;
	_ =	sdelay $0x3  }
0x25d: {  	v45 =	vld [tilespmem:$0x1FEA0]  }
0x25e: {  	[tilespmem:v3+s13+$0x0] =	vst.idx.msk $0xffff, v48  }
0x25f: {  	v41 =	vld.idx.msk [tilespmem:v49+s10+$0x0], $0xffff;
	_ =	sdelay $0x2  }
0x260: {  	v48 =	vld [tilespmem:$0x1FEB0];
	_ =	sdelay $0x1  }
0x261: {  	v49 =	vld [tilespmem:$0x1FEC0];
	[tilespmem:v43+s13+$0x0] =	vst.idx.msk $0xffff, v41  }
0x262: {  	v41 =	vld.idx.msk [tilespmem:v45+s10+$0x0], $0xffff;
	_ =	sdelay $0x3  }
0x263: {  	v45 =	vld [tilespmem:$0x1FDF0]  }
0x264: {  	[tilespmem:v48+s13+$0x0] =	vst.idx.msk $0xffff, v41;
	v48 =	vld [tilespmem:$0x1FEF0];
	_ =	sdelay $0x2  }
0x265: {  	v41 =	vld.idx.msk [tilespmem:v49+s10+$0x0], $0xffff  }
0x266: {  	v42 =	vand.u32 $0xFF, v45;
	v49 =	vld [tilespmem:$0x1FE10]  }
0x267: {  	v42 =	vsel vm15, v48, v42;
	v48 =	vld [tilespmem:$0x1FF00];
	_ =	sdelay $0x4  }
0x268: {  	v43 =	vsel vm15, v49, v48;
	v49 =	vld [tilespmem:$0x1FED0]  }
0x269: {  	v45 =	vld [tilespmem:$0x1FEE0];
	_ =	sdelay $0x5  }
0x26a: {  	v48 =	vld [tilespmem:$0x1FF10]  }
0x26b: {  	[tilespmem:v49+s13+$0x0] =	vst.idx.msk $0xffff, v41;
	v41 =	vcombine.low v43, v42  }
0x26c: {  	v42 =	vld.idx.msk [tilespmem:v45+s10+$0x0], $0xffff;
	_ =	sdelay $0x3  }
0x26d: {  	v49 =	vld [tilespmem:$0x1FF20]  }
0x26e: {  	[tilespmem:v41+s13+$0x0] =	vst.idx.msk $0xffff, v42  }
0x26f: {  	v42 =	vld.idx.msk [tilespmem:v48+s10+$0x0], $0xffff;
	_ =	sdelay $0x2  }
0x270: {  	v45 =	vld [tilespmem:$0x1FF30]  }
0x271: {  	v48 =	vld [tilespmem:$0x1FF40]  }
0x272: {  	[tilespmem:v44+s13+$0x0] =	vst.idx.msk $0xffff, v42  }
0x273: {  	v42 =	vld.idx.msk [tilespmem:v49+s10+$0x0], $0xffff;
	_ =	sdelay $0x2  }
0x274: {  	v49 =	vld [tilespmem:$0x1FF50];
	_ =	sdelay $0x1  }
0x275: {  	[tilespmem:v45+s13+$0x0] =	vst.idx.msk $0xffff, v42  }
0x276: {  	v42 =	vld.idx.msk [tilespmem:v48+s10+$0x0], $0xffff;
	_ =	sdelay $0x1  }
0x277: {  	p1 =	seq.s32 s20, $0xC7  }
0x278: {  	s21 =	sshll.u32 @!p1 s21, $0x4  }
0x279: {  	s26 =	sshrl.u32 s20, $0x2;
	s22 =	sadd.s32 @!p1 $0x20, s21  }
0x27a: {  	s23 =	simm.s32 @!p1 $0x10;
	s24 =	simm.s32 @!p1 $0x1900;
	s22 =	sand.u32 @!p1 $0x3FE0, s22;
	[tilespmem:v49+s13+$0x0] =	vst.idx.msk $0xffff, v42  }
0x27b: {  	[tilespmem:s24], [sflag:$0x1] =	stream.indirect.gather @!p1 [hbm4b:s4+s23], $0x3E8, s22, s23, $0xb8;
	[tilespmem:$0x11300] =	vst v63  }
0x27c: {  	s22 =	sadd.s32 s5, s26  }
0x27d: {  	s28 =	sshrl.u32 s22, $0x3  }
0x27e: {  	s22 =	sshll.u32 s22, $0xA;
	s23 =	smul.u32 $0xFA000, s28  }
0x27f: {  	s29 =	sshll.u32 s20, $0x5;
	s22 =	sand.u32 $0x1C00, s22  }
0x280: {  	s30 =	sand.u32 $0x60, s29;
	s22 =	sor.u32 s22, s23  }
0x281: {  	s22 =	sor.u32 s30, s22  }
0x282: {  	s22 =	sshrl.u32 s22, $0x3  }
0x283: {  	s31 =	simm.s32 $0x9600;
	s24 =	simm.s32 $0x200;
	s23 =	sadd.s32 s2, s22  }
0x284: {  	[hbm4b:s23+s9] =	stream.strided.scatter [tilespmem:s31], [sflag:$0x3], $0x80, s14, s9, $0x38;
	[tilespmem:$0x11300] =	vst v63  }
.LBB2_5:
0x285: {  	p2 =	sne.s32 s24, $0xF800  }
.Ltmp1:
0x286: {  	_ = 	snop;
	(pc) =	sbr.rel @p2 .LBB2_5-.Ltmp1, $4  }
0x287: {  	_ = 	snop  }
0x288: {  	s25 =	sshra.s32 s24, $0x2;
	s24 =	sadd.s32 $0x200, s24  }
0x289: {  	s23 =	sadd.s32 $0x400, s23;
	s25 =	sadd.s32 $0x9600, s25  }
0x28a: {  	[hbm4b:s23+s9] =	stream.strided.scatter [tilespmem:s25], [sflag:$0x3], $0x80, s14, s9, $0x38;
	[tilespmem:$0x11300] =	vst v63  }
0x28b: {  	s23 =	simm.s32 $0x0  }
0x28c: {  	v42 =	vor.u32 s23, v5  }
0x28d: {  	_ =	swait.ge [sflag:s15], $0x3E80;
	v43 =	vand.u32 $0x3E8, v42  }
0x28e: {  	[sflag:s15] =	ssyncset.done $0x0;
	v43 =	vadd.s32 v6, v43  }
0x28f: {  	s24 =	simm.s32 @!p0 $0x4;
	[sflag:s15] =	ssyncadd.s32 $0xFFFFC180  }
0x290: {  	_ =	swait.ge @!p0 [sflag:s24], $0x3E80  }
0x291: {  	v42 =	vshll.u32 v42, $0x4;
	[sflag:s24] =	ssyncset.done @!p0 $0x0  }
0x292: {  	v44 =	vor.u32 s23, v10;
	v42 =	vand.u32 $0x3E80, v42;
	[sflag:s24] =	ssyncadd.s32 @!p0 $0xFFFFC180  }
0x293: {  	v45 =	vand.u32 $0x3F8, v44;
	v42 =	vor.u32 v9, v42;
	v43 =	vld.idx.msk [tilespmem:v43+s11+$0x0], $0xffff  }
0x294: {  	v45 =	vadd.s32 v11, v45;
	_ =	sdelay $0x2  }
0x295: {  	v44 =	vshll.u32 v44, $0x4  }
0x296: {  	v48 =	vand.u32 $0x3F80, v44;
	[tilespmem:v42+s16+$0x0] =	vst.idx.msk $0xffff, v43;
	v43 =	vor.u32 s23, v14  }
0x297: {  	v42 =	vor.u32 v13, v48;
	v49 =	vld.idx.msk [tilespmem:v45+s11+$0x0], $0xffff;
	v48 =	vand.u32 $0x3F8, v43  }
0x298: {  	v45 =	vadd.s32 v15, v48;
	_ =	sdelay $0x2  }
0x299: {  	v43 =	vshll.u32 v43, $0x4  }
0x29a: {  	v48 =	vor.u32 s23, v18;
	[tilespmem:v42+s16+$0x0] =	vst.idx.msk $0xffff, v49;
	v49 =	vand.u32 $0x3F80, v43  }
0x29b: {  	v44 =	vld.idx.msk [tilespmem:v45+s11+$0x0], $0xffff;
	v42 =	vor.u32 v17, v49;
	v49 =	vand.u32 $0x3F8, v48  }
0x29c: {  	v45 =	vadd.s32 v19, v49;
	_ =	sdelay $0x2  }
0x29d: {  	v43 =	vshll.u32 v48, $0x4  }
0x29e: {  	v48 =	vand.u32 $0x3F80, v43;
	v49 =	vor.u32 s23, v22;
	[tilespmem:v42+s16+$0x0] =	vst.idx.msk $0xffff, v44  }
0x29f: {  	v42 =	vor.u32 v21, v48;
	v48 =	vand.u32 $0x3F8, v49;
	v44 =	vld.idx.msk [tilespmem:v45+s11+$0x0], $0xffff  }
0x2a0: {  	v45 =	vadd.s32 v23, v48;
	_ =	sdelay $0x2  }
0x2a1: {  	v43 =	vshll.u32 v49, $0x4  }
0x2a2: {  	v49 =	vand.u32 $0x3F80, v43;
	v48 =	vor.u32 s23, v29;
	[tilespmem:v42+s16+$0x0] =	vst.idx.msk $0xffff, v44  }
0x2a3: {  	v42 =	vor.u32 v28, v49;
	v49 =	vand.u32 $0x3F8, v48;
	v44 =	vld.idx.msk [tilespmem:v45+s11+$0x0], $0xffff  }
0x2a4: {  	v45 =	vadd.s32 v30, v49;
	_ =	sdelay $0x2  }
0x2a5: {  	v43 =	vshll.u32 v48, $0x4  }
0x2a6: {  	v48 =	vand.u32 $0x3F80, v43;
	v49 =	vor.u32 s23, v33;
	[tilespmem:v42+s16+$0x0] =	vst.idx.msk $0xffff, v44  }
0x2a7: {  	v42 =	vor.u32 v32, v48;
	v48 =	vand.u32 $0x3F8, v49;
	v44 =	vld.idx.msk [tilespmem:v45+s11+$0x0], $0xffff  }
0x2a8: {  	v45 =	vadd.s32 v34, v48;
	_ =	sdelay $0x2  }
0x2a9: {  	v43 =	vshll.u32 v49, $0x4  }
0x2aa: {  	v49 =	vand.u32 $0x3F80, v43;
	v48 =	vor.u32 s23, v36;
	[tilespmem:v42+s16+$0x0] =	vst.idx.msk $0xffff, v44  }
0x2ab: {  	v42 =	vor.u32 v35, v49;
	v49 =	vand.u32 $0x3F8, v48;
	v44 =	vld.idx.msk [tilespmem:v45+s11+$0x0], $0xffff  }
0x2ac: {  	v45 =	vadd.s32 v37, v49;
	_ =	sdelay $0x2  }
0x2ad: {  	s29 =	simm.s32 $0x8;
	v43 =	vshll.u32 v48, $0x4  }
0x2ae: {  	v48 =	vand.u32 $0x3F80, v43;
	v49 =	vadd.s32 s29, v5;
	[tilespmem:v42+s16+$0x0] =	vst.idx.msk $0xffff, v44  }
0x2af: {  	v42 =	vor.u32 v38, v48;
	v48 =	vand.u32 $0x3F8, v49;
	v44 =	vld.idx.msk [tilespmem:v45+s11+$0x0], $0xffff  }
0x2b0: {  	v45 =	vadd.s32 v6, v48;
	_ =	sdelay $0x2  }
0x2b1: {  	v43 =	vshll.u32 v49, $0x4  }
0x2b2: {  	v49 =	vand.u32 $0x7FFFFF80, v43;
	v48 =	vadd.s32 s29, v10;
	[tilespmem:v42+s16+$0x0] =	vst.idx.msk $0xffff, v44  }
0x2b3: {  	v42 =	vor.u32 v9, v49;
	v49 =	vand.u32 $0x7F8, v48;
	v44 =	vld.idx.msk [tilespmem:v45+s11+$0x0], $0xffff  }
0x2b4: {  	v45 =	vadd.s32 v11, v49;
	_ =	sdelay $0x2  }
0x2b5: {  	v43 =	vshll.u32 v48, $0x4  }
0x2b6: {  	v48 =	vand.u32 $0x7FFFFF80, v43;
	v49 =	vadd.s32 s29, v14;
	[tilespmem:v42+s16+$0x0] =	vst.idx.msk $0xffff, v44  }
0x2b7: {  	v42 =	vor.u32 v13, v48;
	v48 =	vand.u32 $0x7F8, v49;
	v44 =	vld.idx.msk [tilespmem:v45+s11+$0x0], $0xffff  }
0x2b8: {  	v45 =	vadd.s32 v15, v48;
	_ =	sdelay $0x2  }
0x2b9: {  	v43 =	vshll.u32 v49, $0x4  }
0x2ba: {  	v49 =	vand.u32 $0x7FFFFF80, v43;
	v48 =	vadd.s32 s29, v18;
	[tilespmem:v42+s16+$0x0] =	vst.idx.msk $0xffff, v44  }
0x2bb: {  	v42 =	vor.u32 v17, v49;
	v49 =	vand.u32 $0x7F8, v48;
	v44 =	vld.idx.msk [tilespmem:v45+s11+$0x0], $0xffff  }
0x2bc: {  	v45 =	vadd.s32 v19, v49;
	_ =	sdelay $0x2  }
0x2bd: {  	v43 =	vshll.u32 v48, $0x4  }
0x2be: {  	v48 =	vand.u32 $0x7FFFFF80, v43;
	v49 =	vadd.s32 s29, v22;
	[tilespmem:v42+s16+$0x0] =	vst.idx.msk $0xffff, v44  }
0x2bf: {  	v42 =	vor.u32 v21, v48;
	v48 =	vand.u32 $0x7F8, v49;
	v44 =	vld.idx.msk [tilespmem:v45+s11+$0x0], $0xffff  }
0x2c0: {  	v45 =	vadd.s32 v23, v48;
	_ =	sdelay $0x2  }
0x2c1: {  	v43 =	vshll.u32 v49, $0x4  }
0x2c2: {  	v49 =	vand.u32 $0x7FFFFF80, v43;
	v48 =	vadd.s32 s29, v29;
	[tilespmem:v42+s16+$0x0] =	vst.idx.msk $0xffff, v44  }
0x2c3: {  	v42 =	vor.u32 v28, v49;
	v49 =	vand.u32 $0x7F8, v48;
	v44 =	vld.idx.msk [tilespmem:v45+s11+$0x0], $0xffff  }
0x2c4: {  	v45 =	vadd.s32 v30, v49;
	_ =	sdelay $0x2  }
0x2c5: {  	v43 =	vshll.u32 v48, $0x4  }
0x2c6: {  	v48 =	vand.u32 $0x7FFFFF80, v43;
	v49 =	vadd.s32 s29, v33;
	[tilespmem:v42+s16+$0x0] =	vst.idx.msk $0xffff, v44  }
0x2c7: {  	v42 =	vor.u32 v32, v48;
	v48 =	vand.u32 $0x7F8, v49;
	v44 =	vld.idx.msk [tilespmem:v45+s11+$0x0], $0xffff  }
0x2c8: {  	v45 =	vadd.s32 v34, v48;
	_ =	sdelay $0x2  }
0x2c9: {  	v43 =	vshll.u32 v49, $0x4  }
0x2ca: {  	v49 =	vand.u32 $0x7FFFFF80, v43;
	v48 =	vadd.s32 s29, v36;
	[tilespmem:v42+s16+$0x0] =	vst.idx.msk $0xffff, v44  }
0x2cb: {  	v42 =	vor.u32 v35, v49;
	v49 =	vand.u32 $0x7F8, v48;
	v44 =	vld.idx.msk [tilespmem:v45+s11+$0x0], $0xffff  }
0x2cc: {  	v45 =	vadd.s32 v37, v49;
	_ =	sdelay $0x2  }
0x2cd: {  	s30 =	simm.s32 $0x10;
	v43 =	vshll.u32 v48, $0x4  }
0x2ce: {  	v48 =	vand.u32 $0x7FFFFF80, v43;
	v49 =	vor.u32 s30, v5;
	[tilespmem:v42+s16+$0x0] =	vst.idx.msk $0xffff, v44  }
0x2cf: {  	v42 =	vor.u32 v38, v48;
	v48 =	vand.u32 $0x3F8, v49;
	v44 =	vld.idx.msk [tilespmem:v45+s11+$0x0], $0xffff  }
0x2d0: {  	v45 =	vadd.s32 v6, v48;
	_ =	sdelay $0x2  }
0x2d1: {  	v43 =	vshll.u32 v49, $0x4  }
0x2d2: {  	v49 =	vand.u32 $0x7FFFFF80, v43;
	v48 =	vadd.s32 s30, v10;
	[tilespmem:v42+s16+$0x0] =	vst.idx.msk $0xffff, v44  }
0x2d3: {  	v42 =	vor.u32 v9, v49;
	v49 =	vand.u32 $0x7F8, v48;
	v44 =	vld.idx.msk [tilespmem:v45+s11+$0x0], $0xffff  }
0x2d4: {  	v45 =	vadd.s32 v11, v49;
	_ =	sdelay $0x2  }
0x2d5: {  	v43 =	vshll.u32 v48, $0x4  }
0x2d6: {  	v48 =	vand.u32 $0x7FFFFF80, v43;
	v49 =	vadd.s32 s30, v14;
	[tilespmem:v42+s16+$0x0] =	vst.idx.msk $0xffff, v44  }
0x2d7: {  	v42 =	vor.u32 v13, v48;
	v48 =	vand.u32 $0x7F8, v49;
	v44 =	vld.idx.msk [tilespmem:v45+s11+$0x0], $0xffff  }
0x2d8: {  	v45 =	vadd.s32 v15, v48;
	_ =	sdelay $0x2  }
0x2d9: {  	v43 =	vshll.u32 v49, $0x4  }
0x2da: {  	v49 =	vand.u32 $0x7FFFFF80, v43;
	v48 =	vadd.s32 s30, v18;
	[tilespmem:v42+s16+$0x0] =	vst.idx.msk $0xffff, v44  }
0x2db: {  	v42 =	vor.u32 v17, v49;
	v49 =	vand.u32 $0x7F8, v48;
	v44 =	vld.idx.msk [tilespmem:v45+s11+$0x0], $0xffff  }
0x2dc: {  	v45 =	vadd.s32 v19, v49;
	_ =	sdelay $0x2  }
0x2dd: {  	v43 =	vshll.u32 v48, $0x4  }
0x2de: {  	v48 =	vand.u32 $0x7FFFFF80, v43;
	v49 =	vadd.s32 s30, v22;
	[tilespmem:v42+s16+$0x0] =	vst.idx.msk $0xffff, v44  }
0x2df: {  	v42 =	vor.u32 v21, v48;
	v48 =	vand.u32 $0x7F8, v49;
	v44 =	vld.idx.msk [tilespmem:v45+s11+$0x0], $0xffff  }
0x2e0: {  	v45 =	vadd.s32 v23, v48;
	_ =	sdelay $0x2  }
0x2e1: {  	v43 =	vshll.u32 v49, $0x4  }
0x2e2: {  	v49 =	vand.u32 $0x7FFFFF80, v43;
	v48 =	vadd.s32 s30, v29;
	[tilespmem:v42+s16+$0x0] =	vst.idx.msk $0xffff, v44  }
0x2e3: {  	v42 =	vor.u32 v28, v49;
	v49 =	vand.u32 $0x7F8, v48;
	v44 =	vld.idx.msk [tilespmem:v45+s11+$0x0], $0xffff  }
0x2e4: {  	v45 =	vadd.s32 v30, v49;
	_ =	sdelay $0x2  }
0x2e5: {  	v43 =	vshll.u32 v48, $0x4  }
0x2e6: {  	v48 =	vand.u32 $0x7FFFFF80, v43;
	v49 =	vadd.s32 s30, v33;
	[tilespmem:v42+s16+$0x0] =	vst.idx.msk $0xffff, v44  }
0x2e7: {  	v42 =	vor.u32 v32, v48;
	v48 =	vand.u32 $0x7F8, v49;
	v44 =	vld.idx.msk [tilespmem:v45+s11+$0x0], $0xffff  }
0x2e8: {  	v45 =	vadd.s32 v34, v48;
	_ =	sdelay $0x2  }
0x2e9: {  	v43 =	vshll.u32 v49, $0x4  }
0x2ea: {  	v49 =	vand.u32 $0x7FFFFF80, v43;
	v48 =	vadd.s32 s30, v36;
	[tilespmem:v42+s16+$0x0] =	vst.idx.msk $0xffff, v44  }
0x2eb: {  	v42 =	vor.u32 v35, v49;
	v49 =	vand.u32 $0x7F8, v48;
	v44 =	vld.idx.msk [tilespmem:v45+s11+$0x0], $0xffff  }
0x2ec: {  	v45 =	vadd.s32 v37, v49;
	_ =	sdelay $0x2  }
0x2ed: {  	s31 =	simm.s32 $0x18;
	v43 =	vshll.u32 v48, $0x4  }
0x2ee: {  	v48 =	vand.u32 $0x7FFFFF80, v43;
	v49 =	vadd.s32 s31, v5;
	[tilespmem:v42+s16+$0x0] =	vst.idx.msk $0xffff, v44  }
0x2ef: {  	v42 =	vor.u32 v38, v48;
	v48 =	vand.u32 $0x7F8, v49;
	v44 =	vld.idx.msk [tilespmem:v45+s11+$0x0], $0xffff  }
0x2f0: {  	v45 =	vadd.s32 v6, v48;
	_ =	sdelay $0x2  }
0x2f1: {  	v43 =	vshll.u32 v49, $0x4  }
0x2f2: {  	v49 =	vand.u32 $0x7FFFFF80, v43;
	v48 =	vadd.s32 s31, v10;
	[tilespmem:v42+s16+$0x0] =	vst.idx.msk $0xffff, v44  }
0x2f3: {  	v42 =	vor.u32 v9, v49;
	v49 =	vand.u32 $0x7F8, v48;
	v44 =	vld.idx.msk [tilespmem:v45+s11+$0x0], $0xffff  }
0x2f4: {  	v45 =	vadd.s32 v11, v49;
	_ =	sdelay $0x2  }
0x2f5: {  	v43 =	vshll.u32 v48, $0x4  }
0x2f6: {  	v48 =	vand.u32 $0x7FFFFF80, v43;
	v49 =	vadd.s32 s31, v14;
	[tilespmem:v42+s16+$0x0] =	vst.idx.msk $0xffff, v44  }
0x2f7: {  	v42 =	vor.u32 v13, v48;
	v48 =	vand.u32 $0x7F8, v49;
	v44 =	vld.idx.msk [tilespmem:v45+s11+$0x0], $0xffff  }
0x2f8: {  	v45 =	vadd.s32 v15, v48;
	_ =	sdelay $0x2  }
0x2f9: {  	v43 =	vshll.u32 v49, $0x4  }
0x2fa: {  	v49 =	vand.u32 $0x7FFFFF80, v43;
	v48 =	vadd.s32 s31, v18;
	[tilespmem:v42+s16+$0x0] =	vst.idx.msk $0xffff, v44  }
0x2fb: {  	v42 =	vor.u32 v17, v49;
	v49 =	vand.u32 $0x7F8, v48;
	v44 =	vld.idx.msk [tilespmem:v45+s11+$0x0], $0xffff  }
0x2fc: {  	v45 =	vadd.s32 v19, v49;
	_ =	sdelay $0x2  }
0x2fd: {  	v43 =	vshll.u32 v48, $0x4  }
0x2fe: {  	v48 =	vand.u32 $0x7FFFFF80, v43;
	v49 =	vadd.s32 s31, v22;
	[tilespmem:v42+s16+$0x0] =	vst.idx.msk $0xffff, v44  }
0x2ff: {  	v42 =	vor.u32 v21, v48;
	v48 =	vand.u32 $0x7F8, v49;
	v44 =	vld.idx.msk [tilespmem:v45+s11+$0x0], $0xffff  }
0x300: {  	v45 =	vadd.s32 v23, v48;
	_ =	sdelay $0x2  }
0x301: {  	v43 =	vshll.u32 v49, $0x4  }
0x302: {  	v49 =	vand.u32 $0x7FFFFF80, v43;
	v48 =	vadd.s32 s31, v29;
	[tilespmem:v42+s16+$0x0] =	vst.idx.msk $0xffff, v44  }
0x303: {  	v42 =	vor.u32 v28, v49;
	v49 =	vand.u32 $0x7F8, v48;
	v44 =	vld.idx.msk [tilespmem:v45+s11+$0x0], $0xffff  }
0x304: {  	v45 =	vadd.s32 v30, v49;
	_ =	sdelay $0x2  }
0x305: {  	v43 =	vshll.u32 v48, $0x4  }
0x306: {  	v48 =	vand.u32 $0x7FFFFF80, v43;
	v43 =	vadd.s32 s31, v33;
	[tilespmem:v42+s16+$0x0] =	vst.idx.msk $0xffff, v44  }
0x307: {  	v49 =	vand.u32 $0x7F8, v43;
	v44 =	vld.idx.msk [tilespmem:v45+s11+$0x0], $0xffff;
	v45 =	vor.u32 v32, v48  }
0x308: {  	v48 =	vadd.s32 v34, v49;
	_ =	sdelay $0x2  }
0x309: {  	v43 =	vshll.u32 v43, $0x4  }
0x30a: {  	v42 =	vadd.s32 s31, v36;
	[tilespmem:v45+s16+$0x0] =	vst.idx.msk $0xffff, v44;
	v44 =	vand.u32 $0x7FFFFF80, v43  }
0x30b: {  	v49 =	vand.u32 $0x7F8, v42;
	v43 =	vld.idx.msk [tilespmem:v48+s11+$0x0], $0xffff;
	v45 =	vor.u32 v35, v44  }
0x30c: {  	v44 =	vadd.s32 v37, v49;
	_ =	sdelay $0x2  }
0x30d: {  	s24 =	simm.s32 $0x38;
	s23 =	simm.s32 $0x0  }
.LBB2_7:
0x30e: {  	s25 =	sadd.s32 $0xFFFFFFE8, s24;
	s23 =	sadd.s32 $0x4, s23;
	[tilespmem:v45+s16+$0x0] =	vst.idx.msk $0xffff, v43;
	v42 =	vshll.u32 v42, $0x4  }
0x30f: {  	v43 =	vor.u32 s25, v5;
	p0 =	slt.u32 s23, $0x74;
	v44 =	vld.idx.msk [tilespmem:v44+s11+$0x0], $0xffff;
	v42 =	vand.u32 $0x7FFFFF80, v42  }
0x310: {  	v45 =	vand.u32 $0x3E8, v43;
	v42 =	vor.u32 v38, v42  }
0x311: {  	v45 =	vadd.s32 v6, v45;
	_ =	sdelay $0x3  }
0x312: {  	v43 =	vshll.u32 v43, $0x4;
	[tilespmem:v42+s16+$0x0] =	vst.idx.msk $0xffff, v44  }
0x313: {  	v43 =	vand.u32 $0x3E80, v43;
	v44 =	vor.u32 s25, v10;
	v42 =	vld.idx.msk [tilespmem:v45+s11+$0x0], $0xffff  }
0x314: {  	v43 =	vor.u32 v9, v43;
	v45 =	vand.u32 $0x3F8, v44  }
0x315: {  	v45 =	vadd.s32 v11, v45;
	_ =	sdelay $0x3  }
0x316: {  	[tilespmem:v43+s16+$0x0] =	vst.idx.msk $0xffff, v42;
	v42 =	vshll.u32 v44, $0x4  }
0x317: {  	v44 =	vor.u32 s25, v14;
	v43 =	vld.idx.msk [tilespmem:v45+s11+$0x0], $0xffff;
	v42 =	vand.u32 $0x3F80, v42  }
0x318: {  	v45 =	vand.u32 $0x3F8, v44;
	v42 =	vor.u32 v13, v42  }
0x319: {  	v45 =	vadd.s32 v15, v45;
	_ =	sdelay $0x3  }
0x31a: {  	[tilespmem:v42+s16+$0x0] =	vst.idx.msk $0xffff, v43;
	v42 =	vshll.u32 v44, $0x4  }
0x31b: {  	v44 =	vor.u32 s25, v18;
	v43 =	vld.idx.msk [tilespmem:v45+s11+$0x0], $0xffff;
	v42 =	vand.u32 $0x3F80, v42  }
0x31c: {  	v45 =	vand.u32 $0x3F8, v44;
	v42 =	vor.u32 v17, v42  }
0x31d: {  	v45 =	vadd.s32 v19, v45;
	_ =	sdelay $0x3  }
0x31e: {  	[tilespmem:v42+s16+$0x0] =	vst.idx.msk $0xffff, v43;
	v42 =	vshll.u32 v44, $0x4  }
0x31f: {  	v44 =	vor.u32 s25, v22;
	v43 =	vld.idx.msk [tilespmem:v45+s11+$0x0], $0xffff;
	v42 =	vand.u32 $0x3F80, v42  }
0x320: {  	v45 =	vand.u32 $0x3F8, v44;
	v42 =	vor.u32 v21, v42  }
0x321: {  	v45 =	vadd.s32 v23, v45;
	_ =	sdelay $0x3  }
0x322: {  	[tilespmem:v42+s16+$0x0] =	vst.idx.msk $0xffff, v43;
	v42 =	vshll.u32 v44, $0x4  }
0x323: {  	v44 =	vor.u32 s25, v29;
	v43 =	vld.idx.msk [tilespmem:v45+s11+$0x0], $0xffff;
	v42 =	vand.u32 $0x3F80, v42  }
0x324: {  	v45 =	vand.u32 $0x3F8, v44;
	v42 =	vor.u32 v28, v42  }
0x325: {  	v45 =	vadd.s32 v30, v45;
	_ =	sdelay $0x3  }
0x326: {  	[tilespmem:v42+s16+$0x0] =	vst.idx.msk $0xffff, v43;
	v42 =	vshll.u32 v44, $0x4  }
0x327: {  	v44 =	vor.u32 s25, v33;
	v43 =	vld.idx.msk [tilespmem:v45+s11+$0x0], $0xffff;
	v42 =	vand.u32 $0x3F80, v42  }
0x328: {  	v45 =	vand.u32 $0x3F8, v44;
	v42 =	vor.u32 v32, v42  }
0x329: {  	v45 =	vadd.s32 v34, v45;
	_ =	sdelay $0x3  }
0x32a: {  	[tilespmem:v42+s16+$0x0] =	vst.idx.msk $0xffff, v43;
	v42 =	vshll.u32 v44, $0x4  }
0x32b: {  	v44 =	vor.u32 s25, v36;
	v43 =	vld.idx.msk [tilespmem:v45+s11+$0x0], $0xffff;
	v42 =	vand.u32 $0x3F80, v42  }
0x32c: {  	v45 =	vand.u32 $0x3F8, v44;
	v42 =	vor.u32 v35, v42  }
0x32d: {  	v45 =	vadd.s32 v37, v45;
	_ =	sdelay $0x3  }
0x32e: {  	s25 =	sadd.s32 $0xFFFFFFF0, s24;
	[tilespmem:v42+s16+$0x0] =	vst.idx.msk $0xffff, v43;
	v42 =	vshll.u32 v44, $0x4  }
0x32f: {  	v44 =	vadd.s32 s25, v5;
	v43 =	vld.idx.msk [tilespmem:v45+s11+$0x0], $0xffff;
	v42 =	vand.u32 $0x3F80, v42  }
0x330: {  	v45 =	vand.u32 $0x3F8, v44;
	v42 =	vor.u32 v38, v42  }
0x331: {  	v45 =	vadd.s32 v6, v45;
	_ =	sdelay $0x3  }
0x332: {  	[tilespmem:v42+s16+$0x0] =	vst.idx.msk $0xffff, v43;
	v42 =	vshll.u32 v44, $0x4  }
0x333: {  	v44 =	vadd.s32 s25, v10;
	v43 =	vld.idx.msk [tilespmem:v45+s11+$0x0], $0xffff;
	v42 =	vand.u32 $0x7FFFFF80, v42  }
0x334: {  	v45 =	vand.u32 $0x7F8, v44;
	v42 =	vor.u32 v9, v42  }
0x335: {  	v45 =	vadd.s32 v11, v45;
	_ =	sdelay $0x3  }
0x336: {  	[tilespmem:v42+s16+$0x0] =	vst.idx.msk $0xffff, v43;
	v42 =	vshll.u32 v44, $0x4  }
0x337: {  	v44 =	vadd.s32 s25, v14;
	v43 =	vld.idx.msk [tilespmem:v45+s11+$0x0], $0xffff;
	v42 =	vand.u32 $0x7FFFFF80, v42  }
0x338: {  	v45 =	vand.u32 $0x7F8, v44;
	v42 =	vor.u32 v13, v42  }
0x339: {  	v45 =	vadd.s32 v15, v45;
	_ =	sdelay $0x3  }
0x33a: {  	[tilespmem:v42+s16+$0x0] =	vst.idx.msk $0xffff, v43;
	v42 =	vshll.u32 v44, $0x4  }
0x33b: {  	v44 =	vadd.s32 s25, v18;
	v43 =	vld.idx.msk [tilespmem:v45+s11+$0x0], $0xffff;
	v42 =	vand.u32 $0x7FFFFF80, v42  }
0x33c: {  	v45 =	vand.u32 $0x7F8, v44;
	v42 =	vor.u32 v17, v42  }
0x33d: {  	v45 =	vadd.s32 v19, v45;
	_ =	sdelay $0x3  }
0x33e: {  	[tilespmem:v42+s16+$0x0] =	vst.idx.msk $0xffff, v43;
	v42 =	vshll.u32 v44, $0x4  }
0x33f: {  	v44 =	vadd.s32 s25, v22;
	v43 =	vld.idx.msk [tilespmem:v45+s11+$0x0], $0xffff;
	v42 =	vand.u32 $0x7FFFFF80, v42  }
0x340: {  	v45 =	vand.u32 $0x7F8, v44;
	v42 =	vor.u32 v21, v42  }
0x341: {  	v45 =	vadd.s32 v23, v45;
	_ =	sdelay $0x3  }
0x342: {  	[tilespmem:v42+s16+$0x0] =	vst.idx.msk $0xffff, v43;
	v42 =	vshll.u32 v44, $0x4  }
0x343: {  	v44 =	vadd.s32 s25, v29;
	v43 =	vld.idx.msk [tilespmem:v45+s11+$0x0], $0xffff;
	v42 =	vand.u32 $0x7FFFFF80, v42  }
0x344: {  	v45 =	vand.u32 $0x7F8, v44;
	v42 =	vor.u32 v28, v42  }
0x345: {  	v45 =	vadd.s32 v30, v45;
	_ =	sdelay $0x3  }
0x346: {  	[tilespmem:v42+s16+$0x0] =	vst.idx.msk $0xffff, v43;
	v42 =	vshll.u32 v44, $0x4  }
0x347: {  	v44 =	vadd.s32 s25, v33;
	v43 =	vld.idx.msk [tilespmem:v45+s11+$0x0], $0xffff;
	v42 =	vand.u32 $0x7FFFFF80, v42  }
0x348: {  	v45 =	vand.u32 $0x7F8, v44;
	v42 =	vor.u32 v32, v42  }
0x349: {  	v45 =	vadd.s32 v34, v45;
	_ =	sdelay $0x3  }
0x34a: {  	[tilespmem:v42+s16+$0x0] =	vst.idx.msk $0xffff, v43;
	v42 =	vshll.u32 v44, $0x4  }
0x34b: {  	v44 =	vadd.s32 s25, v36;
	v43 =	vld.idx.msk [tilespmem:v45+s11+$0x0], $0xffff;
	v42 =	vand.u32 $0x7FFFFF80, v42  }
0x34c: {  	v45 =	vand.u32 $0x7F8, v44;
	v42 =	vor.u32 v35, v42  }
0x34d: {  	v45 =	vadd.s32 v37, v45;
	_ =	sdelay $0x3  }
0x34e: {  	s25 =	sadd.s32 $0xFFFFFFF8, s24;
	[tilespmem:v42+s16+$0x0] =	vst.idx.msk $0xffff, v43;
	v42 =	vshll.u32 v44, $0x4  }
0x34f: {  	v44 =	vor.u32 s25, v5;
	v43 =	vld.idx.msk [tilespmem:v45+s11+$0x0], $0xffff;
	v42 =	vand.u32 $0x7FFFFF80, v42  }
0x350: {  	v45 =	vand.u32 $0x3F8, v44;
	v42 =	vor.u32 v38, v42  }
0x351: {  	v45 =	vadd.s32 v6, v45;
	_ =	sdelay $0x3  }
0x352: {  	[tilespmem:v42+s16+$0x0] =	vst.idx.msk $0xffff, v43;
	v42 =	vshll.u32 v44, $0x4  }
0x353: {  	v44 =	vadd.s32 s25, v10;
	v43 =	vld.idx.msk [tilespmem:v45+s11+$0x0], $0xffff;
	v42 =	vand.u32 $0x7FFFFF80, v42  }
0x354: {  	v45 =	vand.u32 $0x7F8, v44;
	v42 =	vor.u32 v9, v42  }
0x355: {  	v45 =	vadd.s32 v11, v45;
	_ =	sdelay $0x3  }
0x356: {  	[tilespmem:v42+s16+$0x0] =	vst.idx.msk $0xffff, v43;
	v42 =	vshll.u32 v44, $0x4  }
0x357: {  	v44 =	vadd.s32 s25, v14;
	v43 =	vld.idx.msk [tilespmem:v45+s11+$0x0], $0xffff;
	v42 =	vand.u32 $0x7FFFFF80, v42  }
0x358: {  	v45 =	vand.u32 $0x7F8, v44;
	v42 =	vor.u32 v13, v42  }
0x359: {  	v45 =	vadd.s32 v15, v45;
	_ =	sdelay $0x3  }
0x35a: {  	[tilespmem:v42+s16+$0x0] =	vst.idx.msk $0xffff, v43;
	v42 =	vshll.u32 v44, $0x4  }
0x35b: {  	v44 =	vadd.s32 s25, v18;
	v43 =	vld.idx.msk [tilespmem:v45+s11+$0x0], $0xffff;
	v42 =	vand.u32 $0x7FFFFF80, v42  }
0x35c: {  	v45 =	vand.u32 $0x7F8, v44;
	v42 =	vor.u32 v17, v42  }
0x35d: {  	v45 =	vadd.s32 v19, v45;
	_ =	sdelay $0x3  }
0x35e: {  	[tilespmem:v42+s16+$0x0] =	vst.idx.msk $0xffff, v43;
	v42 =	vshll.u32 v44, $0x4  }
0x35f: {  	v44 =	vadd.s32 s25, v22;
	v43 =	vld.idx.msk [tilespmem:v45+s11+$0x0], $0xffff;
	v42 =	vand.u32 $0x7FFFFF80, v42  }
0x360: {  	v45 =	vand.u32 $0x7F8, v44;
	v42 =	vor.u32 v21, v42  }
0x361: {  	v45 =	vadd.s32 v23, v45;
	_ =	sdelay $0x3  }
0x362: {  	[tilespmem:v42+s16+$0x0] =	vst.idx.msk $0xffff, v43;
	v42 =	vshll.u32 v44, $0x4  }
0x363: {  	v44 =	vadd.s32 s25, v29;
	v43 =	vld.idx.msk [tilespmem:v45+s11+$0x0], $0xffff;
	v42 =	vand.u32 $0x7FFFFF80, v42  }
0x364: {  	v45 =	vand.u32 $0x7F8, v44;
	v42 =	vor.u32 v28, v42  }
0x365: {  	v45 =	vadd.s32 v30, v45;
	_ =	sdelay $0x3  }
0x366: {  	[tilespmem:v42+s16+$0x0] =	vst.idx.msk $0xffff, v43;
	v42 =	vshll.u32 v44, $0x4  }
0x367: {  	v44 =	vadd.s32 s25, v33;
	v43 =	vld.idx.msk [tilespmem:v45+s11+$0x0], $0xffff;
	v42 =	vand.u32 $0x7FFFFF80, v42  }
0x368: {  	v45 =	vand.u32 $0x7F8, v44;
	v42 =	vor.u32 v32, v42  }
0x369: {  	v45 =	vadd.s32 v34, v45;
	_ =	sdelay $0x3  }
0x36a: {  	[tilespmem:v42+s16+$0x0] =	vst.idx.msk $0xffff, v43;
	v42 =	vshll.u32 v44, $0x4  }
0x36b: {  	v44 =	vadd.s32 s25, v36;
	v43 =	vld.idx.msk [tilespmem:v45+s11+$0x0], $0xffff;
	v42 =	vand.u32 $0x7FFFFF80, v42  }
0x36c: {  	v45 =	vand.u32 $0x7F8, v44;
	v42 =	vor.u32 v35, v42  }
0x36d: {  	v45 =	vadd.s32 v37, v45;
	_ =	sdelay $0x3  }
0x36e: {  	[tilespmem:v42+s16+$0x0] =	vst.idx.msk $0xffff, v43;
	v42 =	vshll.u32 v44, $0x4  }
0x36f: {  	v44 =	vadd.s32 s24, v5;
	v43 =	vld.idx.msk [tilespmem:v45+s11+$0x0], $0xffff;
	v42 =	vand.u32 $0x7FFFFF80, v42  }
0x370: {  	v45 =	vand.u32 $0x7F8, v44;
	v42 =	vor.u32 v38, v42  }
0x371: {  	v45 =	vadd.s32 v6, v45;
	_ =	sdelay $0x3  }
0x372: {  	[tilespmem:v42+s16+$0x0] =	vst.idx.msk $0xffff, v43;
	v42 =	vshll.u32 v44, $0x4  }
0x373: {  	v44 =	vadd.s32 s24, v10;
	v43 =	vld.idx.msk [tilespmem:v45+s11+$0x0], $0xffff;
	v42 =	vand.u32 $0x7FFFFF80, v42  }
0x374: {  	v45 =	vand.u32 $0x7F8, v44;
	v42 =	vor.u32 v9, v42  }
0x375: {  	v45 =	vadd.s32 v11, v45;
	_ =	sdelay $0x3  }
0x376: {  	[tilespmem:v42+s16+$0x0] =	vst.idx.msk $0xffff, v43;
	v42 =	vshll.u32 v44, $0x4  }
0x377: {  	v44 =	vadd.s32 s24, v14;
	v43 =	vld.idx.msk [tilespmem:v45+s11+$0x0], $0xffff;
	v42 =	vand.u32 $0x7FFFFF80, v42  }
0x378: {  	v45 =	vand.u32 $0x7F8, v44;
	v42 =	vor.u32 v13, v42  }
0x379: {  	v45 =	vadd.s32 v15, v45;
	_ =	sdelay $0x3  }
0x37a: {  	[tilespmem:v42+s16+$0x0] =	vst.idx.msk $0xffff, v43;
	v42 =	vshll.u32 v44, $0x4  }
0x37b: {  	v44 =	vadd.s32 s24, v18;
	v43 =	vld.idx.msk [tilespmem:v45+s11+$0x0], $0xffff;
	v42 =	vand.u32 $0x7FFFFF80, v42  }
0x37c: {  	v45 =	vand.u32 $0x7F8, v44;
	v42 =	vor.u32 v17, v42  }
0x37d: {  	v45 =	vadd.s32 v19, v45;
	_ =	sdelay $0x3  }
0x37e: {  	[tilespmem:v42+s16+$0x0] =	vst.idx.msk $0xffff, v43;
	v42 =	vshll.u32 v44, $0x4  }
0x37f: {  	v44 =	vadd.s32 s24, v22;
	v43 =	vld.idx.msk [tilespmem:v45+s11+$0x0], $0xffff;
	v42 =	vand.u32 $0x7FFFFF80, v42  }
0x380: {  	v45 =	vand.u32 $0x7F8, v44;
	v42 =	vor.u32 v21, v42  }
0x381: {  	v45 =	vadd.s32 v23, v45;
	_ =	sdelay $0x3  }
0x382: {  	[tilespmem:v42+s16+$0x0] =	vst.idx.msk $0xffff, v43;
	v42 =	vshll.u32 v44, $0x4  }
0x383: {  	v44 =	vadd.s32 s24, v29;
	v43 =	vld.idx.msk [tilespmem:v45+s11+$0x0], $0xffff;
	v42 =	vand.u32 $0x7FFFFF80, v42  }
0x384: {  	v45 =	vand.u32 $0x7F8, v44;
	v42 =	vor.u32 v28, v42  }
0x385: {  	v45 =	vadd.s32 v30, v45;
	_ =	sdelay $0x3  }
0x386: {  	[tilespmem:v42+s16+$0x0] =	vst.idx.msk $0xffff, v43;
	v42 =	vshll.u32 v44, $0x4  }
0x387: {  	v44 =	vadd.s32 s24, v33;
	v43 =	vld.idx.msk [tilespmem:v45+s11+$0x0], $0xffff;
	v42 =	vand.u32 $0x7FFFFF80, v42  }
0x388: {  	v45 =	vand.u32 $0x7F8, v44;
	v42 =	vor.u32 v32, v42  }
0x389: {  	v45 =	vadd.s32 v34, v45;
	_ =	sdelay $0x3  }
0x38a: {  	[tilespmem:v42+s16+$0x0] =	vst.idx.msk $0xffff, v43;
	v42 =	vshll.u32 v44, $0x4  }
0x38b: {  	v43 =	vld.idx.msk [tilespmem:v45+s11+$0x0], $0xffff;
	v44 =	vand.u32 $0x7FFFFF80, v42;
	v42 =	vadd.s32 s24, v36  }
.Ltmp2:
0x38c: {  	v45 =	vor.u32 v35, v44;
	v44 =	vand.u32 $0x7F8, v42;
	(pc) =	sbr.rel @p0 .LBB2_7-.Ltmp2, $2  }
0x38d: {  	v44 =	vadd.s32 v37, v44;
	_ =	sdelay $0x2  }
0x38e: {  	s24 =	sadd.s32 $0x20, s24  }
0x38f: {  	_ =	sdelay $0x3  }
0x390: {  	v42 =	vshll.u32 v42, $0x4;
	[tilespmem:v45+s16+$0x0] =	vst.idx.msk $0xffff, v43;
	v45 =	vld [tilespmem:$0x1FFD0]  }
0x391: {  	v42 =	vand.u32 $0x7FFFFF80, v42  }
0x392: {  	v43 =	vld.idx.msk [tilespmem:v44+s11+$0x0], $0xffff;
	v42 =	vor.u32 v38, v42;
	_ =	sdelay $0x2  }
0x393: {  	v48 =	vld [tilespmem:$0x1FFE0]  }
0x394: {  	v49 =	vld [tilespmem:$0x1FF60]  }
0x395: {  	[tilespmem:v42+s16+$0x0] =	vst.idx.msk $0xffff, v43  }
0x396: {  	v42 =	vld.idx.msk [tilespmem:v45+s11+$0x0], $0xffff;
	_ =	sdelay $0x4  }
0x397: {  	[tilespmem:v48+s16+$0x0] =	vst.idx.msk $0xffff, v42  }
0x398: {  	v42 =	vld.idx.msk [tilespmem:v49+s11+$0x0], $0xffff  }
0x399: {  	v49 =	vld [tilespmem:$0x1FF70];
	_ =	sdelay $0x7  }
0x39a: {  	[tilespmem:v49+s16+$0x0] =	vst.idx.msk $0xffff, v42;
	v49 =	vld [tilespmem:$0x1FF80];
	_ =	sdelay $0x7  }
0x39b: {  	v42 =	vld.idx.msk [tilespmem:v49+s11+$0x0], $0xffff  }
0x39c: {  	v49 =	vld [tilespmem:$0x1FF90];
	_ =	sdelay $0x7  }
0x39d: {  	[tilespmem:v49+s16+$0x0] =	vst.idx.msk $0xffff, v42;
	v49 =	vld [tilespmem:$0x1FC70];
	_ =	sdelay $0x7  }
0x39e: {  	v42 =	vld.idx.msk [tilespmem:v49+s11+$0x0], $0xffff  }
0x39f: {  	v49 =	vld [tilespmem:$0x1FC80];
	_ =	sdelay $0x7  }
0x3a0: {  	[tilespmem:v49+s16+$0x0] =	vst.idx.msk $0xffff, v42;
	v49 =	vld [tilespmem:$0x1FC90];
	_ =	sdelay $0x7  }
0x3a1: {  	v42 =	vld.idx.msk [tilespmem:v49+s11+$0x0], $0xffff  }
0x3a2: {  	v49 =	vld [tilespmem:$0x1FCA0];
	_ =	sdelay $0x7  }
0x3a3: {  	[tilespmem:v49+s16+$0x0] =	vst.idx.msk $0xffff, v42;
	v49 =	vld [tilespmem:$0x1FCB0];
	_ =	sdelay $0x7  }
0x3a4: {  	v42 =	vld.idx.msk [tilespmem:v49+s11+$0x0], $0xffff  }
0x3a5: {  	v49 =	vld [tilespmem:$0x1FCC0];
	_ =	sdelay $0x7  }
0x3a6: {  	[tilespmem:v49+s16+$0x0] =	vst.idx.msk $0xffff, v42;
	v49 =	vld [tilespmem:$0x1FCD0];
	_ =	sdelay $0x7  }
0x3a7: {  	v42 =	vld.idx.msk [tilespmem:v49+s11+$0x0], $0xffff  }
0x3a8: {  	v49 =	vld [tilespmem:$0x1FCE0];
	_ =	sdelay $0x7  }
0x3a9: {  	[tilespmem:v49+s16+$0x0] =	vst.idx.msk $0xffff, v42;
	v49 =	vld [tilespmem:$0x1FCF0];
	_ =	sdelay $0x7  }
0x3aa: {  	v42 =	vld.idx.msk [tilespmem:v49+s11+$0x0], $0xffff  }
0x3ab: {  	v49 =	vld [tilespmem:$0x1FD00];
	_ =	sdelay $0x7  }
0x3ac: {  	[tilespmem:v49+s16+$0x0] =	vst.idx.msk $0xffff, v42;
	v49 =	vld [tilespmem:$0x1FD10];
	_ =	sdelay $0x7  }
0x3ad: {  	v42 =	vld.idx.msk [tilespmem:v49+s11+$0x0], $0xffff  }
0x3ae: {  	v49 =	vld [tilespmem:$0x1FD20];
	_ =	sdelay $0x7  }
0x3af: {  	[tilespmem:v49+s16+$0x0] =	vst.idx.msk $0xffff, v42;
	v49 =	vld [tilespmem:$0x1FD30];
	_ =	sdelay $0x7  }
0x3b0: {  	v42 =	vld.idx.msk [tilespmem:v49+s11+$0x0], $0xffff  }
0x3b1: {  	v49 =	vld [tilespmem:$0x1FD40];
	_ =	sdelay $0x7  }
0x3b2: {  	[tilespmem:v49+s16+$0x0] =	vst.idx.msk $0xffff, v42;
	v49 =	vld [tilespmem:$0x1FD50];
	_ =	sdelay $0x7  }
0x3b3: {  	v42 =	vld.idx.msk [tilespmem:v49+s11+$0x0], $0xffff  }
0x3b4: {  	v49 =	vld [tilespmem:$0x1FD60];
	_ =	sdelay $0x7  }
0x3b5: {  	[tilespmem:v49+s16+$0x0] =	vst.idx.msk $0xffff, v42;
	v49 =	vld [tilespmem:$0x1FD70];
	_ =	sdelay $0x7  }
0x3b6: {  	v42 =	vld.idx.msk [tilespmem:v49+s11+$0x0], $0xffff  }
0x3b7: {  	v49 =	vld [tilespmem:$0x1FD80];
	_ =	sdelay $0x7  }
0x3b8: {  	[tilespmem:v49+s16+$0x0] =	vst.idx.msk $0xffff, v42;
	v49 =	vld [tilespmem:$0x1FD90];
	_ =	sdelay $0x7  }
0x3b9: {  	v42 =	vld.idx.msk [tilespmem:v49+s11+$0x0], $0xffff  }
0x3ba: {  	v49 =	vld [tilespmem:$0x1FDA0];
	_ =	sdelay $0x7  }
0x3bb: {  	[tilespmem:v49+s16+$0x0] =	vst.idx.msk $0xffff, v42;
	v49 =	vld [tilespmem:$0x1FDB0];
	_ =	sdelay $0x7  }
0x3bc: {  	v42 =	vld.idx.msk [tilespmem:v49+s11+$0x0], $0xffff  }
0x3bd: {  	v49 =	vld [tilespmem:$0x1FDC0];
	_ =	sdelay $0x7  }
0x3be: {  	[tilespmem:v49+s16+$0x0] =	vst.idx.msk $0xffff, v42;
	v49 =	vld [tilespmem:$0x1FDD0];
	_ =	sdelay $0x7  }
0x3bf: {  	v42 =	vld.idx.msk [tilespmem:v49+s11+$0x0], $0xffff;
	_ =	sdelay $0x4  }
0x3c0: {  	[tilespmem:v51+s16+$0x0] =	vst.idx.msk $0xffff, v42  }
0x3c1: {  	v42 =	vld.idx.msk [tilespmem:v52+s11+$0x0], $0xffff;
	_ =	sdelay $0x4  }
0x3c2: {  	[tilespmem:v53+s16+$0x0] =	vst.idx.msk $0xffff, v42  }
0x3c3: {  	v42 =	vld.idx.msk [tilespmem:v54+s11+$0x0], $0xffff;
	_ =	sdelay $0x4  }
0x3c4: {  	[tilespmem:v55+s16+$0x0] =	vst.idx.msk $0xffff, v42  }
0x3c5: {  	v42 =	vld.idx.msk [tilespmem:v56+s11+$0x0], $0xffff;
	_ =	sdelay $0x4  }
0x3c6: {  	[tilespmem:v59+s16+$0x0] =	vst.idx.msk $0xffff, v42  }
0x3c7: {  	v42 =	vld.idx.msk [tilespmem:v60+s11+$0x0], $0xffff;
	_ =	sdelay $0x4  }
0x3c8: {  	[tilespmem:v61+s16+$0x0] =	vst.idx.msk $0xffff, v42  }
0x3c9: {  	v42 =	vld.idx.msk [tilespmem:v62+s11+$0x0], $0xffff;
	_ =	sdelay $0x4  }
0x3ca: {  	[tilespmem:v63+s16+$0x0] =	vst.idx.msk $0xffff, v42  }
0x3cb: {  	v0 =	vld.idx.msk [tilespmem:v0+s11+$0x0], $0xffff;
	_ =	sdelay $0x4  }
0x3cc: {  	[tilespmem:v4+s16+$0x0] =	vst.idx.msk $0xffff, v0  }
0x3cd: {  	v0 =	vld.idx.msk [tilespmem:v7+s11+$0x0], $0xffff;
	_ =	sdelay $0x4  }
0x3ce: {  	[tilespmem:v12+s16+$0x0] =	vst.idx.msk $0xffff, v0  }
0x3cf: {  	v0 =	vld.idx.msk [tilespmem:v16+s11+$0x0], $0xffff;
	_ =	sdelay $0x4  }
0x3d0: {  	[tilespmem:v20+s16+$0x0] =	vst.idx.msk $0xffff, v0  }
0x3d1: {  	v0 =	vld.idx.msk [tilespmem:v27+s11+$0x0], $0xffff;
	_ =	sdelay $0x4  }
0x3d2: {  	[tilespmem:v8+s16+$0x0] =	vst.idx.msk $0xffff, v0  }
0x3d3: {  	v0 =	vld.idx.msk [tilespmem:v31+s11+$0x0], $0xffff;
	_ =	sdelay $0x2  }
0x3d4: {  	v49 =	vld [tilespmem:$0x1FFF0];
	_ =	sdelay $0x1  }
0x3d5: {  	[tilespmem:v24+s16+$0x0] =	vst.idx.msk $0xffff, v0  }
0x3d6: {  	v0 =	vld.idx.msk [tilespmem:v25+s11+$0x0], $0xffff;
	_ =	sdelay $0x2  }
0x3d7: {  	v4 =	vld [tilespmem:$0x1FE20];
	_ =	sdelay $0x1  }
0x3d8: {  	[tilespmem:v49+s16+$0x0] =	vst.idx.msk $0xffff, v0  }
0x3d9: {  	v0 =	vld.idx.msk [tilespmem:v26+s11+$0x0], $0xffff;
	_ =	sdelay $0x4  }
0x3da: {  	[tilespmem:v4+s16+$0x0] =	vst.idx.msk $0xffff, v0;
	v4 =	vld [tilespmem:$0x1FE30];
	_ =	sdelay $0x2  }
0x3db: {  	v0 =	vld.idx.msk [tilespmem:v46+s11+$0x0], $0xffff;
	_ =	sdelay $0x4  }
0x3dc: {  	[tilespmem:v4+s16+$0x0] =	vst.idx.msk $0xffff, v0  }
0x3dd: {  	v0 =	vld.idx.msk [tilespmem:v47+s11+$0x0], $0xffff;
	_ =	sdelay $0x2  }
0x3de: {  	v42 =	vld [tilespmem:$0x1FFA0];
	_ =	sdelay $0x1  }
0x3df: {  	[tilespmem:v50+s16+$0x0] =	vst.idx.msk $0xffff, v0  }
0x3e0: {  	v0 =	vld.idx.msk [tilespmem:v57+s11+$0x0], $0xffff;
	_ =	sdelay $0x2  }
0x3e1: {  	v4 =	vld [tilespmem:$0x1FE60];
	_ =	sdelay $0x1  }
0x3e2: {  	[tilespmem:v42+s16+$0x0] =	vst.idx.msk $0xffff, v0  }
0x3e3: {  	v0 =	vld.idx.msk [tilespmem:v58+s11+$0x0], $0xffff;
	_ =	sdelay $0x2  }
0x3e4: {  	v52 =	vld [tilespmem:$0x1FE70];
	_ =	sdelay $0x1  }
0x3e5: {  	[tilespmem:v4+s16+$0x0] =	vst.idx.msk $0xffff, v0  }
0x3e6: {  	v0 =	vld.idx.msk [tilespmem:v1+s11+$0x0], $0xffff;
	_ =	sdelay $0x3  }
0x3e7: {  	v53 =	vld [tilespmem:$0x1FE90]  }
0x3e8: {  	[tilespmem:v52+s16+$0x0] =	vst.idx.msk $0xffff, v0  }
0x3e9: {  	v0 =	vld.idx.msk [tilespmem:v2+s11+$0x0], $0xffff;
	_ =	sdelay $0x2  }
0x3ea: {  	v43 =	vld [tilespmem:$0x1FFB0]  }
0x3eb: {  	v54 =	vld [tilespmem:$0x1FEA0]  }
0x3ec: {  	[tilespmem:v3+s16+$0x0] =	vst.idx.msk $0xffff, v0  }
0x3ed: {  	v0 =	vld.idx.msk [tilespmem:v53+s11+$0x0], $0xffff;
	_ =	sdelay $0x2  }
0x3ee: {  	v55 =	vld [tilespmem:$0x1FEB0]  }
0x3ef: {  	v56 =	vld [tilespmem:$0x1FEC0]  }
0x3f0: {  	[tilespmem:v43+s16+$0x0] =	vst.idx.msk $0xffff, v0  }
0x3f1: {  	v0 =	vld.idx.msk [tilespmem:v54+s11+$0x0], $0xffff;
	_ =	sdelay $0x2  }
0x3f2: {  	v57 =	vld [tilespmem:$0x1FED0]  }
0x3f3: {  	v58 =	vld [tilespmem:$0x1FEE0]  }
0x3f4: {  	[tilespmem:v55+s16+$0x0] =	vst.idx.msk $0xffff, v0  }
0x3f5: {  	v0 =	vld.idx.msk [tilespmem:v56+s11+$0x0], $0xffff;
	_ =	sdelay $0x3  }
0x3f6: {  	v59 =	vld [tilespmem:$0x1FF10]  }
0x3f7: {  	[tilespmem:v57+s16+$0x0] =	vst.idx.msk $0xffff, v0  }
0x3f8: {  	v0 =	vld.idx.msk [tilespmem:v58+s11+$0x0], $0xffff;
	_ =	sdelay $0x2  }
0x3f9: {  	v44 =	vld [tilespmem:$0x1FFC0]  }
0x3fa: {  	v60 =	vld [tilespmem:$0x1FF20]  }
0x3fb: {  	[tilespmem:v41+s16+$0x0] =	vst.idx.msk $0xffff, v0  }
0x3fc: {  	v0 =	vld.idx.msk [tilespmem:v59+s11+$0x0], $0xffff;
	_ =	sdelay $0x2  }
0x3fd: {  	v61 =	vld [tilespmem:$0x1FF30]  }
0x3fe: {  	v62 =	vld [tilespmem:$0x1FF40]  }
0x3ff: {  	[tilespmem:v44+s16+$0x0] =	vst.idx.msk $0xffff, v0  }
0x400: {  	v0 =	vld.idx.msk [tilespmem:v60+s11+$0x0], $0xffff;
	_ =	sdelay $0x2  }
0x401: {  	v63 =	vld [tilespmem:$0x1FF50];
	_ =	sdelay $0x1  }
0x402: {  	[tilespmem:v61+s16+$0x0] =	vst.idx.msk $0xffff, v0  }
0x403: {  	v0 =	vld.idx.msk [tilespmem:v62+s11+$0x0], $0xffff;
	_ =	sdelay $0x3  }
0x404: {  	s21 =	sadd.s32 @!p1 $0x30, s21;
	s23 =	simm.s32 @!p1 $0x10  }
0x405: {  	s24 =	simm.s32 @!p1 $0x5780;
	s30 =	sadd.s32 s22, s2;
	s21 =	sand.u32 @!p1 $0x3FF0, s21;
	[tilespmem:v63+s16+$0x0] =	vst.idx.msk $0xffff, v0  }
0x406: {  	[tilespmem:s24], [sflag:$0x2] =	stream.indirect.gather @!p1 [hbm4b:s4+s23], $0x3E8, s21, s23, $0xb8;
	[tilespmem:$0x11300] =	vst v63  }
0x407: {  	s31 =	simm.s32 $0xD480;
	s22 =	simm.s32 $0x200;
	s21 =	sadd.s32 $0x2, s30  }
0x408: {  	[hbm4b:s21+s9] =	stream.strided.scatter [tilespmem:s31], [sflag:$0x4], $0x80, s14, s9, $0x38;
	[tilespmem:$0x11300] =	vst v63  }
.LBB2_9:
0x409: {  	p0 =	sne.s32 s22, $0xF800  }
.Ltmp3:
0x40a: {  	_ = 	snop;
	(pc) =	sbr.rel @p0 .LBB2_9-.Ltmp3, $4  }
0x40b: {  	_ = 	snop  }
0x40c: {  	s23 =	sshra.s32 s22, $0x2;
	s22 =	sadd.s32 $0x200, s22  }
0x40d: {  	s21 =	sadd.s32 $0x400, s21;
	s23 =	sadd.s32 $0xD480, s23  }
0x40e: {  	[hbm4b:s21+s9] =	stream.strided.scatter [tilespmem:s23], [sflag:$0x4], $0x80, s14, s9, $0x38;
	[tilespmem:$0x11300] =	vst v63  }
0x40f: {  	s20 =	sadd.s32 $0x1, s20  }
0x410: {  	p0 =	sne.s32 s20, $0xC8  }
.Ltmp4:
0x411: {  	_ = 	snop;
	(pc) =	sbr.rel @p0 .LBB2_2-.Ltmp4, $1  }
0x412: {  	_ =	sdelay $0x3  }
0x413: {  	s19 =	sadd.s32 $0x1, s19  }
0x414: {  	_ =	swait.ge [sflag:s17], $0x3E80;
	p0 =	sne.s32 s19, s7  }
.Ltmp5:
0x415: {  	[sflag:s17] =	ssyncset.done $0x0;
	(pc) =	sbr.rel @p0 .LBB2_1-.Ltmp5, $4  }
0x416: {  	[sflag:s17] =	ssyncadd.s32 $0xFFFFC180  }
0x417: {  	_ =	swait.ge [sflag:s18], $0x3E80  }
0x418: {  	[sflag:s18] =	ssyncset.done $0x0  }
0x419: {  	[sflag:s18] =	ssyncadd.s32 $0xFFFFC180  }
0x41a: {  	_ =	sfence.sel $0x180000  }
0x41b: {  	[bflag:$0x0] =	sbarrier.arrive $0xFFFF  }
0x41c: {  	p0 =	sne.s32 s0, $0x0;
	_ =	strace $0x90000047  }
0x41d: {  	s0 =	sadd.s32 @!p0 $0x100000, s1;
	[bflag:$0x2] =	sbarrier.arrive $0xFFFF  }
0x41e: {  	[sflag:s0] =	ssyncadd.tile.s32 @!p0 $0x1;
	_ =	shalt  }
.Lfunc_end2:
_tile_overlayer_lowered:
.L_overlay_start_2:
0x41f: {  	(tag) =	ssettag $0x2  }
0x420: {  	s0 =	rddreg [dreg:$0x0];
	s2 =	stileid.u32  }
0x421: {  	s1 =	rddreg [dreg:$0x1];
	p0 =	sne.s32 s2, $0x0  }
0x422: {  	s3 =	rddreg [dreg:$0x2];
	[bflag:$0x3] =	sbarrier.arrive $0xFFFF;
	s2 =	simm.s32 @!p0 $0x1C05  }
0x423: {  	[timem:s3], [sflag:s2] =	dma.local @!p0 [hbm:s0], s1  }
0x424: {  	s0 =	simm.s32 @!p0 $0x5  }
0x425: {  	_ =	swait.ge @!p0 [sflag:s0], s1  }
0x426: {  	s1 =	ssub.s32 @!p0 $0x0, s1;
	[sflag:s0] =	ssyncset.done @!p0 $0x0  }
0x427: {  	[sflag:s0] =	ssyncadd.s32 @!p0 s1  }
0x428: {  	[bflag:$0x3] =	sbarrier.arrive $0xFFFF  }
0x429: {  	_ =	shalt  }

</sc_bundles>
